<compile_context>
chip_gen: v7x
topology: tpu7x:2x2x1
jax: 0.10.2.dev20260603
libtpu: 0.0.44.dev20260713+nightly
codegen_flags: <defaults>
</compile_context>

<pallas_src>
import jax
import jax.numpy as jnp
from jax import lax
from jax.experimental import pallas as pl
from jax.experimental.pallas import tpu as pltpu
from jax.experimental.pallas import tpu_sc as plsc

N_NODES = 10000
NP = 10240
D = 128
N_EDGES = 320000
EP = 360448
ER = EP // 128
TR = ER // 32
NG = 32
STRIPE = NP // 16
R = 1024

_f32 = jnp.float32
_i32 = jnp.int32
_MESH = dict(core_axis_name="c", subcore_axis_name="s")


def _rsqrt16(x):
    xh = x * 0.5
    y = jnp.full((16,), 1e-3, _f32)
    for _ in range(24):
        y = y * (1.5 - xh * y * y)
    return y


TSTRIPE = NP // 32


def _sc_prep_body(row_hbm, ew_hbm, dbc_hbm, row_v, ew_v, vbuf, bc_v, acc_sh,
                  sem):
    c = lax.axis_index("c")
    s = lax.axis_index("s")
    wid = s * 2 + c
    pltpu.sync_copy(row_hbm.at[s], row_v.at[0])
    pltpu.sync_copy(row_hbm.at[s + 16], row_v.at[1])
    pltpu.sync_copy(ew_hbm.at[s], ew_v.at[0])
    pltpu.sync_copy(ew_hbm.at[s + 16], ew_v.at[1])
    for t in range(STRIPE // 16):
        vbuf[pl.ds(t * 16, 16)] = jnp.zeros((16,), _f32)
    pltpu.sync_copy(vbuf.at[pl.ds(0, STRIPE)],
                    acc_sh.at[pl.ds(s * STRIPE, STRIPE)])
    plsc.subcore_barrier()

    def body(gg, carry):
        for h in range(2):
            for j in range(8):
                pltpu.async_copy(ew_v.at[h, gg * 8 + j],
                                 acc_sh.at[row_v.at[h, gg * 8 + j]], sem,
                                 add=True)
        for h in range(2):
            for j in range(8):
                pltpu.make_async_copy(ew_v.at[h, gg * 8 + j],
                                      acc_sh.at[row_v.at[h, gg * 8 + j]],
                                      sem).wait()
        return carry

    lax.fori_loop(0, TR // 8, body, 0)
    plsc.subcore_barrier()
    pltpu.sync_copy(acc_sh.at[pl.ds(wid * TSTRIPE, TSTRIPE)],
                    vbuf.at[pl.ds(0, TSTRIPE)])

    def conv(gq, carry):
        dv = _rsqrt16(vbuf[pl.ds(gq * 16, 16)])
        for t in range(16):
            sv = jnp.full((16,), dv[t], _f32)
            for q in range(8):
                bc_v[gq * 16 + t, pl.ds(q * 16, 16)] = sv
        return carry

    lax.fori_loop(0, TSTRIPE // 16, conv, 0)
    pltpu.sync_copy(bc_v, dbc_hbm.at[pl.ds(wid * TSTRIPE, TSTRIPE)])


@jax.jit
def _sc_prep(row3d16, ew3d16):
    return pl.kernel(
        _sc_prep_body,
        out_type=jax.ShapeDtypeStruct((NP, D), _f32),
        mesh=plsc.VectorSubcoreMesh(**_MESH),
        scratch_types=[
            pltpu.VMEM((2, TR, 128), _i32),
            pltpu.VMEM((2, TR, 128), _f32),
            pltpu.VMEM((STRIPE,), _f32),
            pltpu.VMEM((TSTRIPE, D), _f32),
            pltpu.VMEM_SHARED((NP,), _f32),
            pltpu.SemaphoreType.DMA,
        ],
    )(row3d16, ew3d16)


def _scale_chunk(rows, norm_g, jj):
    for k in range(8):
        nv = norm_g[jj, pl.ds(k * 16, 16)]
        for t in range(16):
            sv = jnp.full((16,), nv[t], _f32)
            e = k * 16 + t
            for q in range(8):
                sl = pl.ds(q * 16, 16)
                rows[e, sl] = rows[e, sl] * sv


def _sc_agg_body(g_hbm, rc_hbm, ew_hbm, out_hbm,
                 rc_g, norm_g, rows_a, rows_b, acc_sh,
                 sem_ga, sem_gb, sem_sa, sem_sb, sem_ix):
    c = lax.axis_index("c")
    s = lax.axis_index("s")
    wid = s * 2 + c
    ngrp = TR // 8

    def zbody(e, carry):
        for q in range(8):
            rows_a[e, pl.ds(q * 16, 16)] = jnp.zeros((16,), _f32)
        return carry

    lax.fori_loop(0, 128, zbody, 0)
    for t in range(STRIPE // 128):
        pltpu.sync_copy(rows_a, acc_sh.at[pl.ds(s * STRIPE + t * 128, 128)])
    plsc.subcore_barrier()

    pltpu.async_copy(rc_hbm.at[wid, pl.ds(0, 8)], rc_g.at[0], sem_ix)
    pltpu.async_copy(ew_hbm.at[wid, pl.ds(0, 8)], norm_g.at[0], sem_ix)
    pltpu.make_async_copy(rc_hbm.at[wid, pl.ds(0, 8)], rc_g.at[0],
                          sem_ix).wait()
    pltpu.make_async_copy(ew_hbm.at[wid, pl.ds(0, 8)], norm_g.at[0],
                          sem_ix).wait()
    pltpu.async_copy(g_hbm.at[rc_g.at[0, 0, 0]], rows_a, sem_ga)
    pltpu.async_copy(g_hbm.at[rc_g.at[0, 1, 0]], rows_b, sem_gb)

    def group(gg, carry):
        par = gg % 2
        nxt = (gg + 1) % 2

        @pl.when(gg < ngrp - 1)
        def _():
            pltpu.async_copy(rc_hbm.at[wid, pl.ds(gg * 8 + 8, 8)],
                             rc_g.at[nxt], sem_ix)
            pltpu.async_copy(ew_hbm.at[wid, pl.ds(gg * 8 + 8, 8)],
                             norm_g.at[nxt], sem_ix)

        def pair(p, carry2):
            j0 = 2 * p
            j1 = 2 * p + 1
            pltpu.make_async_copy(g_hbm.at[rc_g.at[par, j0, 0]], rows_a,
                                  sem_ga).wait()
            _scale_chunk(rows_a, norm_g.at[par], j0)
            pltpu.async_copy(rows_a, acc_sh.at[rc_g.at[par, j0, 1]], sem_sa,
                             add=True)
            pltpu.make_async_copy(g_hbm.at[rc_g.at[par, j1, 0]], rows_b,
                                  sem_gb).wait()
            _scale_chunk(rows_b, norm_g.at[par], j1)
            pltpu.async_copy(rows_b, acc_sh.at[rc_g.at[par, j1, 1]], sem_sb,
                             add=True)

            @pl.when(p < 3)
            def _():
                pltpu.make_async_copy(rows_a, acc_sh.at[rc_g.at[par, j0, 1]],
                                      sem_sa).wait()
                pltpu.async_copy(g_hbm.at[rc_g.at[par, j0 + 2, 0]], rows_a,
                                 sem_ga)
                pltpu.make_async_copy(rows_b, acc_sh.at[rc_g.at[par, j1, 1]],
                                      sem_sb).wait()
                pltpu.async_copy(g_hbm.at[rc_g.at[par, j1 + 2, 0]], rows_b,
                                 sem_gb)

            return carry2

        lax.fori_loop(0, 4, pair, 0)
        pltpu.make_async_copy(rows_a, acc_sh.at[rc_g.at[par, 6, 1]],
                              sem_sa).wait()
        pltpu.make_async_copy(rows_b, acc_sh.at[rc_g.at[par, 7, 1]],
                              sem_sb).wait()

        @pl.when(gg < ngrp - 1)
        def _():
            pltpu.make_async_copy(rc_hbm.at[wid, pl.ds(gg * 8 + 8, 8)],
                                  rc_g.at[nxt], sem_ix).wait()
            pltpu.make_async_copy(ew_hbm.at[wid, pl.ds(gg * 8 + 8, 8)],
                                  norm_g.at[nxt], sem_ix).wait()
            pltpu.async_copy(g_hbm.at[rc_g.at[nxt, 0, 0]], rows_a, sem_ga)
            pltpu.async_copy(g_hbm.at[rc_g.at[nxt, 1, 0]], rows_b, sem_gb)

        return carry

    lax.fori_loop(0, ngrp, group, 0)
    plsc.subcore_barrier()
    for t in range(STRIPE // 128):
        pltpu.sync_copy(acc_sh.at[pl.ds(s * STRIPE + t * 128, 128)],
                        out_hbm.at[c, pl.ds(s * STRIPE + t * 128, 128)])


@jax.jit
def _sc_agg(g, rc4d, ew3d):
    return pl.kernel(
        _sc_agg_body,
        out_type=jax.ShapeDtypeStruct((2, NP, D), _f32),
        mesh=plsc.VectorSubcoreMesh(**_MESH),
        scratch_types=[
            pltpu.VMEM((2, 8, 2, 128), _i32),
            pltpu.VMEM((2, 8, 128), _f32),
            pltpu.VMEM((128, D), _f32),
            pltpu.VMEM((128, D), _f32),
            pltpu.VMEM_SHARED((NP, D), _f32),
            pltpu.SemaphoreType.DMA,
            pltpu.SemaphoreType.DMA,
            pltpu.SemaphoreType.DMA,
            pltpu.SemaphoreType.DMA,
            pltpu.SemaphoreType.DMA,
        ],
    )(g, rc4d, ew3d)


def _tc_pre_body(x_ref, dbc_ref, w1_ref, b1_ref, w2_ref, b2_ref, w0_ref,
                 gs0_ref):
    h = jnp.maximum(jnp.dot(x_ref[...], w1_ref[...],
                            preferred_element_type=_f32,
                 precision=lax.Precision.HIGHEST) + b1_ref[...], 0.0)
    h = jnp.maximum(jnp.dot(h, w2_ref[...],
                            preferred_element_type=_f32,
                 precision=lax.Precision.HIGHEST) + b2_ref[...], 0.0)
    gs0_ref[...] = dbc_ref[...] * jnp.dot(
        h, w0_ref[...], preferred_element_type=_f32,
        precision=lax.Precision.HIGHEST)


@jax.jit
def _tc_pre(x_p, dbc, w1, b1, w2, b2, w0):
    nb = NP // R
    return pl.pallas_call(
        _tc_pre_body,
        grid=(nb,),
        in_specs=[
            pl.BlockSpec((R, D), lambda i: (i, 0)),
            pl.BlockSpec((R, D), lambda i: (i, 0)),
            pl.BlockSpec((D, D), lambda i: (0, 0)),
            pl.BlockSpec((1, D), lambda i: (0, 0)),
            pl.BlockSpec((D, D), lambda i: (0, 0)),
            pl.BlockSpec((1, D), lambda i: (0, 0)),
            pl.BlockSpec((D, D), lambda i: (0, 0)),
        ],
        out_specs=pl.BlockSpec((R, D), lambda i: (i, 0)),
        out_shape=jax.ShapeDtypeStruct((NP, D), _f32),
    )(x_p, dbc, w1, b1, w2, b2, w0)


def _tc_post_body(part_ref, dbc_ref, oht_ref, b_ref, w_ref, gn_ref, pool_ref):
    i = pl.program_id(0)
    h = jnp.maximum(dbc_ref[...] * (part_ref[0] + part_ref[1]) + b_ref[...],
                    0.0)
    gn_ref[...] = dbc_ref[...] * jnp.dot(
        h, w_ref[...], preferred_element_type=_f32,
        precision=lax.Precision.HIGHEST)
    oht = oht_ref[...]
    ps = jnp.dot(oht, h, preferred_element_type=_f32,
                 precision=lax.Precision.HIGHEST)
    pc = jnp.dot(oht, jnp.ones((R, D), _f32),
                 preferred_element_type=_f32,
                 precision=lax.Precision.HIGHEST)

    @pl.when(i == 0)
    def _():
        pool_ref[...] = jnp.zeros_like(pool_ref)

    pool_ref[pl.ds(0, NG), :] = pool_ref[pl.ds(0, NG), :] + ps
    pool_ref[pl.ds(2 * NG, NG), :] = pool_ref[pl.ds(2 * NG, NG), :] + pc

    @pl.when(i == pl.num_programs(0) - 1)
    def _():
        cnt = jnp.maximum(pool_ref[pl.ds(2 * NG, NG), :], 1.0)
        pool_ref[pl.ds(NG, NG), :] = pool_ref[pl.ds(0, NG), :] / cnt


@jax.jit
def _tc_post(part, dbc, oht, b, w):
    nb = NP // R
    return pl.pallas_call(
        _tc_post_body,
        grid=(nb,),
        in_specs=[
            pl.BlockSpec((2, R, D), lambda i: (0, i, 0)),
            pl.BlockSpec((R, D), lambda i: (i, 0)),
            pl.BlockSpec((NG, R), lambda i: (0, i)),
            pl.BlockSpec((1, D), lambda i: (0, 0)),
            pl.BlockSpec((D, D), lambda i: (0, 0)),
        ],
        out_specs=[
            pl.BlockSpec((R, D), lambda i: (i, 0)),
            pl.BlockSpec((3 * NG, D), lambda i: (0, 0)),
        ],
        out_shape=[
            jax.ShapeDtypeStruct((NP, D), _f32),
            jax.ShapeDtypeStruct((3 * NG, D), _f32),
        ],
    )(part, dbc, oht, b, w)


def kernel(x, edge_index, edge_attr, batch, pre1_W, pre1_b, pre2_W, pre2_b,
           conv0_W, conv0_b, conv1_W, conv1_b, conv2_W, conv2_b):
    row = edge_index[0]
    col = edge_index[1]
    ew = jnp.ravel(edge_attr).astype(_f32)

    loop_idx = jnp.arange(N_NODES, dtype=_i32)
    padn = EP - N_EDGES - N_NODES
    pad_idx = jnp.arange(padn, dtype=_i32) % N_NODES
    row3d = jnp.concatenate([row, loop_idx, pad_idx]).reshape(32, TR, 128)
    col3d = jnp.concatenate([col, loop_idx, pad_idx]).reshape(32, TR, 128)
    rc4d = jnp.stack([row3d, col3d], axis=2)
    ew3d = jnp.concatenate([ew, jnp.ones((N_NODES,), _f32),
                            jnp.zeros((padn,), _f32)]).reshape(32, TR, 128)
    x_p = jnp.pad(x, ((0, NP - N_NODES), (0, 0)))

    batch_p = jnp.concatenate([batch, jnp.full((NP - N_NODES,), NG, _i32)])
    oht = (batch_p[None, :] ==
           jnp.arange(NG, dtype=_i32)[:, None]).astype(_f32)

    dbc = _sc_prep(row3d, ew3d)
    gs = _tc_pre(x_p, dbc, pre1_W, pre1_b.reshape(1, D),
                 pre2_W, pre2_b.reshape(1, D), conv0_W)

    pools = []
    layer_b = (conv0_b, conv1_b, conv2_b)
    layer_wnext = (conv1_W, conv2_W, conv2_W)
    for l in range(3):
        part = _sc_agg(gs, rc4d, ew3d)
        gs, pool = _tc_post(part, dbc, oht, layer_b[l].reshape(1, D),
                            layer_wnext[l])
        pools.append(pool)

    return jnp.concatenate(
        [jnp.concatenate([p[:NG], p[NG:2 * NG]], axis=1) for p in pools],
        axis=1)

# --- scband reference (transcript-rebuilt; emitter-appended) ---
"""Pipeline reference for scband-hgpslgnn-46033459478727 (READ-ONLY COPY).

The authoritative reference and input builder live on the scoring server;
editing this copy changes nothing except your own understanding.
"""

import jax, jax.numpy as jnp
import numpy as np

N_NODES = 10000
N_EDGES = 320000
D_FEAT = 128
NHID = 128
N_GRAPHS = 32


def setup_inputs(seed: int = 0):
    key = jax.random.key(seed)
    ks = jax.random.split(key, 12)
    inp = {}
    inp["x"] = jax.random.normal(ks[0], (N_NODES, D_FEAT), dtype=jnp.float32)
    inp["edge_index"] = jax.random.randint(ks[1], (2, N_EDGES), 0, N_NODES, dtype=jnp.int32)
    inp["edge_attr"] = jax.random.uniform(ks[2], (N_EDGES,), dtype=jnp.float32)
    inp["batch"] = jnp.sort(jax.random.randint(ks[3], (N_NODES,), 0, N_GRAPHS, dtype=jnp.int32))
    s_in = 1.0 / np.sqrt(D_FEAT)
    s_h = 1.0 / np.sqrt(NHID)
    inp["pre1_W"] = jax.random.uniform(ks[4], (D_FEAT, NHID), jnp.float32, -s_in, s_in)
    inp["pre1_b"] = jnp.zeros((NHID,), jnp.float32)
    inp["pre2_W"] = jax.random.uniform(ks[5], (NHID, NHID), jnp.float32, -s_h, s_h)
    inp["pre2_b"] = jnp.zeros((NHID,), jnp.float32)
    inp["conv0_W"] = jax.random.uniform(ks[6], (NHID, NHID), jnp.float32, -s_h, s_h)
    inp["conv0_b"] = jnp.zeros((NHID,), jnp.float32)
    inp["conv1_W"] = jax.random.uniform(ks[7], (NHID, NHID), jnp.float32, -s_h, s_h)
    inp["conv1_b"] = jnp.zeros((NHID,), jnp.float32)
    inp["conv2_W"] = jax.random.uniform(ks[8], (NHID, NHID), jnp.float32, -s_h, s_h)
    inp["conv2_b"] = jnp.zeros((NHID,), jnp.float32)
    return inp


def _gcn(h, row, col, ew, W, b):
    # HGP-SL GCN layer: linear transform, add remaining self-loops (weight 1),
    # symmetric normalization D^-1/2 A D^-1/2, scatter-add aggregation at dst.
    h = h @ W
    loop = jnp.arange(N_NODES, dtype=row.dtype)
    row2 = jnp.concatenate([row, loop])
    col2 = jnp.concatenate([col, loop])
    ew2 = jnp.concatenate([ew, jnp.ones((N_NODES,), ew.dtype)])
    deg = jax.ops.segment_sum(ew2, row2, num_segments=N_NODES)
    dinv = jnp.where(deg > 0, deg ** -0.5, 0.0)
    norm = dinv[row2] * ew2 * dinv[col2]
    msg = norm[:, None] * h[row2]
    out = jax.ops.segment_sum(msg, col2, num_segments=N_NODES)
    return out + b


def _sum_pool(h, batch):
    return jax.ops.segment_sum(h, batch, num_segments=N_GRAPHS)


def _mean_pool(h, batch):
    s = jax.ops.segment_sum(h, batch, num_segments=N_GRAPHS)
    cnt = jax.ops.segment_sum(jnp.ones((h.shape[0],), h.dtype), batch, num_segments=N_GRAPHS)
    return s / jnp.maximum(cnt, 1.0)[:, None]


def reference(x, edge_index, edge_attr, batch, pre1_W, pre1_b, pre2_W, pre2_b, conv0_W, conv0_b, conv1_W, conv1_b, conv2_W, conv2_b):
    # data=None path of HGPSLGNN.forward with include_linear=False, pool_ratio=0.0
    ea = jnp.ravel(edge_attr)
    row = edge_index[0]
    col = edge_index[1]
    h = jax.nn.relu(x @ pre1_W + pre1_b)
    h = jax.nn.relu(h @ pre2_W + pre2_b)
    outs = []
    for W, b in ((conv0_W, conv0_b), (conv1_W, conv1_b), (conv2_W, conv2_b)):
        h = jax.nn.relu(_gcn(h, row, col, ea, W, b))
        outs.append(jnp.concatenate([_sum_pool(h, batch), _mean_pool(h, batch)], axis=1))
    return jnp.concatenate(outs, axis=1)

if __name__ == "__main__":
    import jax
    _d = setup_inputs()
    print(jax.jit(kernel)(*tuple(_d.values())))

</pallas_src>

<mosaic_0001>
#map = affine_map<(d0, d1) -> (0, 0, 0)>
#map1 = affine_map<(d0, d1) -> (0, 0)>
module attributes {stable_mosaic.version = 14 : i64} {
  func.func @_sc_prep_body(%arg0: i32, %arg1: i32, %arg2: memref<32x88x128xi32, #tpu.memory_space<hbm>>, %arg3: memref<32x88x128xf32, #tpu.memory_space<hbm>>, %arg4: memref<10240x128xf32, #tpu.memory_space<hbm>>, %arg5: memref<2x88x128xi32, #tpu.memory_space<vmem>>, %arg6: memref<2x88x128xf32, #tpu.memory_space<vmem>>, %arg7: memref<640xf32, #tpu.memory_space<vmem>>, %arg8: memref<320x128xf32, #tpu.memory_space<vmem>>, %arg9: memref<10240xf32, #tpu.memory_space<vmem_shared>>, %arg10: memref<!tpu.dma_semaphore, #tpu.memory_space<semaphore_mem>>) attributes {dimension_semantics = [#tpu.dimension_semantics<core_parallel>, #tpu.dimension_semantics<subcore_parallel>], iteration_bounds = array<i64: 2, 16>, scalar_prefetch = 0 : i64, scratch_operands = 6 : i64, tpu.core_type = #tpu.core_type<sc_vector_subcore>, window_params = [{transform_indices = #map}, {transform_indices = #map}, {transform_indices = #map1}]} {
    %mul3A = arith.constant 2 : i32
    %mul3A_0 = arith.muli %arg1, %mul3A : i32
    %add3A = arith.addi %mul3A_0, %arg0 : i32
    %run_scoped3A = arith.constant 0 : i32
    "tpu.region"() ({
      %run_scoped3A_264 = tpu.sem_alloc : memref<!tpu.dma_semaphore, #tpu.memory_space<semaphore_mem>>
      %dma_start3A = arith.constant 0 : i32
      %dma_start3A_265 = arith.constant 0 : i32
      %dma_start3A_266 = tpu.memref_slice %arg5[%run_scoped3A, %dma_start3A, %dma_start3A_265] : memref<2x88x128xi32, #tpu.memory_space<vmem>> -> memref<1x88x128xi32, #tpu.memory_space<vmem>>
      %dma_start3A_267 = tpu.memref_squeeze %dma_start3A_266 : memref<1x88x128xi32, #tpu.memory_space<vmem>> -> memref<88x128xi32, #tpu.memory_space<vmem>>
      %dma_start3A_268 = arith.constant 0 : i32
      %dma_start3A_269 = arith.constant 0 : i32
      %dma_start3A_270 = tpu.memref_slice %arg2[%arg1, %dma_start3A_268, %dma_start3A_269] : memref<32x88x128xi32, #tpu.memory_space<hbm>> -> memref<1x88x128xi32, #tpu.memory_space<hbm>>
      %dma_start3A_271 = tpu.memref_squeeze %dma_start3A_270 : memref<1x88x128xi32, #tpu.memory_space<hbm>> -> memref<88x128xi32, #tpu.memory_space<hbm>>
      %dma_start3A_272 = arith.constant 0 : i32
      %dma_start3A_273 = arith.constant 0 : i32
      %dma_start3A_274 = tpu.memref_slice %arg5[%run_scoped3A, %dma_start3A_272, %dma_start3A_273] : memref<2x88x128xi32, #tpu.memory_space<vmem>> -> memref<1x88x128xi32, #tpu.memory_space<vmem>>
      %dma_start3A_275 = tpu.memref_squeeze %dma_start3A_274 : memref<1x88x128xi32, #tpu.memory_space<vmem>> -> memref<88x128xi32, #tpu.memory_space<vmem>>
      %dma_start3A_276 = arith.constant 0 : i32
      %dma_start3A_277 = arith.constant 0 : i32
      %dma_start3A_278 = tpu.memref_slice %arg2[%arg1, %dma_start3A_276, %dma_start3A_277] : memref<32x88x128xi32, #tpu.memory_space<hbm>> -> memref<1x88x128xi32, #tpu.memory_space<hbm>>
      %dma_start3A_279 = tpu.memref_squeeze %dma_start3A_278 : memref<1x88x128xi32, #tpu.memory_space<hbm>> -> memref<88x128xi32, #tpu.memory_space<hbm>>
      tpu.enqueue_dma source(%dma_start3A_279 : memref<88x128xi32, #tpu.memory_space<hbm>>) target(%dma_start3A_275 : memref<88x128xi32, #tpu.memory_space<vmem>>) target_semaphore(%run_scoped3A_264 : memref<!tpu.dma_semaphore, #tpu.memory_space<semaphore_mem>>)
      %dma_wait3A = arith.constant 0 : i32
      %dma_wait3A_280 = arith.constant 0 : i32
      %dma_wait3A_281 = tpu.memref_slice %arg5[%run_scoped3A, %dma_wait3A, %dma_wait3A_280] : memref<2x88x128xi32, #tpu.memory_space<vmem>> -> memref<1x88x128xi32, #tpu.memory_space<vmem>>
      %dma_wait3A_282 = tpu.memref_squeeze %dma_wait3A_281 : memref<1x88x128xi32, #tpu.memory_space<vmem>> -> memref<88x128xi32, #tpu.memory_space<vmem>>
      %dma_wait3A_283 = arith.constant 0 : i32
      %dma_wait3A_284 = arith.constant 0 : i32
      %dma_wait3A_285 = tpu.memref_slice %arg2[%arg1, %dma_wait3A_283, %dma_wait3A_284] : memref<32x88x128xi32, #tpu.memory_space<hbm>> -> memref<1x88x128xi32, #tpu.memory_space<hbm>>
      %dma_wait3A_286 = tpu.memref_squeeze %dma_wait3A_285 : memref<1x88x128xi32, #tpu.memory_space<hbm>> -> memref<88x128xi32, #tpu.memory_space<hbm>>
      %dma_wait3A_287 = arith.constant 0 : i32
      %dma_wait3A_288 = arith.constant 0 : i32
      %dma_wait3A_289 = tpu.memref_slice %arg5[%run_scoped3A, %dma_wait3A_287, %dma_wait3A_288] : memref<2x88x128xi32, #tpu.memory_space<vmem>> -> memref<1x88x128xi32, #tpu.memory_space<vmem>>
      %dma_wait3A_290 = tpu.memref_squeeze %dma_wait3A_289 : memref<1x88x128xi32, #tpu.memory_space<vmem>> -> memref<88x128xi32, #tpu.memory_space<vmem>>
      %dma_wait3A_291 = arith.constant 0 : i32
      %dma_wait3A_292 = arith.constant 0 : i32
      %dma_wait3A_293 = tpu.memref_slice %arg2[%arg1, %dma_wait3A_291, %dma_wait3A_292] : memref<32x88x128xi32, #tpu.memory_space<hbm>> -> memref<1x88x128xi32, #tpu.memory_space<hbm>>
      %dma_wait3A_294 = tpu.memref_squeeze %dma_wait3A_293 : memref<1x88x128xi32, #tpu.memory_space<hbm>> -> memref<88x128xi32, #tpu.memory_space<hbm>>
      tpu.wait_dma2 semaphore(%run_scoped3A_264 : memref<!tpu.dma_semaphore, #tpu.memory_space<semaphore_mem>>) src(%dma_wait3A_294 : memref<88x128xi32, #tpu.memory_space<hbm>>) dst(%dma_wait3A_290 : memref<88x128xi32, #tpu.memory_space<vmem>>)
      tpu.yield
    }) : () -> ()
    %add3A_1 = arith.constant 16 : i32
    %add3A_2 = arith.addi %arg1, %add3A_1 : i32
    %run_scoped3A_3 = arith.constant 1 : i32
    "tpu.region"() ({
      %run_scoped3A_264 = tpu.sem_alloc : memref<!tpu.dma_semaphore, #tpu.memory_space<semaphore_mem>>
      %dma_start3A = arith.constant 0 : i32
      %dma_start3A_265 = arith.constant 0 : i32
      %dma_start3A_266 = tpu.memref_slice %arg5[%run_scoped3A_3, %dma_start3A, %dma_start3A_265] : memref<2x88x128xi32, #tpu.memory_space<vmem>> -> memref<1x88x128xi32, #tpu.memory_space<vmem>>
      %dma_start3A_267 = tpu.memref_squeeze %dma_start3A_266 : memref<1x88x128xi32, #tpu.memory_space<vmem>> -> memref<88x128xi32, #tpu.memory_space<vmem>>
      %dma_start3A_268 = arith.constant 0 : i32
      %dma_start3A_269 = arith.constant 0 : i32
      %dma_start3A_270 = tpu.memref_slice %arg2[%add3A_2, %dma_start3A_268, %dma_start3A_269] : memref<32x88x128xi32, #tpu.memory_space<hbm>> -> memref<1x88x128xi32, #tpu.memory_space<hbm>>
      %dma_start3A_271 = tpu.memref_squeeze %dma_start3A_270 : memref<1x88x128xi32, #tpu.memory_space<hbm>> -> memref<88x128xi32, #tpu.memory_space<hbm>>
      %dma_start3A_272 = arith.constant 0 : i32
      %dma_start3A_273 = arith.constant 0 : i32
      %dma_start3A_274 = tpu.memref_slice %arg5[%run_scoped3A_3, %dma_start3A_272, %dma_start3A_273] : memref<2x88x128xi32, #tpu.memory_space<vmem>> -> memref<1x88x128xi32, #tpu.memory_space<vmem>>
      %dma_start3A_275 = tpu.memref_squeeze %dma_start3A_274 : memref<1x88x128xi32, #tpu.memory_space<vmem>> -> memref<88x128xi32, #tpu.memory_space<vmem>>
      %dma_start3A_276 = arith.constant 0 : i32
      %dma_start3A_277 = arith.constant 0 : i32
      %dma_start3A_278 = tpu.memref_slice %arg2[%add3A_2, %dma_start3A_276, %dma_start3A_277] : memref<32x88x128xi32, #tpu.memory_space<hbm>> -> memref<1x88x128xi32, #tpu.memory_space<hbm>>
      %dma_start3A_279 = tpu.memref_squeeze %dma_start3A_278 : memref<1x88x128xi32, #tpu.memory_space<hbm>> -> memref<88x128xi32, #tpu.memory_space<hbm>>
      tpu.enqueue_dma source(%dma_start3A_279 : memref<88x128xi32, #tpu.memory_space<hbm>>) target(%dma_start3A_275 : memref<88x128xi32, #tpu.memory_space<vmem>>) target_semaphore(%run_scoped3A_264 : memref<!tpu.dma_semaphore, #tpu.memory_space<semaphore_mem>>)
      %dma_wait3A = arith.constant 0 : i32
      %dma_wait3A_280 = arith.constant 0 : i32
      %dma_wait3A_281 = tpu.memref_slice %arg5[%run_scoped3A_3, %dma_wait3A, %dma_wait3A_280] : memref<2x88x128xi32, #tpu.memory_space<vmem>> -> memref<1x88x128xi32, #tpu.memory_space<vmem>>
      %dma_wait3A_282 = tpu.memref_squeeze %dma_wait3A_281 : memref<1x88x128xi32, #tpu.memory_space<vmem>> -> memref<88x128xi32, #tpu.memory_space<vmem>>
      %dma_wait3A_283 = arith.constant 0 : i32
      %dma_wait3A_284 = arith.constant 0 : i32
      %dma_wait3A_285 = tpu.memref_slice %arg2[%add3A_2, %dma_wait3A_283, %dma_wait3A_284] : memref<32x88x128xi32, #tpu.memory_space<hbm>> -> memref<1x88x128xi32, #tpu.memory_space<hbm>>
      %dma_wait3A_286 = tpu.memref_squeeze %dma_wait3A_285 : memref<1x88x128xi32, #tpu.memory_space<hbm>> -> memref<88x128xi32, #tpu.memory_space<hbm>>
      %dma_wait3A_287 = arith.constant 0 : i32
      %dma_wait3A_288 = arith.constant 0 : i32
      %dma_wait3A_289 = tpu.memref_slice %arg5[%run_scoped3A_3, %dma_wait3A_287, %dma_wait3A_288] : memref<2x88x128xi32, #tpu.memory_space<vmem>> -> memref<1x88x128xi32, #tpu.memory_space<vmem>>
      %dma_wait3A_290 = tpu.memref_squeeze %dma_wait3A_289 : memref<1x88x128xi32, #tpu.memory_space<vmem>> -> memref<88x128xi32, #tpu.memory_space<vmem>>
      %dma_wait3A_291 = arith.constant 0 : i32
      %dma_wait3A_292 = arith.constant 0 : i32
      %dma_wait3A_293 = tpu.memref_slice %arg2[%add3A_2, %dma_wait3A_291, %dma_wait3A_292] : memref<32x88x128xi32, #tpu.memory_space<hbm>> -> memref<1x88x128xi32, #tpu.memory_space<hbm>>
      %dma_wait3A_294 = tpu.memref_squeeze %dma_wait3A_293 : memref<1x88x128xi32, #tpu.memory_space<hbm>> -> memref<88x128xi32, #tpu.memory_space<hbm>>
      tpu.wait_dma2 semaphore(%run_scoped3A_264 : memref<!tpu.dma_semaphore, #tpu.memory_space<semaphore_mem>>) src(%dma_wait3A_294 : memref<88x128xi32, #tpu.memory_space<hbm>>) dst(%dma_wait3A_290 : memref<88x128xi32, #tpu.memory_space<vmem>>)
      tpu.yield
    }) : () -> ()
    %run_scoped3A_4 = arith.constant 0 : i32
    "tpu.region"() ({
      %run_scoped3A_264 = tpu.sem_alloc : memref<!tpu.dma_semaphore, #tpu.memory_space<semaphore_mem>>
      %dma_start3A = arith.constant 0 : i32
      %dma_start3A_265 = arith.constant 0 : i32
      %dma_start3A_266 = tpu.memref_slice %arg6[%run_scoped3A_4, %dma_start3A, %dma_start3A_265] : memref<2x88x128xf32, #tpu.memory_space<vmem>> -> memref<1x88x128xf32, #tpu.memory_space<vmem>>
      %dma_start3A_267 = tpu.memref_squeeze %dma_start3A_266 : memref<1x88x128xf32, #tpu.memory_space<vmem>> -> memref<88x128xf32, #tpu.memory_space<vmem>>
      %dma_start3A_268 = arith.constant 0 : i32
      %dma_start3A_269 = arith.constant 0 : i32
      %dma_start3A_270 = tpu.memref_slice %arg3[%arg1, %dma_start3A_268, %dma_start3A_269] : memref<32x88x128xf32, #tpu.memory_space<hbm>> -> memref<1x88x128xf32, #tpu.memory_space<hbm>>
      %dma_start3A_271 = tpu.memref_squeeze %dma_start3A_270 : memref<1x88x128xf32, #tpu.memory_space<hbm>> -> memref<88x128xf32, #tpu.memory_space<hbm>>
      %dma_start3A_272 = arith.constant 0 : i32
      %dma_start3A_273 = arith.constant 0 : i32
      %dma_start3A_274 = tpu.memref_slice %arg6[%run_scoped3A_4, %dma_start3A_272, %dma_start3A_273] : memref<2x88x128xf32, #tpu.memory_space<vmem>> -> memref<1x88x128xf32, #tpu.memory_space<vmem>>
      %dma_start3A_275 = tpu.memref_squeeze %dma_start3A_274 : memref<1x88x128xf32, #tpu.memory_space<vmem>> -> memref<88x128xf32, #tpu.memory_space<vmem>>
      %dma_start3A_276 = arith.constant 0 : i32
      %dma_start3A_277 = arith.constant 0 : i32
      %dma_start3A_278 = tpu.memref_slice %arg3[%arg1, %dma_start3A_276, %dma_start3A_277] : memref<32x88x128xf32, #tpu.memory_space<hbm>> -> memref<1x88x128xf32, #tpu.memory_space<hbm>>
      %dma_start3A_279 = tpu.memref_squeeze %dma_start3A_278 : memref<1x88x128xf32, #tpu.memory_space<hbm>> -> memref<88x128xf32, #tpu.memory_space<hbm>>
      tpu.enqueue_dma source(%dma_start3A_279 : memref<88x128xf32, #tpu.memory_space<hbm>>) target(%dma_start3A_275 : memref<88x128xf32, #tpu.memory_space<vmem>>) target_semaphore(%run_scoped3A_264 : memref<!tpu.dma_semaphore, #tpu.memory_space<semaphore_mem>>)
      %dma_wait3A = arith.constant 0 : i32
      %dma_wait3A_280 = arith.constant 0 : i32
      %dma_wait3A_281 = tpu.memref_slice %arg6[%run_scoped3A_4, %dma_wait3A, %dma_wait3A_280] : memref<2x88x128xf32, #tpu.memory_space<vmem>> -> memref<1x88x128xf32, #tpu.memory_space<vmem>>
      %dma_wait3A_282 = tpu.memref_squeeze %dma_wait3A_281 : memref<1x88x128xf32, #tpu.memory_space<vmem>> -> memref<88x128xf32, #tpu.memory_space<vmem>>
      %dma_wait3A_283 = arith.constant 0 : i32
      %dma_wait3A_284 = arith.constant 0 : i32
      %dma_wait3A_285 = tpu.memref_slice %arg3[%arg1, %dma_wait3A_283, %dma_wait3A_284] : memref<32x88x128xf32, #tpu.memory_space<hbm>> -> memref<1x88x128xf32, #tpu.memory_space<hbm>>
      %dma_wait3A_286 = tpu.memref_squeeze %dma_wait3A_285 : memref<1x88x128xf32, #tpu.memory_space<hbm>> -> memref<88x128xf32, #tpu.memory_space<hbm>>
      %dma_wait3A_287 = arith.constant 0 : i32
      %dma_wait3A_288 = arith.constant 0 : i32
      %dma_wait3A_289 = tpu.memref_slice %arg6[%run_scoped3A_4, %dma_wait3A_287, %dma_wait3A_288] : memref<2x88x128xf32, #tpu.memory_space<vmem>> -> memref<1x88x128xf32, #tpu.memory_space<vmem>>
      %dma_wait3A_290 = tpu.memref_squeeze %dma_wait3A_289 : memref<1x88x128xf32, #tpu.memory_space<vmem>> -> memref<88x128xf32, #tpu.memory_space<vmem>>
      %dma_wait3A_291 = arith.constant 0 : i32
      %dma_wait3A_292 = arith.constant 0 : i32
      %dma_wait3A_293 = tpu.memref_slice %arg3[%arg1, %dma_wait3A_291, %dma_wait3A_292] : memref<32x88x128xf32, #tpu.memory_space<hbm>> -> memref<1x88x128xf32, #tpu.memory_space<hbm>>
      %dma_wait3A_294 = tpu.memref_squeeze %dma_wait3A_293 : memref<1x88x128xf32, #tpu.memory_space<hbm>> -> memref<88x128xf32, #tpu.memory_space<hbm>>
      tpu.wait_dma2 semaphore(%run_scoped3A_264 : memref<!tpu.dma_semaphore, #tpu.memory_space<semaphore_mem>>) src(%dma_wait3A_294 : memref<88x128xf32, #tpu.memory_space<hbm>>) dst(%dma_wait3A_290 : memref<88x128xf32, #tpu.memory_space<vmem>>)
      tpu.yield
    }) : () -> ()
    %add3A_5 = arith.constant 16 : i32
    %add3A_6 = arith.addi %arg1, %add3A_5 : i32
    %run_scoped3A_7 = arith.constant 1 : i32
    "tpu.region"() ({
      %run_scoped3A_264 = tpu.sem_alloc : memref<!tpu.dma_semaphore, #tpu.memory_space<semaphore_mem>>
      %dma_start3A = arith.constant 0 : i32
      %dma_start3A_265 = arith.constant 0 : i32
      %dma_start3A_266 = tpu.memref_slice %arg6[%run_scoped3A_7, %dma_start3A, %dma_start3A_265] : memref<2x88x128xf32, #tpu.memory_space<vmem>> -> memref<1x88x128xf32, #tpu.memory_space<vmem>>
      %dma_start3A_267 = tpu.memref_squeeze %dma_start3A_266 : memref<1x88x128xf32, #tpu.memory_space<vmem>> -> memref<88x128xf32, #tpu.memory_space<vmem>>
      %dma_start3A_268 = arith.constant 0 : i32
      %dma_start3A_269 = arith.constant 0 : i32
      %dma_start3A_270 = tpu.memref_slice %arg3[%add3A_6, %dma_start3A_268, %dma_start3A_269] : memref<32x88x128xf32, #tpu.memory_space<hbm>> -> memref<1x88x128xf32, #tpu.memory_space<hbm>>
      %dma_start3A_271 = tpu.memref_squeeze %dma_start3A_270 : memref<1x88x128xf32, #tpu.memory_space<hbm>> -> memref<88x128xf32, #tpu.memory_space<hbm>>
      %dma_start3A_272 = arith.constant 0 : i32
      %dma_start3A_273 = arith.constant 0 : i32
      %dma_start3A_274 = tpu.memref_slice %arg6[%run_scoped3A_7, %dma_start3A_272, %dma_start3A_273] : memref<2x88x128xf32, #tpu.memory_space<vmem>> -> memref<1x88x128xf32, #tpu.memory_space<vmem>>
      %dma_start3A_275 = tpu.memref_squeeze %dma_start3A_274 : memref<1x88x128xf32, #tpu.memory_space<vmem>> -> memref<88x128xf32, #tpu.memory_space<vmem>>
      %dma_start3A_276 = arith.constant 0 : i32
      %dma_start3A_277 = arith.constant 0 : i32
      %dma_start3A_278 = tpu.memref_slice %arg3[%add3A_6, %dma_start3A_276, %dma_start3A_277] : memref<32x88x128xf32, #tpu.memory_space<hbm>> -> memref<1x88x128xf32, #tpu.memory_space<hbm>>
      %dma_start3A_279 = tpu.memref_squeeze %dma_start3A_278 : memref<1x88x128xf32, #tpu.memory_space<hbm>> -> memref<88x128xf32, #tpu.memory_space<hbm>>
      tpu.enqueue_dma source(%dma_start3A_279 : memref<88x128xf32, #tpu.memory_space<hbm>>) target(%dma_start3A_275 : memref<88x128xf32, #tpu.memory_space<vmem>>) target_semaphore(%run_scoped3A_264 : memref<!tpu.dma_semaphore, #tpu.memory_space<semaphore_mem>>)
      %dma_wait3A = arith.constant 0 : i32
      %dma_wait3A_280 = arith.constant 0 : i32
      %dma_wait3A_281 = tpu.memref_slice %arg6[%run_scoped3A_7, %dma_wait3A, %dma_wait3A_280] : memref<2x88x128xf32, #tpu.memory_space<vmem>> -> memref<1x88x128xf32, #tpu.memory_space<vmem>>
      %dma_wait3A_282 = tpu.memref_squeeze %dma_wait3A_281 : memref<1x88x128xf32, #tpu.memory_space<vmem>> -> memref<88x128xf32, #tpu.memory_space<vmem>>
      %dma_wait3A_283 = arith.constant 0 : i32
      %dma_wait3A_284 = arith.constant 0 : i32
      %dma_wait3A_285 = tpu.memref_slice %arg3[%add3A_6, %dma_wait3A_283, %dma_wait3A_284] : memref<32x88x128xf32, #tpu.memory_space<hbm>> -> memref<1x88x128xf32, #tpu.memory_space<hbm>>
      %dma_wait3A_286 = tpu.memref_squeeze %dma_wait3A_285 : memref<1x88x128xf32, #tpu.memory_space<hbm>> -> memref<88x128xf32, #tpu.memory_space<hbm>>
      %dma_wait3A_287 = arith.constant 0 : i32
      %dma_wait3A_288 = arith.constant 0 : i32
      %dma_wait3A_289 = tpu.memref_slice %arg6[%run_scoped3A_7, %dma_wait3A_287, %dma_wait3A_288] : memref<2x88x128xf32, #tpu.memory_space<vmem>> -> memref<1x88x128xf32, #tpu.memory_space<vmem>>
      %dma_wait3A_290 = tpu.memref_squeeze %dma_wait3A_289 : memref<1x88x128xf32, #tpu.memory_space<vmem>> -> memref<88x128xf32, #tpu.memory_space<vmem>>
      %dma_wait3A_291 = arith.constant 0 : i32
      %dma_wait3A_292 = arith.constant 0 : i32
      %dma_wait3A_293 = tpu.memref_slice %arg3[%add3A_6, %dma_wait3A_291, %dma_wait3A_292] : memref<32x88x128xf32, #tpu.memory_space<hbm>> -> memref<1x88x128xf32, #tpu.memory_space<hbm>>
      %dma_wait3A_294 = tpu.memref_squeeze %dma_wait3A_293 : memref<1x88x128xf32, #tpu.memory_space<hbm>> -> memref<88x128xf32, #tpu.memory_space<hbm>>
      tpu.wait_dma2 semaphore(%run_scoped3A_264 : memref<!tpu.dma_semaphore, #tpu.memory_space<semaphore_mem>>) src(%dma_wait3A_294 : memref<88x128xf32, #tpu.memory_space<hbm>>) dst(%dma_wait3A_290 : memref<88x128xf32, #tpu.memory_space<vmem>>)
      tpu.yield
    }) : () -> ()
    %broadcast_in_dim3A = arith.constant 0.000000e+00 : f32
    %broadcast_in_dim3A_8 = vector.broadcast %broadcast_in_dim3A : f32 to vector<16xf32>
    %swap3A = arith.constant 0 : index
    %swap3A_9 = tpu.vector_load %arg7[%swap3A] {strides = array<i32>} : memref<640xf32, #tpu.memory_space<vmem>>, vector<16xf32>,
    %swap3A_10 = vector.shape_cast %swap3A_9 : vector<16xf32> to vector<16xf32>
    %swap3A_11 = vector.shape_cast %broadcast_in_dim3A_8 : vector<16xf32> to vector<16xf32>
    tpu.vector_store %arg7[%swap3A], %swap3A_11 {strides = array<i32>} : memref<640xf32, #tpu.memory_space<vmem>>, vector<16xf32>,
    %broadcast_in_dim3A_12 = arith.constant 0.000000e+00 : f32
    %broadcast_in_dim3A_13 = vector.broadcast %broadcast_in_dim3A_12 : f32 to vector<16xf32>
    %swap3A_14 = arith.constant 16 : index
    %swap3A_15 = tpu.vector_load %arg7[%swap3A_14] {strides = array<i32>} : memref<640xf32, #tpu.memory_space<vmem>>, vector<16xf32>,
    %swap3A_16 = vector.shape_cast %swap3A_15 : vector<16xf32> to vector<16xf32>
    %swap3A_17 = vector.shape_cast %broadcast_in_dim3A_13 : vector<16xf32> to vector<16xf32>
    tpu.vector_store %arg7[%swap3A_14], %swap3A_17 {strides = array<i32>} : memref<640xf32, #tpu.memory_space<vmem>>, vector<16xf32>,
    %broadcast_in_dim3A_18 = arith.constant 0.000000e+00 : f32
    %broadcast_in_dim3A_19 = vector.broadcast %broadcast_in_dim3A_18 : f32 to vector<16xf32>
    %swap3A_20 = arith.constant 32 : index
    %swap3A_21 = tpu.vector_load %arg7[%swap3A_20] {strides = array<i32>} : memref<640xf32, #tpu.memory_space<vmem>>, vector<16xf32>,
    %swap3A_22 = vector.shape_cast %swap3A_21 : vector<16xf32> to vector<16xf32>
    %swap3A_23 = vector.shape_cast %broadcast_in_dim3A_19 : vector<16xf32> to vector<16xf32>
    tpu.vector_store %arg7[%swap3A_20], %swap3A_23 {strides = array<i32>} : memref<640xf32, #tpu.memory_space<vmem>>, vector<16xf32>,
    %broadcast_in_dim3A_24 = arith.constant 0.000000e+00 : f32
    %broadcast_in_dim3A_25 = vector.broadcast %broadcast_in_dim3A_24 : f32 to vector<16xf32>
    %swap3A_26 = arith.constant 48 : index
    %swap3A_27 = tpu.vector_load %arg7[%swap3A_26] {strides = array<i32>} : memref<640xf32, #tpu.memory_space<vmem>>, vector<16xf32>,
    %swap3A_28 = vector.shape_cast %swap3A_27 : vector<16xf32> to vector<16xf32>
    %swap3A_29 = vector.shape_cast %broadcast_in_dim3A_25 : vector<16xf32> to vector<16xf32>
    tpu.vector_store %arg7[%swap3A_26], %swap3A_29 {strides = array<i32>} : memref<640xf32, #tpu.memory_space<vmem>>, vector<16xf32>,
    %broadcast_in_dim3A_30 = arith.constant 0.000000e+00 : f32
    %broadcast_in_dim3A_31 = vector.broadcast %broadcast_in_dim3A_30 : f32 to vector<16xf32>
    %swap3A_32 = arith.constant 64 : index
    %swap3A_33 = tpu.vector_load %arg7[%swap3A_32] {strides = array<i32>} : memref<640xf32, #tpu.memory_space<vmem>>, vector<16xf32>,
    %swap3A_34 = vector.shape_cast %swap3A_33 : vector<16xf32> to vector<16xf32>
    %swap3A_35 = vector.shape_cast %broadcast_in_dim3A_31 : vector<16xf32> to vector<16xf32>
    tpu.vector_store %arg7[%swap3A_32], %swap3A_35 {strides = array<i32>} : memref<640xf32, #tpu.memory_space<vmem>>, vector<16xf32>,
    %broadcast_in_dim3A_36 = arith.constant 0.000000e+00 : f32
    %broadcast_in_dim3A_37 = vector.broadcast %broadcast_in_dim3A_36 : f32 to vector<16xf32>
    %swap3A_38 = arith.constant 80 : index
    %swap3A_39 = tpu.vector_load %arg7[%swap3A_38] {strides = array<i32>} : memref<640xf32, #tpu.memory_space<vmem>>, vector<16xf32>,
    %swap3A_40 = vector.shape_cast %swap3A_39 : vector<16xf32> to vector<16xf32>
    %swap3A_41 = vector.shape_cast %broadcast_in_dim3A_37 : vector<16xf32> to vector<16xf32>
    tpu.vector_store %arg7[%swap3A_38], %swap3A_41 {strides = array<i32>} : memref<640xf32, #tpu.memory_space<vmem>>, vector<16xf32>,
    %broadcast_in_dim3A_42 = arith.constant 0.000000e+00 : f32
    %broadcast_in_dim3A_43 = vector.broadcast %broadcast_in_dim3A_42 : f32 to vector<16xf32>
    %swap3A_44 = arith.constant 96 : index
    %swap3A_45 = tpu.vector_load %arg7[%swap3A_44] {strides = array<i32>} : memref<640xf32, #tpu.memory_space<vmem>>, vector<16xf32>,
    %swap3A_46 = vector.shape_cast %swap3A_45 : vector<16xf32> to vector<16xf32>
    %swap3A_47 = vector.shape_cast %broadcast_in_dim3A_43 : vector<16xf32> to vector<16xf32>
    tpu.vector_store %arg7[%swap3A_44], %swap3A_47 {strides = array<i32>} : memref<640xf32, #tpu.memory_space<vmem>>, vector<16xf32>,
    %broadcast_in_dim3A_48 = arith.constant 0.000000e+00 : f32
    %broadcast_in_dim3A_49 = vector.broadcast %broadcast_in_dim3A_48 : f32 to vector<16xf32>
    %swap3A_50 = arith.constant 112 : index
    %swap3A_51 = tpu.vector_load %arg7[%swap3A_50] {strides = array<i32>} : memref<640xf32, #tpu.memory_space<vmem>>, vector<16xf32>,
    %swap3A_52 = vector.shape_cast %swap3A_51 : vector<16xf32> to vector<16xf32>
    %swap3A_53 = vector.shape_cast %broadcast_in_dim3A_49 : vector<16xf32> to vector<16xf32>
    tpu.vector_store %arg7[%swap3A_50], %swap3A_53 {strides = array<i32>} : memref<640xf32, #tpu.memory_space<vmem>>, vector<16xf32>,
    %broadcast_in_dim3A_54 = arith.constant 0.000000e+00 : f32
    %broadcast_in_dim3A_55 = vector.broadcast %broadcast_in_dim3A_54 : f32 to vector<16xf32>
    %swap3A_56 = arith.constant 128 : index
    %swap3A_57 = tpu.vector_load %arg7[%swap3A_56] {strides = array<i32>} : memref<640xf32, #tpu.memory_space<vmem>>, vector<16xf32>,
    %swap3A_58 = vector.shape_cast %swap3A_57 : vector<16xf32> to vector<16xf32>
    %swap3A_59 = vector.shape_cast %broadcast_in_dim3A_55 : vector<16xf32> to vector<16xf32>
    tpu.vector_store %arg7[%swap3A_56], %swap3A_59 {strides = array<i32>} : memref<640xf32, #tpu.memory_space<vmem>>, vector<16xf32>,
    %broadcast_in_dim3A_60 = arith.constant 0.000000e+00 : f32
    %broadcast_in_dim3A_61 = vector.broadcast %broadcast_in_dim3A_60 : f32 to vector<16xf32>
    %swap3A_62 = arith.constant 144 : index
    %swap3A_63 = tpu.vector_load %arg7[%swap3A_62] {strides = array<i32>} : memref<640xf32, #tpu.memory_space<vmem>>, vector<16xf32>,
    %swap3A_64 = vector.shape_cast %swap3A_63 : vector<16xf32> to vector<16xf32>
    %swap3A_65 = vector.shape_cast %broadcast_in_dim3A_61 : vector<16xf32> to vector<16xf32>
    tpu.vector_store %arg7[%swap3A_62], %swap3A_65 {strides = array<i32>} : memref<640xf32, #tpu.memory_space<vmem>>, vector<16xf32>,
    %broadcast_in_dim3A_66 = arith.constant 0.000000e+00 : f32
    %broadcast_in_dim3A_67 = vector.broadcast %broadcast_in_dim3A_66 : f32 to vector<16xf32>
    %swap3A_68 = arith.constant 160 : index
    %swap3A_69 = tpu.vector_load %arg7[%swap3A_68] {strides = array<i32>} : memref<640xf32, #tpu.memory_space<vmem>>, vector<16xf32>,
    %swap3A_70 = vector.shape_cast %swap3A_69 : vector<16xf32> to vector<16xf32>
    %swap3A_71 = vector.shape_cast %broadcast_in_dim3A_67 : vector<16xf32> to vector<16xf32>
    tpu.vector_store %arg7[%swap3A_68], %swap3A_71 {strides = array<i32>} : memref<640xf32, #tpu.memory_space<vmem>>, vector<16xf32>,
    %broadcast_in_dim3A_72 = arith.constant 0.000000e+00 : f32
    %broadcast_in_dim3A_73 = vector.broadcast %broadcast_in_dim3A_72 : f32 to vector<16xf32>
    %swap3A_74 = arith.constant 176 : index
    %swap3A_75 = tpu.vector_load %arg7[%swap3A_74] {strides = array<i32>} : memref<640xf32, #tpu.memory_space<vmem>>, vector<16xf32>,
    %swap3A_76 = vector.shape_cast %swap3A_75 : vector<16xf32> to vector<16xf32>
    %swap3A_77 = vector.shape_cast %broadcast_in_dim3A_73 : vector<16xf32> to vector<16xf32>
    tpu.vector_store %arg7[%swap3A_74], %swap3A_77 {strides = array<i32>} : memref<640xf32, #tpu.memory_space<vmem>>, vector<16xf32>,
    %broadcast_in_dim3A_78 = arith.constant 0.000000e+00 : f32
    %broadcast_in_dim3A_79 = vector.broadcast %broadcast_in_dim3A_78 : f32 to vector<16xf32>
    %swap3A_80 = arith.constant 192 : index
    %swap3A_81 = tpu.vector_load %arg7[%swap3A_80] {strides = array<i32>} : memref<640xf32, #tpu.memory_space<vmem>>, vector<16xf32>,
    %swap3A_82 = vector.shape_cast %swap3A_81 : vector<16xf32> to vector<16xf32>
    %swap3A_83 = vector.shape_cast %broadcast_in_dim3A_79 : vector<16xf32> to vector<16xf32>
    tpu.vector_store %arg7[%swap3A_80], %swap3A_83 {strides = array<i32>} : memref<640xf32, #tpu.memory_space<vmem>>, vector<16xf32>,
    %broadcast_in_dim3A_84 = arith.constant 0.000000e+00 : f32
    %broadcast_in_dim3A_85 = vector.broadcast %broadcast_in_dim3A_84 : f32 to vector<16xf32>
    %swap3A_86 = arith.constant 208 : index
    %swap3A_87 = tpu.vector_load %arg7[%swap3A_86] {strides = array<i32>} : memref<640xf32, #tpu.memory_space<vmem>>, vector<16xf32>,
    %swap3A_88 = vector.shape_cast %swap3A_87 : vector<16xf32> to vector<16xf32>
    %swap3A_89 = vector.shape_cast %broadcast_in_dim3A_85 : vector<16xf32> to vector<16xf32>
    tpu.vector_store %arg7[%swap3A_86], %swap3A_89 {strides = array<i32>} : memref<640xf32, #tpu.memory_space<vmem>>, vector<16xf32>,
    %broadcast_in_dim3A_90 = arith.constant 0.000000e+00 : f32
    %broadcast_in_dim3A_91 = vector.broadcast %broadcast_in_dim3A_90 : f32 to vector<16xf32>
    %swap3A_92 = arith.constant 224 : index
    %swap3A_93 = tpu.vector_load %arg7[%swap3A_92] {strides = array<i32>} : memref<640xf32, #tpu.memory_space<vmem>>, vector<16xf32>,
    %swap3A_94 = vector.shape_cast %swap3A_93 : vector<16xf32> to vector<16xf32>
    %swap3A_95 = vector.shape_cast %broadcast_in_dim3A_91 : vector<16xf32> to vector<16xf32>
    tpu.vector_store %arg7[%swap3A_92], %swap3A_95 {strides = array<i32>} : memref<640xf32, #tpu.memory_space<vmem>>, vector<16xf32>,
    %broadcast_in_dim3A_96 = arith.constant 0.000000e+00 : f32
    %broadcast_in_dim3A_97 = vector.broadcast %broadcast_in_dim3A_96 : f32 to vector<16xf32>
    %swap3A_98 = arith.constant 240 : index
    %swap3A_99 = tpu.vector_load %arg7[%swap3A_98] {strides = array<i32>} : memref<640xf32, #tpu.memory_space<vmem>>, vector<16xf32>,
    %swap3A_100 = vector.shape_cast %swap3A_99 : vector<16xf32> to vector<16xf32>
    %swap3A_101 = vector.shape_cast %broadcast_in_dim3A_97 : vector<16xf32> to vector<16xf32>
    tpu.vector_store %arg7[%swap3A_98], %swap3A_101 {strides = array<i32>} : memref<640xf32, #tpu.memory_space<vmem>>, vector<16xf32>,
    %broadcast_in_dim3A_102 = arith.constant 0.000000e+00 : f32
    %broadcast_in_dim3A_103 = vector.broadcast %broadcast_in_dim3A_102 : f32 to vector<16xf32>
    %swap3A_104 = arith.constant 256 : index
    %swap3A_105 = tpu.vector_load %arg7[%swap3A_104] {strides = array<i32>} : memref<640xf32, #tpu.memory_space<vmem>>, vector<16xf32>,
    %swap3A_106 = vector.shape_cast %swap3A_105 : vector<16xf32> to vector<16xf32>
    %swap3A_107 = vector.shape_cast %broadcast_in_dim3A_103 : vector<16xf32> to vector<16xf32>
    tpu.vector_store %arg7[%swap3A_104], %swap3A_107 {strides = array<i32>} : memref<640xf32, #tpu.memory_space<vmem>>, vector<16xf32>,
    %broadcast_in_dim3A_108 = arith.constant 0.000000e+00 : f32
    %broadcast_in_dim3A_109 = vector.broadcast %broadcast_in_dim3A_108 : f32 to vector<16xf32>
    %swap3A_110 = arith.constant 272 : index
    %swap3A_111 = tpu.vector_load %arg7[%swap3A_110] {strides = array<i32>} : memref<640xf32, #tpu.memory_space<vmem>>, vector<16xf32>,
    %swap3A_112 = vector.shape_cast %swap3A_111 : vector<16xf32> to vector<16xf32>
    %swap3A_113 = vector.shape_cast %broadcast_in_dim3A_109 : vector<16xf32> to vector<16xf32>
    tpu.vector_store %arg7[%swap3A_110], %swap3A_113 {strides = array<i32>} : memref<640xf32, #tpu.memory_space<vmem>>, vector<16xf32>,
    %broadcast_in_dim3A_114 = arith.constant 0.000000e+00 : f32
    %broadcast_in_dim3A_115 = vector.broadcast %broadcast_in_dim3A_114 : f32 to vector<16xf32>
    %swap3A_116 = arith.constant 288 : index
    %swap3A_117 = tpu.vector_load %arg7[%swap3A_116] {strides = array<i32>} : memref<640xf32, #tpu.memory_space<vmem>>, vector<16xf32>,
    %swap3A_118 = vector.shape_cast %swap3A_117 : vector<16xf32> to vector<16xf32>
    %swap3A_119 = vector.shape_cast %broadcast_in_dim3A_115 : vector<16xf32> to vector<16xf32>
    tpu.vector_store %arg7[%swap3A_116], %swap3A_119 {strides = array<i32>} : memref<640xf32, #tpu.memory_space<vmem>>, vector<16xf32>,
    %broadcast_in_dim3A_120 = arith.constant 0.000000e+00 : f32
    %broadcast_in_dim3A_121 = vector.broadcast %broadcast_in_dim3A_120 : f32 to vector<16xf32>
    %swap3A_122 = arith.constant 304 : index
    %swap3A_123 = tpu.vector_load %arg7[%swap3A_122] {strides = array<i32>} : memref<640xf32, #tpu.memory_space<vmem>>, vector<16xf32>,
    %swap3A_124 = vector.shape_cast %swap3A_123 : vector<16xf32> to vector<16xf32>
    %swap3A_125 = vector.shape_cast %broadcast_in_dim3A_121 : vector<16xf32> to vector<16xf32>
    tpu.vector_store %arg7[%swap3A_122], %swap3A_125 {strides = array<i32>} : memref<640xf32, #tpu.memory_space<vmem>>, vector<16xf32>,
    %broadcast_in_dim3A_126 = arith.constant 0.000000e+00 : f32
    %broadcast_in_dim3A_127 = vector.broadcast %broadcast_in_dim3A_126 : f32 to vector<16xf32>
    %swap3A_128 = arith.constant 320 : index
    %swap3A_129 = tpu.vector_load %arg7[%swap3A_128] {strides = array<i32>} : memref<640xf32, #tpu.memory_space<vmem>>, vector<16xf32>,
    %swap3A_130 = vector.shape_cast %swap3A_129 : vector<16xf32> to vector<16xf32>
    %swap3A_131 = vector.shape_cast %broadcast_in_dim3A_127 : vector<16xf32> to vector<16xf32>
    tpu.vector_store %arg7[%swap3A_128], %swap3A_131 {strides = array<i32>} : memref<640xf32, #tpu.memory_space<vmem>>, vector<16xf32>,
    %broadcast_in_dim3A_132 = arith.constant 0.000000e+00 : f32
    %broadcast_in_dim3A_133 = vector.broadcast %broadcast_in_dim3A_132 : f32 to vector<16xf32>
    %swap3A_134 = arith.constant 336 : index
    %swap3A_135 = tpu.vector_load %arg7[%swap3A_134] {strides = array<i32>} : memref<640xf32, #tpu.memory_space<vmem>>, vector<16xf32>,
    %swap3A_136 = vector.shape_cast %swap3A_135 : vector<16xf32> to vector<16xf32>
    %swap3A_137 = vector.shape_cast %broadcast_in_dim3A_133 : vector<16xf32> to vector<16xf32>
    tpu.vector_store %arg7[%swap3A_134], %swap3A_137 {strides = array<i32>} : memref<640xf32, #tpu.memory_space<vmem>>, vector<16xf32>,
    %broadcast_in_dim3A_138 = arith.constant 0.000000e+00 : f32
    %broadcast_in_dim3A_139 = vector.broadcast %broadcast_in_dim3A_138 : f32 to vector<16xf32>
    %swap3A_140 = arith.constant 352 : index
    %swap3A_141 = tpu.vector_load %arg7[%swap3A_140] {strides = array<i32>} : memref<640xf32, #tpu.memory_space<vmem>>, vector<16xf32>,
    %swap3A_142 = vector.shape_cast %swap3A_141 : vector<16xf32> to vector<16xf32>
    %swap3A_143 = vector.shape_cast %broadcast_in_dim3A_139 : vector<16xf32> to vector<16xf32>
    tpu.vector_store %arg7[%swap3A_140], %swap3A_143 {strides = array<i32>} : memref<640xf32, #tpu.memory_space<vmem>>, vector<16xf32>,
    %broadcast_in_dim3A_144 = arith.constant 0.000000e+00 : f32
    %broadcast_in_dim3A_145 = vector.broadcast %broadcast_in_dim3A_144 : f32 to vector<16xf32>
    %swap3A_146 = arith.constant 368 : index
    %swap3A_147 = tpu.vector_load %arg7[%swap3A_146] {strides = array<i32>} : memref<640xf32, #tpu.memory_space<vmem>>, vector<16xf32>,
    %swap3A_148 = vector.shape_cast %swap3A_147 : vector<16xf32> to vector<16xf32>
    %swap3A_149 = vector.shape_cast %broadcast_in_dim3A_145 : vector<16xf32> to vector<16xf32>
    tpu.vector_store %arg7[%swap3A_146], %swap3A_149 {strides = array<i32>} : memref<640xf32, #tpu.memory_space<vmem>>, vector<16xf32>,
    %broadcast_in_dim3A_150 = arith.constant 0.000000e+00 : f32
    %broadcast_in_dim3A_151 = vector.broadcast %broadcast_in_dim3A_150 : f32 to vector<16xf32>
    %swap3A_152 = arith.constant 384 : index
    %swap3A_153 = tpu.vector_load %arg7[%swap3A_152] {strides = array<i32>} : memref<640xf32, #tpu.memory_space<vmem>>, vector<16xf32>,
    %swap3A_154 = vector.shape_cast %swap3A_153 : vector<16xf32> to vector<16xf32>
    %swap3A_155 = vector.shape_cast %broadcast_in_dim3A_151 : vector<16xf32> to vector<16xf32>
    tpu.vector_store %arg7[%swap3A_152], %swap3A_155 {strides = array<i32>} : memref<640xf32, #tpu.memory_space<vmem>>, vector<16xf32>,
    %broadcast_in_dim3A_156 = arith.constant 0.000000e+00 : f32
    %broadcast_in_dim3A_157 = vector.broadcast %broadcast_in_dim3A_156 : f32 to vector<16xf32>
    %swap3A_158 = arith.constant 400 : index
    %swap3A_159 = tpu.vector_load %arg7[%swap3A_158] {strides = array<i32>} : memref<640xf32, #tpu.memory_space<vmem>>, vector<16xf32>,
    %swap3A_160 = vector.shape_cast %swap3A_159 : vector<16xf32> to vector<16xf32>
    %swap3A_161 = vector.shape_cast %broadcast_in_dim3A_157 : vector<16xf32> to vector<16xf32>
    tpu.vector_store %arg7[%swap3A_158], %swap3A_161 {strides = array<i32>} : memref<640xf32, #tpu.memory_space<vmem>>, vector<16xf32>,
    %broadcast_in_dim3A_162 = arith.constant 0.000000e+00 : f32
    %broadcast_in_dim3A_163 = vector.broadcast %broadcast_in_dim3A_162 : f32 to vector<16xf32>
    %swap3A_164 = arith.constant 416 : index
    %swap3A_165 = tpu.vector_load %arg7[%swap3A_164] {strides = array<i32>} : memref<640xf32, #tpu.memory_space<vmem>>, vector<16xf32>,
    %swap3A_166 = vector.shape_cast %swap3A_165 : vector<16xf32> to vector<16xf32>
    %swap3A_167 = vector.shape_cast %broadcast_in_dim3A_163 : vector<16xf32> to vector<16xf32>
    tpu.vector_store %arg7[%swap3A_164], %swap3A_167 {strides = array<i32>} : memref<640xf32, #tpu.memory_space<vmem>>, vector<16xf32>,
    %broadcast_in_dim3A_168 = arith.constant 0.000000e+00 : f32
    %broadcast_in_dim3A_169 = vector.broadcast %broadcast_in_dim3A_168 : f32 to vector<16xf32>
    %swap3A_170 = arith.constant 432 : index
    %swap3A_171 = tpu.vector_load %arg7[%swap3A_170] {strides = array<i32>} : memref<640xf32, #tpu.memory_space<vmem>>, vector<16xf32>,
    %swap3A_172 = vector.shape_cast %swap3A_171 : vector<16xf32> to vector<16xf32>
    %swap3A_173 = vector.shape_cast %broadcast_in_dim3A_169 : vector<16xf32> to vector<16xf32>
    tpu.vector_store %arg7[%swap3A_170], %swap3A_173 {strides = array<i32>} : memref<640xf32, #tpu.memory_space<vmem>>, vector<16xf32>,
    %broadcast_in_dim3A_174 = arith.constant 0.000000e+00 : f32
    %broadcast_in_dim3A_175 = vector.broadcast %broadcast_in_dim3A_174 : f32 to vector<16xf32>
    %swap3A_176 = arith.constant 448 : index
    %swap3A_177 = tpu.vector_load %arg7[%swap3A_176] {strides = array<i32>} : memref<640xf32, #tpu.memory_space<vmem>>, vector<16xf32>,
    %swap3A_178 = vector.shape_cast %swap3A_177 : vector<16xf32> to vector<16xf32>
    %swap3A_179 = vector.shape_cast %broadcast_in_dim3A_175 : vector<16xf32> to vector<16xf32>
    tpu.vector_store %arg7[%swap3A_176], %swap3A_179 {strides = array<i32>} : memref<640xf32, #tpu.memory_space<vmem>>, vector<16xf32>,
    %broadcast_in_dim3A_180 = arith.constant 0.000000e+00 : f32
    %broadcast_in_dim3A_181 = vector.broadcast %broadcast_in_dim3A_180 : f32 to vector<16xf32>
    %swap3A_182 = arith.constant 464 : index
    %swap3A_183 = tpu.vector_load %arg7[%swap3A_182] {strides = array<i32>} : memref<640xf32, #tpu.memory_space<vmem>>, vector<16xf32>,
    %swap3A_184 = vector.shape_cast %swap3A_183 : vector<16xf32> to vector<16xf32>
    %swap3A_185 = vector.shape_cast %broadcast_in_dim3A_181 : vector<16xf32> to vector<16xf32>
    tpu.vector_store %arg7[%swap3A_182], %swap3A_185 {strides = array<i32>} : memref<640xf32, #tpu.memory_space<vmem>>, vector<16xf32>,
    %broadcast_in_dim3A_186 = arith.constant 0.000000e+00 : f32
    %broadcast_in_dim3A_187 = vector.broadcast %broadcast_in_dim3A_186 : f32 to vector<16xf32>
    %swap3A_188 = arith.constant 480 : index
    %swap3A_189 = tpu.vector_load %arg7[%swap3A_188] {strides = array<i32>} : memref<640xf32, #tpu.memory_space<vmem>>, vector<16xf32>,
    %swap3A_190 = vector.shape_cast %swap3A_189 : vector<16xf32> to vector<16xf32>
    %swap3A_191 = vector.shape_cast %broadcast_in_dim3A_187 : vector<16xf32> to vector<16xf32>
    tpu.vector_store %arg7[%swap3A_188], %swap3A_191 {strides = array<i32>} : memref<640xf32, #tpu.memory_space<vmem>>, vector<16xf32>,
    %broadcast_in_dim3A_192 = arith.constant 0.000000e+00 : f32
    %broadcast_in_dim3A_193 = vector.broadcast %broadcast_in_dim3A_192 : f32 to vector<16xf32>
    %swap3A_194 = arith.constant 496 : index
    %swap3A_195 = tpu.vector_load %arg7[%swap3A_194] {strides = array<i32>} : memref<640xf32, #tpu.memory_space<vmem>>, vector<16xf32>,
    %swap3A_196 = vector.shape_cast %swap3A_195 : vector<16xf32> to vector<16xf32>
    %swap3A_197 = vector.shape_cast %broadcast_in_dim3A_193 : vector<16xf32> to vector<16xf32>
    tpu.vector_store %arg7[%swap3A_194], %swap3A_197 {strides = array<i32>} : memref<640xf32, #tpu.memory_space<vmem>>, vector<16xf32>,
    %broadcast_in_dim3A_198 = arith.constant 0.000000e+00 : f32
    %broadcast_in_dim3A_199 = vector.broadcast %broadcast_in_dim3A_198 : f32 to vector<16xf32>
    %swap3A_200 = arith.constant 512 : index
    %swap3A_201 = tpu.vector_load %arg7[%swap3A_200] {strides = array<i32>} : memref<640xf32, #tpu.memory_space<vmem>>, vector<16xf32>,
    %swap3A_202 = vector.shape_cast %swap3A_201 : vector<16xf32> to vector<16xf32>
    %swap3A_203 = vector.shape_cast %broadcast_in_dim3A_199 : vector<16xf32> to vector<16xf32>
    tpu.vector_store %arg7[%swap3A_200], %swap3A_203 {strides = array<i32>} : memref<640xf32, #tpu.memory_space<vmem>>, vector<16xf32>,
    %broadcast_in_dim3A_204 = arith.constant 0.000000e+00 : f32
    %broadcast_in_dim3A_205 = vector.broadcast %broadcast_in_dim3A_204 : f32 to vector<16xf32>
    %swap3A_206 = arith.constant 528 : index
    %swap3A_207 = tpu.vector_load %arg7[%swap3A_206] {strides = array<i32>} : memref<640xf32, #tpu.memory_space<vmem>>, vector<16xf32>,
    %swap3A_208 = vector.shape_cast %swap3A_207 : vector<16xf32> to vector<16xf32>
    %swap3A_209 = vector.shape_cast %broadcast_in_dim3A_205 : vector<16xf32> to vector<16xf32>
    tpu.vector_store %arg7[%swap3A_206], %swap3A_209 {strides = array<i32>} : memref<640xf32, #tpu.memory_space<vmem>>, vector<16xf32>,
    %broadcast_in_dim3A_210 = arith.constant 0.000000e+00 : f32
    %broadcast_in_dim3A_211 = vector.broadcast %broadcast_in_dim3A_210 : f32 to vector<16xf32>
    %swap3A_212 = arith.constant 544 : index
    %swap3A_213 = tpu.vector_load %arg7[%swap3A_212] {strides = array<i32>} : memref<640xf32, #tpu.memory_space<vmem>>, vector<16xf32>,
    %swap3A_214 = vector.shape_cast %swap3A_213 : vector<16xf32> to vector<16xf32>
    %swap3A_215 = vector.shape_cast %broadcast_in_dim3A_211 : vector<16xf32> to vector<16xf32>
    tpu.vector_store %arg7[%swap3A_212], %swap3A_215 {strides = array<i32>} : memref<640xf32, #tpu.memory_space<vmem>>, vector<16xf32>,
    %broadcast_in_dim3A_216 = arith.constant 0.000000e+00 : f32
    %broadcast_in_dim3A_217 = vector.broadcast %broadcast_in_dim3A_216 : f32 to vector<16xf32>
    %swap3A_218 = arith.constant 560 : index
    %swap3A_219 = tpu.vector_load %arg7[%swap3A_218] {strides = array<i32>} : memref<640xf32, #tpu.memory_space<vmem>>, vector<16xf32>,
    %swap3A_220 = vector.shape_cast %swap3A_219 : vector<16xf32> to vector<16xf32>
    %swap3A_221 = vector.shape_cast %broadcast_in_dim3A_217 : vector<16xf32> to vector<16xf32>
    tpu.vector_store %arg7[%swap3A_218], %swap3A_221 {strides = array<i32>} : memref<640xf32, #tpu.memory_space<vmem>>, vector<16xf32>,
    %broadcast_in_dim3A_222 = arith.constant 0.000000e+00 : f32
    %broadcast_in_dim3A_223 = vector.broadcast %broadcast_in_dim3A_222 : f32 to vector<16xf32>
    %swap3A_224 = arith.constant 576 : index
    %swap3A_225 = tpu.vector_load %arg7[%swap3A_224] {strides = array<i32>} : memref<640xf32, #tpu.memory_space<vmem>>, vector<16xf32>,
    %swap3A_226 = vector.shape_cast %swap3A_225 : vector<16xf32> to vector<16xf32>
    %swap3A_227 = vector.shape_cast %broadcast_in_dim3A_223 : vector<16xf32> to vector<16xf32>
    tpu.vector_store %arg7[%swap3A_224], %swap3A_227 {strides = array<i32>} : memref<640xf32, #tpu.memory_space<vmem>>, vector<16xf32>,
    %broadcast_in_dim3A_228 = arith.constant 0.000000e+00 : f32
    %broadcast_in_dim3A_229 = vector.broadcast %broadcast_in_dim3A_228 : f32 to vector<16xf32>
    %swap3A_230 = arith.constant 592 : index
    %swap3A_231 = tpu.vector_load %arg7[%swap3A_230] {strides = array<i32>} : memref<640xf32, #tpu.memory_space<vmem>>, vector<16xf32>,
    %swap3A_232 = vector.shape_cast %swap3A_231 : vector<16xf32> to vector<16xf32>
    %swap3A_233 = vector.shape_cast %broadcast_in_dim3A_229 : vector<16xf32> to vector<16xf32>
    tpu.vector_store %arg7[%swap3A_230], %swap3A_233 {strides = array<i32>} : memref<640xf32, #tpu.memory_space<vmem>>, vector<16xf32>,
    %broadcast_in_dim3A_234 = arith.constant 0.000000e+00 : f32
    %broadcast_in_dim3A_235 = vector.broadcast %broadcast_in_dim3A_234 : f32 to vector<16xf32>
    %swap3A_236 = arith.constant 608 : index
    %swap3A_237 = tpu.vector_load %arg7[%swap3A_236] {strides = array<i32>} : memref<640xf32, #tpu.memory_space<vmem>>, vector<16xf32>,
    %swap3A_238 = vector.shape_cast %swap3A_237 : vector<16xf32> to vector<16xf32>
    %swap3A_239 = vector.shape_cast %broadcast_in_dim3A_235 : vector<16xf32> to vector<16xf32>
    tpu.vector_store %arg7[%swap3A_236], %swap3A_239 {strides = array<i32>} : memref<640xf32, #tpu.memory_space<vmem>>, vector<16xf32>,
    %broadcast_in_dim3A_240 = arith.constant 0.000000e+00 : f32
    %broadcast_in_dim3A_241 = vector.broadcast %broadcast_in_dim3A_240 : f32 to vector<16xf32>
    %swap3A_242 = arith.constant 624 : index
    %swap3A_243 = tpu.vector_load %arg7[%swap3A_242] {strides = array<i32>} : memref<640xf32, #tpu.memory_space<vmem>>, vector<16xf32>,
    %swap3A_244 = vector.shape_cast %swap3A_243 : vector<16xf32> to vector<16xf32>
    %swap3A_245 = vector.shape_cast %broadcast_in_dim3A_241 : vector<16xf32> to vector<16xf32>
    tpu.vector_store %arg7[%swap3A_242], %swap3A_245 {strides = array<i32>} : memref<640xf32, #tpu.memory_space<vmem>>, vector<16xf32>,
    %mul3A_246 = arith.constant 640 : i32
    %mul3A_247 = arith.muli %arg1, %mul3A_246 : i32
    "tpu.region"() ({
      %run_scoped3A_264 = tpu.sem_alloc : memref<!tpu.dma_semaphore, #tpu.memory_space<semaphore_mem>>
      %dma_start3A = arith.constant 0 : i32
      %dma_start3A_265 = tpu.memref_slice %arg7[%dma_start3A] : memref<640xf32, #tpu.memory_space<vmem>> -> memref<640xf32, #tpu.memory_space<vmem>>
      %dma_start3A_266 = tpu.memref_slice %arg9[%mul3A_247] : memref<10240xf32, #tpu.memory_space<vmem_shared>> -> memref<640xf32, #tpu.memory_space<vmem_shared>>
      %dma_start3A_267 = tpu.memref_slice %arg9[%mul3A_247] : memref<10240xf32, #tpu.memory_space<vmem_shared>> -> memref<640xf32, #tpu.memory_space<vmem_shared>>
      %dma_start3A_268 = arith.constant 0 : i32
      %dma_start3A_269 = tpu.memref_slice %arg7[%dma_start3A_268] : memref<640xf32, #tpu.memory_space<vmem>> -> memref<640xf32, #tpu.memory_space<vmem>>
      tpu.enqueue_dma source(%dma_start3A_269 : memref<640xf32, #tpu.memory_space<vmem>>) target(%dma_start3A_267 : memref<640xf32, #tpu.memory_space<vmem_shared>>) target_semaphore(%run_scoped3A_264 : memref<!tpu.dma_semaphore, #tpu.memory_space<semaphore_mem>>)
      %dma_wait3A = arith.constant 0 : i32
      %dma_wait3A_270 = tpu.memref_slice %arg7[%dma_wait3A] : memref<640xf32, #tpu.memory_space<vmem>> -> memref<640xf32, #tpu.memory_space<vmem>>
      %dma_wait3A_271 = tpu.memref_slice %arg9[%mul3A_247] : memref<10240xf32, #tpu.memory_space<vmem_shared>> -> memref<640xf32, #tpu.memory_space<vmem_shared>>
      %dma_wait3A_272 = tpu.memref_slice %arg9[%mul3A_247] : memref<10240xf32, #tpu.memory_space<vmem_shared>> -> memref<640xf32, #tpu.memory_space<vmem_shared>>
      %dma_wait3A_273 = arith.constant 0 : i32
      %dma_wait3A_274 = tpu.memref_slice %arg7[%dma_wait3A_273] : memref<640xf32, #tpu.memory_space<vmem>> -> memref<640xf32, #tpu.memory_space<vmem>>
      tpu.wait_dma2 semaphore(%run_scoped3A_264 : memref<!tpu.dma_semaphore, #tpu.memory_space<semaphore_mem>>) src(%dma_wait3A_274 : memref<640xf32, #tpu.memory_space<vmem>>) dst(%dma_wait3A_272 : memref<640xf32, #tpu.memory_space<vmem_shared>>)
      tpu.yield
    }) : () -> ()
    %barrier3A = arith.constant 0 : index
    tpu.barrier barrier_id(%barrier3A)
    %scan3A = arith.constant 0 : i32
    %scan3A_248 = arith.constant 0 : i32
    %scan3A_249 = arith.constant 11 : i32
    %scan3A_250 = arith.addi %scan3A_248, %scan3A_249 : i32
    %scan3A_251 = arith.constant 1 : i32
    scf.for %scan3A_264 = %scan3A_248 to %scan3A_250 step %scan3A_251  : i32 {
      %mul3A_265 = arith.constant 8 : i32
      %mul3A_266 = arith.muli %scan3A_264, %mul3A_265 : i32
      %add3A_267 = arith.constant 0 : i32
      %add3A_268 = arith.addi %mul3A_266, %add3A_267 : i32
      %mul3A_269 = arith.constant 8 : i32
      %mul3A_270 = arith.muli %scan3A_264, %mul3A_269 : i32
      %add3A_271 = arith.constant 0 : i32
      %add3A_272 = arith.addi %mul3A_270, %add3A_271 : i32
      %dma_start3A = arith.constant 0 : i32
      %dma_start3A_273 = arith.constant 0 : i32
      %dma_start3A_274 = arith.constant 0 : i32
      %dma_start3A_275 = tpu.memref_slice %arg6[%dma_start3A, %add3A_268, %dma_start3A_274] : memref<2x88x128xf32, #tpu.memory_space<vmem>> -> memref<1x1x128xf32, #tpu.memory_space<vmem>>
      %dma_start3A_276 = tpu.memref_squeeze %dma_start3A_275 : memref<1x1x128xf32, #tpu.memory_space<vmem>> -> memref<128xf32, #tpu.memory_space<vmem>>
      %dma_start3A_277 = arith.constant 0 : i32
      %dma_start3A_278 = tpu.memref_slice %arg5[%dma_start3A_273, %add3A_272, %dma_start3A_277] : memref<2x88x128xi32, #tpu.memory_space<vmem>> -> memref<1x1x128xi32, #tpu.memory_space<vmem>>
      %dma_start3A_279 = tpu.memref_squeeze %dma_start3A_278 : memref<1x1x128xi32, #tpu.memory_space<vmem>> -> memref<128xi32, #tpu.memory_space<vmem>>
      %dma_start3A_280 = arith.constant 0 : i32
      %dma_start3A_281 = tpu.memref_slice %arg9[%dma_start3A_280] : memref<10240xf32, #tpu.memory_space<vmem_shared>> -> memref<10240xf32, #tpu.memory_space<vmem_shared>>
      tpu.enqueue_indirect_dma source(%dma_start3A_276 : memref<128xf32, #tpu.memory_space<vmem>>) target(%dma_start3A_281 : memref<10240xf32, #tpu.memory_space<vmem_shared>>) offsets(%dma_start3A_279 : memref<128xi32, #tpu.memory_space<vmem>>) semaphore(%arg10 : memref<!tpu.dma_semaphore, #tpu.memory_space<semaphore_mem>>) {add = true}
      %mul3A_282 = arith.constant 8 : i32
      %mul3A_283 = arith.muli %scan3A_264, %mul3A_282 : i32
      %add3A_284 = arith.constant 1 : i32
      %add3A_285 = arith.addi %mul3A_283, %add3A_284 : i32
      %mul3A_286 = arith.constant 8 : i32
      %mul3A_287 = arith.muli %scan3A_264, %mul3A_286 : i32
      %add3A_288 = arith.constant 1 : i32
      %add3A_289 = arith.addi %mul3A_287, %add3A_288 : i32
      %dma_start3A_290 = arith.constant 0 : i32
      %dma_start3A_291 = arith.constant 0 : i32
      %dma_start3A_292 = arith.constant 0 : i32
      %dma_start3A_293 = tpu.memref_slice %arg6[%dma_start3A_290, %add3A_285, %dma_start3A_292] : memref<2x88x128xf32, #tpu.memory_space<vmem>> -> memref<1x1x128xf32, #tpu.memory_space<vmem>>
      %dma_start3A_294 = tpu.memref_squeeze %dma_start3A_293 : memref<1x1x128xf32, #tpu.memory_space<vmem>> -> memref<128xf32, #tpu.memory_space<vmem>>
      %dma_start3A_295 = arith.constant 0 : i32
      %dma_start3A_296 = tpu.memref_slice %arg5[%dma_start3A_291, %add3A_289, %dma_start3A_295] : memref<2x88x128xi32, #tpu.memory_space<vmem>> -> memref<1x1x128xi32, #tpu.memory_space<vmem>>
      %dma_start3A_297 = tpu.memref_squeeze %dma_start3A_296 : memref<1x1x128xi32, #tpu.memory_space<vmem>> -> memref<128xi32, #tpu.memory_space<vmem>>
      %dma_start3A_298 = arith.constant 0 : i32
      %dma_start3A_299 = tpu.memref_slice %arg9[%dma_start3A_298] : memref<10240xf32, #tpu.memory_space<vmem_shared>> -> memref<10240xf32, #tpu.memory_space<vmem_shared>>
      tpu.enqueue_indirect_dma source(%dma_start3A_294 : memref<128xf32, #tpu.memory_space<vmem>>) target(%dma_start3A_299 : memref<10240xf32, #tpu.memory_space<vmem_shared>>) offsets(%dma_start3A_297 : memref<128xi32, #tpu.memory_space<vmem>>) semaphore(%arg10 : memref<!tpu.dma_semaphore, #tpu.memory_space<semaphore_mem>>) {add = true}
      %mul3A_300 = arith.constant 8 : i32
      %mul3A_301 = arith.muli %scan3A_264, %mul3A_300 : i32
      %add3A_302 = arith.constant 2 : i32
      %add3A_303 = arith.addi %mul3A_301, %add3A_302 : i32
      %mul3A_304 = arith.constant 8 : i32
      %mul3A_305 = arith.muli %scan3A_264, %mul3A_304 : i32
      %add3A_306 = arith.constant 2 : i32
      %add3A_307 = arith.addi %mul3A_305, %add3A_306 : i32
      %dma_start3A_308 = arith.constant 0 : i32
      %dma_start3A_309 = arith.constant 0 : i32
      %dma_start3A_310 = arith.constant 0 : i32
      %dma_start3A_311 = tpu.memref_slice %arg6[%dma_start3A_308, %add3A_303, %dma_start3A_310] : memref<2x88x128xf32, #tpu.memory_space<vmem>> -> memref<1x1x128xf32, #tpu.memory_space<vmem>>
      %dma_start3A_312 = tpu.memref_squeeze %dma_start3A_311 : memref<1x1x128xf32, #tpu.memory_space<vmem>> -> memref<128xf32, #tpu.memory_space<vmem>>
      %dma_start3A_313 = arith.constant 0 : i32
      %dma_start3A_314 = tpu.memref_slice %arg5[%dma_start3A_309, %add3A_307, %dma_start3A_313] : memref<2x88x128xi32, #tpu.memory_space<vmem>> -> memref<1x1x128xi32, #tpu.memory_space<vmem>>
      %dma_start3A_315 = tpu.memref_squeeze %dma_start3A_314 : memref<1x1x128xi32, #tpu.memory_space<vmem>> -> memref<128xi32, #tpu.memory_space<vmem>>
      %dma_start3A_316 = arith.constant 0 : i32
      %dma_start3A_317 = tpu.memref_slice %arg9[%dma_start3A_316] : memref<10240xf32, #tpu.memory_space<vmem_shared>> -> memref<10240xf32, #tpu.memory_space<vmem_shared>>
      tpu.enqueue_indirect_dma source(%dma_start3A_312 : memref<128xf32, #tpu.memory_space<vmem>>) target(%dma_start3A_317 : memref<10240xf32, #tpu.memory_space<vmem_shared>>) offsets(%dma_start3A_315 : memref<128xi32, #tpu.memory_space<vmem>>) semaphore(%arg10 : memref<!tpu.dma_semaphore, #tpu.memory_space<semaphore_mem>>) {add = true}
      %mul3A_318 = arith.constant 8 : i32
      %mul3A_319 = arith.muli %scan3A_264, %mul3A_318 : i32
      %add3A_320 = arith.constant 3 : i32
      %add3A_321 = arith.addi %mul3A_319, %add3A_320 : i32
      %mul3A_322 = arith.constant 8 : i32
      %mul3A_323 = arith.muli %scan3A_264, %mul3A_322 : i32
      %add3A_324 = arith.constant 3 : i32
      %add3A_325 = arith.addi %mul3A_323, %add3A_324 : i32
      %dma_start3A_326 = arith.constant 0 : i32
      %dma_start3A_327 = arith.constant 0 : i32
      %dma_start3A_328 = arith.constant 0 : i32
      %dma_start3A_329 = tpu.memref_slice %arg6[%dma_start3A_326, %add3A_321, %dma_start3A_328] : memref<2x88x128xf32, #tpu.memory_space<vmem>> -> memref<1x1x128xf32, #tpu.memory_space<vmem>>
      %dma_start3A_330 = tpu.memref_squeeze %dma_start3A_329 : memref<1x1x128xf32, #tpu.memory_space<vmem>> -> memref<128xf32, #tpu.memory_space<vmem>>
      %dma_start3A_331 = arith.constant 0 : i32
      %dma_start3A_332 = tpu.memref_slice %arg5[%dma_start3A_327, %add3A_325, %dma_start3A_331] : memref<2x88x128xi32, #tpu.memory_space<vmem>> -> memref<1x1x128xi32, #tpu.memory_space<vmem>>
      %dma_start3A_333 = tpu.memref_squeeze %dma_start3A_332 : memref<1x1x128xi32, #tpu.memory_space<vmem>> -> memref<128xi32, #tpu.memory_space<vmem>>
      %dma_start3A_334 = arith.constant 0 : i32
      %dma_start3A_335 = tpu.memref_slice %arg9[%dma_start3A_334] : memref<10240xf32, #tpu.memory_space<vmem_shared>> -> memref<10240xf32, #tpu.memory_space<vmem_shared>>
      tpu.enqueue_indirect_dma source(%dma_start3A_330 : memref<128xf32, #tpu.memory_space<vmem>>) target(%dma_start3A_335 : memref<10240xf32, #tpu.memory_space<vmem_shared>>) offsets(%dma_start3A_333 : memref<128xi32, #tpu.memory_space<vmem>>) semaphore(%arg10 : memref<!tpu.dma_semaphore, #tpu.memory_space<semaphore_mem>>) {add = true}
      %mul3A_336 = arith.constant 8 : i32
      %mul3A_337 = arith.muli %scan3A_264, %mul3A_336 : i32
      %add3A_338 = arith.constant 4 : i32
      %add3A_339 = arith.addi %mul3A_337, %add3A_338 : i32
      %mul3A_340 = arith.constant 8 : i32
      %mul3A_341 = arith.muli %scan3A_264, %mul3A_340 : i32
      %add3A_342 = arith.constant 4 : i32
      %add3A_343 = arith.addi %mul3A_341, %add3A_342 : i32
      %dma_start3A_344 = arith.constant 0 : i32
      %dma_start3A_345 = arith.constant 0 : i32
      %dma_start3A_346 = arith.constant 0 : i32
      %dma_start3A_347 = tpu.memref_slice %arg6[%dma_start3A_344, %add3A_339, %dma_start3A_346] : memref<2x88x128xf32, #tpu.memory_space<vmem>> -> memref<1x1x128xf32, #tpu.memory_space<vmem>>
      %dma_start3A_348 = tpu.memref_squeeze %dma_start3A_347 : memref<1x1x128xf32, #tpu.memory_space<vmem>> -> memref<128xf32, #tpu.memory_space<vmem>>
      %dma_start3A_349 = arith.constant 0 : i32
      %dma_start3A_350 = tpu.memref_slice %arg5[%dma_start3A_345, %add3A_343, %dma_start3A_349] : memref<2x88x128xi32, #tpu.memory_space<vmem>> -> memref<1x1x128xi32, #tpu.memory_space<vmem>>
      %dma_start3A_351 = tpu.memref_squeeze %dma_start3A_350 : memref<1x1x128xi32, #tpu.memory_space<vmem>> -> memref<128xi32, #tpu.memory_space<vmem>>
      %dma_start3A_352 = arith.constant 0 : i32
      %dma_start3A_353 = tpu.memref_slice %arg9[%dma_start3A_352] : memref<10240xf32, #tpu.memory_space<vmem_shared>> -> memref<10240xf32, #tpu.memory_space<vmem_shared>>
      tpu.enqueue_indirect_dma source(%dma_start3A_348 : memref<128xf32, #tpu.memory_space<vmem>>) target(%dma_start3A_353 : memref<10240xf32, #tpu.memory_space<vmem_shared>>) offsets(%dma_start3A_351 : memref<128xi32, #tpu.memory_space<vmem>>) semaphore(%arg10 : memref<!tpu.dma_semaphore, #tpu.memory_space<semaphore_mem>>) {add = true}
      %mul3A_354 = arith.constant 8 : i32
      %mul3A_355 = arith.muli %scan3A_264, %mul3A_354 : i32
      %add3A_356 = arith.constant 5 : i32
      %add3A_357 = arith.addi %mul3A_355, %add3A_356 : i32
      %mul3A_358 = arith.constant 8 : i32
      %mul3A_359 = arith.muli %scan3A_264, %mul3A_358 : i32
      %add3A_360 = arith.constant 5 : i32
      %add3A_361 = arith.addi %mul3A_359, %add3A_360 : i32
      %dma_start3A_362 = arith.constant 0 : i32
      %dma_start3A_363 = arith.constant 0 : i32
      %dma_start3A_364 = arith.constant 0 : i32
      %dma_start3A_365 = tpu.memref_slice %arg6[%dma_start3A_362, %add3A_357, %dma_start3A_364] : memref<2x88x128xf32, #tpu.memory_space<vmem>> -> memref<1x1x128xf32, #tpu.memory_space<vmem>>
      %dma_start3A_366 = tpu.memref_squeeze %dma_start3A_365 : memref<1x1x128xf32, #tpu.memory_space<vmem>> -> memref<128xf32, #tpu.memory_space<vmem>>
      %dma_start3A_367 = arith.constant 0 : i32
      %dma_start3A_368 = tpu.memref_slice %arg5[%dma_start3A_363, %add3A_361, %dma_start3A_367] : memref<2x88x128xi32, #tpu.memory_space<vmem>> -> memref<1x1x128xi32, #tpu.memory_space<vmem>>
      %dma_start3A_369 = tpu.memref_squeeze %dma_start3A_368 : memref<1x1x128xi32, #tpu.memory_space<vmem>> -> memref<128xi32, #tpu.memory_space<vmem>>
      %dma_start3A_370 = arith.constant 0 : i32
      %dma_start3A_371 = tpu.memref_slice %arg9[%dma_start3A_370] : memref<10240xf32, #tpu.memory_space<vmem_shared>> -> memref<10240xf32, #tpu.memory_space<vmem_shared>>
      tpu.enqueue_indirect_dma source(%dma_start3A_366 : memref<128xf32, #tpu.memory_space<vmem>>) target(%dma_start3A_371 : memref<10240xf32, #tpu.memory_space<vmem_shared>>) offsets(%dma_start3A_369 : memref<128xi32, #tpu.memory_space<vmem>>) semaphore(%arg10 : memref<!tpu.dma_semaphore, #tpu.memory_space<semaphore_mem>>) {add = true}
      %mul3A_372 = arith.constant 8 : i32
      %mul3A_373 = arith.muli %scan3A_264, %mul3A_372 : i32
      %add3A_374 = arith.constant 6 : i32
      %add3A_375 = arith.addi %mul3A_373, %add3A_374 : i32
      %mul3A_376 = arith.constant 8 : i32
      %mul3A_377 = arith.muli %scan3A_264, %mul3A_376 : i32
      %add3A_378 = arith.constant 6 : i32
      %add3A_379 = arith.addi %mul3A_377, %add3A_378 : i32
      %dma_start3A_380 = arith.constant 0 : i32
      %dma_start3A_381 = arith.constant 0 : i32
      %dma_start3A_382 = arith.constant 0 : i32
      %dma_start3A_383 = tpu.memref_slice %arg6[%dma_start3A_380, %add3A_375, %dma_start3A_382] : memref<2x88x128xf32, #tpu.memory_space<vmem>> -> memref<1x1x128xf32, #tpu.memory_space<vmem>>
      %dma_start3A_384 = tpu.memref_squeeze %dma_start3A_383 : memref<1x1x128xf32, #tpu.memory_space<vmem>> -> memref<128xf32, #tpu.memory_space<vmem>>
      %dma_start3A_385 = arith.constant 0 : i32
      %dma_start3A_386 = tpu.memref_slice %arg5[%dma_start3A_381, %add3A_379, %dma_start3A_385] : memref<2x88x128xi32, #tpu.memory_space<vmem>> -> memref<1x1x128xi32, #tpu.memory_space<vmem>>
      %dma_start3A_387 = tpu.memref_squeeze %dma_start3A_386 : memref<1x1x128xi32, #tpu.memory_space<vmem>> -> memref<128xi32, #tpu.memory_space<vmem>>
      %dma_start3A_388 = arith.constant 0 : i32
      %dma_start3A_389 = tpu.memref_slice %arg9[%dma_start3A_388] : memref<10240xf32, #tpu.memory_space<vmem_shared>> -> memref<10240xf32, #tpu.memory_space<vmem_shared>>
      tpu.enqueue_indirect_dma source(%dma_start3A_384 : memref<128xf32, #tpu.memory_space<vmem>>) target(%dma_start3A_389 : memref<10240xf32, #tpu.memory_space<vmem_shared>>) offsets(%dma_start3A_387 : memref<128xi32, #tpu.memory_space<vmem>>) semaphore(%arg10 : memref<!tpu.dma_semaphore, #tpu.memory_space<semaphore_mem>>) {add = true}
      %mul3A_390 = arith.constant 8 : i32
      %mul3A_391 = arith.muli %scan3A_264, %mul3A_390 : i32
      %add3A_392 = arith.constant 7 : i32
      %add3A_393 = arith.addi %mul3A_391, %add3A_392 : i32
      %mul3A_394 = arith.constant 8 : i32
      %mul3A_395 = arith.muli %scan3A_264, %mul3A_394 : i32
      %add3A_396 = arith.constant 7 : i32
      %add3A_397 = arith.addi %mul3A_395, %add3A_396 : i32
      %dma_start3A_398 = arith.constant 0 : i32
      %dma_start3A_399 = arith.constant 0 : i32
      %dma_start3A_400 = arith.constant 0 : i32
      %dma_start3A_401 = tpu.memref_slice %arg6[%dma_start3A_398, %add3A_393, %dma_start3A_400] : memref<2x88x128xf32, #tpu.memory_space<vmem>> -> memref<1x1x128xf32, #tpu.memory_space<vmem>>
      %dma_start3A_402 = tpu.memref_squeeze %dma_start3A_401 : memref<1x1x128xf32, #tpu.memory_space<vmem>> -> memref<128xf32, #tpu.memory_space<vmem>>
      %dma_start3A_403 = arith.constant 0 : i32
      %dma_start3A_404 = tpu.memref_slice %arg5[%dma_start3A_399, %add3A_397, %dma_start3A_403] : memref<2x88x128xi32, #tpu.memory_space<vmem>> -> memref<1x1x128xi32, #tpu.memory_space<vmem>>
      %dma_start3A_405 = tpu.memref_squeeze %dma_start3A_404 : memref<1x1x128xi32, #tpu.memory_space<vmem>> -> memref<128xi32, #tpu.memory_space<vmem>>
      %dma_start3A_406 = arith.constant 0 : i32
      %dma_start3A_407 = tpu.memref_slice %arg9[%dma_start3A_406] : memref<10240xf32, #tpu.memory_space<vmem_shared>> -> memref<10240xf32, #tpu.memory_space<vmem_shared>>
      tpu.enqueue_indirect_dma source(%dma_start3A_402 : memref<128xf32, #tpu.memory_space<vmem>>) target(%dma_start3A_407 : memref<10240xf32, #tpu.memory_space<vmem_shared>>) offsets(%dma_start3A_405 : memref<128xi32, #tpu.memory_space<vmem>>) semaphore(%arg10 : memref<!tpu.dma_semaphore, #tpu.memory_space<semaphore_mem>>) {add = true}
      %mul3A_408 = arith.constant 8 : i32
      %mul3A_409 = arith.muli %scan3A_264, %mul3A_408 : i32
      %add3A_410 = arith.constant 0 : i32
      %add3A_411 = arith.addi %mul3A_409, %add3A_410 : i32
      %mul3A_412 = arith.constant 8 : i32
      %mul3A_413 = arith.muli %scan3A_264, %mul3A_412 : i32
      %add3A_414 = arith.constant 0 : i32
      %add3A_415 = arith.addi %mul3A_413, %add3A_414 : i32
      %dma_start3A_416 = arith.constant 1 : i32
      %dma_start3A_417 = arith.constant 1 : i32
      %dma_start3A_418 = arith.constant 0 : i32
      %dma_start3A_419 = tpu.memref_slice %arg6[%dma_start3A_416, %add3A_411, %dma_start3A_418] : memref<2x88x128xf32, #tpu.memory_space<vmem>> -> memref<1x1x128xf32, #tpu.memory_space<vmem>>
      %dma_start3A_420 = tpu.memref_squeeze %dma_start3A_419 : memref<1x1x128xf32, #tpu.memory_space<vmem>> -> memref<128xf32, #tpu.memory_space<vmem>>
      %dma_start3A_421 = arith.constant 0 : i32
      %dma_start3A_422 = tpu.memref_slice %arg5[%dma_start3A_417, %add3A_415, %dma_start3A_421] : memref<2x88x128xi32, #tpu.memory_space<vmem>> -> memref<1x1x128xi32, #tpu.memory_space<vmem>>
      %dma_start3A_423 = tpu.memref_squeeze %dma_start3A_422 : memref<1x1x128xi32, #tpu.memory_space<vmem>> -> memref<128xi32, #tpu.memory_space<vmem>>
      %dma_start3A_424 = arith.constant 0 : i32
      %dma_start3A_425 = tpu.memref_slice %arg9[%dma_start3A_424] : memref<10240xf32, #tpu.memory_space<vmem_shared>> -> memref<10240xf32, #tpu.memory_space<vmem_shared>>
      tpu.enqueue_indirect_dma source(%dma_start3A_420 : memref<128xf32, #tpu.memory_space<vmem>>) target(%dma_start3A_425 : memref<10240xf32, #tpu.memory_space<vmem_shared>>) offsets(%dma_start3A_423 : memref<128xi32, #tpu.memory_space<vmem>>) semaphore(%arg10 : memref<!tpu.dma_semaphore, #tpu.memory_space<semaphore_mem>>) {add = true}
      %mul3A_426 = arith.constant 8 : i32
      %mul3A_427 = arith.muli %scan3A_264, %mul3A_426 : i32
      %add3A_428 = arith.constant 1 : i32
      %add3A_429 = arith.addi %mul3A_427, %add3A_428 : i32
      %mul3A_430 = arith.constant 8 : i32
      %mul3A_431 = arith.muli %scan3A_264, %mul3A_430 : i32
      %add3A_432 = arith.constant 1 : i32
      %add3A_433 = arith.addi %mul3A_431, %add3A_432 : i32
      %dma_start3A_434 = arith.constant 1 : i32
      %dma_start3A_435 = arith.constant 1 : i32
      %dma_start3A_436 = arith.constant 0 : i32
      %dma_start3A_437 = tpu.memref_slice %arg6[%dma_start3A_434, %add3A_429, %dma_start3A_436] : memref<2x88x128xf32, #tpu.memory_space<vmem>> -> memref<1x1x128xf32, #tpu.memory_space<vmem>>
      %dma_start3A_438 = tpu.memref_squeeze %dma_start3A_437 : memref<1x1x128xf32, #tpu.memory_space<vmem>> -> memref<128xf32, #tpu.memory_space<vmem>>
      %dma_start3A_439 = arith.constant 0 : i32
      %dma_start3A_440 = tpu.memref_slice %arg5[%dma_start3A_435, %add3A_433, %dma_start3A_439] : memref<2x88x128xi32, #tpu.memory_space<vmem>> -> memref<1x1x128xi32, #tpu.memory_space<vmem>>
      %dma_start3A_441 = tpu.memref_squeeze %dma_start3A_440 : memref<1x1x128xi32, #tpu.memory_space<vmem>> -> memref<128xi32, #tpu.memory_space<vmem>>
      %dma_start3A_442 = arith.constant 0 : i32
      %dma_start3A_443 = tpu.memref_slice %arg9[%dma_start3A_442] : memref<10240xf32, #tpu.memory_space<vmem_shared>> -> memref<10240xf32, #tpu.memory_space<vmem_shared>>
      tpu.enqueue_indirect_dma source(%dma_start3A_438 : memref<128xf32, #tpu.memory_space<vmem>>) target(%dma_start3A_443 : memref<10240xf32, #tpu.memory_space<vmem_shared>>) offsets(%dma_start3A_441 : memref<128xi32, #tpu.memory_space<vmem>>) semaphore(%arg10 : memref<!tpu.dma_semaphore, #tpu.memory_space<semaphore_mem>>) {add = true}
      %mul3A_444 = arith.constant 8 : i32
      %mul3A_445 = arith.muli %scan3A_264, %mul3A_444 : i32
      %add3A_446 = arith.constant 2 : i32
      %add3A_447 = arith.addi %mul3A_445, %add3A_446 : i32
      %mul3A_448 = arith.constant 8 : i32
      %mul3A_449 = arith.muli %scan3A_264, %mul3A_448 : i32
      %add3A_450 = arith.constant 2 : i32
      %add3A_451 = arith.addi %mul3A_449, %add3A_450 : i32
      %dma_start3A_452 = arith.constant 1 : i32
      %dma_start3A_453 = arith.constant 1 : i32
      %dma_start3A_454 = arith.constant 0 : i32
      %dma_start3A_455 = tpu.memref_slice %arg6[%dma_start3A_452, %add3A_447, %dma_start3A_454] : memref<2x88x128xf32, #tpu.memory_space<vmem>> -> memref<1x1x128xf32, #tpu.memory_space<vmem>>
      %dma_start3A_456 = tpu.memref_squeeze %dma_start3A_455 : memref<1x1x128xf32, #tpu.memory_space<vmem>> -> memref<128xf32, #tpu.memory_space<vmem>>
      %dma_start3A_457 = arith.constant 0 : i32
      %dma_start3A_458 = tpu.memref_slice %arg5[%dma_start3A_453, %add3A_451, %dma_start3A_457] : memref<2x88x128xi32, #tpu.memory_space<vmem>> -> memref<1x1x128xi32, #tpu.memory_space<vmem>>
      %dma_start3A_459 = tpu.memref_squeeze %dma_start3A_458 : memref<1x1x128xi32, #tpu.memory_space<vmem>> -> memref<128xi32, #tpu.memory_space<vmem>>
      %dma_start3A_460 = arith.constant 0 : i32
      %dma_start3A_461 = tpu.memref_slice %arg9[%dma_start3A_460] : memref<10240xf32, #tpu.memory_space<vmem_shared>> -> memref<10240xf32, #tpu.memory_space<vmem_shared>>
      tpu.enqueue_indirect_dma source(%dma_start3A_456 : memref<128xf32, #tpu.memory_space<vmem>>) target(%dma_start3A_461 : memref<10240xf32, #tpu.memory_space<vmem_shared>>) offsets(%dma_start3A_459 : memref<128xi32, #tpu.memory_space<vmem>>) semaphore(%arg10 : memref<!tpu.dma_semaphore, #tpu.memory_space<semaphore_mem>>) {add = true}
      %mul3A_462 = arith.constant 8 : i32
      %mul3A_463 = arith.muli %scan3A_264, %mul3A_462 : i32
      %add3A_464 = arith.constant 3 : i32
      %add3A_465 = arith.addi %mul3A_463, %add3A_464 : i32
      %mul3A_466 = arith.constant 8 : i32
      %mul3A_467 = arith.muli %scan3A_264, %mul3A_466 : i32
      %add3A_468 = arith.constant 3 : i32
      %add3A_469 = arith.addi %mul3A_467, %add3A_468 : i32
      %dma_start3A_470 = arith.constant 1 : i32
      %dma_start3A_471 = arith.constant 1 : i32
      %dma_start3A_472 = arith.constant 0 : i32
      %dma_start3A_473 = tpu.memref_slice %arg6[%dma_start3A_470, %add3A_465, %dma_start3A_472] : memref<2x88x128xf32, #tpu.memory_space<vmem>> -> memref<1x1x128xf32, #tpu.memory_space<vmem>>
      %dma_start3A_474 = tpu.memref_squeeze %dma_start3A_473 : memref<1x1x128xf32, #tpu.memory_space<vmem>> -> memref<128xf32, #tpu.memory_space<vmem>>
      %dma_start3A_475 = arith.constant 0 : i32
      %dma_start3A_476 = tpu.memref_slice %arg5[%dma_start3A_471, %add3A_469, %dma_start3A_475] : memref<2x88x128xi32, #tpu.memory_space<vmem>> -> memref<1x1x128xi32, #tpu.memory_space<vmem>>
      %dma_start3A_477 = tpu.memref_squeeze %dma_start3A_476 : memref<1x1x128xi32, #tpu.memory_space<vmem>> -> memref<128xi32, #tpu.memory_space<vmem>>
      %dma_start3A_478 = arith.constant 0 : i32
      %dma_start3A_479 = tpu.memref_slice %arg9[%dma_start3A_478] : memref<10240xf32, #tpu.memory_space<vmem_shared>> -> memref<10240xf32, #tpu.memory_space<vmem_shared>>
      tpu.enqueue_indirect_dma source(%dma_start3A_474 : memref<128xf32, #tpu.memory_space<vmem>>) target(%dma_start3A_479 : memref<10240xf32, #tpu.memory_space<vmem_shared>>) offsets(%dma_start3A_477 : memref<128xi32, #tpu.memory_space<vmem>>) semaphore(%arg10 : memref<!tpu.dma_semaphore, #tpu.memory_space<semaphore_mem>>) {add = true}
      %mul3A_480 = arith.constant 8 : i32
      %mul3A_481 = arith.muli %scan3A_264, %mul3A_480 : i32
      %add3A_482 = arith.constant 4 : i32
      %add3A_483 = arith.addi %mul3A_481, %add3A_482 : i32
      %mul3A_484 = arith.constant 8 : i32
      %mul3A_485 = arith.muli %scan3A_264, %mul3A_484 : i32
      %add3A_486 = arith.constant 4 : i32
      %add3A_487 = arith.addi %mul3A_485, %add3A_486 : i32
      %dma_start3A_488 = arith.constant 1 : i32
      %dma_start3A_489 = arith.constant 1 : i32
      %dma_start3A_490 = arith.constant 0 : i32
      %dma_start3A_491 = tpu.memref_slice %arg6[%dma_start3A_488, %add3A_483, %dma_start3A_490] : memref<2x88x128xf32, #tpu.memory_space<vmem>> -> memref<1x1x128xf32, #tpu.memory_space<vmem>>
      %dma_start3A_492 = tpu.memref_squeeze %dma_start3A_491 : memref<1x1x128xf32, #tpu.memory_space<vmem>> -> memref<128xf32, #tpu.memory_space<vmem>>
      %dma_start3A_493 = arith.constant 0 : i32
      %dma_start3A_494 = tpu.memref_slice %arg5[%dma_start3A_489, %add3A_487, %dma_start3A_493] : memref<2x88x128xi32, #tpu.memory_space<vmem>> -> memref<1x1x128xi32, #tpu.memory_space<vmem>>
      %dma_start3A_495 = tpu.memref_squeeze %dma_start3A_494 : memref<1x1x128xi32, #tpu.memory_space<vmem>> -> memref<128xi32, #tpu.memory_space<vmem>>
      %dma_start3A_496 = arith.constant 0 : i32
      %dma_start3A_497 = tpu.memref_slice %arg9[%dma_start3A_496] : memref<10240xf32, #tpu.memory_space<vmem_shared>> -> memref<10240xf32, #tpu.memory_space<vmem_shared>>
      tpu.enqueue_indirect_dma source(%dma_start3A_492 : memref<128xf32, #tpu.memory_space<vmem>>) target(%dma_start3A_497 : memref<10240xf32, #tpu.memory_space<vmem_shared>>) offsets(%dma_start3A_495 : memref<128xi32, #tpu.memory_space<vmem>>) semaphore(%arg10 : memref<!tpu.dma_semaphore, #tpu.memory_space<semaphore_mem>>) {add = true}
      %mul3A_498 = arith.constant 8 : i32
      %mul3A_499 = arith.muli %scan3A_264, %mul3A_498 : i32
      %add3A_500 = arith.constant 5 : i32
      %add3A_501 = arith.addi %mul3A_499, %add3A_500 : i32
      %mul3A_502 = arith.constant 8 : i32
      %mul3A_503 = arith.muli %scan3A_264, %mul3A_502 : i32
      %add3A_504 = arith.constant 5 : i32
      %add3A_505 = arith.addi %mul3A_503, %add3A_504 : i32
      %dma_start3A_506 = arith.constant 1 : i32
      %dma_start3A_507 = arith.constant 1 : i32
      %dma_start3A_508 = arith.constant 0 : i32
      %dma_start3A_509 = tpu.memref_slice %arg6[%dma_start3A_506, %add3A_501, %dma_start3A_508] : memref<2x88x128xf32, #tpu.memory_space<vmem>> -> memref<1x1x128xf32, #tpu.memory_space<vmem>>
      %dma_start3A_510 = tpu.memref_squeeze %dma_start3A_509 : memref<1x1x128xf32, #tpu.memory_space<vmem>> -> memref<128xf32, #tpu.memory_space<vmem>>
      %dma_start3A_511 = arith.constant 0 : i32
      %dma_start3A_512 = tpu.memref_slice %arg5[%dma_start3A_507, %add3A_505, %dma_start3A_511] : memref<2x88x128xi32, #tpu.memory_space<vmem>> -> memref<1x1x128xi32, #tpu.memory_space<vmem>>
      %dma_start3A_513 = tpu.memref_squeeze %dma_start3A_512 : memref<1x1x128xi32, #tpu.memory_space<vmem>> -> memref<128xi32, #tpu.memory_space<vmem>>
      %dma_start3A_514 = arith.constant 0 : i32
      %dma_start3A_515 = tpu.memref_slice %arg9[%dma_start3A_514] : memref<10240xf32, #tpu.memory_space<vmem_shared>> -> memref<10240xf32, #tpu.memory_space<vmem_shared>>
      tpu.enqueue_indirect_dma source(%dma_start3A_510 : memref<128xf32, #tpu.memory_space<vmem>>) target(%dma_start3A_515 : memref<10240xf32, #tpu.memory_space<vmem_shared>>) offsets(%dma_start3A_513 : memref<128xi32, #tpu.memory_space<vmem>>) semaphore(%arg10 : memref<!tpu.dma_semaphore, #tpu.memory_space<semaphore_mem>>) {add = true}
      %mul3A_516 = arith.constant 8 : i32
      %mul3A_517 = arith.muli %scan3A_264, %mul3A_516 : i32
      %add3A_518 = arith.constant 6 : i32
      %add3A_519 = arith.addi %mul3A_517, %add3A_518 : i32
      %mul3A_520 = arith.constant 8 : i32
      %mul3A_521 = arith.muli %scan3A_264, %mul3A_520 : i32
      %add3A_522 = arith.constant 6 : i32
      %add3A_523 = arith.addi %mul3A_521, %add3A_522 : i32
      %dma_start3A_524 = arith.constant 1 : i32
      %dma_start3A_525 = arith.constant 1 : i32
      %dma_start3A_526 = arith.constant 0 : i32
      %dma_start3A_527 = tpu.memref_slice %arg6[%dma_start3A_524, %add3A_519, %dma_start3A_526] : memref<2x88x128xf32, #tpu.memory_space<vmem>> -> memref<1x1x128xf32, #tpu.memory_space<vmem>>
      %dma_start3A_528 = tpu.memref_squeeze %dma_start3A_527 : memref<1x1x128xf32, #tpu.memory_space<vmem>> -> memref<128xf32, #tpu.memory_space<vmem>>
      %dma_start3A_529 = arith.constant 0 : i32
      %dma_start3A_530 = tpu.memref_slice %arg5[%dma_start3A_525, %add3A_523, %dma_start3A_529] : memref<2x88x128xi32, #tpu.memory_space<vmem>> -> memref<1x1x128xi32, #tpu.memory_space<vmem>>
      %dma_start3A_531 = tpu.memref_squeeze %dma_start3A_530 : memref<1x1x128xi32, #tpu.memory_space<vmem>> -> memref<128xi32, #tpu.memory_space<vmem>>
      %dma_start3A_532 = arith.constant 0 : i32
      %dma_start3A_533 = tpu.memref_slice %arg9[%dma_start3A_532] : memref<10240xf32, #tpu.memory_space<vmem_shared>> -> memref<10240xf32, #tpu.memory_space<vmem_shared>>
      tpu.enqueue_indirect_dma source(%dma_start3A_528 : memref<128xf32, #tpu.memory_space<vmem>>) target(%dma_start3A_533 : memref<10240xf32, #tpu.memory_space<vmem_shared>>) offsets(%dma_start3A_531 : memref<128xi32, #tpu.memory_space<vmem>>) semaphore(%arg10 : memref<!tpu.dma_semaphore, #tpu.memory_space<semaphore_mem>>) {add = true}
      %mul3A_534 = arith.constant 8 : i32
      %mul3A_535 = arith.muli %scan3A_264, %mul3A_534 : i32
      %add3A_536 = arith.constant 7 : i32
      %add3A_537 = arith.addi %mul3A_535, %add3A_536 : i32
      %mul3A_538 = arith.constant 8 : i32
      %mul3A_539 = arith.muli %scan3A_264, %mul3A_538 : i32
      %add3A_540 = arith.constant 7 : i32
      %add3A_541 = arith.addi %mul3A_539, %add3A_540 : i32
      %dma_start3A_542 = arith.constant 1 : i32
      %dma_start3A_543 = arith.constant 1 : i32
      %dma_start3A_544 = arith.constant 0 : i32
      %dma_start3A_545 = tpu.memref_slice %arg6[%dma_start3A_542, %add3A_537, %dma_start3A_544] : memref<2x88x128xf32, #tpu.memory_space<vmem>> -> memref<1x1x128xf32, #tpu.memory_space<vmem>>
      %dma_start3A_546 = tpu.memref_squeeze %dma_start3A_545 : memref<1x1x128xf32, #tpu.memory_space<vmem>> -> memref<128xf32, #tpu.memory_space<vmem>>
      %dma_start3A_547 = arith.constant 0 : i32
      %dma_start3A_548 = tpu.memref_slice %arg5[%dma_start3A_543, %add3A_541, %dma_start3A_547] : memref<2x88x128xi32, #tpu.memory_space<vmem>> -> memref<1x1x128xi32, #tpu.memory_space<vmem>>
      %dma_start3A_549 = tpu.memref_squeeze %dma_start3A_548 : memref<1x1x128xi32, #tpu.memory_space<vmem>> -> memref<128xi32, #tpu.memory_space<vmem>>
      %dma_start3A_550 = arith.constant 0 : i32
      %dma_start3A_551 = tpu.memref_slice %arg9[%dma_start3A_550] : memref<10240xf32, #tpu.memory_space<vmem_shared>> -> memref<10240xf32, #tpu.memory_space<vmem_shared>>
      tpu.enqueue_indirect_dma source(%dma_start3A_546 : memref<128xf32, #tpu.memory_space<vmem>>) target(%dma_start3A_551 : memref<10240xf32, #tpu.memory_space<vmem_shared>>) offsets(%dma_start3A_549 : memref<128xi32, #tpu.memory_space<vmem>>) semaphore(%arg10 : memref<!tpu.dma_semaphore, #tpu.memory_space<semaphore_mem>>) {add = true}
      %mul3A_552 = arith.constant 8 : i32
      %mul3A_553 = arith.muli %scan3A_264, %mul3A_552 : i32
      %add3A_554 = arith.constant 0 : i32
      %add3A_555 = arith.addi %mul3A_553, %add3A_554 : i32
      %mul3A_556 = arith.constant 8 : i32
      %mul3A_557 = arith.muli %scan3A_264, %mul3A_556 : i32
      %add3A_558 = arith.constant 0 : i32
      %add3A_559 = arith.addi %mul3A_557, %add3A_558 : i32
      %dma_wait3A = arith.constant 0 : i32
      %dma_wait3A_560 = arith.constant 0 : i32
      %dma_wait3A_561 = arith.constant 0 : i32
      %dma_wait3A_562 = tpu.memref_slice %arg6[%dma_wait3A, %add3A_555, %dma_wait3A_561] : memref<2x88x128xf32, #tpu.memory_space<vmem>> -> memref<1x1x128xf32, #tpu.memory_space<vmem>>
      %dma_wait3A_563 = tpu.memref_squeeze %dma_wait3A_562 : memref<1x1x128xf32, #tpu.memory_space<vmem>> -> memref<128xf32, #tpu.memory_space<vmem>>
      %dma_wait3A_564 = arith.constant 0 : i32
      %dma_wait3A_565 = tpu.memref_slice %arg5[%dma_wait3A_560, %add3A_559, %dma_wait3A_564] : memref<2x88x128xi32, #tpu.memory_space<vmem>> -> memref<1x1x128xi32, #tpu.memory_space<vmem>>
      %dma_wait3A_566 = tpu.memref_squeeze %dma_wait3A_565 : memref<1x1x128xi32, #tpu.memory_space<vmem>> -> memref<128xi32, #tpu.memory_space<vmem>>
      %dma_wait3A_567 = arith.constant 0 : i32
      %dma_wait3A_568 = tpu.memref_slice %arg9[%dma_wait3A_567] : memref<10240xf32, #tpu.memory_space<vmem_shared>> -> memref<10240xf32, #tpu.memory_space<vmem_shared>>
      tpu.wait_indirect_dma semaphore(%arg10 : memref<!tpu.dma_semaphore, #tpu.memory_space<semaphore_mem>>) src(%dma_wait3A_563 : memref<128xf32, #tpu.memory_space<vmem>>) dst(%dma_wait3A_568 : memref<10240xf32, #tpu.memory_space<vmem_shared>>)
      %mul3A_569 = arith.constant 8 : i32
      %mul3A_570 = arith.muli %scan3A_264, %mul3A_569 : i32
      %add3A_571 = arith.constant 1 : i32
      %add3A_572 = arith.addi %mul3A_570, %add3A_571 : i32
      %mul3A_573 = arith.constant 8 : i32
      %mul3A_574 = arith.muli %scan3A_264, %mul3A_573 : i32
      %add3A_575 = arith.constant 1 : i32
      %add3A_576 = arith.addi %mul3A_574, %add3A_575 : i32
      %dma_wait3A_577 = arith.constant 0 : i32
      %dma_wait3A_578 = arith.constant 0 : i32
      %dma_wait3A_579 = arith.constant 0 : i32
      %dma_wait3A_580 = tpu.memref_slice %arg6[%dma_wait3A_577, %add3A_572, %dma_wait3A_579] : memref<2x88x128xf32, #tpu.memory_space<vmem>> -> memref<1x1x128xf32, #tpu.memory_space<vmem>>
      %dma_wait3A_581 = tpu.memref_squeeze %dma_wait3A_580 : memref<1x1x128xf32, #tpu.memory_space<vmem>> -> memref<128xf32, #tpu.memory_space<vmem>>
      %dma_wait3A_582 = arith.constant 0 : i32
      %dma_wait3A_583 = tpu.memref_slice %arg5[%dma_wait3A_578, %add3A_576, %dma_wait3A_582] : memref<2x88x128xi32, #tpu.memory_space<vmem>> -> memref<1x1x128xi32, #tpu.memory_space<vmem>>
      %dma_wait3A_584 = tpu.memref_squeeze %dma_wait3A_583 : memref<1x1x128xi32, #tpu.memory_space<vmem>> -> memref<128xi32, #tpu.memory_space<vmem>>
      %dma_wait3A_585 = arith.constant 0 : i32
      %dma_wait3A_586 = tpu.memref_slice %arg9[%dma_wait3A_585] : memref<10240xf32, #tpu.memory_space<vmem_shared>> -> memref<10240xf32, #tpu.memory_space<vmem_shared>>
      tpu.wait_indirect_dma semaphore(%arg10 : memref<!tpu.dma_semaphore, #tpu.memory_space<semaphore_mem>>) src(%dma_wait3A_581 : memref<128xf32, #tpu.memory_space<vmem>>) dst(%dma_wait3A_586 : memref<10240xf32, #tpu.memory_space<vmem_shared>>)
      %mul3A_587 = arith.constant 8 : i32
      %mul3A_588 = arith.muli %scan3A_264, %mul3A_587 : i32
      %add3A_589 = arith.constant 2 : i32
      %add3A_590 = arith.addi %mul3A_588, %add3A_589 : i32
      %mul3A_591 = arith.constant 8 : i32
      %mul3A_592 = arith.muli %scan3A_264, %mul3A_591 : i32
      %add3A_593 = arith.constant 2 : i32
      %add3A_594 = arith.addi %mul3A_592, %add3A_593 : i32
      %dma_wait3A_595 = arith.constant 0 : i32
      %dma_wait3A_596 = arith.constant 0 : i32
      %dma_wait3A_597 = arith.constant 0 : i32
      %dma_wait3A_598 = tpu.memref_slice %arg6[%dma_wait3A_595, %add3A_590, %dma_wait3A_597] : memref<2x88x128xf32, #tpu.memory_space<vmem>> -> memref<1x1x128xf32, #tpu.memory_space<vmem>>
      %dma_wait3A_599 = tpu.memref_squeeze %dma_wait3A_598 : memref<1x1x128xf32, #tpu.memory_space<vmem>> -> memref<128xf32, #tpu.memory_space<vmem>>
      %dma_wait3A_600 = arith.constant 0 : i32
      %dma_wait3A_601 = tpu.memref_slice %arg5[%dma_wait3A_596, %add3A_594, %dma_wait3A_600] : memref<2x88x128xi32, #tpu.memory_space<vmem>> -> memref<1x1x128xi32, #tpu.memory_space<vmem>>
      %dma_wait3A_602 = tpu.memref_squeeze %dma_wait3A_601 : memref<1x1x128xi32, #tpu.memory_space<vmem>> -> memref<128xi32, #tpu.memory_space<vmem>>
      %dma_wait3A_603 = arith.constant 0 : i32
      %dma_wait3A_604 = tpu.memref_slice %arg9[%dma_wait3A_603] : memref<10240xf32, #tpu.memory_space<vmem_shared>> -> memref<10240xf32, #tpu.memory_space<vmem_shared>>
      tpu.wait_indirect_dma semaphore(%arg10 : memref<!tpu.dma_semaphore, #tpu.memory_space<semaphore_mem>>) src(%dma_wait3A_599 : memref<128xf32, #tpu.memory_space<vmem>>) dst(%dma_wait3A_604 : memref<10240xf32, #tpu.memory_space<vmem_shared>>)
      %mul3A_605 = arith.constant 8 : i32
      %mul3A_606 = arith.muli %scan3A_264, %mul3A_605 : i32
      %add3A_607 = arith.constant 3 : i32
      %add3A_608 = arith.addi %mul3A_606, %add3A_607 : i32
      %mul3A_609 = arith.constant 8 : i32
      %mul3A_610 = arith.muli %scan3A_264, %mul3A_609 : i32
      %add3A_611 = arith.constant 3 : i32
      %add3A_612 = arith.addi %mul3A_610, %add3A_611 : i32
      %dma_wait3A_613 = arith.constant 0 : i32
      %dma_wait3A_614 = arith.constant 0 : i32
      %dma_wait3A_615 = arith.constant 0 : i32
      %dma_wait3A_616 = tpu.memref_slice %arg6[%dma_wait3A_613, %add3A_608, %dma_wait3A_615] : memref<2x88x128xf32, #tpu.memory_space<vmem>> -> memref<1x1x128xf32, #tpu.memory_space<vmem>>
      %dma_wait3A_617 = tpu.memref_squeeze %dma_wait3A_616 : memref<1x1x128xf32, #tpu.memory_space<vmem>> -> memref<128xf32, #tpu.memory_space<vmem>>
      %dma_wait3A_618 = arith.constant 0 : i32
      %dma_wait3A_619 = tpu.memref_slice %arg5[%dma_wait3A_614, %add3A_612, %dma_wait3A_618] : memref<2x88x128xi32, #tpu.memory_space<vmem>> -> memref<1x1x128xi32, #tpu.memory_space<vmem>>
      %dma_wait3A_620 = tpu.memref_squeeze %dma_wait3A_619 : memref<1x1x128xi32, #tpu.memory_space<vmem>> -> memref<128xi32, #tpu.memory_space<vmem>>
      %dma_wait3A_621 = arith.constant 0 : i32
      %dma_wait3A_622 = tpu.memref_slice %arg9[%dma_wait3A_621] : memref<10240xf32, #tpu.memory_space<vmem_shared>> -> memref<10240xf32, #tpu.memory_space<vmem_shared>>
      tpu.wait_indirect_dma semaphore(%arg10 : memref<!tpu.dma_semaphore, #tpu.memory_space<semaphore_mem>>) src(%dma_wait3A_617 : memref<128xf32, #tpu.memory_space<vmem>>) dst(%dma_wait3A_622 : memref<10240xf32, #tpu.memory_space<vmem_shared>>)
      %mul3A_623 = arith.constant 8 : i32
      %mul3A_624 = arith.muli %scan3A_264, %mul3A_623 : i32
      %add3A_625 = arith.constant 4 : i32
      %add3A_626 = arith.addi %mul3A_624, %add3A_625 : i32
      %mul3A_627 = arith.constant 8 : i32
      %mul3A_628 = arith.muli %scan3A_264, %mul3A_627 : i32
      %add3A_629 = arith.constant 4 : i32
      %add3A_630 = arith.addi %mul3A_628, %add3A_629 : i32
      %dma_wait3A_631 = arith.constant 0 : i32
      %dma_wait3A_632 = arith.constant 0 : i32
      %dma_wait3A_633 = arith.constant 0 : i32
      %dma_wait3A_634 = tpu.memref_slice %arg6[%dma_wait3A_631, %add3A_626, %dma_wait3A_633] : memref<2x88x128xf32, #tpu.memory_space<vmem>> -> memref<1x1x128xf32, #tpu.memory_space<vmem>>
      %dma_wait3A_635 = tpu.memref_squeeze %dma_wait3A_634 : memref<1x1x128xf32, #tpu.memory_space<vmem>> -> memref<128xf32, #tpu.memory_space<vmem>>
      %dma_wait3A_636 = arith.constant 0 : i32
      %dma_wait3A_637 = tpu.memref_slice %arg5[%dma_wait3A_632, %add3A_630, %dma_wait3A_636] : memref<2x88x128xi32, #tpu.memory_space<vmem>> -> memref<1x1x128xi32, #tpu.memory_space<vmem>>
      %dma_wait3A_638 = tpu.memref_squeeze %dma_wait3A_637 : memref<1x1x128xi32, #tpu.memory_space<vmem>> -> memref<128xi32, #tpu.memory_space<vmem>>
      %dma_wait3A_639 = arith.constant 0 : i32
      %dma_wait3A_640 = tpu.memref_slice %arg9[%dma_wait3A_639] : memref<10240xf32, #tpu.memory_space<vmem_shared>> -> memref<10240xf32, #tpu.memory_space<vmem_shared>>
      tpu.wait_indirect_dma semaphore(%arg10 : memref<!tpu.dma_semaphore, #tpu.memory_space<semaphore_mem>>) src(%dma_wait3A_635 : memref<128xf32, #tpu.memory_space<vmem>>) dst(%dma_wait3A_640 : memref<10240xf32, #tpu.memory_space<vmem_shared>>)
      %mul3A_641 = arith.constant 8 : i32
      %mul3A_642 = arith.muli %scan3A_264, %mul3A_641 : i32
      %add3A_643 = arith.constant 5 : i32
      %add3A_644 = arith.addi %mul3A_642, %add3A_643 : i32
      %mul3A_645 = arith.constant 8 : i32
      %mul3A_646 = arith.muli %scan3A_264, %mul3A_645 : i32
      %add3A_647 = arith.constant 5 : i32
      %add3A_648 = arith.addi %mul3A_646, %add3A_647 : i32
      %dma_wait3A_649 = arith.constant 0 : i32
      %dma_wait3A_650 = arith.constant 0 : i32
      %dma_wait3A_651 = arith.constant 0 : i32
      %dma_wait3A_652 = tpu.memref_slice %arg6[%dma_wait3A_649, %add3A_644, %dma_wait3A_651] : memref<2x88x128xf32, #tpu.memory_space<vmem>> -> memref<1x1x128xf32, #tpu.memory_space<vmem>>
      %dma_wait3A_653 = tpu.memref_squeeze %dma_wait3A_652 : memref<1x1x128xf32, #tpu.memory_space<vmem>> -> memref<128xf32, #tpu.memory_space<vmem>>
      %dma_wait3A_654 = arith.constant 0 : i32
      %dma_wait3A_655 = tpu.memref_slice %arg5[%dma_wait3A_650, %add3A_648, %dma_wait3A_654] : memref<2x88x128xi32, #tpu.memory_space<vmem>> -> memref<1x1x128xi32, #tpu.memory_space<vmem>>
      %dma_wait3A_656 = tpu.memref_squeeze %dma_wait3A_655 : memref<1x1x128xi32, #tpu.memory_space<vmem>> -> memref<128xi32, #tpu.memory_space<vmem>>
      %dma_wait3A_657 = arith.constant 0 : i32
      %dma_wait3A_658 = tpu.memref_slice %arg9[%dma_wait3A_657] : memref<10240xf32, #tpu.memory_space<vmem_shared>> -> memref<10240xf32, #tpu.memory_space<vmem_shared>>
      tpu.wait_indirect_dma semaphore(%arg10 : memref<!tpu.dma_semaphore, #tpu.memory_space<semaphore_mem>>) src(%dma_wait3A_653 : memref<128xf32, #tpu.memory_space<vmem>>) dst(%dma_wait3A_658 : memref<10240xf32, #tpu.memory_space<vmem_shared>>)
      %mul3A_659 = arith.constant 8 : i32
      %mul3A_660 = arith.muli %scan3A_264, %mul3A_659 : i32
      %add3A_661 = arith.constant 6 : i32
      %add3A_662 = arith.addi %mul3A_660, %add3A_661 : i32
      %mul3A_663 = arith.constant 8 : i32
      %mul3A_664 = arith.muli %scan3A_264, %mul3A_663 : i32
      %add3A_665 = arith.constant 6 : i32
      %add3A_666 = arith.addi %mul3A_664, %add3A_665 : i32
      %dma_wait3A_667 = arith.constant 0 : i32
      %dma_wait3A_668 = arith.constant 0 : i32
      %dma_wait3A_669 = arith.constant 0 : i32
      %dma_wait3A_670 = tpu.memref_slice %arg6[%dma_wait3A_667, %add3A_662, %dma_wait3A_669] : memref<2x88x128xf32, #tpu.memory_space<vmem>> -> memref<1x1x128xf32, #tpu.memory_space<vmem>>
      %dma_wait3A_671 = tpu.memref_squeeze %dma_wait3A_670 : memref<1x1x128xf32, #tpu.memory_space<vmem>> -> memref<128xf32, #tpu.memory_space<vmem>>
      %dma_wait3A_672 = arith.constant 0 : i32
      %dma_wait3A_673 = tpu.memref_slice %arg5[%dma_wait3A_668, %add3A_666, %dma_wait3A_672] : memref<2x88x128xi32, #tpu.memory_space<vmem>> -> memref<1x1x128xi32, #tpu.memory_space<vmem>>
      %dma_wait3A_674 = tpu.memref_squeeze %dma_wait3A_673 : memref<1x1x128xi32, #tpu.memory_space<vmem>> -> memref<128xi32, #tpu.memory_space<vmem>>
      %dma_wait3A_675 = arith.constant 0 : i32
      %dma_wait3A_676 = tpu.memref_slice %arg9[%dma_wait3A_675] : memref<10240xf32, #tpu.memory_space<vmem_shared>> -> memref<10240xf32, #tpu.memory_space<vmem_shared>>
      tpu.wait_indirect_dma semaphore(%arg10 : memref<!tpu.dma_semaphore, #tpu.memory_space<semaphore_mem>>) src(%dma_wait3A_671 : memref<128xf32, #tpu.memory_space<vmem>>) dst(%dma_wait3A_676 : memref<10240xf32, #tpu.memory_space<vmem_shared>>)
      %mul3A_677 = arith.constant 8 : i32
      %mul3A_678 = arith.muli %scan3A_264, %mul3A_677 : i32
      %add3A_679 = arith.constant 7 : i32
      %add3A_680 = arith.addi %mul3A_678, %add3A_679 : i32
      %mul3A_681 = arith.constant 8 : i32
      %mul3A_682 = arith.muli %scan3A_264, %mul3A_681 : i32
      %add3A_683 = arith.constant 7 : i32
      %add3A_684 = arith.addi %mul3A_682, %add3A_683 : i32
      %dma_wait3A_685 = arith.constant 0 : i32
      %dma_wait3A_686 = arith.constant 0 : i32
      %dma_wait3A_687 = arith.constant 0 : i32
      %dma_wait3A_688 = tpu.memref_slice %arg6[%dma_wait3A_685, %add3A_680, %dma_wait3A_687] : memref<2x88x128xf32, #tpu.memory_space<vmem>> -> memref<1x1x128xf32, #tpu.memory_space<vmem>>
      %dma_wait3A_689 = tpu.memref_squeeze %dma_wait3A_688 : memref<1x1x128xf32, #tpu.memory_space<vmem>> -> memref<128xf32, #tpu.memory_space<vmem>>
      %dma_wait3A_690 = arith.constant 0 : i32
      %dma_wait3A_691 = tpu.memref_slice %arg5[%dma_wait3A_686, %add3A_684, %dma_wait3A_690] : memref<2x88x128xi32, #tpu.memory_space<vmem>> -> memref<1x1x128xi32, #tpu.memory_space<vmem>>
      %dma_wait3A_692 = tpu.memref_squeeze %dma_wait3A_691 : memref<1x1x128xi32, #tpu.memory_space<vmem>> -> memref<128xi32, #tpu.memory_space<vmem>>
      %dma_wait3A_693 = arith.constant 0 : i32
      %dma_wait3A_694 = tpu.memref_slice %arg9[%dma_wait3A_693] : memref<10240xf32, #tpu.memory_space<vmem_shared>> -> memref<10240xf32, #tpu.memory_space<vmem_shared>>
      tpu.wait_indirect_dma semaphore(%arg10 : memref<!tpu.dma_semaphore, #tpu.memory_space<semaphore_mem>>) src(%dma_wait3A_689 : memref<128xf32, #tpu.memory_space<vmem>>) dst(%dma_wait3A_694 : memref<10240xf32, #tpu.memory_space<vmem_shared>>)
      %mul3A_695 = arith.constant 8 : i32
      %mul3A_696 = arith.muli %scan3A_264, %mul3A_695 : i32
      %add3A_697 = arith.constant 0 : i32
      %add3A_698 = arith.addi %mul3A_696, %add3A_697 : i32
      %mul3A_699 = arith.constant 8 : i32
      %mul3A_700 = arith.muli %scan3A_264, %mul3A_699 : i32
      %add3A_701 = arith.constant 0 : i32
      %add3A_702 = arith.addi %mul3A_700, %add3A_701 : i32
      %dma_wait3A_703 = arith.constant 1 : i32
      %dma_wait3A_704 = arith.constant 1 : i32
      %dma_wait3A_705 = arith.constant 0 : i32
      %dma_wait3A_706 = tpu.memref_slice %arg6[%dma_wait3A_703, %add3A_698, %dma_wait3A_705] : memref<2x88x128xf32, #tpu.memory_space<vmem>> -> memref<1x1x128xf32, #tpu.memory_space<vmem>>
      %dma_wait3A_707 = tpu.memref_squeeze %dma_wait3A_706 : memref<1x1x128xf32, #tpu.memory_space<vmem>> -> memref<128xf32, #tpu.memory_space<vmem>>
      %dma_wait3A_708 = arith.constant 0 : i32
      %dma_wait3A_709 = tpu.memref_slice %arg5[%dma_wait3A_704, %add3A_702, %dma_wait3A_708] : memref<2x88x128xi32, #tpu.memory_space<vmem>> -> memref<1x1x128xi32, #tpu.memory_space<vmem>>
      %dma_wait3A_710 = tpu.memref_squeeze %dma_wait3A_709 : memref<1x1x128xi32, #tpu.memory_space<vmem>> -> memref<128xi32, #tpu.memory_space<vmem>>
      %dma_wait3A_711 = arith.constant 0 : i32
      %dma_wait3A_712 = tpu.memref_slice %arg9[%dma_wait3A_711] : memref<10240xf32, #tpu.memory_space<vmem_shared>> -> memref<10240xf32, #tpu.memory_space<vmem_shared>>
      tpu.wait_indirect_dma semaphore(%arg10 : memref<!tpu.dma_semaphore, #tpu.memory_space<semaphore_mem>>) src(%dma_wait3A_707 : memref<128xf32, #tpu.memory_space<vmem>>) dst(%dma_wait3A_712 : memref<10240xf32, #tpu.memory_space<vmem_shared>>)
      %mul3A_713 = arith.constant 8 : i32
      %mul3A_714 = arith.muli %scan3A_264, %mul3A_713 : i32
      %add3A_715 = arith.constant 1 : i32
      %add3A_716 = arith.addi %mul3A_714, %add3A_715 : i32
      %mul3A_717 = arith.constant 8 : i32
      %mul3A_718 = arith.muli %scan3A_264, %mul3A_717 : i32
      %add3A_719 = arith.constant 1 : i32
      %add3A_720 = arith.addi %mul3A_718, %add3A_719 : i32
      %dma_wait3A_721 = arith.constant 1 : i32
      %dma_wait3A_722 = arith.constant 1 : i32
      %dma_wait3A_723 = arith.constant 0 : i32
      %dma_wait3A_724 = tpu.memref_slice %arg6[%dma_wait3A_721, %add3A_716, %dma_wait3A_723] : memref<2x88x128xf32, #tpu.memory_space<vmem>> -> memref<1x1x128xf32, #tpu.memory_space<vmem>>
      %dma_wait3A_725 = tpu.memref_squeeze %dma_wait3A_724 : memref<1x1x128xf32, #tpu.memory_space<vmem>> -> memref<128xf32, #tpu.memory_space<vmem>>
      %dma_wait3A_726 = arith.constant 0 : i32
      %dma_wait3A_727 = tpu.memref_slice %arg5[%dma_wait3A_722, %add3A_720, %dma_wait3A_726] : memref<2x88x128xi32, #tpu.memory_space<vmem>> -> memref<1x1x128xi32, #tpu.memory_space<vmem>>
      %dma_wait3A_728 = tpu.memref_squeeze %dma_wait3A_727 : memref<1x1x128xi32, #tpu.memory_space<vmem>> -> memref<128xi32, #tpu.memory_space<vmem>>
      %dma_wait3A_729 = arith.constant 0 : i32
      %dma_wait3A_730 = tpu.memref_slice %arg9[%dma_wait3A_729] : memref<10240xf32, #tpu.memory_space<vmem_shared>> -> memref<10240xf32, #tpu.memory_space<vmem_shared>>
      tpu.wait_indirect_dma semaphore(%arg10 : memref<!tpu.dma_semaphore, #tpu.memory_space<semaphore_mem>>) src(%dma_wait3A_725 : memref<128xf32, #tpu.memory_space<vmem>>) dst(%dma_wait3A_730 : memref<10240xf32, #tpu.memory_space<vmem_shared>>)
      %mul3A_731 = arith.constant 8 : i32
      %mul3A_732 = arith.muli %scan3A_264, %mul3A_731 : i32
      %add3A_733 = arith.constant 2 : i32
      %add3A_734 = arith.addi %mul3A_732, %add3A_733 : i32
      %mul3A_735 = arith.constant 8 : i32
      %mul3A_736 = arith.muli %scan3A_264, %mul3A_735 : i32
      %add3A_737 = arith.constant 2 : i32
      %add3A_738 = arith.addi %mul3A_736, %add3A_737 : i32
      %dma_wait3A_739 = arith.constant 1 : i32
      %dma_wait3A_740 = arith.constant 1 : i32
      %dma_wait3A_741 = arith.constant 0 : i32
      %dma_wait3A_742 = tpu.memref_slice %arg6[%dma_wait3A_739, %add3A_734, %dma_wait3A_741] : memref<2x88x128xf32, #tpu.memory_space<vmem>> -> memref<1x1x128xf32, #tpu.memory_space<vmem>>
      %dma_wait3A_743 = tpu.memref_squeeze %dma_wait3A_742 : memref<1x1x128xf32, #tpu.memory_space<vmem>> -> memref<128xf32, #tpu.memory_space<vmem>>
      %dma_wait3A_744 = arith.constant 0 : i32
      %dma_wait3A_745 = tpu.memref_slice %arg5[%dma_wait3A_740, %add3A_738, %dma_wait3A_744] : memref<2x88x128xi32, #tpu.memory_space<vmem>> -> memref<1x1x128xi32, #tpu.memory_space<vmem>>
      %dma_wait3A_746 = tpu.memref_squeeze %dma_wait3A_745 : memref<1x1x128xi32, #tpu.memory_space<vmem>> -> memref<128xi32, #tpu.memory_space<vmem>>
      %dma_wait3A_747 = arith.constant 0 : i32
      %dma_wait3A_748 = tpu.memref_slice %arg9[%dma_wait3A_747] : memref<10240xf32, #tpu.memory_space<vmem_shared>> -> memref<10240xf32, #tpu.memory_space<vmem_shared>>
      tpu.wait_indirect_dma semaphore(%arg10 : memref<!tpu.dma_semaphore, #tpu.memory_space<semaphore_mem>>) src(%dma_wait3A_743 : memref<128xf32, #tpu.memory_space<vmem>>) dst(%dma_wait3A_748 : memref<10240xf32, #tpu.memory_space<vmem_shared>>)
      %mul3A_749 = arith.constant 8 : i32
      %mul3A_750 = arith.muli %scan3A_264, %mul3A_749 : i32
      %add3A_751 = arith.constant 3 : i32
      %add3A_752 = arith.addi %mul3A_750, %add3A_751 : i32
      %mul3A_753 = arith.constant 8 : i32
      %mul3A_754 = arith.muli %scan3A_264, %mul3A_753 : i32
      %add3A_755 = arith.constant 3 : i32
      %add3A_756 = arith.addi %mul3A_754, %add3A_755 : i32
      %dma_wait3A_757 = arith.constant 1 : i32
      %dma_wait3A_758 = arith.constant 1 : i32
      %dma_wait3A_759 = arith.constant 0 : i32
      %dma_wait3A_760 = tpu.memref_slice %arg6[%dma_wait3A_757, %add3A_752, %dma_wait3A_759] : memref<2x88x128xf32, #tpu.memory_space<vmem>> -> memref<1x1x128xf32, #tpu.memory_space<vmem>>
      %dma_wait3A_761 = tpu.memref_squeeze %dma_wait3A_760 : memref<1x1x128xf32, #tpu.memory_space<vmem>> -> memref<128xf32, #tpu.memory_space<vmem>>
      %dma_wait3A_762 = arith.constant 0 : i32
      %dma_wait3A_763 = tpu.memref_slice %arg5[%dma_wait3A_758, %add3A_756, %dma_wait3A_762] : memref<2x88x128xi32, #tpu.memory_space<vmem>> -> memref<1x1x128xi32, #tpu.memory_space<vmem>>
      %dma_wait3A_764 = tpu.memref_squeeze %dma_wait3A_763 : memref<1x1x128xi32, #tpu.memory_space<vmem>> -> memref<128xi32, #tpu.memory_space<vmem>>
      %dma_wait3A_765 = arith.constant 0 : i32
      %dma_wait3A_766 = tpu.memref_slice %arg9[%dma_wait3A_765] : memref<10240xf32, #tpu.memory_space<vmem_shared>> -> memref<10240xf32, #tpu.memory_space<vmem_shared>>
      tpu.wait_indirect_dma semaphore(%arg10 : memref<!tpu.dma_semaphore, #tpu.memory_space<semaphore_mem>>) src(%dma_wait3A_761 : memref<128xf32, #tpu.memory_space<vmem>>) dst(%dma_wait3A_766 : memref<10240xf32, #tpu.memory_space<vmem_shared>>)
      %mul3A_767 = arith.constant 8 : i32
      %mul3A_768 = arith.muli %scan3A_264, %mul3A_767 : i32
      %add3A_769 = arith.constant 4 : i32
      %add3A_770 = arith.addi %mul3A_768, %add3A_769 : i32
      %mul3A_771 = arith.constant 8 : i32
      %mul3A_772 = arith.muli %scan3A_264, %mul3A_771 : i32
      %add3A_773 = arith.constant 4 : i32
      %add3A_774 = arith.addi %mul3A_772, %add3A_773 : i32
      %dma_wait3A_775 = arith.constant 1 : i32
      %dma_wait3A_776 = arith.constant 1 : i32
      %dma_wait3A_777 = arith.constant 0 : i32
      %dma_wait3A_778 = tpu.memref_slice %arg6[%dma_wait3A_775, %add3A_770, %dma_wait3A_777] : memref<2x88x128xf32, #tpu.memory_space<vmem>> -> memref<1x1x128xf32, #tpu.memory_space<vmem>>
      %dma_wait3A_779 = tpu.memref_squeeze %dma_wait3A_778 : memref<1x1x128xf32, #tpu.memory_space<vmem>> -> memref<128xf32, #tpu.memory_space<vmem>>
      %dma_wait3A_780 = arith.constant 0 : i32
      %dma_wait3A_781 = tpu.memref_slice %arg5[%dma_wait3A_776, %add3A_774, %dma_wait3A_780] : memref<2x88x128xi32, #tpu.memory_space<vmem>> -> memref<1x1x128xi32, #tpu.memory_space<vmem>>
      %dma_wait3A_782 = tpu.memref_squeeze %dma_wait3A_781 : memref<1x1x128xi32, #tpu.memory_space<vmem>> -> memref<128xi32, #tpu.memory_space<vmem>>
      %dma_wait3A_783 = arith.constant 0 : i32
      %dma_wait3A_784 = tpu.memref_slice %arg9[%dma_wait3A_783] : memref<10240xf32, #tpu.memory_space<vmem_shared>> -> memref<10240xf32, #tpu.memory_space<vmem_shared>>
      tpu.wait_indirect_dma semaphore(%arg10 : memref<!tpu.dma_semaphore, #tpu.memory_space<semaphore_mem>>) src(%dma_wait3A_779 : memref<128xf32, #tpu.memory_space<vmem>>) dst(%dma_wait3A_784 : memref<10240xf32, #tpu.memory_space<vmem_shared>>)
      %mul3A_785 = arith.constant 8 : i32
      %mul3A_786 = arith.muli %scan3A_264, %mul3A_785 : i32
      %add3A_787 = arith.constant 5 : i32
      %add3A_788 = arith.addi %mul3A_786, %add3A_787 : i32
      %mul3A_789 = arith.constant 8 : i32
      %mul3A_790 = arith.muli %scan3A_264, %mul3A_789 : i32
      %add3A_791 = arith.constant 5 : i32
      %add3A_792 = arith.addi %mul3A_790, %add3A_791 : i32
      %dma_wait3A_793 = arith.constant 1 : i32
      %dma_wait3A_794 = arith.constant 1 : i32
      %dma_wait3A_795 = arith.constant 0 : i32
      %dma_wait3A_796 = tpu.memref_slice %arg6[%dma_wait3A_793, %add3A_788, %dma_wait3A_795] : memref<2x88x128xf32, #tpu.memory_space<vmem>> -> memref<1x1x128xf32, #tpu.memory_space<vmem>>
      %dma_wait3A_797 = tpu.memref_squeeze %dma_wait3A_796 : memref<1x1x128xf32, #tpu.memory_space<vmem>> -> memref<128xf32, #tpu.memory_space<vmem>>
      %dma_wait3A_798 = arith.constant 0 : i32
      %dma_wait3A_799 = tpu.memref_slice %arg5[%dma_wait3A_794, %add3A_792, %dma_wait3A_798] : memref<2x88x128xi32, #tpu.memory_space<vmem>> -> memref<1x1x128xi32, #tpu.memory_space<vmem>>
      %dma_wait3A_800 = tpu.memref_squeeze %dma_wait3A_799 : memref<1x1x128xi32, #tpu.memory_space<vmem>> -> memref<128xi32, #tpu.memory_space<vmem>>
      %dma_wait3A_801 = arith.constant 0 : i32
      %dma_wait3A_802 = tpu.memref_slice %arg9[%dma_wait3A_801] : memref<10240xf32, #tpu.memory_space<vmem_shared>> -> memref<10240xf32, #tpu.memory_space<vmem_shared>>
      tpu.wait_indirect_dma semaphore(%arg10 : memref<!tpu.dma_semaphore, #tpu.memory_space<semaphore_mem>>) src(%dma_wait3A_797 : memref<128xf32, #tpu.memory_space<vmem>>) dst(%dma_wait3A_802 : memref<10240xf32, #tpu.memory_space<vmem_shared>>)
      %mul3A_803 = arith.constant 8 : i32
      %mul3A_804 = arith.muli %scan3A_264, %mul3A_803 : i32
      %add3A_805 = arith.constant 6 : i32
      %add3A_806 = arith.addi %mul3A_804, %add3A_805 : i32
      %mul3A_807 = arith.constant 8 : i32
      %mul3A_808 = arith.muli %scan3A_264, %mul3A_807 : i32
      %add3A_809 = arith.constant 6 : i32
      %add3A_810 = arith.addi %mul3A_808, %add3A_809 : i32
      %dma_wait3A_811 = arith.constant 1 : i32
      %dma_wait3A_812 = arith.constant 1 : i32
      %dma_wait3A_813 = arith.constant 0 : i32
      %dma_wait3A_814 = tpu.memref_slice %arg6[%dma_wait3A_811, %add3A_806, %dma_wait3A_813] : memref<2x88x128xf32, #tpu.memory_space<vmem>> -> memref<1x1x128xf32, #tpu.memory_space<vmem>>
      %dma_wait3A_815 = tpu.memref_squeeze %dma_wait3A_814 : memref<1x1x128xf32, #tpu.memory_space<vmem>> -> memref<128xf32, #tpu.memory_space<vmem>>
      %dma_wait3A_816 = arith.constant 0 : i32
      %dma_wait3A_817 = tpu.memref_slice %arg5[%dma_wait3A_812, %add3A_810, %dma_wait3A_816] : memref<2x88x128xi32, #tpu.memory_space<vmem>> -> memref<1x1x128xi32, #tpu.memory_space<vmem>>
      %dma_wait3A_818 = tpu.memref_squeeze %dma_wait3A_817 : memref<1x1x128xi32, #tpu.memory_space<vmem>> -> memref<128xi32, #tpu.memory_space<vmem>>
      %dma_wait3A_819 = arith.constant 0 : i32
      %dma_wait3A_820 = tpu.memref_slice %arg9[%dma_wait3A_819] : memref<10240xf32, #tpu.memory_space<vmem_shared>> -> memref<10240xf32, #tpu.memory_space<vmem_shared>>
      tpu.wait_indirect_dma semaphore(%arg10 : memref<!tpu.dma_semaphore, #tpu.memory_space<semaphore_mem>>) src(%dma_wait3A_815 : memref<128xf32, #tpu.memory_space<vmem>>) dst(%dma_wait3A_820 : memref<10240xf32, #tpu.memory_space<vmem_shared>>)
      %mul3A_821 = arith.constant 8 : i32
      %mul3A_822 = arith.muli %scan3A_264, %mul3A_821 : i32
      %add3A_823 = arith.constant 7 : i32
      %add3A_824 = arith.addi %mul3A_822, %add3A_823 : i32
      %mul3A_825 = arith.constant 8 : i32
      %mul3A_826 = arith.muli %scan3A_264, %mul3A_825 : i32
      %add3A_827 = arith.constant 7 : i32
      %add3A_828 = arith.addi %mul3A_826, %add3A_827 : i32
      %dma_wait3A_829 = arith.constant 1 : i32
      %dma_wait3A_830 = arith.constant 1 : i32
      %dma_wait3A_831 = arith.constant 0 : i32
      %dma_wait3A_832 = tpu.memref_slice %arg6[%dma_wait3A_829, %add3A_824, %dma_wait3A_831] : memref<2x88x128xf32, #tpu.memory_space<vmem>> -> memref<1x1x128xf32, #tpu.memory_space<vmem>>
      %dma_wait3A_833 = tpu.memref_squeeze %dma_wait3A_832 : memref<1x1x128xf32, #tpu.memory_space<vmem>> -> memref<128xf32, #tpu.memory_space<vmem>>
      %dma_wait3A_834 = arith.constant 0 : i32
      %dma_wait3A_835 = tpu.memref_slice %arg5[%dma_wait3A_830, %add3A_828, %dma_wait3A_834] : memref<2x88x128xi32, #tpu.memory_space<vmem>> -> memref<1x1x128xi32, #tpu.memory_space<vmem>>
      %dma_wait3A_836 = tpu.memref_squeeze %dma_wait3A_835 : memref<1x1x128xi32, #tpu.memory_space<vmem>> -> memref<128xi32, #tpu.memory_space<vmem>>
      %dma_wait3A_837 = arith.constant 0 : i32
      %dma_wait3A_838 = tpu.memref_slice %arg9[%dma_wait3A_837] : memref<10240xf32, #tpu.memory_space<vmem_shared>> -> memref<10240xf32, #tpu.memory_space<vmem_shared>>
      tpu.wait_indirect_dma semaphore(%arg10 : memref<!tpu.dma_semaphore, #tpu.memory_space<semaphore_mem>>) src(%dma_wait3A_833 : memref<128xf32, #tpu.memory_space<vmem>>) dst(%dma_wait3A_838 : memref<10240xf32, #tpu.memory_space<vmem_shared>>)
    }
    %scan3A_252 = arith.constant 11 : i32
    %barrier3A_253 = arith.constant 0 : index
    tpu.barrier barrier_id(%barrier3A_253)
    %mul3A_254 = arith.constant 320 : i32
    %mul3A_255 = arith.muli %add3A, %mul3A_254 : i32
    "tpu.region"() ({
      %run_scoped3A_264 = tpu.sem_alloc : memref<!tpu.dma_semaphore, #tpu.memory_space<semaphore_mem>>
      %dma_start3A = arith.constant 0 : i32
      %dma_start3A_265 = tpu.memref_slice %arg7[%dma_start3A] : memref<640xf32, #tpu.memory_space<vmem>> -> memref<320xf32, #tpu.memory_space<vmem>>
      %dma_start3A_266 = tpu.memref_slice %arg9[%mul3A_255] : memref<10240xf32, #tpu.memory_space<vmem_shared>> -> memref<320xf32, #tpu.memory_space<vmem_shared>>
      %dma_start3A_267 = arith.constant 0 : i32
      %dma_start3A_268 = tpu.memref_slice %arg7[%dma_start3A_267] : memref<640xf32, #tpu.memory_space<vmem>> -> memref<320xf32, #tpu.memory_space<vmem>>
      %dma_start3A_269 = tpu.memref_slice %arg9[%mul3A_255] : memref<10240xf32, #tpu.memory_space<vmem_shared>> -> memref<320xf32, #tpu.memory_space<vmem_shared>>
      tpu.enqueue_dma source(%dma_start3A_269 : memref<320xf32, #tpu.memory_space<vmem_shared>>) target(%dma_start3A_268 : memref<320xf32, #tpu.memory_space<vmem>>) target_semaphore(%run_scoped3A_264 : memref<!tpu.dma_semaphore, #tpu.memory_space<semaphore_mem>>)
      %dma_wait3A = arith.constant 0 : i32
      %dma_wait3A_270 = tpu.memref_slice %arg7[%dma_wait3A] : memref<640xf32, #tpu.memory_space<vmem>> -> memref<320xf32, #tpu.memory_space<vmem>>
      %dma_wait3A_271 = tpu.memref_slice %arg9[%mul3A_255] : memref<10240xf32, #tpu.memory_space<vmem_shared>> -> memref<320xf32, #tpu.memory_space<vmem_shared>>
      %dma_wait3A_272 = arith.constant 0 : i32
      %dma_wait3A_273 = tpu.memref_slice %arg7[%dma_wait3A_272] : memref<640xf32, #tpu.memory_space<vmem>> -> memref<320xf32, #tpu.memory_space<vmem>>
      %dma_wait3A_274 = tpu.memref_slice %arg9[%mul3A_255] : memref<10240xf32, #tpu.memory_space<vmem_shared>> -> memref<320xf32, #tpu.memory_space<vmem_shared>>
      tpu.wait_dma2 semaphore(%run_scoped3A_264 : memref<!tpu.dma_semaphore, #tpu.memory_space<semaphore_mem>>) src(%dma_wait3A_274 : memref<320xf32, #tpu.memory_space<vmem_shared>>) dst(%dma_wait3A_273 : memref<320xf32, #tpu.memory_space<vmem>>)
      tpu.yield
    }) : () -> ()
    %scan3A_256 = arith.constant 0 : i32
    %scan3A_257 = arith.constant 0 : i32
    %scan3A_258 = arith.constant 20 : i32
    %scan3A_259 = arith.addi %scan3A_257, %scan3A_258 : i32
    %scan3A_260 = arith.constant 1 : i32
    scf.for %scan3A_264 = %scan3A_257 to %scan3A_259 step %scan3A_260  : i32 {
      %mul3A_265 = arith.constant 16 : i32
      %mul3A_266 = arith.muli %scan3A_264, %mul3A_265 : i32
      %get3A = arith.index_cast %mul3A_266 : i32 to index
      %get3A_267 = tpu.vector_load %arg7[%get3A] {strides = array<i32>} : memref<640xf32, #tpu.memory_space<vmem>>, vector<16xf32>,
      %get3A_268 = vector.shape_cast %get3A_267 : vector<16xf32> to vector<16xf32>
      %mul3A_269 = arith.constant 5.000000e-01 : f32
      %mul3A_270 = vector.broadcast %mul3A_269 : f32 to vector<16xf32>
      %mul3A_271 = arith.mulf %get3A_268, %mul3A_270 : vector<16xf32>
      %broadcast_in_dim3A_272 = arith.constant 1.000000e-03 : f32
      %broadcast_in_dim3A_273 = vector.broadcast %broadcast_in_dim3A_272 : f32 to vector<16xf32>
      %mul3A_274 = arith.mulf %mul3A_271, %broadcast_in_dim3A_273 : vector<16xf32>
      %mul3A_275 = arith.mulf %mul3A_274, %broadcast_in_dim3A_273 : vector<16xf32>
      %sub3A = arith.constant 1.500000e+00 : f32
      %sub3A_276 = vector.broadcast %sub3A : f32 to vector<16xf32>
      %sub3A_277 = arith.subf %sub3A_276, %mul3A_275 : vector<16xf32>
      %mul3A_278 = arith.mulf %broadcast_in_dim3A_273, %sub3A_277 : vector<16xf32>
      %mul3A_279 = arith.mulf %mul3A_271, %mul3A_278 : vector<16xf32>
      %mul3A_280 = arith.mulf %mul3A_279, %mul3A_278 : vector<16xf32>
      %sub3A_281 = arith.constant 1.500000e+00 : f32
      %sub3A_282 = vector.broadcast %sub3A_281 : f32 to vector<16xf32>
      %sub3A_283 = arith.subf %sub3A_282, %mul3A_280 : vector<16xf32>
      %mul3A_284 = arith.mulf %mul3A_278, %sub3A_283 : vector<16xf32>
      %mul3A_285 = arith.mulf %mul3A_271, %mul3A_284 : vector<16xf32>
      %mul3A_286 = arith.mulf %mul3A_285, %mul3A_284 : vector<16xf32>
      %sub3A_287 = arith.constant 1.500000e+00 : f32
      %sub3A_288 = vector.broadcast %sub3A_287 : f32 to vector<16xf32>
      %sub3A_289 = arith.subf %sub3A_288, %mul3A_286 : vector<16xf32>
      %mul3A_290 = arith.mulf %mul3A_284, %sub3A_289 : vector<16xf32>
      %mul3A_291 = arith.mulf %mul3A_271, %mul3A_290 : vector<16xf32>
      %mul3A_292 = arith.mulf %mul3A_291, %mul3A_290 : vector<16xf32>
      %sub3A_293 = arith.constant 1.500000e+00 : f32
      %sub3A_294 = vector.broadcast %sub3A_293 : f32 to vector<16xf32>
      %sub3A_295 = arith.subf %sub3A_294, %mul3A_292 : vector<16xf32>
      %mul3A_296 = arith.mulf %mul3A_290, %sub3A_295 : vector<16xf32>
      %mul3A_297 = arith.mulf %mul3A_271, %mul3A_296 : vector<16xf32>
      %mul3A_298 = arith.mulf %mul3A_297, %mul3A_296 : vector<16xf32>
      %sub3A_299 = arith.constant 1.500000e+00 : f32
      %sub3A_300 = vector.broadcast %sub3A_299 : f32 to vector<16xf32>
      %sub3A_301 = arith.subf %sub3A_300, %mul3A_298 : vector<16xf32>
      %mul3A_302 = arith.mulf %mul3A_296, %sub3A_301 : vector<16xf32>
      %mul3A_303 = arith.mulf %mul3A_271, %mul3A_302 : vector<16xf32>
      %mul3A_304 = arith.mulf %mul3A_303, %mul3A_302 : vector<16xf32>
      %sub3A_305 = arith.constant 1.500000e+00 : f32
      %sub3A_306 = vector.broadcast %sub3A_305 : f32 to vector<16xf32>
      %sub3A_307 = arith.subf %sub3A_306, %mul3A_304 : vector<16xf32>
      %mul3A_308 = arith.mulf %mul3A_302, %sub3A_307 : vector<16xf32>
      %mul3A_309 = arith.mulf %mul3A_271, %mul3A_308 : vector<16xf32>
      %mul3A_310 = arith.mulf %mul3A_309, %mul3A_308 : vector<16xf32>
      %sub3A_311 = arith.constant 1.500000e+00 : f32
      %sub3A_312 = vector.broadcast %sub3A_311 : f32 to vector<16xf32>
      %sub3A_313 = arith.subf %sub3A_312, %mul3A_310 : vector<16xf32>
      %mul3A_314 = arith.mulf %mul3A_308, %sub3A_313 : vector<16xf32>
      %mul3A_315 = arith.mulf %mul3A_271, %mul3A_314 : vector<16xf32>
      %mul3A_316 = arith.mulf %mul3A_315, %mul3A_314 : vector<16xf32>
      %sub3A_317 = arith.constant 1.500000e+00 : f32
      %sub3A_318 = vector.broadcast %sub3A_317 : f32 to vector<16xf32>
      %sub3A_319 = arith.subf %sub3A_318, %mul3A_316 : vector<16xf32>
      %mul3A_320 = arith.mulf %mul3A_314, %sub3A_319 : vector<16xf32>
      %mul3A_321 = arith.mulf %mul3A_271, %mul3A_320 : vector<16xf32>
      %mul3A_322 = arith.mulf %mul3A_321, %mul3A_320 : vector<16xf32>
      %sub3A_323 = arith.constant 1.500000e+00 : f32
      %sub3A_324 = vector.broadcast %sub3A_323 : f32 to vector<16xf32>
      %sub3A_325 = arith.subf %sub3A_324, %mul3A_322 : vector<16xf32>
      %mul3A_326 = arith.mulf %mul3A_320, %sub3A_325 : vector<16xf32>
      %mul3A_327 = arith.mulf %mul3A_271, %mul3A_326 : vector<16xf32>
      %mul3A_328 = arith.mulf %mul3A_327, %mul3A_326 : vector<16xf32>
      %sub3A_329 = arith.constant 1.500000e+00 : f32
      %sub3A_330 = vector.broadcast %sub3A_329 : f32 to vector<16xf32>
      %sub3A_331 = arith.subf %sub3A_330, %mul3A_328 : vector<16xf32>
      %mul3A_332 = arith.mulf %mul3A_326, %sub3A_331 : vector<16xf32>
      %mul3A_333 = arith.mulf %mul3A_271, %mul3A_332 : vector<16xf32>
      %mul3A_334 = arith.mulf %mul3A_333, %mul3A_332 : vector<16xf32>
      %sub3A_335 = arith.constant 1.500000e+00 : f32
      %sub3A_336 = vector.broadcast %sub3A_335 : f32 to vector<16xf32>
      %sub3A_337 = arith.subf %sub3A_336, %mul3A_334 : vector<16xf32>
      %mul3A_338 = arith.mulf %mul3A_332, %sub3A_337 : vector<16xf32>
      %mul3A_339 = arith.mulf %mul3A_271, %mul3A_338 : vector<16xf32>
      %mul3A_340 = arith.mulf %mul3A_339, %mul3A_338 : vector<16xf32>
      %sub3A_341 = arith.constant 1.500000e+00 : f32
      %sub3A_342 = vector.broadcast %sub3A_341 : f32 to vector<16xf32>
      %sub3A_343 = arith.subf %sub3A_342, %mul3A_340 : vector<16xf32>
      %mul3A_344 = arith.mulf %mul3A_338, %sub3A_343 : vector<16xf32>
      %mul3A_345 = arith.mulf %mul3A_271, %mul3A_344 : vector<16xf32>
      %mul3A_346 = arith.mulf %mul3A_345, %mul3A_344 : vector<16xf32>
      %sub3A_347 = arith.constant 1.500000e+00 : f32
      %sub3A_348 = vector.broadcast %sub3A_347 : f32 to vector<16xf32>
      %sub3A_349 = arith.subf %sub3A_348, %mul3A_346 : vector<16xf32>
      %mul3A_350 = arith.mulf %mul3A_344, %sub3A_349 : vector<16xf32>
      %mul3A_351 = arith.mulf %mul3A_271, %mul3A_350 : vector<16xf32>
      %mul3A_352 = arith.mulf %mul3A_351, %mul3A_350 : vector<16xf32>
      %sub3A_353 = arith.constant 1.500000e+00 : f32
      %sub3A_354 = vector.broadcast %sub3A_353 : f32 to vector<16xf32>
      %sub3A_355 = arith.subf %sub3A_354, %mul3A_352 : vector<16xf32>
      %mul3A_356 = arith.mulf %mul3A_350, %sub3A_355 : vector<16xf32>
      %mul3A_357 = arith.mulf %mul3A_271, %mul3A_356 : vector<16xf32>
      %mul3A_358 = arith.mulf %mul3A_357, %mul3A_356 : vector<16xf32>
      %sub3A_359 = arith.constant 1.500000e+00 : f32
      %sub3A_360 = vector.broadcast %sub3A_359 : f32 to vector<16xf32>
      %sub3A_361 = arith.subf %sub3A_360, %mul3A_358 : vector<16xf32>
      %mul3A_362 = arith.mulf %mul3A_356, %sub3A_361 : vector<16xf32>
      %mul3A_363 = arith.mulf %mul3A_271, %mul3A_362 : vector<16xf32>
      %mul3A_364 = arith.mulf %mul3A_363, %mul3A_362 : vector<16xf32>
      %sub3A_365 = arith.constant 1.500000e+00 : f32
      %sub3A_366 = vector.broadcast %sub3A_365 : f32 to vector<16xf32>
      %sub3A_367 = arith.subf %sub3A_366, %mul3A_364 : vector<16xf32>
      %mul3A_368 = arith.mulf %mul3A_362, %sub3A_367 : vector<16xf32>
      %mul3A_369 = arith.mulf %mul3A_271, %mul3A_368 : vector<16xf32>
      %mul3A_370 = arith.mulf %mul3A_369, %mul3A_368 : vector<16xf32>
      %sub3A_371 = arith.constant 1.500000e+00 : f32
      %sub3A_372 = vector.broadcast %sub3A_371 : f32 to vector<16xf32>
      %sub3A_373 = arith.subf %sub3A_372, %mul3A_370 : vector<16xf32>
      %mul3A_374 = arith.mulf %mul3A_368, %sub3A_373 : vector<16xf32>
      %mul3A_375 = arith.mulf %mul3A_271, %mul3A_374 : vector<16xf32>
      %mul3A_376 = arith.mulf %mul3A_375, %mul3A_374 : vector<16xf32>
      %sub3A_377 = arith.constant 1.500000e+00 : f32
      %sub3A_378 = vector.broadcast %sub3A_377 : f32 to vector<16xf32>
      %sub3A_379 = arith.subf %sub3A_378, %mul3A_376 : vector<16xf32>
      %mul3A_380 = arith.mulf %mul3A_374, %sub3A_379 : vector<16xf32>
      %mul3A_381 = arith.mulf %mul3A_271, %mul3A_380 : vector<16xf32>
      %mul3A_382 = arith.mulf %mul3A_381, %mul3A_380 : vector<16xf32>
      %sub3A_383 = arith.constant 1.500000e+00 : f32
      %sub3A_384 = vector.broadcast %sub3A_383 : f32 to vector<16xf32>
      %sub3A_385 = arith.subf %sub3A_384, %mul3A_382 : vector<16xf32>
      %mul3A_386 = arith.mulf %mul3A_380, %sub3A_385 : vector<16xf32>
      %mul3A_387 = arith.mulf %mul3A_271, %mul3A_386 : vector<16xf32>
      %mul3A_388 = arith.mulf %mul3A_387, %mul3A_386 : vector<16xf32>
      %sub3A_389 = arith.constant 1.500000e+00 : f32
      %sub3A_390 = vector.broadcast %sub3A_389 : f32 to vector<16xf32>
      %sub3A_391 = arith.subf %sub3A_390, %mul3A_388 : vector<16xf32>
      %mul3A_392 = arith.mulf %mul3A_386, %sub3A_391 : vector<16xf32>
      %mul3A_393 = arith.mulf %mul3A_271, %mul3A_392 : vector<16xf32>
      %mul3A_394 = arith.mulf %mul3A_393, %mul3A_392 : vector<16xf32>
      %sub3A_395 = arith.constant 1.500000e+00 : f32
      %sub3A_396 = vector.broadcast %sub3A_395 : f32 to vector<16xf32>
      %sub3A_397 = arith.subf %sub3A_396, %mul3A_394 : vector<16xf32>
      %mul3A_398 = arith.mulf %mul3A_392, %sub3A_397 : vector<16xf32>
      %mul3A_399 = arith.mulf %mul3A_271, %mul3A_398 : vector<16xf32>
      %mul3A_400 = arith.mulf %mul3A_399, %mul3A_398 : vector<16xf32>
      %sub3A_401 = arith.constant 1.500000e+00 : f32
      %sub3A_402 = vector.broadcast %sub3A_401 : f32 to vector<16xf32>
      %sub3A_403 = arith.subf %sub3A_402, %mul3A_400 : vector<16xf32>
      %mul3A_404 = arith.mulf %mul3A_398, %sub3A_403 : vector<16xf32>
      %mul3A_405 = arith.mulf %mul3A_271, %mul3A_404 : vector<16xf32>
      %mul3A_406 = arith.mulf %mul3A_405, %mul3A_404 : vector<16xf32>
      %sub3A_407 = arith.constant 1.500000e+00 : f32
      %sub3A_408 = vector.broadcast %sub3A_407 : f32 to vector<16xf32>
      %sub3A_409 = arith.subf %sub3A_408, %mul3A_406 : vector<16xf32>
      %mul3A_410 = arith.mulf %mul3A_404, %sub3A_409 : vector<16xf32>
      %mul3A_411 = arith.mulf %mul3A_271, %mul3A_410 : vector<16xf32>
      %mul3A_412 = arith.mulf %mul3A_411, %mul3A_410 : vector<16xf32>
      %sub3A_413 = arith.constant 1.500000e+00 : f32
      %sub3A_414 = vector.broadcast %sub3A_413 : f32 to vector<16xf32>
      %sub3A_415 = arith.subf %sub3A_414, %mul3A_412 : vector<16xf32>
      %mul3A_416 = arith.mulf %mul3A_410, %sub3A_415 : vector<16xf32>
      %slice3A = vector.extract_strided_slice %mul3A_416 {offsets = [0], sizes = [1], strides = [1]} : vector<16xf32> to vector<1xf32>
      %squeeze3A = vector.extract %slice3A[0] : f32 from vector<1xf32>
      %broadcast_in_dim3A_417 = vector.broadcast %squeeze3A : f32 to vector<16xf32>
      %mul3A_418 = arith.constant 16 : i32
      %mul3A_419 = arith.muli %scan3A_264, %mul3A_418 : i32
      %add3A_420 = arith.constant 0 : i32
      %add3A_421 = arith.addi %mul3A_419, %add3A_420 : i32
      %swap3A_422 = arith.index_cast %add3A_421 : i32 to index
      %swap3A_423 = arith.constant 0 : index
      %swap3A_424 = tpu.vector_load %arg8[%swap3A_422, %swap3A_423] {strides = array<i32>} : memref<320x128xf32, #tpu.memory_space<vmem>>, vector<1x16xf32>,
      %swap3A_425 = vector.shape_cast %swap3A_424 : vector<1x16xf32> to vector<16xf32>
      %swap3A_426 = vector.shape_cast %broadcast_in_dim3A_417 : vector<16xf32> to vector<1x16xf32>
      tpu.vector_store %arg8[%swap3A_422, %swap3A_423], %swap3A_426 {strides = array<i32>} : memref<320x128xf32, #tpu.memory_space<vmem>>, vector<1x16xf32>,
      %mul3A_427 = arith.constant 16 : i32
      %mul3A_428 = arith.muli %scan3A_264, %mul3A_427 : i32
      %add3A_429 = arith.constant 0 : i32
      %add3A_430 = arith.addi %mul3A_428, %add3A_429 : i32
      %swap3A_431 = arith.index_cast %add3A_430 : i32 to index
      %swap3A_432 = arith.constant 16 : index
      %swap3A_433 = tpu.vector_load %arg8[%swap3A_431, %swap3A_432] {strides = array<i32>} : memref<320x128xf32, #tpu.memory_space<vmem>>, vector<1x16xf32>,
      %swap3A_434 = vector.shape_cast %swap3A_433 : vector<1x16xf32> to vector<16xf32>
      %swap3A_435 = vector.shape_cast %broadcast_in_dim3A_417 : vector<16xf32> to vector<1x16xf32>
      tpu.vector_store %arg8[%swap3A_431, %swap3A_432], %swap3A_435 {strides = array<i32>} : memref<320x128xf32, #tpu.memory_space<vmem>>, vector<1x16xf32>,
      %mul3A_436 = arith.constant 16 : i32
      %mul3A_437 = arith.muli %scan3A_264, %mul3A_436 : i32
      %add3A_438 = arith.constant 0 : i32
      %add3A_439 = arith.addi %mul3A_437, %add3A_438 : i32
      %swap3A_440 = arith.index_cast %add3A_439 : i32 to index
      %swap3A_441 = arith.constant 32 : index
      %swap3A_442 = tpu.vector_load %arg8[%swap3A_440, %swap3A_441] {strides = array<i32>} : memref<320x128xf32, #tpu.memory_space<vmem>>, vector<1x16xf32>,
      %swap3A_443 = vector.shape_cast %swap3A_442 : vector<1x16xf32> to vector<16xf32>
      %swap3A_444 = vector.shape_cast %broadcast_in_dim3A_417 : vector<16xf32> to vector<1x16xf32>
      tpu.vector_store %arg8[%swap3A_440, %swap3A_441], %swap3A_444 {strides = array<i32>} : memref<320x128xf32, #tpu.memory_space<vmem>>, vector<1x16xf32>,
      %mul3A_445 = arith.constant 16 : i32
      %mul3A_446 = arith.muli %scan3A_264, %mul3A_445 : i32
      %add3A_447 = arith.constant 0 : i32
      %add3A_448 = arith.addi %mul3A_446, %add3A_447 : i32
      %swap3A_449 = arith.index_cast %add3A_448 : i32 to index
      %swap3A_450 = arith.constant 48 : index
      %swap3A_451 = tpu.vector_load %arg8[%swap3A_449, %swap3A_450] {strides = array<i32>} : memref<320x128xf32, #tpu.memory_space<vmem>>, vector<1x16xf32>,
      %swap3A_452 = vector.shape_cast %swap3A_451 : vector<1x16xf32> to vector<16xf32>
      %swap3A_453 = vector.shape_cast %broadcast_in_dim3A_417 : vector<16xf32> to vector<1x16xf32>
      tpu.vector_store %arg8[%swap3A_449, %swap3A_450], %swap3A_453 {strides = array<i32>} : memref<320x128xf32, #tpu.memory_space<vmem>>, vector<1x16xf32>,
      %mul3A_454 = arith.constant 16 : i32
      %mul3A_455 = arith.muli %scan3A_264, %mul3A_454 : i32
      %add3A_456 = arith.constant 0 : i32
      %add3A_457 = arith.addi %mul3A_455, %add3A_456 : i32
      %swap3A_458 = arith.index_cast %add3A_457 : i32 to index
      %swap3A_459 = arith.constant 64 : index
      %swap3A_460 = tpu.vector_load %arg8[%swap3A_458, %swap3A_459] {strides = array<i32>} : memref<320x128xf32, #tpu.memory_space<vmem>>, vector<1x16xf32>,
      %swap3A_461 = vector.shape_cast %swap3A_460 : vector<1x16xf32> to vector<16xf32>
      %swap3A_462 = vector.shape_cast %broadcast_in_dim3A_417 : vector<16xf32> to vector<1x16xf32>
      tpu.vector_store %arg8[%swap3A_458, %swap3A_459], %swap3A_462 {strides = array<i32>} : memref<320x128xf32, #tpu.memory_space<vmem>>, vector<1x16xf32>,
      %mul3A_463 = arith.constant 16 : i32
      %mul3A_464 = arith.muli %scan3A_264, %mul3A_463 : i32
      %add3A_465 = arith.constant 0 : i32
      %add3A_466 = arith.addi %mul3A_464, %add3A_465 : i32
      %swap3A_467 = arith.index_cast %add3A_466 : i32 to index
      %swap3A_468 = arith.constant 80 : index
      %swap3A_469 = tpu.vector_load %arg8[%swap3A_467, %swap3A_468] {strides = array<i32>} : memref<320x128xf32, #tpu.memory_space<vmem>>, vector<1x16xf32>,
      %swap3A_470 = vector.shape_cast %swap3A_469 : vector<1x16xf32> to vector<16xf32>
      %swap3A_471 = vector.shape_cast %broadcast_in_dim3A_417 : vector<16xf32> to vector<1x16xf32>
      tpu.vector_store %arg8[%swap3A_467, %swap3A_468], %swap3A_471 {strides = array<i32>} : memref<320x128xf32, #tpu.memory_space<vmem>>, vector<1x16xf32>,
      %mul3A_472 = arith.constant 16 : i32
      %mul3A_473 = arith.muli %scan3A_264, %mul3A_472 : i32
      %add3A_474 = arith.constant 0 : i32
      %add3A_475 = arith.addi %mul3A_473, %add3A_474 : i32
      %swap3A_476 = arith.index_cast %add3A_475 : i32 to index
      %swap3A_477 = arith.constant 96 : index
      %swap3A_478 = tpu.vector_load %arg8[%swap3A_476, %swap3A_477] {strides = array<i32>} : memref<320x128xf32, #tpu.memory_space<vmem>>, vector<1x16xf32>,
      %swap3A_479 = vector.shape_cast %swap3A_478 : vector<1x16xf32> to vector<16xf32>
      %swap3A_480 = vector.shape_cast %broadcast_in_dim3A_417 : vector<16xf32> to vector<1x16xf32>
      tpu.vector_store %arg8[%swap3A_476, %swap3A_477], %swap3A_480 {strides = array<i32>} : memref<320x128xf32, #tpu.memory_space<vmem>>, vector<1x16xf32>,
      %mul3A_481 = arith.constant 16 : i32
      %mul3A_482 = arith.muli %scan3A_264, %mul3A_481 : i32
      %add3A_483 = arith.constant 0 : i32
      %add3A_484 = arith.addi %mul3A_482, %add3A_483 : i32
      %swap3A_485 = arith.index_cast %add3A_484 : i32 to index
      %swap3A_486 = arith.constant 112 : index
      %swap3A_487 = tpu.vector_load %arg8[%swap3A_485, %swap3A_486] {strides = array<i32>} : memref<320x128xf32, #tpu.memory_space<vmem>>, vector<1x16xf32>,
      %swap3A_488 = vector.shape_cast %swap3A_487 : vector<1x16xf32> to vector<16xf32>
      %swap3A_489 = vector.shape_cast %broadcast_in_dim3A_417 : vector<16xf32> to vector<1x16xf32>
      tpu.vector_store %arg8[%swap3A_485, %swap3A_486], %swap3A_489 {strides = array<i32>} : memref<320x128xf32, #tpu.memory_space<vmem>>, vector<1x16xf32>,
      %slice3A_490 = vector.extract_strided_slice %mul3A_416 {offsets = [1], sizes = [1], strides = [1]} : vector<16xf32> to vector<1xf32>
      %squeeze3A_491 = vector.extract %slice3A_490[0] : f32 from vector<1xf32>
      %broadcast_in_dim3A_492 = vector.broadcast %squeeze3A_491 : f32 to vector<16xf32>
      %mul3A_493 = arith.constant 16 : i32
      %mul3A_494 = arith.muli %scan3A_264, %mul3A_493 : i32
      %add3A_495 = arith.constant 1 : i32
      %add3A_496 = arith.addi %mul3A_494, %add3A_495 : i32
      %swap3A_497 = arith.index_cast %add3A_496 : i32 to index
      %swap3A_498 = arith.constant 0 : index
      %swap3A_499 = tpu.vector_load %arg8[%swap3A_497, %swap3A_498] {strides = array<i32>} : memref<320x128xf32, #tpu.memory_space<vmem>>, vector<1x16xf32>,
      %swap3A_500 = vector.shape_cast %swap3A_499 : vector<1x16xf32> to vector<16xf32>
      %swap3A_501 = vector.shape_cast %broadcast_in_dim3A_492 : vector<16xf32> to vector<1x16xf32>
      tpu.vector_store %arg8[%swap3A_497, %swap3A_498], %swap3A_501 {strides = array<i32>} : memref<320x128xf32, #tpu.memory_space<vmem>>, vector<1x16xf32>,
      %mul3A_502 = arith.constant 16 : i32
      %mul3A_503 = arith.muli %scan3A_264, %mul3A_502 : i32
      %add3A_504 = arith.constant 1 : i32
      %add3A_505 = arith.addi %mul3A_503, %add3A_504 : i32
      %swap3A_506 = arith.index_cast %add3A_505 : i32 to index
      %swap3A_507 = arith.constant 16 : index
      %swap3A_508 = tpu.vector_load %arg8[%swap3A_506, %swap3A_507] {strides = array<i32>} : memref<320x128xf32, #tpu.memory_space<vmem>>, vector<1x16xf32>,
      %swap3A_509 = vector.shape_cast %swap3A_508 : vector<1x16xf32> to vector<16xf32>
      %swap3A_510 = vector.shape_cast %broadcast_in_dim3A_492 : vector<16xf32> to vector<1x16xf32>
      tpu.vector_store %arg8[%swap3A_506, %swap3A_507], %swap3A_510 {strides = array<i32>} : memref<320x128xf32, #tpu.memory_space<vmem>>, vector<1x16xf32>,
      %mul3A_511 = arith.constant 16 : i32
      %mul3A_512 = arith.muli %scan3A_264, %mul3A_511 : i32
      %add3A_513 = arith.constant 1 : i32
      %add3A_514 = arith.addi %mul3A_512, %add3A_513 : i32
      %swap3A_515 = arith.index_cast %add3A_514 : i32 to index
      %swap3A_516 = arith.constant 32 : index
      %swap3A_517 = tpu.vector_load %arg8[%swap3A_515, %swap3A_516] {strides = array<i32>} : memref<320x128xf32, #tpu.memory_space<vmem>>, vector<1x16xf32>,
      %swap3A_518 = vector.shape_cast %swap3A_517 : vector<1x16xf32> to vector<16xf32>
      %swap3A_519 = vector.shape_cast %broadcast_in_dim3A_492 : vector<16xf32> to vector<1x16xf32>
      tpu.vector_store %arg8[%swap3A_515, %swap3A_516], %swap3A_519 {strides = array<i32>} : memref<320x128xf32, #tpu.memory_space<vmem>>, vector<1x16xf32>,
      %mul3A_520 = arith.constant 16 : i32
      %mul3A_521 = arith.muli %scan3A_264, %mul3A_520 : i32
      %add3A_522 = arith.constant 1 : i32
      %add3A_523 = arith.addi %mul3A_521, %add3A_522 : i32
      %swap3A_524 = arith.index_cast %add3A_523 : i32 to index
      %swap3A_525 = arith.constant 48 : index
      %swap3A_526 = tpu.vector_load %arg8[%swap3A_524, %swap3A_525] {strides = array<i32>} : memref<320x128xf32, #tpu.memory_space<vmem>>, vector<1x16xf32>,
      %swap3A_527 = vector.shape_cast %swap3A_526 : vector<1x16xf32> to vector<16xf32>
      %swap3A_528 = vector.shape_cast %broadcast_in_dim3A_492 : vector<16xf32> to vector<1x16xf32>
      tpu.vector_store %arg8[%swap3A_524, %swap3A_525], %swap3A_528 {strides = array<i32>} : memref<320x128xf32, #tpu.memory_space<vmem>>, vector<1x16xf32>,
      %mul3A_529 = arith.constant 16 : i32
      %mul3A_530 = arith.muli %scan3A_264, %mul3A_529 : i32
      %add3A_531 = arith.constant 1 : i32
      %add3A_532 = arith.addi %mul3A_530, %add3A_531 : i32
      %swap3A_533 = arith.index_cast %add3A_532 : i32 to index
      %swap3A_534 = arith.constant 64 : index
      %swap3A_535 = tpu.vector_load %arg8[%swap3A_533, %swap3A_534] {strides = array<i32>} : memref<320x128xf32, #tpu.memory_space<vmem>>, vector<1x16xf32>,
      %swap3A_536 = vector.shape_cast %swap3A_535 : vector<1x16xf32> to vector<16xf32>
      %swap3A_537 = vector.shape_cast %broadcast_in_dim3A_492 : vector<16xf32> to vector<1x16xf32>
      tpu.vector_store %arg8[%swap3A_533, %swap3A_534], %swap3A_537 {strides = array<i32>} : memref<320x128xf32, #tpu.memory_space<vmem>>, vector<1x16xf32>,
      %mul3A_538 = arith.constant 16 : i32
      %mul3A_539 = arith.muli %scan3A_264, %mul3A_538 : i32
      %add3A_540 = arith.constant 1 : i32
      %add3A_541 = arith.addi %mul3A_539, %add3A_540 : i32
      %swap3A_542 = arith.index_cast %add3A_541 : i32 to index
      %swap3A_543 = arith.constant 80 : index
      %swap3A_544 = tpu.vector_load %arg8[%swap3A_542, %swap3A_543] {strides = array<i32>} : memref<320x128xf32, #tpu.memory_space<vmem>>, vector<1x16xf32>,
      %swap3A_545 = vector.shape_cast %swap3A_544 : vector<1x16xf32> to vector<16xf32>
      %swap3A_546 = vector.shape_cast %broadcast_in_dim3A_492 : vector<16xf32> to vector<1x16xf32>
      tpu.vector_store %arg8[%swap3A_542, %swap3A_543], %swap3A_546 {strides = array<i32>} : memref<320x128xf32, #tpu.memory_space<vmem>>, vector<1x16xf32>,
      %mul3A_547 = arith.constant 16 : i32
      %mul3A_548 = arith.muli %scan3A_264, %mul3A_547 : i32
      %add3A_549 = arith.constant 1 : i32
      %add3A_550 = arith.addi %mul3A_548, %add3A_549 : i32
      %swap3A_551 = arith.index_cast %add3A_550 : i32 to index
      %swap3A_552 = arith.constant 96 : index
      %swap3A_553 = tpu.vector_load %arg8[%swap3A_551, %swap3A_552] {strides = array<i32>} : memref<320x128xf32, #tpu.memory_space<vmem>>, vector<1x16xf32>,
      %swap3A_554 = vector.shape_cast %swap3A_553 : vector<1x16xf32> to vector<16xf32>
      %swap3A_555 = vector.shape_cast %broadcast_in_dim3A_492 : vector<16xf32> to vector<1x16xf32>
      tpu.vector_store %arg8[%swap3A_551, %swap3A_552], %swap3A_555 {strides = array<i32>} : memref<320x128xf32, #tpu.memory_space<vmem>>, vector<1x16xf32>,
      %mul3A_556 = arith.constant 16 : i32
      %mul3A_557 = arith.muli %scan3A_264, %mul3A_556 : i32
      %add3A_558 = arith.constant 1 : i32
      %add3A_559 = arith.addi %mul3A_557, %add3A_558 : i32
      %swap3A_560 = arith.index_cast %add3A_559 : i32 to index
      %swap3A_561 = arith.constant 112 : index
      %swap3A_562 = tpu.vector_load %arg8[%swap3A_560, %swap3A_561] {strides = array<i32>} : memref<320x128xf32, #tpu.memory_space<vmem>>, vector<1x16xf32>,
      %swap3A_563 = vector.shape_cast %swap3A_562 : vector<1x16xf32> to vector<16xf32>
      %swap3A_564 = vector.shape_cast %broadcast_in_dim3A_492 : vector<16xf32> to vector<1x16xf32>
      tpu.vector_store %arg8[%swap3A_560, %swap3A_561], %swap3A_564 {strides = array<i32>} : memref<320x128xf32, #tpu.memory_space<vmem>>, vector<1x16xf32>,
      %slice3A_565 = vector.extract_strided_slice %mul3A_416 {offsets = [2], sizes = [1], strides = [1]} : vector<16xf32> to vector<1xf32>
      %squeeze3A_566 = vector.extract %slice3A_565[0] : f32 from vector<1xf32>
      %broadcast_in_dim3A_567 = vector.broadcast %squeeze3A_566 : f32 to vector<16xf32>
      %mul3A_568 = arith.constant 16 : i32
      %mul3A_569 = arith.muli %scan3A_264, %mul3A_568 : i32
      %add3A_570 = arith.constant 2 : i32
      %add3A_571 = arith.addi %mul3A_569, %add3A_570 : i32
      %swap3A_572 = arith.index_cast %add3A_571 : i32 to index
      %swap3A_573 = arith.constant 0 : index
      %swap3A_574 = tpu.vector_load %arg8[%swap3A_572, %swap3A_573] {strides = array<i32>} : memref<320x128xf32, #tpu.memory_space<vmem>>, vector<1x16xf32>,
      %swap3A_575 = vector.shape_cast %swap3A_574 : vector<1x16xf32> to vector<16xf32>
      %swap3A_576 = vector.shape_cast %broadcast_in_dim3A_567 : vector<16xf32> to vector<1x16xf32>
      tpu.vector_store %arg8[%swap3A_572, %swap3A_573], %swap3A_576 {strides = array<i32>} : memref<320x128xf32, #tpu.memory_space<vmem>>, vector<1x16xf32>,
      %mul3A_577 = arith.constant 16 : i32
      %mul3A_578 = arith.muli %scan3A_264, %mul3A_577 : i32
      %add3A_579 = arith.constant 2 : i32
      %add3A_580 = arith.addi %mul3A_578, %add3A_579 : i32
      %swap3A_581 = arith.index_cast %add3A_580 : i32 to index
      %swap3A_582 = arith.constant 16 : index
      %swap3A_583 = tpu.vector_load %arg8[%swap3A_581, %swap3A_582] {strides = array<i32>} : memref<320x128xf32, #tpu.memory_space<vmem>>, vector<1x16xf32>,
      %swap3A_584 = vector.shape_cast %swap3A_583 : vector<1x16xf32> to vector<16xf32>
      %swap3A_585 = vector.shape_cast %broadcast_in_dim3A_567 : vector<16xf32> to vector<1x16xf32>
      tpu.vector_store %arg8[%swap3A_581, %swap3A_582], %swap3A_585 {strides = array<i32>} : memref<320x128xf32, #tpu.memory_space<vmem>>, vector<1x16xf32>,
      %mul3A_586 = arith.constant 16 : i32
      %mul3A_587 = arith.muli %scan3A_264, %mul3A_586 : i32
      %add3A_588 = arith.constant 2 : i32
      %add3A_589 = arith.addi %mul3A_587, %add3A_588 : i32
      %swap3A_590 = arith.index_cast %add3A_589 : i32 to index
      %swap3A_591 = arith.constant 32 : index
      %swap3A_592 = tpu.vector_load %arg8[%swap3A_590, %swap3A_591] {strides = array<i32>} : memref<320x128xf32, #tpu.memory_space<vmem>>, vector<1x16xf32>,
      %swap3A_593 = vector.shape_cast %swap3A_592 : vector<1x16xf32> to vector<16xf32>
      %swap3A_594 = vector.shape_cast %broadcast_in_dim3A_567 : vector<16xf32> to vector<1x16xf32>
      tpu.vector_store %arg8[%swap3A_590, %swap3A_591], %swap3A_594 {strides = array<i32>} : memref<320x128xf32, #tpu.memory_space<vmem>>, vector<1x16xf32>,
      %mul3A_595 = arith.constant 16 : i32
      %mul3A_596 = arith.muli %scan3A_264, %mul3A_595 : i32
      %add3A_597 = arith.constant 2 : i32
      %add3A_598 = arith.addi %mul3A_596, %add3A_597 : i32
      %swap3A_599 = arith.index_cast %add3A_598 : i32 to index
      %swap3A_600 = arith.constant 48 : index
      %swap3A_601 = tpu.vector_load %arg8[%swap3A_599, %swap3A_600] {strides = array<i32>} : memref<320x128xf32, #tpu.memory_space<vmem>>, vector<1x16xf32>,
      %swap3A_602 = vector.shape_cast %swap3A_601 : vector<1x16xf32> to vector<16xf32>
      %swap3A_603 = vector.shape_cast %broadcast_in_dim3A_567 : vector<16xf32> to vector<1x16xf32>
      tpu.vector_store %arg8[%swap3A_599, %swap3A_600], %swap3A_603 {strides = array<i32>} : memref<320x128xf32, #tpu.memory_space<vmem>>, vector<1x16xf32>,
      %mul3A_604 = arith.constant 16 : i32
      %mul3A_605 = arith.muli %scan3A_264, %mul3A_604 : i32
      %add3A_606 = arith.constant 2 : i32
      %add3A_607 = arith.addi %mul3A_605, %add3A_606 : i32
      %swap3A_608 = arith.index_cast %add3A_607 : i32 to index
      %swap3A_609 = arith.constant 64 : index
      %swap3A_610 = tpu.vector_load %arg8[%swap3A_608, %swap3A_609] {strides = array<i32>} : memref<320x128xf32, #tpu.memory_space<vmem>>, vector<1x16xf32>,
      %swap3A_611 = vector.shape_cast %swap3A_610 : vector<1x16xf32> to vector<16xf32>
      %swap3A_612 = vector.shape_cast %broadcast_in_dim3A_567 : vector<16xf32> to vector<1x16xf32>
      tpu.vector_store %arg8[%swap3A_608, %swap3A_609], %swap3A_612 {strides = array<i32>} : memref<320x128xf32, #tpu.memory_space<vmem>>, vector<1x16xf32>,
      %mul3A_613 = arith.constant 16 : i32
      %mul3A_614 = arith.muli %scan3A_264, %mul3A_613 : i32
      %add3A_615 = arith.constant 2 : i32
      %add3A_616 = arith.addi %mul3A_614, %add3A_615 : i32
      %swap3A_617 = arith.index_cast %add3A_616 : i32 to index
      %swap3A_618 = arith.constant 80 : index
      %swap3A_619 = tpu.vector_load %arg8[%swap3A_617, %swap3A_618] {strides = array<i32>} : memref<320x128xf32, #tpu.memory_space<vmem>>, vector<1x16xf32>,
      %swap3A_620 = vector.shape_cast %swap3A_619 : vector<1x16xf32> to vector<16xf32>
      %swap3A_621 = vector.shape_cast %broadcast_in_dim3A_567 : vector<16xf32> to vector<1x16xf32>
      tpu.vector_store %arg8[%swap3A_617, %swap3A_618], %swap3A_621 {strides = array<i32>} : memref<320x128xf32, #tpu.memory_space<vmem>>, vector<1x16xf32>,
      %mul3A_622 = arith.constant 16 : i32
      %mul3A_623 = arith.muli %scan3A_264, %mul3A_622 : i32
      %add3A_624 = arith.constant 2 : i32
      %add3A_625 = arith.addi %mul3A_623, %add3A_624 : i32
      %swap3A_626 = arith.index_cast %add3A_625 : i32 to index
      %swap3A_627 = arith.constant 96 : index
      %swap3A_628 = tpu.vector_load %arg8[%swap3A_626, %swap3A_627] {strides = array<i32>} : memref<320x128xf32, #tpu.memory_space<vmem>>, vector<1x16xf32>,
      %swap3A_629 = vector.shape_cast %swap3A_628 : vector<1x16xf32> to vector<16xf32>
      %swap3A_630 = vector.shape_cast %broadcast_in_dim3A_567 : vector<16xf32> to vector<1x16xf32>
      tpu.vector_store %arg8[%swap3A_626, %swap3A_627], %swap3A_630 {strides = array<i32>} : memref<320x128xf32, #tpu.memory_space<vmem>>, vector<1x16xf32>,
      %mul3A_631 = arith.constant 16 : i32
      %mul3A_632 = arith.muli %scan3A_264, %mul3A_631 : i32
      %add3A_633 = arith.constant 2 : i32
      %add3A_634 = arith.addi %mul3A_632, %add3A_633 : i32
      %swap3A_635 = arith.index_cast %add3A_634 : i32 to index
      %swap3A_636 = arith.constant 112 : index
      %swap3A_637 = tpu.vector_load %arg8[%swap3A_635, %swap3A_636] {strides = array<i32>} : memref<320x128xf32, #tpu.memory_space<vmem>>, vector<1x16xf32>,
      %swap3A_638 = vector.shape_cast %swap3A_637 : vector<1x16xf32> to vector<16xf32>
      %swap3A_639 = vector.shape_cast %broadcast_in_dim3A_567 : vector<16xf32> to vector<1x16xf32>
      tpu.vector_store %arg8[%swap3A_635, %swap3A_636], %swap3A_639 {strides = array<i32>} : memref<320x128xf32, #tpu.memory_space<vmem>>, vector<1x16xf32>,
      %slice3A_640 = vector.extract_strided_slice %mul3A_416 {offsets = [3], sizes = [1], strides = [1]} : vector<16xf32> to vector<1xf32>
      %squeeze3A_641 = vector.extract %slice3A_640[0] : f32 from vector<1xf32>
      %broadcast_in_dim3A_642 = vector.broadcast %squeeze3A_641 : f32 to vector<16xf32>
      %mul3A_643 = arith.constant 16 : i32
      %mul3A_644 = arith.muli %scan3A_264, %mul3A_643 : i32
      %add3A_645 = arith.constant 3 : i32
      %add3A_646 = arith.addi %mul3A_644, %add3A_645 : i32
      %swap3A_647 = arith.index_cast %add3A_646 : i32 to index
      %swap3A_648 = arith.constant 0 : index
      %swap3A_649 = tpu.vector_load %arg8[%swap3A_647, %swap3A_648] {strides = array<i32>} : memref<320x128xf32, #tpu.memory_space<vmem>>, vector<1x16xf32>,
      %swap3A_650 = vector.shape_cast %swap3A_649 : vector<1x16xf32> to vector<16xf32>
      %swap3A_651 = vector.shape_cast %broadcast_in_dim3A_642 : vector<16xf32> to vector<1x16xf32>
      tpu.vector_store %arg8[%swap3A_647, %swap3A_648], %swap3A_651 {strides = array<i32>} : memref<320x128xf32, #tpu.memory_space<vmem>>, vector<1x16xf32>,
      %mul3A_652 = arith.constant 16 : i32
      %mul3A_653 = arith.muli %scan3A_264, %mul3A_652 : i32
      %add3A_654 = arith.constant 3 : i32
      %add3A_655 = arith.addi %mul3A_653, %add3A_654 : i32
      %swap3A_656 = arith.index_cast %add3A_655 : i32 to index
      %swap3A_657 = arith.constant 16 : index
      %swap3A_658 = tpu.vector_load %arg8[%swap3A_656, %swap3A_657] {strides = array<i32>} : memref<320x128xf32, #tpu.memory_space<vmem>>, vector<1x16xf32>,
      %swap3A_659 = vector.shape_cast %swap3A_658 : vector<1x16xf32> to vector<16xf32>
      %swap3A_660 = vector.shape_cast %broadcast_in_dim3A_642 : vector<16xf32> to vector<1x16xf32>
      tpu.vector_store %arg8[%swap3A_656, %swap3A_657], %swap3A_660 {strides = array<i32>} : memref<320x128xf32, #tpu.memory_space<vmem>>, vector<1x16xf32>,
      %mul3A_661 = arith.constant 16 : i32
      %mul3A_662 = arith.muli %scan3A_264, %mul3A_661 : i32
      %add3A_663 = arith.constant 3 : i32
      %add3A_664 = arith.addi %mul3A_662, %add3A_663 : i32
      %swap3A_665 = arith.index_cast %add3A_664 : i32 to index
      %swap3A_666 = arith.constant 32 : index
      %swap3A_667 = tpu.vector_load %arg8[%swap3A_665, %swap3A_666] {strides = array<i32>} : memref<320x128xf32, #tpu.memory_space<vmem>>, vector<1x16xf32>,
      %swap3A_668 = vector.shape_cast %swap3A_667 : vector<1x16xf32> to vector<16xf32>
      %swap3A_669 = vector.shape_cast %broadcast_in_dim3A_642 : vector<16xf32> to vector<1x16xf32>
      tpu.vector_store %arg8[%swap3A_665, %swap3A_666], %swap3A_669 {strides = array<i32>} : memref<320x128xf32, #tpu.memory_space<vmem>>, vector<1x16xf32>,
      %mul3A_670 = arith.constant 16 : i32
      %mul3A_671 = arith.muli %scan3A_264, %mul3A_670 : i32
      %add3A_672 = arith.constant 3 : i32
      %add3A_673 = arith.addi %mul3A_671, %add3A_672 : i32
      %swap3A_674 = arith.index_cast %add3A_673 : i32 to index
      %swap3A_675 = arith.constant 48 : index
      %swap3A_676 = tpu.vector_load %arg8[%swap3A_674, %swap3A_675] {strides = array<i32>} : memref<320x128xf32, #tpu.memory_space<vmem>>, vector<1x16xf32>,
      %swap3A_677 = vector.shape_cast %swap3A_676 : vector<1x16xf32> to vector<16xf32>
      %swap3A_678 = vector.shape_cast %broadcast_in_dim3A_642 : vector<16xf32> to vector<1x16xf32>
      tpu.vector_store %arg8[%swap3A_674, %swap3A_675], %swap3A_678 {strides = array<i32>} : memref<320x128xf32, #tpu.memory_space<vmem>>, vector<1x16xf32>,
      %mul3A_679 = arith.constant 16 : i32
      %mul3A_680 = arith.muli %scan3A_264, %mul3A_679 : i32
      %add3A_681 = arith.constant 3 : i32
      %add3A_682 = arith.addi %mul3A_680, %add3A_681 : i32
      %swap3A_683 = arith.index_cast %add3A_682 : i32 to index
      %swap3A_684 = arith.constant 64 : index
      %swap3A_685 = tpu.vector_load %arg8[%swap3A_683, %swap3A_684] {strides = array<i32>} : memref<320x128xf32, #tpu.memory_space<vmem>>, vector<1x16xf32>,
      %swap3A_686 = vector.shape_cast %swap3A_685 : vector<1x16xf32> to vector<16xf32>
      %swap3A_687 = vector.shape_cast %broadcast_in_dim3A_642 : vector<16xf32> to vector<1x16xf32>
      tpu.vector_store %arg8[%swap3A_683, %swap3A_684], %swap3A_687 {strides = array<i32>} : memref<320x128xf32, #tpu.memory_space<vmem>>, vector<1x16xf32>,
      %mul3A_688 = arith.constant 16 : i32
      %mul3A_689 = arith.muli %scan3A_264, %mul3A_688 : i32
      %add3A_690 = arith.constant 3 : i32
      %add3A_691 = arith.addi %mul3A_689, %add3A_690 : i32
      %swap3A_692 = arith.index_cast %add3A_691 : i32 to index
      %swap3A_693 = arith.constant 80 : index
      %swap3A_694 = tpu.vector_load %arg8[%swap3A_692, %swap3A_693] {strides = array<i32>} : memref<320x128xf32, #tpu.memory_space<vmem>>, vector<1x16xf32>,
      %swap3A_695 = vector.shape_cast %swap3A_694 : vector<1x16xf32> to vector<16xf32>
      %swap3A_696 = vector.shape_cast %broadcast_in_dim3A_642 : vector<16xf32> to vector<1x16xf32>
      tpu.vector_store %arg8[%swap3A_692, %swap3A_693], %swap3A_696 {strides = array<i32>} : memref<320x128xf32, #tpu.memory_space<vmem>>, vector<1x16xf32>,
      %mul3A_697 = arith.constant 16 : i32
      %mul3A_698 = arith.muli %scan3A_264, %mul3A_697 : i32
      %add3A_699 = arith.constant 3 : i32
      %add3A_700 = arith.addi %mul3A_698, %add3A_699 : i32
      %swap3A_701 = arith.index_cast %add3A_700 : i32 to index
      %swap3A_702 = arith.constant 96 : index
      %swap3A_703 = tpu.vector_load %arg8[%swap3A_701, %swap3A_702] {strides = array<i32>} : memref<320x128xf32, #tpu.memory_space<vmem>>, vector<1x16xf32>,
      %swap3A_704 = vector.shape_cast %swap3A_703 : vector<1x16xf32> to vector<16xf32>
      %swap3A_705 = vector.shape_cast %broadcast_in_dim3A_642 : vector<16xf32> to vector<1x16xf32>
      tpu.vector_store %arg8[%swap3A_701, %swap3A_702], %swap3A_705 {strides = array<i32>} : memref<320x128xf32, #tpu.memory_space<vmem>>, vector<1x16xf32>,
      %mul3A_706 = arith.constant 16 : i32
      %mul3A_707 = arith.muli %scan3A_264, %mul3A_706 : i32
      %add3A_708 = arith.constant 3 : i32
      %add3A_709 = arith.addi %mul3A_707, %add3A_708 : i32
      %swap3A_710 = arith.index_cast %add3A_709 : i32 to index
      %swap3A_711 = arith.constant 112 : index
      %swap3A_712 = tpu.vector_load %arg8[%swap3A_710, %swap3A_711] {strides = array<i32>} : memref<320x128xf32, #tpu.memory_space<vmem>>, vector<1x16xf32>,
      %swap3A_713 = vector.shape_cast %swap3A_712 : vector<1x16xf32> to vector<16xf32>
      %swap3A_714 = vector.shape_cast %broadcast_in_dim3A_642 : vector<16xf32> to vector<1x16xf32>
      tpu.vector_store %arg8[%swap3A_710, %swap3A_711], %swap3A_714 {strides = array<i32>} : memref<320x128xf32, #tpu.memory_space<vmem>>, vector<1x16xf32>,
      %slice3A_715 = vector.extract_strided_slice %mul3A_416 {offsets = [4], sizes = [1], strides = [1]} : vector<16xf32> to vector<1xf32>
      %squeeze3A_716 = vector.extract %slice3A_715[0] : f32 from vector<1xf32>
      %broadcast_in_dim3A_717 = vector.broadcast %squeeze3A_716 : f32 to vector<16xf32>
      %mul3A_718 = arith.constant 16 : i32
      %mul3A_719 = arith.muli %scan3A_264, %mul3A_718 : i32
      %add3A_720 = arith.constant 4 : i32
      %add3A_721 = arith.addi %mul3A_719, %add3A_720 : i32
      %swap3A_722 = arith.index_cast %add3A_721 : i32 to index
      %swap3A_723 = arith.constant 0 : index
      %swap3A_724 = tpu.vector_load %arg8[%swap3A_722, %swap3A_723] {strides = array<i32>} : memref<320x128xf32, #tpu.memory_space<vmem>>, vector<1x16xf32>,
      %swap3A_725 = vector.shape_cast %swap3A_724 : vector<1x16xf32> to vector<16xf32>
      %swap3A_726 = vector.shape_cast %broadcast_in_dim3A_717 : vector<16xf32> to vector<1x16xf32>
      tpu.vector_store %arg8[%swap3A_722, %swap3A_723], %swap3A_726 {strides = array<i32>} : memref<320x128xf32, #tpu.memory_space<vmem>>, vector<1x16xf32>,
      %mul3A_727 = arith.constant 16 : i32
      %mul3A_728 = arith.muli %scan3A_264, %mul3A_727 : i32
      %add3A_729 = arith.constant 4 : i32
      %add3A_730 = arith.addi %mul3A_728, %add3A_729 : i32
      %swap3A_731 = arith.index_cast %add3A_730 : i32 to index
      %swap3A_732 = arith.constant 16 : index
      %swap3A_733 = tpu.vector_load %arg8[%swap3A_731, %swap3A_732] {strides = array<i32>} : memref<320x128xf32, #tpu.memory_space<vmem>>, vector<1x16xf32>,
      %swap3A_734 = vector.shape_cast %swap3A_733 : vector<1x16xf32> to vector<16xf32>
      %swap3A_735 = vector.shape_cast %broadcast_in_dim3A_717 : vector<16xf32> to vector<1x16xf32>
      tpu.vector_store %arg8[%swap3A_731, %swap3A_732], %swap3A_735 {strides = array<i32>} : memref<320x128xf32, #tpu.memory_space<vmem>>, vector<1x16xf32>,
      %mul3A_736 = arith.constant 16 : i32
      %mul3A_737 = arith.muli %scan3A_264, %mul3A_736 : i32
      %add3A_738 = arith.constant 4 : i32
      %add3A_739 = arith.addi %mul3A_737, %add3A_738 : i32
      %swap3A_740 = arith.index_cast %add3A_739 : i32 to index
      %swap3A_741 = arith.constant 32 : index
      %swap3A_742 = tpu.vector_load %arg8[%swap3A_740, %swap3A_741] {strides = array<i32>} : memref<320x128xf32, #tpu.memory_space<vmem>>, vector<1x16xf32>,
      %swap3A_743 = vector.shape_cast %swap3A_742 : vector<1x16xf32> to vector<16xf32>
      %swap3A_744 = vector.shape_cast %broadcast_in_dim3A_717 : vector<16xf32> to vector<1x16xf32>
      tpu.vector_store %arg8[%swap3A_740, %swap3A_741], %swap3A_744 {strides = array<i32>} : memref<320x128xf32, #tpu.memory_space<vmem>>, vector<1x16xf32>,
      %mul3A_745 = arith.constant 16 : i32
      %mul3A_746 = arith.muli %scan3A_264, %mul3A_745 : i32
      %add3A_747 = arith.constant 4 : i32
      %add3A_748 = arith.addi %mul3A_746, %add3A_747 : i32
      %swap3A_749 = arith.index_cast %add3A_748 : i32 to index
      %swap3A_750 = arith.constant 48 : index
      %swap3A_751 = tpu.vector_load %arg8[%swap3A_749, %swap3A_750] {strides = array<i32>} : memref<320x128xf32, #tpu.memory_space<vmem>>, vector<1x16xf32>,
      %swap3A_752 = vector.shape_cast %swap3A_751 : vector<1x16xf32> to vector<16xf32>
      %swap3A_753 = vector.shape_cast %broadcast_in_dim3A_717 : vector<16xf32> to vector<1x16xf32>
      tpu.vector_store %arg8[%swap3A_749, %swap3A_750], %swap3A_753 {strides = array<i32>} : memref<320x128xf32, #tpu.memory_space<vmem>>, vector<1x16xf32>,
      %mul3A_754 = arith.constant 16 : i32
      %mul3A_755 = arith.muli %scan3A_264, %mul3A_754 : i32
      %add3A_756 = arith.constant 4 : i32
      %add3A_757 = arith.addi %mul3A_755, %add3A_756 : i32
      %swap3A_758 = arith.index_cast %add3A_757 : i32 to index
      %swap3A_759 = arith.constant 64 : index
      %swap3A_760 = tpu.vector_load %arg8[%swap3A_758, %swap3A_759] {strides = array<i32>} : memref<320x128xf32, #tpu.memory_space<vmem>>, vector<1x16xf32>,
      %swap3A_761 = vector.shape_cast %swap3A_760 : vector<1x16xf32> to vector<16xf32>
      %swap3A_762 = vector.shape_cast %broadcast_in_dim3A_717 : vector<16xf32> to vector<1x16xf32>
      tpu.vector_store %arg8[%swap3A_758, %swap3A_759], %swap3A_762 {strides = array<i32>} : memref<320x128xf32, #tpu.memory_space<vmem>>, vector<1x16xf32>,
      %mul3A_763 = arith.constant 16 : i32
      %mul3A_764 = arith.muli %scan3A_264, %mul3A_763 : i32
      %add3A_765 = arith.constant 4 : i32
      %add3A_766 = arith.addi %mul3A_764, %add3A_765 : i32
      %swap3A_767 = arith.index_cast %add3A_766 : i32 to index
      %swap3A_768 = arith.constant 80 : index
      %swap3A_769 = tpu.vector_load %arg8[%swap3A_767, %swap3A_768] {strides = array<i32>} : memref<320x128xf32, #tpu.memory_space<vmem>>, vector<1x16xf32>,
      %swap3A_770 = vector.shape_cast %swap3A_769 : vector<1x16xf32> to vector<16xf32>
      %swap3A_771 = vector.shape_cast %broadcast_in_dim3A_717 : vector<16xf32> to vector<1x16xf32>
      tpu.vector_store %arg8[%swap3A_767, %swap3A_768], %swap3A_771 {strides = array<i32>} : memref<320x128xf32, #tpu.memory_space<vmem>>, vector<1x16xf32>,
      %mul3A_772 = arith.constant 16 : i32
      %mul3A_773 = arith.muli %scan3A_264, %mul3A_772 : i32
      %add3A_774 = arith.constant 4 : i32
      %add3A_775 = arith.addi %mul3A_773, %add3A_774 : i32
      %swap3A_776 = arith.index_cast %add3A_775 : i32 to index
      %swap3A_777 = arith.constant 96 : index
      %swap3A_778 = tpu.vector_load %arg8[%swap3A_776, %swap3A_777] {strides = array<i32>} : memref<320x128xf32, #tpu.memory_space<vmem>>, vector<1x16xf32>,
      %swap3A_779 = vector.shape_cast %swap3A_778 : vector<1x16xf32> to vector<16xf32>
      %swap3A_780 = vector.shape_cast %broadcast_in_dim3A_717 : vector<16xf32> to vector<1x16xf32>
      tpu.vector_store %arg8[%swap3A_776, %swap3A_777], %swap3A_780 {strides = array<i32>} : memref<320x128xf32, #tpu.memory_space<vmem>>, vector<1x16xf32>,
      %mul3A_781 = arith.constant 16 : i32
      %mul3A_782 = arith.muli %scan3A_264, %mul3A_781 : i32
      %add3A_783 = arith.constant 4 : i32
      %add3A_784 = arith.addi %mul3A_782, %add3A_783 : i32
      %swap3A_785 = arith.index_cast %add3A_784 : i32 to index
      %swap3A_786 = arith.constant 112 : index
      %swap3A_787 = tpu.vector_load %arg8[%swap3A_785, %swap3A_786] {strides = array<i32>} : memref<320x128xf32, #tpu.memory_space<vmem>>, vector<1x16xf32>,
      %swap3A_788 = vector.shape_cast %swap3A_787 : vector<1x16xf32> to vector<16xf32>
      %swap3A_789 = vector.shape_cast %broadcast_in_dim3A_717 : vector<16xf32> to vector<1x16xf32>
      tpu.vector_store %arg8[%swap3A_785, %swap3A_786], %swap3A_789 {strides = array<i32>} : memref<320x128xf32, #tpu.memory_space<vmem>>, vector<1x16xf32>,
      %slice3A_790 = vector.extract_strided_slice %mul3A_416 {offsets = [5], sizes = [1], strides = [1]} : vector<16xf32> to vector<1xf32>
      %squeeze3A_791 = vector.extract %slice3A_790[0] : f32 from vector<1xf32>
      %broadcast_in_dim3A_792 = vector.broadcast %squeeze3A_791 : f32 to vector<16xf32>
      %mul3A_793 = arith.constant 16 : i32
      %mul3A_794 = arith.muli %scan3A_264, %mul3A_793 : i32
      %add3A_795 = arith.constant 5 : i32
      %add3A_796 = arith.addi %mul3A_794, %add3A_795 : i32
      %swap3A_797 = arith.index_cast %add3A_796 : i32 to index
      %swap3A_798 = arith.constant 0 : index
      %swap3A_799 = tpu.vector_load %arg8[%swap3A_797, %swap3A_798] {strides = array<i32>} : memref<320x128xf32, #tpu.memory_space<vmem>>, vector<1x16xf32>,
      %swap3A_800 = vector.shape_cast %swap3A_799 : vector<1x16xf32> to vector<16xf32>
      %swap3A_801 = vector.shape_cast %broadcast_in_dim3A_792 : vector<16xf32> to vector<1x16xf32>
      tpu.vector_store %arg8[%swap3A_797, %swap3A_798], %swap3A_801 {strides = array<i32>} : memref<320x128xf32, #tpu.memory_space<vmem>>, vector<1x16xf32>,
      %mul3A_802 = arith.constant 16 : i32
      %mul3A_803 = arith.muli %scan3A_264, %mul3A_802 : i32
      %add3A_804 = arith.constant 5 : i32
      %add3A_805 = arith.addi %mul3A_803, %add3A_804 : i32
      %swap3A_806 = arith.index_cast %add3A_805 : i32 to index
      %swap3A_807 = arith.constant 16 : index
      %swap3A_808 = tpu.vector_load %arg8[%swap3A_806, %swap3A_807] {strides = array<i32>} : memref<320x128xf32, #tpu.memory_space<vmem>>, vector<1x16xf32>,
      %swap3A_809 = vector.shape_cast %swap3A_808 : vector<1x16xf32> to vector<16xf32>
      %swap3A_810 = vector.shape_cast %broadcast_in_dim3A_792 : vector<16xf32> to vector<1x16xf32>
      tpu.vector_store %arg8[%swap3A_806, %swap3A_807], %swap3A_810 {strides = array<i32>} : memref<320x128xf32, #tpu.memory_space<vmem>>, vector<1x16xf32>,
      %mul3A_811 = arith.constant 16 : i32
      %mul3A_812 = arith.muli %scan3A_264, %mul3A_811 : i32
      %add3A_813 = arith.constant 5 : i32
      %add3A_814 = arith.addi %mul3A_812, %add3A_813 : i32
      %swap3A_815 = arith.index_cast %add3A_814 : i32 to index
      %swap3A_816 = arith.constant 32 : index
      %swap3A_817 = tpu.vector_load %arg8[%swap3A_815, %swap3A_816] {strides = array<i32>} : memref<320x128xf32, #tpu.memory_space<vmem>>, vector<1x16xf32>,
      %swap3A_818 = vector.shape_cast %swap3A_817 : vector<1x16xf32> to vector<16xf32>
      %swap3A_819 = vector.shape_cast %broadcast_in_dim3A_792 : vector<16xf32> to vector<1x16xf32>
      tpu.vector_store %arg8[%swap3A_815, %swap3A_816], %swap3A_819 {strides = array<i32>} : memref<320x128xf32, #tpu.memory_space<vmem>>, vector<1x16xf32>,
      %mul3A_820 = arith.constant 16 : i32
      %mul3A_821 = arith.muli %scan3A_264, %mul3A_820 : i32
      %add3A_822 = arith.constant 5 : i32
      %add3A_823 = arith.addi %mul3A_821, %add3A_822 : i32
      %swap3A_824 = arith.index_cast %add3A_823 : i32 to index
      %swap3A_825 = arith.constant 48 : index
      %swap3A_826 = tpu.vector_load %arg8[%swap3A_824, %swap3A_825] {strides = array<i32>} : memref<320x128xf32, #tpu.memory_space<vmem>>, vector<1x16xf32>,
      %swap3A_827 = vector.shape_cast %swap3A_826 : vector<1x16xf32> to vector<16xf32>
      %swap3A_828 = vector.shape_cast %broadcast_in_dim3A_792 : vector<16xf32> to vector<1x16xf32>
      tpu.vector_store %arg8[%swap3A_824, %swap3A_825], %swap3A_828 {strides = array<i32>} : memref<320x128xf32, #tpu.memory_space<vmem>>, vector<1x16xf32>,
      %mul3A_829 = arith.constant 16 : i32
      %mul3A_830 = arith.muli %scan3A_264, %mul3A_829 : i32
      %add3A_831 = arith.constant 5 : i32
      %add3A_832 = arith.addi %mul3A_830, %add3A_831 : i32
      %swap3A_833 = arith.index_cast %add3A_832 : i32 to index
      %swap3A_834 = arith.constant 64 : index
      %swap3A_835 = tpu.vector_load %arg8[%swap3A_833, %swap3A_834] {strides = array<i32>} : memref<320x128xf32, #tpu.memory_space<vmem>>, vector<1x16xf32>,
      %swap3A_836 = vector.shape_cast %swap3A_835 : vector<1x16xf32> to vector<16xf32>
      %swap3A_837 = vector.shape_cast %broadcast_in_dim3A_792 : vector<16xf32> to vector<1x16xf32>
      tpu.vector_store %arg8[%swap3A_833, %swap3A_834], %swap3A_837 {strides = array<i32>} : memref<320x128xf32, #tpu.memory_space<vmem>>, vector<1x16xf32>,
      %mul3A_838 = arith.constant 16 : i32
      %mul3A_839 = arith.muli %scan3A_264, %mul3A_838 : i32
      %add3A_840 = arith.constant 5 : i32
      %add3A_841 = arith.addi %mul3A_839, %add3A_840 : i32
      %swap3A_842 = arith.index_cast %add3A_841 : i32 to index
      %swap3A_843 = arith.constant 80 : index
      %swap3A_844 = tpu.vector_load %arg8[%swap3A_842, %swap3A_843] {strides = array<i32>} : memref<320x128xf32, #tpu.memory_space<vmem>>, vector<1x16xf32>,
      %swap3A_845 = vector.shape_cast %swap3A_844 : vector<1x16xf32> to vector<16xf32>
      %swap3A_846 = vector.shape_cast %broadcast_in_dim3A_792 : vector<16xf32> to vector<1x16xf32>
      tpu.vector_store %arg8[%swap3A_842, %swap3A_843], %swap3A_846 {strides = array<i32>} : memref<320x128xf32, #tpu.memory_space<vmem>>, vector<1x16xf32>,
      %mul3A_847 = arith.constant 16 : i32
      %mul3A_848 = arith.muli %scan3A_264, %mul3A_847 : i32
      %add3A_849 = arith.constant 5 : i32
      %add3A_850 = arith.addi %mul3A_848, %add3A_849 : i32
      %swap3A_851 = arith.index_cast %add3A_850 : i32 to index
      %swap3A_852 = arith.constant 96 : index
      %swap3A_853 = tpu.vector_load %arg8[%swap3A_851, %swap3A_852] {strides = array<i32>} : memref<320x128xf32, #tpu.memory_space<vmem>>, vector<1x16xf32>,
      %swap3A_854 = vector.shape_cast %swap3A_853 : vector<1x16xf32> to vector<16xf32>
      %swap3A_855 = vector.shape_cast %broadcast_in_dim3A_792 : vector<16xf32> to vector<1x16xf32>
      tpu.vector_store %arg8[%swap3A_851, %swap3A_852], %swap3A_855 {strides = array<i32>} : memref<320x128xf32, #tpu.memory_space<vmem>>, vector<1x16xf32>,
      %mul3A_856 = arith.constant 16 : i32
      %mul3A_857 = arith.muli %scan3A_264, %mul3A_856 : i32
      %add3A_858 = arith.constant 5 : i32
      %add3A_859 = arith.addi %mul3A_857, %add3A_858 : i32
      %swap3A_860 = arith.index_cast %add3A_859 : i32 to index
      %swap3A_861 = arith.constant 112 : index
      %swap3A_862 = tpu.vector_load %arg8[%swap3A_860, %swap3A_861] {strides = array<i32>} : memref<320x128xf32, #tpu.memory_space<vmem>>, vector<1x16xf32>,
      %swap3A_863 = vector.shape_cast %swap3A_862 : vector<1x16xf32> to vector<16xf32>
      %swap3A_864 = vector.shape_cast %broadcast_in_dim3A_792 : vector<16xf32> to vector<1x16xf32>
      tpu.vector_store %arg8[%swap3A_860, %swap3A_861], %swap3A_864 {strides = array<i32>} : memref<320x128xf32, #tpu.memory_space<vmem>>, vector<1x16xf32>,
      %slice3A_865 = vector.extract_strided_slice %mul3A_416 {offsets = [6], sizes = [1], strides = [1]} : vector<16xf32> to vector<1xf32>
      %squeeze3A_866 = vector.extract %slice3A_865[0] : f32 from vector<1xf32>
      %broadcast_in_dim3A_867 = vector.broadcast %squeeze3A_866 : f32 to vector<16xf32>
      %mul3A_868 = arith.constant 16 : i32
      %mul3A_869 = arith.muli %scan3A_264, %mul3A_868 : i32
      %add3A_870 = arith.constant 6 : i32
      %add3A_871 = arith.addi %mul3A_869, %add3A_870 : i32
      %swap3A_872 = arith.index_cast %add3A_871 : i32 to index
      %swap3A_873 = arith.constant 0 : index
      %swap3A_874 = tpu.vector_load %arg8[%swap3A_872, %swap3A_873] {strides = array<i32>} : memref<320x128xf32, #tpu.memory_space<vmem>>, vector<1x16xf32>,
      %swap3A_875 = vector.shape_cast %swap3A_874 : vector<1x16xf32> to vector<16xf32>
      %swap3A_876 = vector.shape_cast %broadcast_in_dim3A_867 : vector<16xf32> to vector<1x16xf32>
      tpu.vector_store %arg8[%swap3A_872, %swap3A_873], %swap3A_876 {strides = array<i32>} : memref<320x128xf32, #tpu.memory_space<vmem>>, vector<1x16xf32>,
      %mul3A_877 = arith.constant 16 : i32
      %mul3A_878 = arith.muli %scan3A_264, %mul3A_877 : i32
      %add3A_879 = arith.constant 6 : i32
      %add3A_880 = arith.addi %mul3A_878, %add3A_879 : i32
      %swap3A_881 = arith.index_cast %add3A_880 : i32 to index
      %swap3A_882 = arith.constant 16 : index
      %swap3A_883 = tpu.vector_load %arg8[%swap3A_881, %swap3A_882] {strides = array<i32>} : memref<320x128xf32, #tpu.memory_space<vmem>>, vector<1x16xf32>,
      %swap3A_884 = vector.shape_cast %swap3A_883 : vector<1x16xf32> to vector<16xf32>
      %swap3A_885 = vector.shape_cast %broadcast_in_dim3A_867 : vector<16xf32> to vector<1x16xf32>
      tpu.vector_store %arg8[%swap3A_881, %swap3A_882], %swap3A_885 {strides = array<i32>} : memref<320x128xf32, #tpu.memory_space<vmem>>, vector<1x16xf32>,
      %mul3A_886 = arith.constant 16 : i32
      %mul3A_887 = arith.muli %scan3A_264, %mul3A_886 : i32
      %add3A_888 = arith.constant 6 : i32
      %add3A_889 = arith.addi %mul3A_887, %add3A_888 : i32
      %swap3A_890 = arith.index_cast %add3A_889 : i32 to index
      %swap3A_891 = arith.constant 32 : index
      %swap3A_892 = tpu.vector_load %arg8[%swap3A_890, %swap3A_891] {strides = array<i32>} : memref<320x128xf32, #tpu.memory_space<vmem>>, vector<1x16xf32>,
      %swap3A_893 = vector.shape_cast %swap3A_892 : vector<1x16xf32> to vector<16xf32>
      %swap3A_894 = vector.shape_cast %broadcast_in_dim3A_867 : vector<16xf32> to vector<1x16xf32>
      tpu.vector_store %arg8[%swap3A_890, %swap3A_891], %swap3A_894 {strides = array<i32>} : memref<320x128xf32, #tpu.memory_space<vmem>>, vector<1x16xf32>,
      %mul3A_895 = arith.constant 16 : i32
      %mul3A_896 = arith.muli %scan3A_264, %mul3A_895 : i32
      %add3A_897 = arith.constant 6 : i32
      %add3A_898 = arith.addi %mul3A_896, %add3A_897 : i32
      %swap3A_899 = arith.index_cast %add3A_898 : i32 to index
      %swap3A_900 = arith.constant 48 : index
      %swap3A_901 = tpu.vector_load %arg8[%swap3A_899, %swap3A_900] {strides = array<i32>} : memref<320x128xf32, #tpu.memory_space<vmem>>, vector<1x16xf32>,
      %swap3A_902 = vector.shape_cast %swap3A_901 : vector<1x16xf32> to vector<16xf32>
      %swap3A_903 = vector.shape_cast %broadcast_in_dim3A_867 : vector<16xf32> to vector<1x16xf32>
      tpu.vector_store %arg8[%swap3A_899, %swap3A_900], %swap3A_903 {strides = array<i32>} : memref<320x128xf32, #tpu.memory_space<vmem>>, vector<1x16xf32>,
      %mul3A_904 = arith.constant 16 : i32
      %mul3A_905 = arith.muli %scan3A_264, %mul3A_904 : i32
      %add3A_906 = arith.constant 6 : i32
      %add3A_907 = arith.addi %mul3A_905, %add3A_906 : i32
      %swap3A_908 = arith.index_cast %add3A_907 : i32 to index
      %swap3A_909 = arith.constant 64 : index
      %swap3A_910 = tpu.vector_load %arg8[%swap3A_908, %swap3A_909] {strides = array<i32>} : memref<320x128xf32, #tpu.memory_space<vmem>>, vector<1x16xf32>,
      %swap3A_911 = vector.shape_cast %swap3A_910 : vector<1x16xf32> to vector<16xf32>
      %swap3A_912 = vector.shape_cast %broadcast_in_dim3A_867 : vector<16xf32> to vector<1x16xf32>
      tpu.vector_store %arg8[%swap3A_908, %swap3A_909], %swap3A_912 {strides = array<i32>} : memref<320x128xf32, #tpu.memory_space<vmem>>, vector<1x16xf32>,
      %mul3A_913 = arith.constant 16 : i32
      %mul3A_914 = arith.muli %scan3A_264, %mul3A_913 : i32
      %add3A_915 = arith.constant 6 : i32
      %add3A_916 = arith.addi %mul3A_914, %add3A_915 : i32
      %swap3A_917 = arith.index_cast %add3A_916 : i32 to index
      %swap3A_918 = arith.constant 80 : index
      %swap3A_919 = tpu.vector_load %arg8[%swap3A_917, %swap3A_918] {strides = array<i32>} : memref<320x128xf32, #tpu.memory_space<vmem>>, vector<1x16xf32>,
      %swap3A_920 = vector.shape_cast %swap3A_919 : vector<1x16xf32> to vector<16xf32>
      %swap3A_921 = vector.shape_cast %broadcast_in_dim3A_867 : vector<16xf32> to vector<1x16xf32>
      tpu.vector_store %arg8[%swap3A_917, %swap3A_918], %swap3A_921 {strides = array<i32>} : memref<320x128xf32, #tpu.memory_space<vmem>>, vector<1x16xf32>,
      %mul3A_922 = arith.constant 16 : i32
      %mul3A_923 = arith.muli %scan3A_264, %mul3A_922 : i32
      %add3A_924 = arith.constant 6 : i32
      %add3A_925 = arith.addi %mul3A_923, %add3A_924 : i32
      %swap3A_926 = arith.index_cast %add3A_925 : i32 to index
      %swap3A_927 = arith.constant 96 : index
      %swap3A_928 = tpu.vector_load %arg8[%swap3A_926, %swap3A_927] {strides = array<i32>} : memref<320x128xf32, #tpu.memory_space<vmem>>, vector<1x16xf32>,
      %swap3A_929 = vector.shape_cast %swap3A_928 : vector<1x16xf32> to vector<16xf32>
      %swap3A_930 = vector.shape_cast %broadcast_in_dim3A_867 : vector<16xf32> to vector<1x16xf32>
      tpu.vector_store %arg8[%swap3A_926, %swap3A_927], %swap3A_930 {strides = array<i32>} : memref<320x128xf32, #tpu.memory_space<vmem>>, vector<1x16xf32>,
      %mul3A_931 = arith.constant 16 : i32
      %mul3A_932 = arith.muli %scan3A_264, %mul3A_931 : i32
      %add3A_933 = arith.constant 6 : i32
      %add3A_934 = arith.addi %mul3A_932, %add3A_933 : i32
      %swap3A_935 = arith.index_cast %add3A_934 : i32 to index
      %swap3A_936 = arith.constant 112 : index
      %swap3A_937 = tpu.vector_load %arg8[%swap3A_935, %swap3A_936] {strides = array<i32>} : memref<320x128xf32, #tpu.memory_space<vmem>>, vector<1x16xf32>,
      %swap3A_938 = vector.shape_cast %swap3A_937 : vector<1x16xf32> to vector<16xf32>
      %swap3A_939 = vector.shape_cast %broadcast_in_dim3A_867 : vector<16xf32> to vector<1x16xf32>
      tpu.vector_store %arg8[%swap3A_935, %swap3A_936], %swap3A_939 {strides = array<i32>} : memref<320x128xf32, #tpu.memory_space<vmem>>, vector<1x16xf32>,
      %slice3A_940 = vector.extract_strided_slice %mul3A_416 {offsets = [7], sizes = [1], strides = [1]} : vector<16xf32> to vector<1xf32>
      %squeeze3A_941 = vector.extract %slice3A_940[0] : f32 from vector<1xf32>
      %broadcast_in_dim3A_942 = vector.broadcast %squeeze3A_941 : f32 to vector<16xf32>
      %mul3A_943 = arith.constant 16 : i32
      %mul3A_944 = arith.muli %scan3A_264, %mul3A_943 : i32
      %add3A_945 = arith.constant 7 : i32
      %add3A_946 = arith.addi %mul3A_944, %add3A_945 : i32
      %swap3A_947 = arith.index_cast %add3A_946 : i32 to index
      %swap3A_948 = arith.constant 0 : index
      %swap3A_949 = tpu.vector_load %arg8[%swap3A_947, %swap3A_948] {strides = array<i32>} : memref<320x128xf32, #tpu.memory_space<vmem>>, vector<1x16xf32>,
      %swap3A_950 = vector.shape_cast %swap3A_949 : vector<1x16xf32> to vector<16xf32>
      %swap3A_951 = vector.shape_cast %broadcast_in_dim3A_942 : vector<16xf32> to vector<1x16xf32>
      tpu.vector_store %arg8[%swap3A_947, %swap3A_948], %swap3A_951 {strides = array<i32>} : memref<320x128xf32, #tpu.memory_space<vmem>>, vector<1x16xf32>,
      %mul3A_952 = arith.constant 16 : i32
      %mul3A_953 = arith.muli %scan3A_264, %mul3A_952 : i32
      %add3A_954 = arith.constant 7 : i32
      %add3A_955 = arith.addi %mul3A_953, %add3A_954 : i32
      %swap3A_956 = arith.index_cast %add3A_955 : i32 to index
      %swap3A_957 = arith.constant 16 : index
      %swap3A_958 = tpu.vector_load %arg8[%swap3A_956, %swap3A_957] {strides = array<i32>} : memref<320x128xf32, #tpu.memory_space<vmem>>, vector<1x16xf32>,
      %swap3A_959 = vector.shape_cast %swap3A_958 : vector<1x16xf32> to vector<16xf32>
      %swap3A_960 = vector.shape_cast %broadcast_in_dim3A_942 : vector<16xf32> to vector<1x16xf32>
      tpu.vector_store %arg8[%swap3A_956, %swap3A_957], %swap3A_960 {strides = array<i32>} : memref<320x128xf32, #tpu.memory_space<vmem>>, vector<1x16xf32>,
      %mul3A_961 = arith.constant 16 : i32
      %mul3A_962 = arith.muli %scan3A_264, %mul3A_961 : i32
      %add3A_963 = arith.constant 7 : i32
      %add3A_964 = arith.addi %mul3A_962, %add3A_963 : i32
      %swap3A_965 = arith.index_cast %add3A_964 : i32 to index
      %swap3A_966 = arith.constant 32 : index
      %swap3A_967 = tpu.vector_load %arg8[%swap3A_965, %swap3A_966] {strides = array<i32>} : memref<320x128xf32, #tpu.memory_space<vmem>>, vector<1x16xf32>,
      %swap3A_968 = vector.shape_cast %swap3A_967 : vector<1x16xf32> to vector<16xf32>
      %swap3A_969 = vector.shape_cast %broadcast_in_dim3A_942 : vector<16xf32> to vector<1x16xf32>
      tpu.vector_store %arg8[%swap3A_965, %swap3A_966], %swap3A_969 {strides = array<i32>} : memref<320x128xf32, #tpu.memory_space<vmem>>, vector<1x16xf32>,
      %mul3A_970 = arith.constant 16 : i32
      %mul3A_971 = arith.muli %scan3A_264, %mul3A_970 : i32
      %add3A_972 = arith.constant 7 : i32
      %add3A_973 = arith.addi %mul3A_971, %add3A_972 : i32
      %swap3A_974 = arith.index_cast %add3A_973 : i32 to index
      %swap3A_975 = arith.constant 48 : index
      %swap3A_976 = tpu.vector_load %arg8[%swap3A_974, %swap3A_975] {strides = array<i32>} : memref<320x128xf32, #tpu.memory_space<vmem>>, vector<1x16xf32>,
      %swap3A_977 = vector.shape_cast %swap3A_976 : vector<1x16xf32> to vector<16xf32>
      %swap3A_978 = vector.shape_cast %broadcast_in_dim3A_942 : vector<16xf32> to vector<1x16xf32>
      tpu.vector_store %arg8[%swap3A_974, %swap3A_975], %swap3A_978 {strides = array<i32>} : memref<320x128xf32, #tpu.memory_space<vmem>>, vector<1x16xf32>,
      %mul3A_979 = arith.constant 16 : i32
      %mul3A_980 = arith.muli %scan3A_264, %mul3A_979 : i32
      %add3A_981 = arith.constant 7 : i32
      %add3A_982 = arith.addi %mul3A_980, %add3A_981 : i32
      %swap3A_983 = arith.index_cast %add3A_982 : i32 to index
      %swap3A_984 = arith.constant 64 : index
      %swap3A_985 = tpu.vector_load %arg8[%swap3A_983, %swap3A_984] {strides = array<i32>} : memref<320x128xf32, #tpu.memory_space<vmem>>, vector<1x16xf32>,
      %swap3A_986 = vector.shape_cast %swap3A_985 : vector<1x16xf32> to vector<16xf32>
      %swap3A_987 = vector.shape_cast %broadcast_in_dim3A_942 : vector<16xf32> to vector<1x16xf32>
      tpu.vector_store %arg8[%swap3A_983, %swap3A_984], %swap3A_987 {strides = array<i32>} : memref<320x128xf32, #tpu.memory_space<vmem>>, vector<1x16xf32>,
      %mul3A_988 = arith.constant 16 : i32
      %mul3A_989 = arith.muli %scan3A_264, %mul3A_988 : i32
      %add3A_990 = arith.constant 7 : i32
      %add3A_991 = arith.addi %mul3A_989, %add3A_990 : i32
      %swap3A_992 = arith.index_cast %add3A_991 : i32 to index
      %swap3A_993 = arith.constant 80 : index
      %swap3A_994 = tpu.vector_load %arg8[%swap3A_992, %swap3A_993] {strides = array<i32>} : memref<320x128xf32, #tpu.memory_space<vmem>>, vector<1x16xf32>,
      %swap3A_995 = vector.shape_cast %swap3A_994 : vector<1x16xf32> to vector<16xf32>
      %swap3A_996 = vector.shape_cast %broadcast_in_dim3A_942 : vector<16xf32> to vector<1x16xf32>
      tpu.vector_store %arg8[%swap3A_992, %swap3A_993], %swap3A_996 {strides = array<i32>} : memref<320x128xf32, #tpu.memory_space<vmem>>, vector<1x16xf32>,
      %mul3A_997 = arith.constant 16 : i32
      %mul3A_998 = arith.muli %scan3A_264, %mul3A_997 : i32
      %add3A_999 = arith.constant 7 : i32
      %add3A_1000 = arith.addi %mul3A_998, %add3A_999 : i32
      %swap3A_1001 = arith.index_cast %add3A_1000 : i32 to index
      %swap3A_1002 = arith.constant 96 : index
      %swap3A_1003 = tpu.vector_load %arg8[%swap3A_1001, %swap3A_1002] {strides = array<i32>} : memref<320x128xf32, #tpu.memory_space<vmem>>, vector<1x16xf32>,
      %swap3A_1004 = vector.shape_cast %swap3A_1003 : vector<1x16xf32> to vector<16xf32>
      %swap3A_1005 = vector.shape_cast %broadcast_in_dim3A_942 : vector<16xf32> to vector<1x16xf32>
      tpu.vector_store %arg8[%swap3A_1001, %swap3A_1002], %swap3A_1005 {strides = array<i32>} : memref<320x128xf32, #tpu.memory_space<vmem>>, vector<1x16xf32>,
      %mul3A_1006 = arith.constant 16 : i32
      %mul3A_1007 = arith.muli %scan3A_264, %mul3A_1006 : i32
      %add3A_1008 = arith.constant 7 : i32
      %add3A_1009 = arith.addi %mul3A_1007, %add3A_1008 : i32
      %swap3A_1010 = arith.index_cast %add3A_1009 : i32 to index
      %swap3A_1011 = arith.constant 112 : index
      %swap3A_1012 = tpu.vector_load %arg8[%swap3A_1010, %swap3A_1011] {strides = array<i32>} : memref<320x128xf32, #tpu.memory_space<vmem>>, vector<1x16xf32>,
      %swap3A_1013 = vector.shape_cast %swap3A_1012 : vector<1x16xf32> to vector<16xf32>
      %swap3A_1014 = vector.shape_cast %broadcast_in_dim3A_942 : vector<16xf32> to vector<1x16xf32>
      tpu.vector_store %arg8[%swap3A_1010, %swap3A_1011], %swap3A_1014 {strides = array<i32>} : memref<320x128xf32, #tpu.memory_space<vmem>>, vector<1x16xf32>,
      %slice3A_1015 = vector.extract_strided_slice %mul3A_416 {offsets = [8], sizes = [1], strides = [1]} : vector<16xf32> to vector<1xf32>
      %squeeze3A_1016 = vector.extract %slice3A_1015[0] : f32 from vector<1xf32>
      %broadcast_in_dim3A_1017 = vector.broadcast %squeeze3A_1016 : f32 to vector<16xf32>
      %mul3A_1018 = arith.constant 16 : i32
      %mul3A_1019 = arith.muli %scan3A_264, %mul3A_1018 : i32
      %add3A_1020 = arith.constant 8 : i32
      %add3A_1021 = arith.addi %mul3A_1019, %add3A_1020 : i32
      %swap3A_1022 = arith.index_cast %add3A_1021 : i32 to index
      %swap3A_1023 = arith.constant 0 : index
      %swap3A_1024 = tpu.vector_load %arg8[%swap3A_1022, %swap3A_1023] {strides = array<i32>} : memref<320x128xf32, #tpu.memory_space<vmem>>, vector<1x16xf32>,
      %swap3A_1025 = vector.shape_cast %swap3A_1024 : vector<1x16xf32> to vector<16xf32>
      %swap3A_1026 = vector.shape_cast %broadcast_in_dim3A_1017 : vector<16xf32> to vector<1x16xf32>
      tpu.vector_store %arg8[%swap3A_1022, %swap3A_1023], %swap3A_1026 {strides = array<i32>} : memref<320x128xf32, #tpu.memory_space<vmem>>, vector<1x16xf32>,
      %mul3A_1027 = arith.constant 16 : i32
      %mul3A_1028 = arith.muli %scan3A_264, %mul3A_1027 : i32
      %add3A_1029 = arith.constant 8 : i32
      %add3A_1030 = arith.addi %mul3A_1028, %add3A_1029 : i32
      %swap3A_1031 = arith.index_cast %add3A_1030 : i32 to index
      %swap3A_1032 = arith.constant 16 : index
      %swap3A_1033 = tpu.vector_load %arg8[%swap3A_1031, %swap3A_1032] {strides = array<i32>} : memref<320x128xf32, #tpu.memory_space<vmem>>, vector<1x16xf32>,
      %swap3A_1034 = vector.shape_cast %swap3A_1033 : vector<1x16xf32> to vector<16xf32>
      %swap3A_1035 = vector.shape_cast %broadcast_in_dim3A_1017 : vector<16xf32> to vector<1x16xf32>
      tpu.vector_store %arg8[%swap3A_1031, %swap3A_1032], %swap3A_1035 {strides = array<i32>} : memref<320x128xf32, #tpu.memory_space<vmem>>, vector<1x16xf32>,
      %mul3A_1036 = arith.constant 16 : i32
      %mul3A_1037 = arith.muli %scan3A_264, %mul3A_1036 : i32
      %add3A_1038 = arith.constant 8 : i32
      %add3A_1039 = arith.addi %mul3A_1037, %add3A_1038 : i32
      %swap3A_1040 = arith.index_cast %add3A_1039 : i32 to index
      %swap3A_1041 = arith.constant 32 : index
      %swap3A_1042 = tpu.vector_load %arg8[%swap3A_1040, %swap3A_1041] {strides = array<i32>} : memref<320x128xf32, #tpu.memory_space<vmem>>, vector<1x16xf32>,
      %swap3A_1043 = vector.shape_cast %swap3A_1042 : vector<1x16xf32> to vector<16xf32>
      %swap3A_1044 = vector.shape_cast %broadcast_in_dim3A_1017 : vector<16xf32> to vector<1x16xf32>
      tpu.vector_store %arg8[%swap3A_1040, %swap3A_1041], %swap3A_1044 {strides = array<i32>} : memref<320x128xf32, #tpu.memory_space<vmem>>, vector<1x16xf32>,
      %mul3A_1045 = arith.constant 16 : i32
      %mul3A_1046 = arith.muli %scan3A_264, %mul3A_1045 : i32
      %add3A_1047 = arith.constant 8 : i32
      %add3A_1048 = arith.addi %mul3A_1046, %add3A_1047 : i32
      %swap3A_1049 = arith.index_cast %add3A_1048 : i32 to index
      %swap3A_1050 = arith.constant 48 : index
      %swap3A_1051 = tpu.vector_load %arg8[%swap3A_1049, %swap3A_1050] {strides = array<i32>} : memref<320x128xf32, #tpu.memory_space<vmem>>, vector<1x16xf32>,
      %swap3A_1052 = vector.shape_cast %swap3A_1051 : vector<1x16xf32> to vector<16xf32>
      %swap3A_1053 = vector.shape_cast %broadcast_in_dim3A_1017 : vector<16xf32> to vector<1x16xf32>
      tpu.vector_store %arg8[%swap3A_1049, %swap3A_1050], %swap3A_1053 {strides = array<i32>} : memref<320x128xf32, #tpu.memory_space<vmem>>, vector<1x16xf32>,
      %mul3A_1054 = arith.constant 16 : i32
      %mul3A_1055 = arith.muli %scan3A_264, %mul3A_1054 : i32
      %add3A_1056 = arith.constant 8 : i32
      %add3A_1057 = arith.addi %mul3A_1055, %add3A_1056 : i32
      %swap3A_1058 = arith.index_cast %add3A_1057 : i32 to index
      %swap3A_1059 = arith.constant 64 : index
      %swap3A_1060 = tpu.vector_load %arg8[%swap3A_1058, %swap3A_1059] {strides = array<i32>} : memref<320x128xf32, #tpu.memory_space<vmem>>, vector<1x16xf32>,
      %swap3A_1061 = vector.shape_cast %swap3A_1060 : vector<1x16xf32> to vector<16xf32>
      %swap3A_1062 = vector.shape_cast %broadcast_in_dim3A_1017 : vector<16xf32> to vector<1x16xf32>
      tpu.vector_store %arg8[%swap3A_1058, %swap3A_1059], %swap3A_1062 {strides = array<i32>} : memref<320x128xf32, #tpu.memory_space<vmem>>, vector<1x16xf32>,
      %mul3A_1063 = arith.constant 16 : i32
      %mul3A_1064 = arith.muli %scan3A_264, %mul3A_1063 : i32
      %add3A_1065 = arith.constant 8 : i32
      %add3A_1066 = arith.addi %mul3A_1064, %add3A_1065 : i32
      %swap3A_1067 = arith.index_cast %add3A_1066 : i32 to index
      %swap3A_1068 = arith.constant 80 : index
      %swap3A_1069 = tpu.vector_load %arg8[%swap3A_1067, %swap3A_1068] {strides = array<i32>} : memref<320x128xf32, #tpu.memory_space<vmem>>, vector<1x16xf32>,
      %swap3A_1070 = vector.shape_cast %swap3A_1069 : vector<1x16xf32> to vector<16xf32>
      %swap3A_1071 = vector.shape_cast %broadcast_in_dim3A_1017 : vector<16xf32> to vector<1x16xf32>
      tpu.vector_store %arg8[%swap3A_1067, %swap3A_1068], %swap3A_1071 {strides = array<i32>} : memref<320x128xf32, #tpu.memory_space<vmem>>, vector<1x16xf32>,
      %mul3A_1072 = arith.constant 16 : i32
      %mul3A_1073 = arith.muli %scan3A_264, %mul3A_1072 : i32
      %add3A_1074 = arith.constant 8 : i32
      %add3A_1075 = arith.addi %mul3A_1073, %add3A_1074 : i32
      %swap3A_1076 = arith.index_cast %add3A_1075 : i32 to index
      %swap3A_1077 = arith.constant 96 : index
      %swap3A_1078 = tpu.vector_load %arg8[%swap3A_1076, %swap3A_1077] {strides = array<i32>} : memref<320x128xf32, #tpu.memory_space<vmem>>, vector<1x16xf32>,
      %swap3A_1079 = vector.shape_cast %swap3A_1078 : vector<1x16xf32> to vector<16xf32>
      %swap3A_1080 = vector.shape_cast %broadcast_in_dim3A_1017 : vector<16xf32> to vector<1x16xf32>
      tpu.vector_store %arg8[%swap3A_1076, %swap3A_1077], %swap3A_1080 {strides = array<i32>} : memref<320x128xf32, #tpu.memory_space<vmem>>, vector<1x16xf32>,
      %mul3A_1081 = arith.constant 16 : i32
      %mul3A_1082 = arith.muli %scan3A_264, %mul3A_1081 : i32
      %add3A_1083 = arith.constant 8 : i32
      %add3A_1084 = arith.addi %mul3A_1082, %add3A_1083 : i32
      %swap3A_1085 = arith.index_cast %add3A_1084 : i32 to index
      %swap3A_1086 = arith.constant 112 : index
      %swap3A_1087 = tpu.vector_load %arg8[%swap3A_1085, %swap3A_1086] {strides = array<i32>} : memref<320x128xf32, #tpu.memory_space<vmem>>, vector<1x16xf32>,
      %swap3A_1088 = vector.shape_cast %swap3A_1087 : vector<1x16xf32> to vector<16xf32>
      %swap3A_1089 = vector.shape_cast %broadcast_in_dim3A_1017 : vector<16xf32> to vector<1x16xf32>
      tpu.vector_store %arg8[%swap3A_1085, %swap3A_1086], %swap3A_1089 {strides = array<i32>} : memref<320x128xf32, #tpu.memory_space<vmem>>, vector<1x16xf32>,
      %slice3A_1090 = vector.extract_strided_slice %mul3A_416 {offsets = [9], sizes = [1], strides = [1]} : vector<16xf32> to vector<1xf32>
      %squeeze3A_1091 = vector.extract %slice3A_1090[0] : f32 from vector<1xf32>
      %broadcast_in_dim3A_1092 = vector.broadcast %squeeze3A_1091 : f32 to vector<16xf32>
      %mul3A_1093 = arith.constant 16 : i32
      %mul3A_1094 = arith.muli %scan3A_264, %mul3A_1093 : i32
      %add3A_1095 = arith.constant 9 : i32
      %add3A_1096 = arith.addi %mul3A_1094, %add3A_1095 : i32
      %swap3A_1097 = arith.index_cast %add3A_1096 : i32 to index
      %swap3A_1098 = arith.constant 0 : index
      %swap3A_1099 = tpu.vector_load %arg8[%swap3A_1097, %swap3A_1098] {strides = array<i32>} : memref<320x128xf32, #tpu.memory_space<vmem>>, vector<1x16xf32>,
      %swap3A_1100 = vector.shape_cast %swap3A_1099 : vector<1x16xf32> to vector<16xf32>
      %swap3A_1101 = vector.shape_cast %broadcast_in_dim3A_1092 : vector<16xf32> to vector<1x16xf32>
      tpu.vector_store %arg8[%swap3A_1097, %swap3A_1098], %swap3A_1101 {strides = array<i32>} : memref<320x128xf32, #tpu.memory_space<vmem>>, vector<1x16xf32>,
      %mul3A_1102 = arith.constant 16 : i32
      %mul3A_1103 = arith.muli %scan3A_264, %mul3A_1102 : i32
      %add3A_1104 = arith.constant 9 : i32
      %add3A_1105 = arith.addi %mul3A_1103, %add3A_1104 : i32
      %swap3A_1106 = arith.index_cast %add3A_1105 : i32 to index
      %swap3A_1107 = arith.constant 16 : index
      %swap3A_1108 = tpu.vector_load %arg8[%swap3A_1106, %swap3A_1107] {strides = array<i32>} : memref<320x128xf32, #tpu.memory_space<vmem>>, vector<1x16xf32>,
      %swap3A_1109 = vector.shape_cast %swap3A_1108 : vector<1x16xf32> to vector<16xf32>
      %swap3A_1110 = vector.shape_cast %broadcast_in_dim3A_1092 : vector<16xf32> to vector<1x16xf32>
      tpu.vector_store %arg8[%swap3A_1106, %swap3A_1107], %swap3A_1110 {strides = array<i32>} : memref<320x128xf32, #tpu.memory_space<vmem>>, vector<1x16xf32>,
      %mul3A_1111 = arith.constant 16 : i32
      %mul3A_1112 = arith.muli %scan3A_264, %mul3A_1111 : i32
      %add3A_1113 = arith.constant 9 : i32
      %add3A_1114 = arith.addi %mul3A_1112, %add3A_1113 : i32
      %swap3A_1115 = arith.index_cast %add3A_1114 : i32 to index
      %swap3A_1116 = arith.constant 32 : index
      %swap3A_1117 = tpu.vector_load %arg8[%swap3A_1115, %swap3A_1116] {strides = array<i32>} : memref<320x128xf32, #tpu.memory_space<vmem>>, vector<1x16xf32>,
      %swap3A_1118 = vector.shape_cast %swap3A_1117 : vector<1x16xf32> to vector<16xf32>
      %swap3A_1119 = vector.shape_cast %broadcast_in_dim3A_1092 : vector<16xf32> to vector<1x16xf32>
      tpu.vector_store %arg8[%swap3A_1115, %swap3A_1116], %swap3A_1119 {strides = array<i32>} : memref<320x128xf32, #tpu.memory_space<vmem>>, vector<1x16xf32>,
      %mul3A_1120 = arith.constant 16 : i32
      %mul3A_1121 = arith.muli %scan3A_264, %mul3A_1120 : i32
      %add3A_1122 = arith.constant 9 : i32
      %add3A_1123 = arith.addi %mul3A_1121, %add3A_1122 : i32
      %swap3A_1124 = arith.index_cast %add3A_1123 : i32 to index
      %swap3A_1125 = arith.constant 48 : index
      %swap3A_1126 = tpu.vector_load %arg8[%swap3A_1124, %swap3A_1125] {strides = array<i32>} : memref<320x128xf32, #tpu.memory_space<vmem>>, vector<1x16xf32>,
      %swap3A_1127 = vector.shape_cast %swap3A_1126 : vector<1x16xf32> to vector<16xf32>
      %swap3A_1128 = vector.shape_cast %broadcast_in_dim3A_1092 : vector<16xf32> to vector<1x16xf32>
      tpu.vector_store %arg8[%swap3A_1124, %swap3A_1125], %swap3A_1128 {strides = array<i32>} : memref<320x128xf32, #tpu.memory_space<vmem>>, vector<1x16xf32>,
      %mul3A_1129 = arith.constant 16 : i32
      %mul3A_1130 = arith.muli %scan3A_264, %mul3A_1129 : i32
      %add3A_1131 = arith.constant 9 : i32
      %add3A_1132 = arith.addi %mul3A_1130, %add3A_1131 : i32
      %swap3A_1133 = arith.index_cast %add3A_1132 : i32 to index
      %swap3A_1134 = arith.constant 64 : index
      %swap3A_1135 = tpu.vector_load %arg8[%swap3A_1133, %swap3A_1134] {strides = array<i32>} : memref<320x128xf32, #tpu.memory_space<vmem>>, vector<1x16xf32>,
      %swap3A_1136 = vector.shape_cast %swap3A_1135 : vector<1x16xf32> to vector<16xf32>
      %swap3A_1137 = vector.shape_cast %broadcast_in_dim3A_1092 : vector<16xf32> to vector<1x16xf32>
      tpu.vector_store %arg8[%swap3A_1133, %swap3A_1134], %swap3A_1137 {strides = array<i32>} : memref<320x128xf32, #tpu.memory_space<vmem>>, vector<1x16xf32>,
      %mul3A_1138 = arith.constant 16 : i32
      %mul3A_1139 = arith.muli %scan3A_264, %mul3A_1138 : i32
      %add3A_1140 = arith.constant 9 : i32
      %add3A_1141 = arith.addi %mul3A_1139, %add3A_1140 : i32
      %swap3A_1142 = arith.index_cast %add3A_1141 : i32 to index
      %swap3A_1143 = arith.constant 80 : index
      %swap3A_1144 = tpu.vector_load %arg8[%swap3A_1142, %swap3A_1143] {strides = array<i32>} : memref<320x128xf32, #tpu.memory_space<vmem>>, vector<1x16xf32>,
      %swap3A_1145 = vector.shape_cast %swap3A_1144 : vector<1x16xf32> to vector<16xf32>
      %swap3A_1146 = vector.shape_cast %broadcast_in_dim3A_1092 : vector<16xf32> to vector<1x16xf32>
      tpu.vector_store %arg8[%swap3A_1142, %swap3A_1143], %swap3A_1146 {strides = array<i32>} : memref<320x128xf32, #tpu.memory_space<vmem>>, vector<1x16xf32>,
      %mul3A_1147 = arith.constant 16 : i32
      %mul3A_1148 = arith.muli %scan3A_264, %mul3A_1147 : i32
      %add3A_1149 = arith.constant 9 : i32
      %add3A_1150 = arith.addi %mul3A_1148, %add3A_1149 : i32
      %swap3A_1151 = arith.index_cast %add3A_1150 : i32 to index
      %swap3A_1152 = arith.constant 96 : index
      %swap3A_1153 = tpu.vector_load %arg8[%swap3A_1151, %swap3A_1152] {strides = array<i32>} : memref<320x128xf32, #tpu.memory_space<vmem>>, vector<1x16xf32>,
      %swap3A_1154 = vector.shape_cast %swap3A_1153 : vector<1x16xf32> to vector<16xf32>
      %swap3A_1155 = vector.shape_cast %broadcast_in_dim3A_1092 : vector<16xf32> to vector<1x16xf32>
      tpu.vector_store %arg8[%swap3A_1151, %swap3A_1152], %swap3A_1155 {strides = array<i32>} : memref<320x128xf32, #tpu.memory_space<vmem>>, vector<1x16xf32>,
      %mul3A_1156 = arith.constant 16 : i32
      %mul3A_1157 = arith.muli %scan3A_264, %mul3A_1156 : i32
      %add3A_1158 = arith.constant 9 : i32
      %add3A_1159 = arith.addi %mul3A_1157, %add3A_1158 : i32
      %swap3A_1160 = arith.index_cast %add3A_1159 : i32 to index
      %swap3A_1161 = arith.constant 112 : index
      %swap3A_1162 = tpu.vector_load %arg8[%swap3A_1160, %swap3A_1161] {strides = array<i32>} : memref<320x128xf32, #tpu.memory_space<vmem>>, vector<1x16xf32>,
      %swap3A_1163 = vector.shape_cast %swap3A_1162 : vector<1x16xf32> to vector<16xf32>
      %swap3A_1164 = vector.shape_cast %broadcast_in_dim3A_1092 : vector<16xf32> to vector<1x16xf32>
      tpu.vector_store %arg8[%swap3A_1160, %swap3A_1161], %swap3A_1164 {strides = array<i32>} : memref<320x128xf32, #tpu.memory_space<vmem>>, vector<1x16xf32>,
      %slice3A_1165 = vector.extract_strided_slice %mul3A_416 {offsets = [10], sizes = [1], strides = [1]} : vector<16xf32> to vector<1xf32>
      %squeeze3A_1166 = vector.extract %slice3A_1165[0] : f32 from vector<1xf32>
      %broadcast_in_dim3A_1167 = vector.broadcast %squeeze3A_1166 : f32 to vector<16xf32>
      %mul3A_1168 = arith.constant 16 : i32
      %mul3A_1169 = arith.muli %scan3A_264, %mul3A_1168 : i32
      %add3A_1170 = arith.constant 10 : i32
      %add3A_1171 = arith.addi %mul3A_1169, %add3A_1170 : i32
      %swap3A_1172 = arith.index_cast %add3A_1171 : i32 to index
      %swap3A_1173 = arith.constant 0 : index
      %swap3A_1174 = tpu.vector_load %arg8[%swap3A_1172, %swap3A_1173] {strides = array<i32>} : memref<320x128xf32, #tpu.memory_space<vmem>>, vector<1x16xf32>,
      %swap3A_1175 = vector.shape_cast %swap3A_1174 : vector<1x16xf32> to vector<16xf32>
      %swap3A_1176 = vector.shape_cast %broadcast_in_dim3A_1167 : vector<16xf32> to vector<1x16xf32>
      tpu.vector_store %arg8[%swap3A_1172, %swap3A_1173], %swap3A_1176 {strides = array<i32>} : memref<320x128xf32, #tpu.memory_space<vmem>>, vector<1x16xf32>,
      %mul3A_1177 = arith.constant 16 : i32
      %mul3A_1178 = arith.muli %scan3A_264, %mul3A_1177 : i32
      %add3A_1179 = arith.constant 10 : i32
      %add3A_1180 = arith.addi %mul3A_1178, %add3A_1179 : i32
      %swap3A_1181 = arith.index_cast %add3A_1180 : i32 to index
      %swap3A_1182 = arith.constant 16 : index
      %swap3A_1183 = tpu.vector_load %arg8[%swap3A_1181, %swap3A_1182] {strides = array<i32>} : memref<320x128xf32, #tpu.memory_space<vmem>>, vector<1x16xf32>,
      %swap3A_1184 = vector.shape_cast %swap3A_1183 : vector<1x16xf32> to vector<16xf32>
      %swap3A_1185 = vector.shape_cast %broadcast_in_dim3A_1167 : vector<16xf32> to vector<1x16xf32>
      tpu.vector_store %arg8[%swap3A_1181, %swap3A_1182], %swap3A_1185 {strides = array<i32>} : memref<320x128xf32, #tpu.memory_space<vmem>>, vector<1x16xf32>,
      %mul3A_1186 = arith.constant 16 : i32
      %mul3A_1187 = arith.muli %scan3A_264, %mul3A_1186 : i32
      %add3A_1188 = arith.constant 10 : i32
      %add3A_1189 = arith.addi %mul3A_1187, %add3A_1188 : i32
      %swap3A_1190 = arith.index_cast %add3A_1189 : i32 to index
      %swap3A_1191 = arith.constant 32 : index
      %swap3A_1192 = tpu.vector_load %arg8[%swap3A_1190, %swap3A_1191] {strides = array<i32>} : memref<320x128xf32, #tpu.memory_space<vmem>>, vector<1x16xf32>,
      %swap3A_1193 = vector.shape_cast %swap3A_1192 : vector<1x16xf32> to vector<16xf32>
      %swap3A_1194 = vector.shape_cast %broadcast_in_dim3A_1167 : vector<16xf32> to vector<1x16xf32>
      tpu.vector_store %arg8[%swap3A_1190, %swap3A_1191], %swap3A_1194 {strides = array<i32>} : memref<320x128xf32, #tpu.memory_space<vmem>>, vector<1x16xf32>,
      %mul3A_1195 = arith.constant 16 : i32
      %mul3A_1196 = arith.muli %scan3A_264, %mul3A_1195 : i32
      %add3A_1197 = arith.constant 10 : i32
      %add3A_1198 = arith.addi %mul3A_1196, %add3A_1197 : i32
      %swap3A_1199 = arith.index_cast %add3A_1198 : i32 to index
      %swap3A_1200 = arith.constant 48 : index
      %swap3A_1201 = tpu.vector_load %arg8[%swap3A_1199, %swap3A_1200] {strides = array<i32>} : memref<320x128xf32, #tpu.memory_space<vmem>>, vector<1x16xf32>,
      %swap3A_1202 = vector.shape_cast %swap3A_1201 : vector<1x16xf32> to vector<16xf32>
      %swap3A_1203 = vector.shape_cast %broadcast_in_dim3A_1167 : vector<16xf32> to vector<1x16xf32>
      tpu.vector_store %arg8[%swap3A_1199, %swap3A_1200], %swap3A_1203 {strides = array<i32>} : memref<320x128xf32, #tpu.memory_space<vmem>>, vector<1x16xf32>,
      %mul3A_1204 = arith.constant 16 : i32
      %mul3A_1205 = arith.muli %scan3A_264, %mul3A_1204 : i32
      %add3A_1206 = arith.constant 10 : i32
      %add3A_1207 = arith.addi %mul3A_1205, %add3A_1206 : i32
      %swap3A_1208 = arith.index_cast %add3A_1207 : i32 to index
      %swap3A_1209 = arith.constant 64 : index
      %swap3A_1210 = tpu.vector_load %arg8[%swap3A_1208, %swap3A_1209] {strides = array<i32>} : memref<320x128xf32, #tpu.memory_space<vmem>>, vector<1x16xf32>,
      %swap3A_1211 = vector.shape_cast %swap3A_1210 : vector<1x16xf32> to vector<16xf32>
      %swap3A_1212 = vector.shape_cast %broadcast_in_dim3A_1167 : vector<16xf32> to vector<1x16xf32>
      tpu.vector_store %arg8[%swap3A_1208, %swap3A_1209], %swap3A_1212 {strides = array<i32>} : memref<320x128xf32, #tpu.memory_space<vmem>>, vector<1x16xf32>,
      %mul3A_1213 = arith.constant 16 : i32
      %mul3A_1214 = arith.muli %scan3A_264, %mul3A_1213 : i32
      %add3A_1215 = arith.constant 10 : i32
      %add3A_1216 = arith.addi %mul3A_1214, %add3A_1215 : i32
      %swap3A_1217 = arith.index_cast %add3A_1216 : i32 to index
      %swap3A_1218 = arith.constant 80 : index
      %swap3A_1219 = tpu.vector_load %arg8[%swap3A_1217, %swap3A_1218] {strides = array<i32>} : memref<320x128xf32, #tpu.memory_space<vmem>>, vector<1x16xf32>,
      %swap3A_1220 = vector.shape_cast %swap3A_1219 : vector<1x16xf32> to vector<16xf32>
      %swap3A_1221 = vector.shape_cast %broadcast_in_dim3A_1167 : vector<16xf32> to vector<1x16xf32>
      tpu.vector_store %arg8[%swap3A_1217, %swap3A_1218], %swap3A_1221 {strides = array<i32>} : memref<320x128xf32, #tpu.memory_space<vmem>>, vector<1x16xf32>,
      %mul3A_1222 = arith.constant 16 : i32
      %mul3A_1223 = arith.muli %scan3A_264, %mul3A_1222 : i32
      %add3A_1224 = arith.constant 10 : i32
      %add3A_1225 = arith.addi %mul3A_1223, %add3A_1224 : i32
      %swap3A_1226 = arith.index_cast %add3A_1225 : i32 to index
      %swap3A_1227 = arith.constant 96 : index
      %swap3A_1228 = tpu.vector_load %arg8[%swap3A_1226, %swap3A_1227] {strides = array<i32>} : memref<320x128xf32, #tpu.memory_space<vmem>>, vector<1x16xf32>,
      %swap3A_1229 = vector.shape_cast %swap3A_1228 : vector<1x16xf32> to vector<16xf32>
      %swap3A_1230 = vector.shape_cast %broadcast_in_dim3A_1167 : vector<16xf32> to vector<1x16xf32>
      tpu.vector_store %arg8[%swap3A_1226, %swap3A_1227], %swap3A_1230 {strides = array<i32>} : memref<320x128xf32, #tpu.memory_space<vmem>>, vector<1x16xf32>,
      %mul3A_1231 = arith.constant 16 : i32
      %mul3A_1232 = arith.muli %scan3A_264, %mul3A_1231 : i32
      %add3A_1233 = arith.constant 10 : i32
      %add3A_1234 = arith.addi %mul3A_1232, %add3A_1233 : i32
      %swap3A_1235 = arith.index_cast %add3A_1234 : i32 to index
      %swap3A_1236 = arith.constant 112 : index
      %swap3A_1237 = tpu.vector_load %arg8[%swap3A_1235, %swap3A_1236] {strides = array<i32>} : memref<320x128xf32, #tpu.memory_space<vmem>>, vector<1x16xf32>,
      %swap3A_1238 = vector.shape_cast %swap3A_1237 : vector<1x16xf32> to vector<16xf32>
      %swap3A_1239 = vector.shape_cast %broadcast_in_dim3A_1167 : vector<16xf32> to vector<1x16xf32>
      tpu.vector_store %arg8[%swap3A_1235, %swap3A_1236], %swap3A_1239 {strides = array<i32>} : memref<320x128xf32, #tpu.memory_space<vmem>>, vector<1x16xf32>,
      %slice3A_1240 = vector.extract_strided_slice %mul3A_416 {offsets = [11], sizes = [1], strides = [1]} : vector<16xf32> to vector<1xf32>
      %squeeze3A_1241 = vector.extract %slice3A_1240[0] : f32 from vector<1xf32>
      %broadcast_in_dim3A_1242 = vector.broadcast %squeeze3A_1241 : f32 to vector<16xf32>
      %mul3A_1243 = arith.constant 16 : i32
      %mul3A_1244 = arith.muli %scan3A_264, %mul3A_1243 : i32
      %add3A_1245 = arith.constant 11 : i32
      %add3A_1246 = arith.addi %mul3A_1244, %add3A_1245 : i32
      %swap3A_1247 = arith.index_cast %add3A_1246 : i32 to index
      %swap3A_1248 = arith.constant 0 : index
      %swap3A_1249 = tpu.vector_load %arg8[%swap3A_1247, %swap3A_1248] {strides = array<i32>} : memref<320x128xf32, #tpu.memory_space<vmem>>, vector<1x16xf32>,
      %swap3A_1250 = vector.shape_cast %swap3A_1249 : vector<1x16xf32> to vector<16xf32>
      %swap3A_1251 = vector.shape_cast %broadcast_in_dim3A_1242 : vector<16xf32> to vector<1x16xf32>
      tpu.vector_store %arg8[%swap3A_1247, %swap3A_1248], %swap3A_1251 {strides = array<i32>} : memref<320x128xf32, #tpu.memory_space<vmem>>, vector<1x16xf32>,
      %mul3A_1252 = arith.constant 16 : i32
      %mul3A_1253 = arith.muli %scan3A_264, %mul3A_1252 : i32
      %add3A_1254 = arith.constant 11 : i32
      %add3A_1255 = arith.addi %mul3A_1253, %add3A_1254 : i32
      %swap3A_1256 = arith.index_cast %add3A_1255 : i32 to index
      %swap3A_1257 = arith.constant 16 : index
      %swap3A_1258 = tpu.vector_load %arg8[%swap3A_1256, %swap3A_1257] {strides = array<i32>} : memref<320x128xf32, #tpu.memory_space<vmem>>, vector<1x16xf32>,
      %swap3A_1259 = vector.shape_cast %swap3A_1258 : vector<1x16xf32> to vector<16xf32>
      %swap3A_1260 = vector.shape_cast %broadcast_in_dim3A_1242 : vector<16xf32> to vector<1x16xf32>
      tpu.vector_store %arg8[%swap3A_1256, %swap3A_1257], %swap3A_1260 {strides = array<i32>} : memref<320x128xf32, #tpu.memory_space<vmem>>, vector<1x16xf32>,
      %mul3A_1261 = arith.constant 16 : i32
      %mul3A_1262 = arith.muli %scan3A_264, %mul3A_1261 : i32
      %add3A_1263 = arith.constant 11 : i32
      %add3A_1264 = arith.addi %mul3A_1262, %add3A_1263 : i32
      %swap3A_1265 = arith.index_cast %add3A_1264 : i32 to index
      %swap3A_1266 = arith.constant 32 : index
      %swap3A_1267 = tpu.vector_load %arg8[%swap3A_1265, %swap3A_1266] {strides = array<i32>} : memref<320x128xf32, #tpu.memory_space<vmem>>, vector<1x16xf32>,
      %swap3A_1268 = vector.shape_cast %swap3A_1267 : vector<1x16xf32> to vector<16xf32>
      %swap3A_1269 = vector.shape_cast %broadcast_in_dim3A_1242 : vector<16xf32> to vector<1x16xf32>
      tpu.vector_store %arg8[%swap3A_1265, %swap3A_1266], %swap3A_1269 {strides = array<i32>} : memref<320x128xf32, #tpu.memory_space<vmem>>, vector<1x16xf32>,
      %mul3A_1270 = arith.constant 16 : i32
      %mul3A_1271 = arith.muli %scan3A_264, %mul3A_1270 : i32
      %add3A_1272 = arith.constant 11 : i32
      %add3A_1273 = arith.addi %mul3A_1271, %add3A_1272 : i32
      %swap3A_1274 = arith.index_cast %add3A_1273 : i32 to index
      %swap3A_1275 = arith.constant 48 : index
      %swap3A_1276 = tpu.vector_load %arg8[%swap3A_1274, %swap3A_1275] {strides = array<i32>} : memref<320x128xf32, #tpu.memory_space<vmem>>, vector<1x16xf32>,
      %swap3A_1277 = vector.shape_cast %swap3A_1276 : vector<1x16xf32> to vector<16xf32>
      %swap3A_1278 = vector.shape_cast %broadcast_in_dim3A_1242 : vector<16xf32> to vector<1x16xf32>
      tpu.vector_store %arg8[%swap3A_1274, %swap3A_1275], %swap3A_1278 {strides = array<i32>} : memref<320x128xf32, #tpu.memory_space<vmem>>, vector<1x16xf32>,
      %mul3A_1279 = arith.constant 16 : i32
      %mul3A_1280 = arith.muli %scan3A_264, %mul3A_1279 : i32
      %add3A_1281 = arith.constant 11 : i32
      %add3A_1282 = arith.addi %mul3A_1280, %add3A_1281 : i32
      %swap3A_1283 = arith.index_cast %add3A_1282 : i32 to index
      %swap3A_1284 = arith.constant 64 : index
      %swap3A_1285 = tpu.vector_load %arg8[%swap3A_1283, %swap3A_1284] {strides = array<i32>} : memref<320x128xf32, #tpu.memory_space<vmem>>, vector<1x16xf32>,
      %swap3A_1286 = vector.shape_cast %swap3A_1285 : vector<1x16xf32> to vector<16xf32>
      %swap3A_1287 = vector.shape_cast %broadcast_in_dim3A_1242 : vector<16xf32> to vector<1x16xf32>
      tpu.vector_store %arg8[%swap3A_1283, %swap3A_1284], %swap3A_1287 {strides = array<i32>} : memref<320x128xf32, #tpu.memory_space<vmem>>, vector<1x16xf32>,
      %mul3A_1288 = arith.constant 16 : i32
      %mul3A_1289 = arith.muli %scan3A_264, %mul3A_1288 : i32
      %add3A_1290 = arith.constant 11 : i32
      %add3A_1291 = arith.addi %mul3A_1289, %add3A_1290 : i32
      %swap3A_1292 = arith.index_cast %add3A_1291 : i32 to index
      %swap3A_1293 = arith.constant 80 : index
      %swap3A_1294 = tpu.vector_load %arg8[%swap3A_1292, %swap3A_1293] {strides = array<i32>} : memref<320x128xf32, #tpu.memory_space<vmem>>, vector<1x16xf32>,
      %swap3A_1295 = vector.shape_cast %swap3A_1294 : vector<1x16xf32> to vector<16xf32>
      %swap3A_1296 = vector.shape_cast %broadcast_in_dim3A_1242 : vector<16xf32> to vector<1x16xf32>
      tpu.vector_store %arg8[%swap3A_1292, %swap3A_1293], %swap3A_1296 {strides = array<i32>} : memref<320x128xf32, #tpu.memory_space<vmem>>, vector<1x16xf32>,
      %mul3A_1297 = arith.constant 16 : i32
      %mul3A_1298 = arith.muli %scan3A_264, %mul3A_1297 : i32
      %add3A_1299 = arith.constant 11 : i32
      %add3A_1300 = arith.addi %mul3A_1298, %add3A_1299 : i32
      %swap3A_1301 = arith.index_cast %add3A_1300 : i32 to index
      %swap3A_1302 = arith.constant 96 : index
      %swap3A_1303 = tpu.vector_load %arg8[%swap3A_1301, %swap3A_1302] {strides = array<i32>} : memref<320x128xf32, #tpu.memory_space<vmem>>, vector<1x16xf32>,
      %swap3A_1304 = vector.shape_cast %swap3A_1303 : vector<1x16xf32> to vector<16xf32>
      %swap3A_1305 = vector.shape_cast %broadcast_in_dim3A_1242 : vector<16xf32> to vector<1x16xf32>
      tpu.vector_store %arg8[%swap3A_1301, %swap3A_1302], %swap3A_1305 {strides = array<i32>} : memref<320x128xf32, #tpu.memory_space<vmem>>, vector<1x16xf32>,
      %mul3A_1306 = arith.constant 16 : i32
      %mul3A_1307 = arith.muli %scan3A_264, %mul3A_1306 : i32
      %add3A_1308 = arith.constant 11 : i32
      %add3A_1309 = arith.addi %mul3A_1307, %add3A_1308 : i32
      %swap3A_1310 = arith.index_cast %add3A_1309 : i32 to index
      %swap3A_1311 = arith.constant 112 : index
      %swap3A_1312 = tpu.vector_load %arg8[%swap3A_1310, %swap3A_1311] {strides = array<i32>} : memref<320x128xf32, #tpu.memory_space<vmem>>, vector<1x16xf32>,
      %swap3A_1313 = vector.shape_cast %swap3A_1312 : vector<1x16xf32> to vector<16xf32>
      %swap3A_1314 = vector.shape_cast %broadcast_in_dim3A_1242 : vector<16xf32> to vector<1x16xf32>
      tpu.vector_store %arg8[%swap3A_1310, %swap3A_1311], %swap3A_1314 {strides = array<i32>} : memref<320x128xf32, #tpu.memory_space<vmem>>, vector<1x16xf32>,
      %slice3A_1315 = vector.extract_strided_slice %mul3A_416 {offsets = [12], sizes = [1], strides = [1]} : vector<16xf32> to vector<1xf32>
      %squeeze3A_1316 = vector.extract %slice3A_1315[0] : f32 from vector<1xf32>
      %broadcast_in_dim3A_1317 = vector.broadcast %squeeze3A_1316 : f32 to vector<16xf32>
      %mul3A_1318 = arith.constant 16 : i32
      %mul3A_1319 = arith.muli %scan3A_264, %mul3A_1318 : i32
      %add3A_1320 = arith.constant 12 : i32
      %add3A_1321 = arith.addi %mul3A_1319, %add3A_1320 : i32
      %swap3A_1322 = arith.index_cast %add3A_1321 : i32 to index
      %swap3A_1323 = arith.constant 0 : index
      %swap3A_1324 = tpu.vector_load %arg8[%swap3A_1322, %swap3A_1323] {strides = array<i32>} : memref<320x128xf32, #tpu.memory_space<vmem>>, vector<1x16xf32>,
      %swap3A_1325 = vector.shape_cast %swap3A_1324 : vector<1x16xf32> to vector<16xf32>
      %swap3A_1326 = vector.shape_cast %broadcast_in_dim3A_1317 : vector<16xf32> to vector<1x16xf32>
      tpu.vector_store %arg8[%swap3A_1322, %swap3A_1323], %swap3A_1326 {strides = array<i32>} : memref<320x128xf32, #tpu.memory_space<vmem>>, vector<1x16xf32>,
      %mul3A_1327 = arith.constant 16 : i32
      %mul3A_1328 = arith.muli %scan3A_264, %mul3A_1327 : i32
      %add3A_1329 = arith.constant 12 : i32
      %add3A_1330 = arith.addi %mul3A_1328, %add3A_1329 : i32
      %swap3A_1331 = arith.index_cast %add3A_1330 : i32 to index
      %swap3A_1332 = arith.constant 16 : index
      %swap3A_1333 = tpu.vector_load %arg8[%swap3A_1331, %swap3A_1332] {strides = array<i32>} : memref<320x128xf32, #tpu.memory_space<vmem>>, vector<1x16xf32>,
      %swap3A_1334 = vector.shape_cast %swap3A_1333 : vector<1x16xf32> to vector<16xf32>
      %swap3A_1335 = vector.shape_cast %broadcast_in_dim3A_1317 : vector<16xf32> to vector<1x16xf32>
      tpu.vector_store %arg8[%swap3A_1331, %swap3A_1332], %swap3A_1335 {strides = array<i32>} : memref<320x128xf32, #tpu.memory_space<vmem>>, vector<1x16xf32>,
      %mul3A_1336 = arith.constant 16 : i32
      %mul3A_1337 = arith.muli %scan3A_264, %mul3A_1336 : i32
      %add3A_1338 = arith.constant 12 : i32
      %add3A_1339 = arith.addi %mul3A_1337, %add3A_1338 : i32
      %swap3A_1340 = arith.index_cast %add3A_1339 : i32 to index
      %swap3A_1341 = arith.constant 32 : index
      %swap3A_1342 = tpu.vector_load %arg8[%swap3A_1340, %swap3A_1341] {strides = array<i32>} : memref<320x128xf32, #tpu.memory_space<vmem>>, vector<1x16xf32>,
      %swap3A_1343 = vector.shape_cast %swap3A_1342 : vector<1x16xf32> to vector<16xf32>
      %swap3A_1344 = vector.shape_cast %broadcast_in_dim3A_1317 : vector<16xf32> to vector<1x16xf32>
      tpu.vector_store %arg8[%swap3A_1340, %swap3A_1341], %swap3A_1344 {strides = array<i32>} : memref<320x128xf32, #tpu.memory_space<vmem>>, vector<1x16xf32>,
      %mul3A_1345 = arith.constant 16 : i32
      %mul3A_1346 = arith.muli %scan3A_264, %mul3A_1345 : i32
      %add3A_1347 = arith.constant 12 : i32
      %add3A_1348 = arith.addi %mul3A_1346, %add3A_1347 : i32
      %swap3A_1349 = arith.index_cast %add3A_1348 : i32 to index
      %swap3A_1350 = arith.constant 48 : index
      %swap3A_1351 = tpu.vector_load %arg8[%swap3A_1349, %swap3A_1350] {strides = array<i32>} : memref<320x128xf32, #tpu.memory_space<vmem>>, vector<1x16xf32>,
      %swap3A_1352 = vector.shape_cast %swap3A_1351 : vector<1x16xf32> to vector<16xf32>
      %swap3A_1353 = vector.shape_cast %broadcast_in_dim3A_1317 : vector<16xf32> to vector<1x16xf32>
      tpu.vector_store %arg8[%swap3A_1349, %swap3A_1350], %swap3A_1353 {strides = array<i32>} : memref<320x128xf32, #tpu.memory_space<vmem>>, vector<1x16xf32>,
      %mul3A_1354 = arith.constant 16 : i32
      %mul3A_1355 = arith.muli %scan3A_264, %mul3A_1354 : i32
      %add3A_1356 = arith.constant 12 : i32
      %add3A_1357 = arith.addi %mul3A_1355, %add3A_1356 : i32
      %swap3A_1358 = arith.index_cast %add3A_1357 : i32 to index
      %swap3A_1359 = arith.constant 64 : index
      %swap3A_1360 = tpu.vector_load %arg8[%swap3A_1358, %swap3A_1359] {strides = array<i32>} : memref<320x128xf32, #tpu.memory_space<vmem>>, vector<1x16xf32>,
      %swap3A_1361 = vector.shape_cast %swap3A_1360 : vector<1x16xf32> to vector<16xf32>
      %swap3A_1362 = vector.shape_cast %broadcast_in_dim3A_1317 : vector<16xf32> to vector<1x16xf32>
      tpu.vector_store %arg8[%swap3A_1358, %swap3A_1359], %swap3A_1362 {strides = array<i32>} : memref<320x128xf32, #tpu.memory_space<vmem>>, vector<1x16xf32>,
      %mul3A_1363 = arith.constant 16 : i32
      %mul3A_1364 = arith.muli %scan3A_264, %mul3A_1363 : i32
      %add3A_1365 = arith.constant 12 : i32
      %add3A_1366 = arith.addi %mul3A_1364, %add3A_1365 : i32
      %swap3A_1367 = arith.index_cast %add3A_1366 : i32 to index
      %swap3A_1368 = arith.constant 80 : index
      %swap3A_1369 = tpu.vector_load %arg8[%swap3A_1367, %swap3A_1368] {strides = array<i32>} : memref<320x128xf32, #tpu.memory_space<vmem>>, vector<1x16xf32>,
      %swap3A_1370 = vector.shape_cast %swap3A_1369 : vector<1x16xf32> to vector<16xf32>
      %swap3A_1371 = vector.shape_cast %broadcast_in_dim3A_1317 : vector<16xf32> to vector<1x16xf32>
      tpu.vector_store %arg8[%swap3A_1367, %swap3A_1368], %swap3A_1371 {strides = array<i32>} : memref<320x128xf32, #tpu.memory_space<vmem>>, vector<1x16xf32>,
      %mul3A_1372 = arith.constant 16 : i32
      %mul3A_1373 = arith.muli %scan3A_264, %mul3A_1372 : i32
      %add3A_1374 = arith.constant 12 : i32
      %add3A_1375 = arith.addi %mul3A_1373, %add3A_1374 : i32
      %swap3A_1376 = arith.index_cast %add3A_1375 : i32 to index
      %swap3A_1377 = arith.constant 96 : index
      %swap3A_1378 = tpu.vector_load %arg8[%swap3A_1376, %swap3A_1377] {strides = array<i32>} : memref<320x128xf32, #tpu.memory_space<vmem>>, vector<1x16xf32>,
      %swap3A_1379 = vector.shape_cast %swap3A_1378 : vector<1x16xf32> to vector<16xf32>
      %swap3A_1380 = vector.shape_cast %broadcast_in_dim3A_1317 : vector<16xf32> to vector<1x16xf32>
      tpu.vector_store %arg8[%swap3A_1376, %swap3A_1377], %swap3A_1380 {strides = array<i32>} : memref<320x128xf32, #tpu.memory_space<vmem>>, vector<1x16xf32>,
      %mul3A_1381 = arith.constant 16 : i32
      %mul3A_1382 = arith.muli %scan3A_264, %mul3A_1381 : i32
      %add3A_1383 = arith.constant 12 : i32
      %add3A_1384 = arith.addi %mul3A_1382, %add3A_1383 : i32
      %swap3A_1385 = arith.index_cast %add3A_1384 : i32 to index
      %swap3A_1386 = arith.constant 112 : index
      %swap3A_1387 = tpu.vector_load %arg8[%swap3A_1385, %swap3A_1386] {strides = array<i32>} : memref<320x128xf32, #tpu.memory_space<vmem>>, vector<1x16xf32>,
      %swap3A_1388 = vector.shape_cast %swap3A_1387 : vector<1x16xf32> to vector<16xf32>
      %swap3A_1389 = vector.shape_cast %broadcast_in_dim3A_1317 : vector<16xf32> to vector<1x16xf32>
      tpu.vector_store %arg8[%swap3A_1385, %swap3A_1386], %swap3A_1389 {strides = array<i32>} : memref<320x128xf32, #tpu.memory_space<vmem>>, vector<1x16xf32>,
      %slice3A_1390 = vector.extract_strided_slice %mul3A_416 {offsets = [13], sizes = [1], strides = [1]} : vector<16xf32> to vector<1xf32>
      %squeeze3A_1391 = vector.extract %slice3A_1390[0] : f32 from vector<1xf32>
      %broadcast_in_dim3A_1392 = vector.broadcast %squeeze3A_1391 : f32 to vector<16xf32>
      %mul3A_1393 = arith.constant 16 : i32
      %mul3A_1394 = arith.muli %scan3A_264, %mul3A_1393 : i32
      %add3A_1395 = arith.constant 13 : i32
      %add3A_1396 = arith.addi %mul3A_1394, %add3A_1395 : i32
      %swap3A_1397 = arith.index_cast %add3A_1396 : i32 to index
      %swap3A_1398 = arith.constant 0 : index
      %swap3A_1399 = tpu.vector_load %arg8[%swap3A_1397, %swap3A_1398] {strides = array<i32>} : memref<320x128xf32, #tpu.memory_space<vmem>>, vector<1x16xf32>,
      %swap3A_1400 = vector.shape_cast %swap3A_1399 : vector<1x16xf32> to vector<16xf32>
      %swap3A_1401 = vector.shape_cast %broadcast_in_dim3A_1392 : vector<16xf32> to vector<1x16xf32>
      tpu.vector_store %arg8[%swap3A_1397, %swap3A_1398], %swap3A_1401 {strides = array<i32>} : memref<320x128xf32, #tpu.memory_space<vmem>>, vector<1x16xf32>,
      %mul3A_1402 = arith.constant 16 : i32
      %mul3A_1403 = arith.muli %scan3A_264, %mul3A_1402 : i32
      %add3A_1404 = arith.constant 13 : i32
      %add3A_1405 = arith.addi %mul3A_1403, %add3A_1404 : i32
      %swap3A_1406 = arith.index_cast %add3A_1405 : i32 to index
      %swap3A_1407 = arith.constant 16 : index
      %swap3A_1408 = tpu.vector_load %arg8[%swap3A_1406, %swap3A_1407] {strides = array<i32>} : memref<320x128xf32, #tpu.memory_space<vmem>>, vector<1x16xf32>,
      %swap3A_1409 = vector.shape_cast %swap3A_1408 : vector<1x16xf32> to vector<16xf32>
      %swap3A_1410 = vector.shape_cast %broadcast_in_dim3A_1392 : vector<16xf32> to vector<1x16xf32>
      tpu.vector_store %arg8[%swap3A_1406, %swap3A_1407], %swap3A_1410 {strides = array<i32>} : memref<320x128xf32, #tpu.memory_space<vmem>>, vector<1x16xf32>,
      %mul3A_1411 = arith.constant 16 : i32
      %mul3A_1412 = arith.muli %scan3A_264, %mul3A_1411 : i32
      %add3A_1413 = arith.constant 13 : i32
      %add3A_1414 = arith.addi %mul3A_1412, %add3A_1413 : i32
      %swap3A_1415 = arith.index_cast %add3A_1414 : i32 to index
      %swap3A_1416 = arith.constant 32 : index
      %swap3A_1417 = tpu.vector_load %arg8[%swap3A_1415, %swap3A_1416] {strides = array<i32>} : memref<320x128xf32, #tpu.memory_space<vmem>>, vector<1x16xf32>,
      %swap3A_1418 = vector.shape_cast %swap3A_1417 : vector<1x16xf32> to vector<16xf32>
      %swap3A_1419 = vector.shape_cast %broadcast_in_dim3A_1392 : vector<16xf32> to vector<1x16xf32>
      tpu.vector_store %arg8[%swap3A_1415, %swap3A_1416], %swap3A_1419 {strides = array<i32>} : memref<320x128xf32, #tpu.memory_space<vmem>>, vector<1x16xf32>,
      %mul3A_1420 = arith.constant 16 : i32
      %mul3A_1421 = arith.muli %scan3A_264, %mul3A_1420 : i32
      %add3A_1422 = arith.constant 13 : i32
      %add3A_1423 = arith.addi %mul3A_1421, %add3A_1422 : i32
      %swap3A_1424 = arith.index_cast %add3A_1423 : i32 to index
      %swap3A_1425 = arith.constant 48 : index
      %swap3A_1426 = tpu.vector_load %arg8[%swap3A_1424, %swap3A_1425] {strides = array<i32>} : memref<320x128xf32, #tpu.memory_space<vmem>>, vector<1x16xf32>,
      %swap3A_1427 = vector.shape_cast %swap3A_1426 : vector<1x16xf32> to vector<16xf32>
      %swap3A_1428 = vector.shape_cast %broadcast_in_dim3A_1392 : vector<16xf32> to vector<1x16xf32>
      tpu.vector_store %arg8[%swap3A_1424, %swap3A_1425], %swap3A_1428 {strides = array<i32>} : memref<320x128xf32, #tpu.memory_space<vmem>>, vector<1x16xf32>,
      %mul3A_1429 = arith.constant 16 : i32
      %mul3A_1430 = arith.muli %scan3A_264, %mul3A_1429 : i32
      %add3A_1431 = arith.constant 13 : i32
      %add3A_1432 = arith.addi %mul3A_1430, %add3A_1431 : i32
      %swap3A_1433 = arith.index_cast %add3A_1432 : i32 to index
      %swap3A_1434 = arith.constant 64 : index
      %swap3A_1435 = tpu.vector_load %arg8[%swap3A_1433, %swap3A_1434] {strides = array<i32>} : memref<320x128xf32, #tpu.memory_space<vmem>>, vector<1x16xf32>,
      %swap3A_1436 = vector.shape_cast %swap3A_1435 : vector<1x16xf32> to vector<16xf32>
      %swap3A_1437 = vector.shape_cast %broadcast_in_dim3A_1392 : vector<16xf32> to vector<1x16xf32>
      tpu.vector_store %arg8[%swap3A_1433, %swap3A_1434], %swap3A_1437 {strides = array<i32>} : memref<320x128xf32, #tpu.memory_space<vmem>>, vector<1x16xf32>,
      %mul3A_1438 = arith.constant 16 : i32
      %mul3A_1439 = arith.muli %scan3A_264, %mul3A_1438 : i32
      %add3A_1440 = arith.constant 13 : i32
      %add3A_1441 = arith.addi %mul3A_1439, %add3A_1440 : i32
      %swap3A_1442 = arith.index_cast %add3A_1441 : i32 to index
      %swap3A_1443 = arith.constant 80 : index
      %swap3A_1444 = tpu.vector_load %arg8[%swap3A_1442, %swap3A_1443] {strides = array<i32>} : memref<320x128xf32, #tpu.memory_space<vmem>>, vector<1x16xf32>,
      %swap3A_1445 = vector.shape_cast %swap3A_1444 : vector<1x16xf32> to vector<16xf32>
      %swap3A_1446 = vector.shape_cast %broadcast_in_dim3A_1392 : vector<16xf32> to vector<1x16xf32>
      tpu.vector_store %arg8[%swap3A_1442, %swap3A_1443], %swap3A_1446 {strides = array<i32>} : memref<320x128xf32, #tpu.memory_space<vmem>>, vector<1x16xf32>,
      %mul3A_1447 = arith.constant 16 : i32
      %mul3A_1448 = arith.muli %scan3A_264, %mul3A_1447 : i32
      %add3A_1449 = arith.constant 13 : i32
      %add3A_1450 = arith.addi %mul3A_1448, %add3A_1449 : i32
      %swap3A_1451 = arith.index_cast %add3A_1450 : i32 to index
      %swap3A_1452 = arith.constant 96 : index
      %swap3A_1453 = tpu.vector_load %arg8[%swap3A_1451, %swap3A_1452] {strides = array<i32>} : memref<320x128xf32, #tpu.memory_space<vmem>>, vector<1x16xf32>,
      %swap3A_1454 = vector.shape_cast %swap3A_1453 : vector<1x16xf32> to vector<16xf32>
      %swap3A_1455 = vector.shape_cast %broadcast_in_dim3A_1392 : vector<16xf32> to vector<1x16xf32>
      tpu.vector_store %arg8[%swap3A_1451, %swap3A_1452], %swap3A_1455 {strides = array<i32>} : memref<320x128xf32, #tpu.memory_space<vmem>>, vector<1x16xf32>,
      %mul3A_1456 = arith.constant 16 : i32
      %mul3A_1457 = arith.muli %scan3A_264, %mul3A_1456 : i32
      %add3A_1458 = arith.constant 13 : i32
      %add3A_1459 = arith.addi %mul3A_1457, %add3A_1458 : i32
      %swap3A_1460 = arith.index_cast %add3A_1459 : i32 to index
      %swap3A_1461 = arith.constant 112 : index
      %swap3A_1462 = tpu.vector_load %arg8[%swap3A_1460, %swap3A_1461] {strides = array<i32>} : memref<320x128xf32, #tpu.memory_space<vmem>>, vector<1x16xf32>,
      %swap3A_1463 = vector.shape_cast %swap3A_1462 : vector<1x16xf32> to vector<16xf32>
      %swap3A_1464 = vector.shape_cast %broadcast_in_dim3A_1392 : vector<16xf32> to vector<1x16xf32>
      tpu.vector_store %arg8[%swap3A_1460, %swap3A_1461], %swap3A_1464 {strides = array<i32>} : memref<320x128xf32, #tpu.memory_space<vmem>>, vector<1x16xf32>,
      %slice3A_1465 = vector.extract_strided_slice %mul3A_416 {offsets = [14], sizes = [1], strides = [1]} : vector<16xf32> to vector<1xf32>
      %squeeze3A_1466 = vector.extract %slice3A_1465[0] : f32 from vector<1xf32>
      %broadcast_in_dim3A_1467 = vector.broadcast %squeeze3A_1466 : f32 to vector<16xf32>
      %mul3A_1468 = arith.constant 16 : i32
      %mul3A_1469 = arith.muli %scan3A_264, %mul3A_1468 : i32
      %add3A_1470 = arith.constant 14 : i32
      %add3A_1471 = arith.addi %mul3A_1469, %add3A_1470 : i32
      %swap3A_1472 = arith.index_cast %add3A_1471 : i32 to index
      %swap3A_1473 = arith.constant 0 : index
      %swap3A_1474 = tpu.vector_load %arg8[%swap3A_1472, %swap3A_1473] {strides = array<i32>} : memref<320x128xf32, #tpu.memory_space<vmem>>, vector<1x16xf32>,
      %swap3A_1475 = vector.shape_cast %swap3A_1474 : vector<1x16xf32> to vector<16xf32>
      %swap3A_1476 = vector.shape_cast %broadcast_in_dim3A_1467 : vector<16xf32> to vector<1x16xf32>
      tpu.vector_store %arg8[%swap3A_1472, %swap3A_1473], %swap3A_1476 {strides = array<i32>} : memref<320x128xf32, #tpu.memory_space<vmem>>, vector<1x16xf32>,
      %mul3A_1477 = arith.constant 16 : i32
      %mul3A_1478 = arith.muli %scan3A_264, %mul3A_1477 : i32
      %add3A_1479 = arith.constant 14 : i32
      %add3A_1480 = arith.addi %mul3A_1478, %add3A_1479 : i32
      %swap3A_1481 = arith.index_cast %add3A_1480 : i32 to index
      %swap3A_1482 = arith.constant 16 : index
      %swap3A_1483 = tpu.vector_load %arg8[%swap3A_1481, %swap3A_1482] {strides = array<i32>} : memref<320x128xf32, #tpu.memory_space<vmem>>, vector<1x16xf32>,
      %swap3A_1484 = vector.shape_cast %swap3A_1483 : vector<1x16xf32> to vector<16xf32>
      %swap3A_1485 = vector.shape_cast %broadcast_in_dim3A_1467 : vector<16xf32> to vector<1x16xf32>
      tpu.vector_store %arg8[%swap3A_1481, %swap3A_1482], %swap3A_1485 {strides = array<i32>} : memref<320x128xf32, #tpu.memory_space<vmem>>, vector<1x16xf32>,
      %mul3A_1486 = arith.constant 16 : i32
      %mul3A_1487 = arith.muli %scan3A_264, %mul3A_1486 : i32
      %add3A_1488 = arith.constant 14 : i32
      %add3A_1489 = arith.addi %mul3A_1487, %add3A_1488 : i32
      %swap3A_1490 = arith.index_cast %add3A_1489 : i32 to index
      %swap3A_1491 = arith.constant 32 : index
      %swap3A_1492 = tpu.vector_load %arg8[%swap3A_1490, %swap3A_1491] {strides = array<i32>} : memref<320x128xf32, #tpu.memory_space<vmem>>, vector<1x16xf32>,
      %swap3A_1493 = vector.shape_cast %swap3A_1492 : vector<1x16xf32> to vector<16xf32>
      %swap3A_1494 = vector.shape_cast %broadcast_in_dim3A_1467 : vector<16xf32> to vector<1x16xf32>
      tpu.vector_store %arg8[%swap3A_1490, %swap3A_1491], %swap3A_1494 {strides = array<i32>} : memref<320x128xf32, #tpu.memory_space<vmem>>, vector<1x16xf32>,
      %mul3A_1495 = arith.constant 16 : i32
      %mul3A_1496 = arith.muli %scan3A_264, %mul3A_1495 : i32
      %add3A_1497 = arith.constant 14 : i32
      %add3A_1498 = arith.addi %mul3A_1496, %add3A_1497 : i32
      %swap3A_1499 = arith.index_cast %add3A_1498 : i32 to index
      %swap3A_1500 = arith.constant 48 : index
      %swap3A_1501 = tpu.vector_load %arg8[%swap3A_1499, %swap3A_1500] {strides = array<i32>} : memref<320x128xf32, #tpu.memory_space<vmem>>, vector<1x16xf32>,
      %swap3A_1502 = vector.shape_cast %swap3A_1501 : vector<1x16xf32> to vector<16xf32>
      %swap3A_1503 = vector.shape_cast %broadcast_in_dim3A_1467 : vector<16xf32> to vector<1x16xf32>
      tpu.vector_store %arg8[%swap3A_1499, %swap3A_1500], %swap3A_1503 {strides = array<i32>} : memref<320x128xf32, #tpu.memory_space<vmem>>, vector<1x16xf32>,
      %mul3A_1504 = arith.constant 16 : i32
      %mul3A_1505 = arith.muli %scan3A_264, %mul3A_1504 : i32
      %add3A_1506 = arith.constant 14 : i32
      %add3A_1507 = arith.addi %mul3A_1505, %add3A_1506 : i32
      %swap3A_1508 = arith.index_cast %add3A_1507 : i32 to index
      %swap3A_1509 = arith.constant 64 : index
      %swap3A_1510 = tpu.vector_load %arg8[%swap3A_1508, %swap3A_1509] {strides = array<i32>} : memref<320x128xf32, #tpu.memory_space<vmem>>, vector<1x16xf32>,
      %swap3A_1511 = vector.shape_cast %swap3A_1510 : vector<1x16xf32> to vector<16xf32>
      %swap3A_1512 = vector.shape_cast %broadcast_in_dim3A_1467 : vector<16xf32> to vector<1x16xf32>
      tpu.vector_store %arg8[%swap3A_1508, %swap3A_1509], %swap3A_1512 {strides = array<i32>} : memref<320x128xf32, #tpu.memory_space<vmem>>, vector<1x16xf32>,
      %mul3A_1513 = arith.constant 16 : i32
      %mul3A_1514 = arith.muli %scan3A_264, %mul3A_1513 : i32
      %add3A_1515 = arith.constant 14 : i32
      %add3A_1516 = arith.addi %mul3A_1514, %add3A_1515 : i32
      %swap3A_1517 = arith.index_cast %add3A_1516 : i32 to index
      %swap3A_1518 = arith.constant 80 : index
      %swap3A_1519 = tpu.vector_load %arg8[%swap3A_1517, %swap3A_1518] {strides = array<i32>} : memref<320x128xf32, #tpu.memory_space<vmem>>, vector<1x16xf32>,
      %swap3A_1520 = vector.shape_cast %swap3A_1519 : vector<1x16xf32> to vector<16xf32>
      %swap3A_1521 = vector.shape_cast %broadcast_in_dim3A_1467 : vector<16xf32> to vector<1x16xf32>
      tpu.vector_store %arg8[%swap3A_1517, %swap3A_1518], %swap3A_1521 {strides = array<i32>} : memref<320x128xf32, #tpu.memory_space<vmem>>, vector<1x16xf32>,
      %mul3A_1522 = arith.constant 16 : i32
      %mul3A_1523 = arith.muli %scan3A_264, %mul3A_1522 : i32
      %add3A_1524 = arith.constant 14 : i32
      %add3A_1525 = arith.addi %mul3A_1523, %add3A_1524 : i32
      %swap3A_1526 = arith.index_cast %add3A_1525 : i32 to index
      %swap3A_1527 = arith.constant 96 : index
      %swap3A_1528 = tpu.vector_load %arg8[%swap3A_1526, %swap3A_1527] {strides = array<i32>} : memref<320x128xf32, #tpu.memory_space<vmem>>, vector<1x16xf32>,
      %swap3A_1529 = vector.shape_cast %swap3A_1528 : vector<1x16xf32> to vector<16xf32>
      %swap3A_1530 = vector.shape_cast %broadcast_in_dim3A_1467 : vector<16xf32> to vector<1x16xf32>
      tpu.vector_store %arg8[%swap3A_1526, %swap3A_1527], %swap3A_1530 {strides = array<i32>} : memref<320x128xf32, #tpu.memory_space<vmem>>, vector<1x16xf32>,
      %mul3A_1531 = arith.constant 16 : i32
      %mul3A_1532 = arith.muli %scan3A_264, %mul3A_1531 : i32
      %add3A_1533 = arith.constant 14 : i32
      %add3A_1534 = arith.addi %mul3A_1532, %add3A_1533 : i32
      %swap3A_1535 = arith.index_cast %add3A_1534 : i32 to index
      %swap3A_1536 = arith.constant 112 : index
      %swap3A_1537 = tpu.vector_load %arg8[%swap3A_1535, %swap3A_1536] {strides = array<i32>} : memref<320x128xf32, #tpu.memory_space<vmem>>, vector<1x16xf32>,
      %swap3A_1538 = vector.shape_cast %swap3A_1537 : vector<1x16xf32> to vector<16xf32>
      %swap3A_1539 = vector.shape_cast %broadcast_in_dim3A_1467 : vector<16xf32> to vector<1x16xf32>
      tpu.vector_store %arg8[%swap3A_1535, %swap3A_1536], %swap3A_1539 {strides = array<i32>} : memref<320x128xf32, #tpu.memory_space<vmem>>, vector<1x16xf32>,
      %slice3A_1540 = vector.extract_strided_slice %mul3A_416 {offsets = [15], sizes = [1], strides = [1]} : vector<16xf32> to vector<1xf32>
      %squeeze3A_1541 = vector.extract %slice3A_1540[0] : f32 from vector<1xf32>
      %broadcast_in_dim3A_1542 = vector.broadcast %squeeze3A_1541 : f32 to vector<16xf32>
      %mul3A_1543 = arith.constant 16 : i32
      %mul3A_1544 = arith.muli %scan3A_264, %mul3A_1543 : i32
      %add3A_1545 = arith.constant 15 : i32
      %add3A_1546 = arith.addi %mul3A_1544, %add3A_1545 : i32
      %swap3A_1547 = arith.index_cast %add3A_1546 : i32 to index
      %swap3A_1548 = arith.constant 0 : index
      %swap3A_1549 = tpu.vector_load %arg8[%swap3A_1547, %swap3A_1548] {strides = array<i32>} : memref<320x128xf32, #tpu.memory_space<vmem>>, vector<1x16xf32>,
      %swap3A_1550 = vector.shape_cast %swap3A_1549 : vector<1x16xf32> to vector<16xf32>
      %swap3A_1551 = vector.shape_cast %broadcast_in_dim3A_1542 : vector<16xf32> to vector<1x16xf32>
      tpu.vector_store %arg8[%swap3A_1547, %swap3A_1548], %swap3A_1551 {strides = array<i32>} : memref<320x128xf32, #tpu.memory_space<vmem>>, vector<1x16xf32>,
      %mul3A_1552 = arith.constant 16 : i32
      %mul3A_1553 = arith.muli %scan3A_264, %mul3A_1552 : i32
      %add3A_1554 = arith.constant 15 : i32
      %add3A_1555 = arith.addi %mul3A_1553, %add3A_1554 : i32
      %swap3A_1556 = arith.index_cast %add3A_1555 : i32 to index
      %swap3A_1557 = arith.constant 16 : index
      %swap3A_1558 = tpu.vector_load %arg8[%swap3A_1556, %swap3A_1557] {strides = array<i32>} : memref<320x128xf32, #tpu.memory_space<vmem>>, vector<1x16xf32>,
      %swap3A_1559 = vector.shape_cast %swap3A_1558 : vector<1x16xf32> to vector<16xf32>
      %swap3A_1560 = vector.shape_cast %broadcast_in_dim3A_1542 : vector<16xf32> to vector<1x16xf32>
      tpu.vector_store %arg8[%swap3A_1556, %swap3A_1557], %swap3A_1560 {strides = array<i32>} : memref<320x128xf32, #tpu.memory_space<vmem>>, vector<1x16xf32>,
      %mul3A_1561 = arith.constant 16 : i32
      %mul3A_1562 = arith.muli %scan3A_264, %mul3A_1561 : i32
      %add3A_1563 = arith.constant 15 : i32
      %add3A_1564 = arith.addi %mul3A_1562, %add3A_1563 : i32
      %swap3A_1565 = arith.index_cast %add3A_1564 : i32 to index
      %swap3A_1566 = arith.constant 32 : index
      %swap3A_1567 = tpu.vector_load %arg8[%swap3A_1565, %swap3A_1566] {strides = array<i32>} : memref<320x128xf32, #tpu.memory_space<vmem>>, vector<1x16xf32>,
      %swap3A_1568 = vector.shape_cast %swap3A_1567 : vector<1x16xf32> to vector<16xf32>
      %swap3A_1569 = vector.shape_cast %broadcast_in_dim3A_1542 : vector<16xf32> to vector<1x16xf32>
      tpu.vector_store %arg8[%swap3A_1565, %swap3A_1566], %swap3A_1569 {strides = array<i32>} : memref<320x128xf32, #tpu.memory_space<vmem>>, vector<1x16xf32>,
      %mul3A_1570 = arith.constant 16 : i32
      %mul3A_1571 = arith.muli %scan3A_264, %mul3A_1570 : i32
      %add3A_1572 = arith.constant 15 : i32
      %add3A_1573 = arith.addi %mul3A_1571, %add3A_1572 : i32
      %swap3A_1574 = arith.index_cast %add3A_1573 : i32 to index
      %swap3A_1575 = arith.constant 48 : index
      %swap3A_1576 = tpu.vector_load %arg8[%swap3A_1574, %swap3A_1575] {strides = array<i32>} : memref<320x128xf32, #tpu.memory_space<vmem>>, vector<1x16xf32>,
      %swap3A_1577 = vector.shape_cast %swap3A_1576 : vector<1x16xf32> to vector<16xf32>
      %swap3A_1578 = vector.shape_cast %broadcast_in_dim3A_1542 : vector<16xf32> to vector<1x16xf32>
      tpu.vector_store %arg8[%swap3A_1574, %swap3A_1575], %swap3A_1578 {strides = array<i32>} : memref<320x128xf32, #tpu.memory_space<vmem>>, vector<1x16xf32>,
      %mul3A_1579 = arith.constant 16 : i32
      %mul3A_1580 = arith.muli %scan3A_264, %mul3A_1579 : i32
      %add3A_1581 = arith.constant 15 : i32
      %add3A_1582 = arith.addi %mul3A_1580, %add3A_1581 : i32
      %swap3A_1583 = arith.index_cast %add3A_1582 : i32 to index
      %swap3A_1584 = arith.constant 64 : index
      %swap3A_1585 = tpu.vector_load %arg8[%swap3A_1583, %swap3A_1584] {strides = array<i32>} : memref<320x128xf32, #tpu.memory_space<vmem>>, vector<1x16xf32>,
      %swap3A_1586 = vector.shape_cast %swap3A_1585 : vector<1x16xf32> to vector<16xf32>
      %swap3A_1587 = vector.shape_cast %broadcast_in_dim3A_1542 : vector<16xf32> to vector<1x16xf32>
      tpu.vector_store %arg8[%swap3A_1583, %swap3A_1584], %swap3A_1587 {strides = array<i32>} : memref<320x128xf32, #tpu.memory_space<vmem>>, vector<1x16xf32>,
      %mul3A_1588 = arith.constant 16 : i32
      %mul3A_1589 = arith.muli %scan3A_264, %mul3A_1588 : i32
      %add3A_1590 = arith.constant 15 : i32
      %add3A_1591 = arith.addi %mul3A_1589, %add3A_1590 : i32
      %swap3A_1592 = arith.index_cast %add3A_1591 : i32 to index
      %swap3A_1593 = arith.constant 80 : index
      %swap3A_1594 = tpu.vector_load %arg8[%swap3A_1592, %swap3A_1593] {strides = array<i32>} : memref<320x128xf32, #tpu.memory_space<vmem>>, vector<1x16xf32>,
      %swap3A_1595 = vector.shape_cast %swap3A_1594 : vector<1x16xf32> to vector<16xf32>
      %swap3A_1596 = vector.shape_cast %broadcast_in_dim3A_1542 : vector<16xf32> to vector<1x16xf32>
      tpu.vector_store %arg8[%swap3A_1592, %swap3A_1593], %swap3A_1596 {strides = array<i32>} : memref<320x128xf32, #tpu.memory_space<vmem>>, vector<1x16xf32>,
      %mul3A_1597 = arith.constant 16 : i32
      %mul3A_1598 = arith.muli %scan3A_264, %mul3A_1597 : i32
      %add3A_1599 = arith.constant 15 : i32
      %add3A_1600 = arith.addi %mul3A_1598, %add3A_1599 : i32
      %swap3A_1601 = arith.index_cast %add3A_1600 : i32 to index
      %swap3A_1602 = arith.constant 96 : index
      %swap3A_1603 = tpu.vector_load %arg8[%swap3A_1601, %swap3A_1602] {strides = array<i32>} : memref<320x128xf32, #tpu.memory_space<vmem>>, vector<1x16xf32>,
      %swap3A_1604 = vector.shape_cast %swap3A_1603 : vector<1x16xf32> to vector<16xf32>
      %swap3A_1605 = vector.shape_cast %broadcast_in_dim3A_1542 : vector<16xf32> to vector<1x16xf32>
      tpu.vector_store %arg8[%swap3A_1601, %swap3A_1602], %swap3A_1605 {strides = array<i32>} : memref<320x128xf32, #tpu.memory_space<vmem>>, vector<1x16xf32>,
      %mul3A_1606 = arith.constant 16 : i32
      %mul3A_1607 = arith.muli %scan3A_264, %mul3A_1606 : i32
      %add3A_1608 = arith.constant 15 : i32
      %add3A_1609 = arith.addi %mul3A_1607, %add3A_1608 : i32
      %swap3A_1610 = arith.index_cast %add3A_1609 : i32 to index
      %swap3A_1611 = arith.constant 112 : index
      %swap3A_1612 = tpu.vector_load %arg8[%swap3A_1610, %swap3A_1611] {strides = array<i32>} : memref<320x128xf32, #tpu.memory_space<vmem>>, vector<1x16xf32>,
      %swap3A_1613 = vector.shape_cast %swap3A_1612 : vector<1x16xf32> to vector<16xf32>
      %swap3A_1614 = vector.shape_cast %broadcast_in_dim3A_1542 : vector<16xf32> to vector<1x16xf32>
      tpu.vector_store %arg8[%swap3A_1610, %swap3A_1611], %swap3A_1614 {strides = array<i32>} : memref<320x128xf32, #tpu.memory_space<vmem>>, vector<1x16xf32>,
    }
    %scan3A_261 = arith.constant 20 : i32
    %mul3A_262 = arith.constant 320 : i32
    %mul3A_263 = arith.muli %add3A, %mul3A_262 : i32
    "tpu.region"() ({
      %run_scoped3A_264 = tpu.sem_alloc : memref<!tpu.dma_semaphore, #tpu.memory_space<semaphore_mem>>
      %dma_start3A = arith.constant 0 : i32
      %dma_start3A_265 = tpu.memref_slice %arg4[%mul3A_263, %dma_start3A] : memref<10240x128xf32, #tpu.memory_space<hbm>> -> memref<320x128xf32, #tpu.memory_space<hbm>>
      %dma_start3A_266 = arith.constant 0 : i32
      %dma_start3A_267 = tpu.memref_slice %arg4[%mul3A_263, %dma_start3A_266] : memref<10240x128xf32, #tpu.memory_space<hbm>> -> memref<320x128xf32, #tpu.memory_space<hbm>>
      tpu.enqueue_dma source(%arg8 : memref<320x128xf32, #tpu.memory_space<vmem>>) target(%dma_start3A_267 : memref<320x128xf32, #tpu.memory_space<hbm>>) target_semaphore(%run_scoped3A_264 : memref<!tpu.dma_semaphore, #tpu.memory_space<semaphore_mem>>)
      %dma_wait3A = arith.constant 0 : i32
      %dma_wait3A_268 = tpu.memref_slice %arg4[%mul3A_263, %dma_wait3A] : memref<10240x128xf32, #tpu.memory_space<hbm>> -> memref<320x128xf32, #tpu.memory_space<hbm>>
      %dma_wait3A_269 = arith.constant 0 : i32
      %dma_wait3A_270 = tpu.memref_slice %arg4[%mul3A_263, %dma_wait3A_269] : memref<10240x128xf32, #tpu.memory_space<hbm>> -> memref<320x128xf32, #tpu.memory_space<hbm>>
      tpu.wait_dma2 semaphore(%run_scoped3A_264 : memref<!tpu.dma_semaphore, #tpu.memory_space<semaphore_mem>>) src(%arg8 : memref<320x128xf32, #tpu.memory_space<vmem>>) dst(%dma_wait3A_270 : memref<320x128xf32, #tpu.memory_space<hbm>>)
      tpu.yield
    }) : () -> ()
    return
  }
}

</mosaic_0001>

<sc_bundles>
// kernel: _sc_prep.3.cloned.1.call-start
scs
__scs_entry_jumppad:
0x0: {  	(pc) =	sbr.rel $0x88, $3  }
0x1: {  	(tag) =	ssettag $0x0;
	lr =	simm.s32 $0x1  }
0x2: {  	[smem:$0x3F9F] =	sst lr;
	_ =	strace $0xD0000000  }
0x3: {  	_ = 	snop  }
0x4: {  	_ = 	snop  }
0x5: {  	_ = 	snop  }
0x6: {  	_ = 	snop  }
0x7: {  	_ = 	snop  }
__scs_overlays_trampoline_lowered:
0x8: {  	[smem:$0x3FAE] =	sst s0  }
0x9: {  	[smem:$0x3FAF] =	sst s1  }
0xa: {  	[smem:$0x3FB0] =	sst s2  }
0xb: {  	[smem:$0x3FB1] =	sst s3  }
0xc: {  	[smem:$0x3FB2] =	sst s4  }
0xd: {  	[smem:$0x3FB3] =	sst s5  }
0xe: {  	[smem:$0x3FB4] =	sst s6  }
0xf: {  	[smem:$0x3FB5] =	sst s7  }
0x10: {  	[smem:$0x3FB6] =	sst s8  }
0x11: {  	[smem:$0x3FB7] =	sst s9;
	s0 =	simm.s32 @!p0 $0x0  }
0x12: {  	s1 =	sld [smem:$0x3F9D];
	s0 =	simm.s32 @p0 $0x1  }
0x13: {  	[smem:$0x3FB8] =	sst s0;
	s0 =	simm.s32 @!p1 $0x0  }
0x14: {  	s2 =	sld [smem:$0x3F9C];
	s0 =	simm.s32 @p1 $0x1  }
0x15: {  	[smem:$0x3FB9] =	sst s0;
	s0 =	simm.s32 @!p2 $0x0  }
0x16: {  	s3 =	sld [smem:$0x3FDB];
	s0 =	simm.s32 @p2 $0x1  }
0x17: {  	s4 =	simm.s32 $0x1BF5;
	[smem:$0x3FBB] =	sst s0  }
0x18: {  	s0 =	sld [smem:$0x3F9E];
	_ =	swait.ge [sflag:s4], $0x0  }
0x19: {  	s7 =	sld [smem:$0x3F9F]  }
0x1a: {  	s8 =	sadd.s32 $0xFFFFE003, lr  }
0x1b: {  	s9 =	sadd.s32 $0xFFFFFEF7, lr;
	s5 =	simm.s32 $0xFFFFFFFF;
	p2 =	slt.u32 s8, $0xFFFFF086  }
0x1c: {  	p1 =	slt.u32 s9, $0xF7A;
	s5 =	simm.s32 @!p2 $0x0  }
0x1d: {  	s5 =	simm.s32 @p1 $0x1;
	p0 =	seq.s32 s7, s2  }
0x1e: {  	s7 =	smul.u32 @!p0 $0xF7A, s2;
	p2 =	seq.s32 @!p0 s5, $0x0  }
0x1f: {  	s9 =	smul.u32 $0xF7A, s1;
	s8 =	simm.s32 @!p0 $0x1BF5;
	p2 =	por !p2, p0  }
0x20: {  	[sflag:s8] =	ssyncset.s32 @!p0 $0xFFFFF086;
	s6 =	sadd.s32 @!p0 s3, s7;
	s7 =	simm.s32 @!p0 $0x108  }
0x21: {  	s3 =	sadd.s32 s3, s9;
	s6 =	sadd.s32 @!p0 $0x88, s6;
	s7 =	simm.s32 @p2 $0x1082  }
0x22: {  	[simem:s7], [sflag:s8] =	dma.local @!p0 [hbm:s6], $0xF7A  }
0x23: {  	s9 =	sor.u32 $0xD0000000, s2;
	s6 =	simm.s32 $0x108;
	_ =	swait.ge @!p0 [sflag:s8], $0x0  }
0x24: {  	s3 =	sadd.s32 $0x88, s3;
	s6 =	simm.s32 @!p1 $0x1082;
	[sflag:s4] =	ssyncset.s32 $0xFFFFF086  }
0x25: {  	[simem:s6], [sflag:s4] =	dma.local [hbm:s3], $0xF7A  }
0x26: {  	[smem:$0x3F9F] =	sst s1;
	(tag) =	ssettag s2;
	_ =	strace s9  }
0x27: {  	s1 =	sld [smem:$0x3FAF]  }
0x28: {  	s2 =	sld [smem:$0x3FB0]  }
0x29: {  	s4 =	sld [smem:$0x3FB2]  }
0x2a: {  	p0 =	seq.s32 s5, $0x0;
	s5 =	sld [smem:$0x3FB3]  }
0x2b: {  	s6 =	sld [smem:$0x3FB4]  }
0x2c: {  	s7 =	sld [smem:$0x3FB5]  }
0x2d: {  	s3 =	simm.s32 $0x108;
	s8 =	sld [smem:$0x3FB6]  }
0x2e: {  	s3 =	simm.s32 @!p0 $0x1082;
	s9 =	sld [smem:$0x3FB7]  }
0x2f: {  	lr =	sadd.s32 s0, s3;
	s0 =	sld [smem:$0x3FAE]  }
0x30: {  	s3 =	sld [smem:$0x3FB1]  }
0x31: {  	[smem:$0x3FBA] =	sst s10  }
0x32: {  	s10 =	sld [smem:$0x3FB8];
	_ =	sdelay $0x3  }
0x33: {  	p0 =	seq.s32 s10, $0x1;
	s10 =	sld [smem:$0x3FBA];
	_ =	sdelay $0x3  }
0x34: {  	[smem:$0x3FBA] =	sst s10  }
0x35: {  	s10 =	sld [smem:$0x3FB9];
	_ =	sdelay $0x3  }
0x36: {  	p1 =	seq.s32 s10, $0x1;
	s10 =	sld [smem:$0x3FBA];
	_ =	sdelay $0x3  }
0x37: {  	[smem:$0x3FBA] =	sst s10  }
0x38: {  	s10 =	sld [smem:$0x3FBB]  }
0x39: {  	_ = 	snop;
	(pc) =	sbr.ind lr, $3  }
0x3a: {  	_ = 	snop  }
0x3b: {  	_ = 	snop  }
0x3c: {  	p2 =	seq.s32 s10, $0x1;
	s10 =	sld [smem:$0x3FBA]  }
0x3d: {  	_ =	shalt  }
0x3e: {  	_ =	shalt  }
0x3f: {  	_ =	shalt  }
0x40: {  	_ =	shalt  }
0x41: {  	_ =	shalt  }
0x42: {  	_ =	shalt  }
0x43: {  	_ =	shalt  }
0x44: {  	_ =	shalt  }
0x45: {  	_ =	shalt  }
0x46: {  	_ =	shalt  }
0x47: {  	_ =	shalt  }
0x48: {  	_ =	shalt  }
0x49: {  	_ =	shalt  }
0x4a: {  	_ =	shalt  }
0x4b: {  	_ =	shalt  }
0x4c: {  	_ =	shalt  }
0x4d: {  	_ =	shalt  }
0x4e: {  	_ =	shalt  }
0x4f: {  	_ =	shalt  }
0x50: {  	_ =	shalt  }
0x51: {  	_ =	shalt  }
0x52: {  	_ =	shalt  }
0x53: {  	_ =	shalt  }
0x54: {  	_ =	shalt  }
0x55: {  	_ =	shalt  }
0x56: {  	_ =	shalt  }
0x57: {  	_ =	shalt  }
0x58: {  	_ =	shalt  }
0x59: {  	_ =	shalt  }
0x5a: {  	_ =	shalt  }
0x5b: {  	_ =	shalt  }
0x5c: {  	_ =	shalt  }
0x5d: {  	_ =	shalt  }
0x5e: {  	_ =	shalt  }
0x5f: {  	_ =	shalt  }
0x60: {  	_ =	shalt  }
0x61: {  	_ =	shalt  }
0x62: {  	_ =	shalt  }
0x63: {  	_ =	shalt  }
0x64: {  	_ =	shalt  }
0x65: {  	_ =	shalt  }
0x66: {  	_ =	shalt  }
0x67: {  	_ =	shalt  }
0x68: {  	_ =	shalt  }
0x69: {  	_ =	shalt  }
0x6a: {  	_ =	shalt  }
0x6b: {  	_ =	shalt  }
0x6c: {  	_ =	shalt  }
0x6d: {  	_ =	shalt  }
0x6e: {  	_ =	shalt  }
0x6f: {  	_ =	shalt  }
0x70: {  	_ =	shalt  }
0x71: {  	_ =	shalt  }
0x72: {  	_ =	shalt  }
0x73: {  	_ =	shalt  }
0x74: {  	_ =	shalt  }
0x75: {  	_ =	shalt  }
0x76: {  	_ =	shalt  }
0x77: {  	_ =	shalt  }
0x78: {  	_ =	shalt  }
0x79: {  	_ =	shalt  }
0x7a: {  	_ =	shalt  }
0x7b: {  	_ =	shalt  }
0x7c: {  	_ =	shalt  }
0x7d: {  	_ =	shalt  }
0x7e: {  	_ =	shalt  }
0x7f: {  	_ =	shalt  }
0x80: {  	_ =	shalt  }
0x81: {  	_ =	shalt  }
0x82: {  	_ =	shalt  }
0x83: {  	_ =	shalt  }
0x84: {  	_ =	shalt  }
0x85: {  	_ =	shalt  }
0x86: {  	_ =	shalt  }
0x87: {  	_ =	shalt  }
.Lfunc_end0:
.L_simem_size_0:
called_computation_lowered:
.L_overlay_start_0:
0x88: {  	s2 =	sld [smem:$0x3FD9]  }
0x89: {  	s3 =	sld [smem:$0x3FFE];
	_ =	sdelay $0x1  }
0x8a: {  	s1 =	srdreg.scid  }
0x8b: {  	s0 =	sand.u32 $0x1, s1  }
0x8c: {  	s18 =	sshll.u32 s0, $0xA;
	s2 =	sadd.s32 s3, s2  }
0x8d: {  	s2 =	sadd.s32 s2, s18  }
0x8e: {  	[smem:$0x3FC6] =	sst s2  }
0x8f: {  	_ = 	snop  }
0x90: {  	s2 =	sld [smem:$0x3FC9]  }
0x91: {  	s19 =	sld [smem:$0x3FC8]  }
0x92: {  	s4 =	sld [smem:$0x3FD0];
	(tm) =	ssettm $0x1  }
0x93: {  	s5 =	sld [smem:$0x3FFB];
	_ =	sdelay $0x3  }
0x94: {  	_ =	strace s5  }
0x95: {  	s5 =	sld [smem:$0x3FFC];
	_ =	sdelay $0x3  }
0x96: {  	_ =	strace s5  }
0x97: {  	s5 =	sld [smem:$0x3FFD];
	_ =	sdelay $0x3  }
0x98: {  	_ =	strace s5  }
0x99: {  	_ =	strace $0x8FFFFFFF  }
0x9a: {  	s20 =	sld [smem:$0x3FDB];
	_ =	sdelay $0x1  }
0x9b: {  	s6 =	simm.s32 $_scs_section_size  }
0x9c: {  	s7 =	simm.s32 $_size__tile_overlayer_lowered;
	s8 =	simm.s32 $_tile_overlayer_lowered  }
0x9d: {  	s23 =	simm.s32 $0x1BFF;
	s22 =	sshll.u32 s8, $0x1;
	s5 =	sadd.s32 s6, s20  }
0x9e: {  	s9 =	simm.s32 $0x0;
	s21 =	sshll.u32 s7, $0x1;
	s7 =	sadd.s32 s22, s5  }
0x9f: {  	[timem:s9], [sflag:s23] =	dma.local [hbm:s7], s21  }
0xa0: {  	_ =	swait.ge [sflag:s23], s21  }
0xa1: {  	s6 =	ssub.s32 $0x0, s21;
	[sflag:s23] =	ssyncset.done $0x0  }
0xa2: {  	[sflag:s23] =	ssyncadd.s32 s6;
	_ =	sdelay $0x1  }
0xa3: {  	s24 =	simm.s32 $0x1B8B  }
0xa4: {  	_ =	swait.ge [sflag:s24], $0x1  }
0xa5: {  	[sflag:s24] =	ssyncset.done $0x0  }
0xa6: {  	s25 =	simm.s32 $0x1B8E;
	[sflag:s24] =	ssyncadd.s32 $0xFFFFFFFF  }
0xa7: {  	s26 =	simm.s32 $execute0_lowered;
	[smem:$0x3FD2] =	sst s25  }
0xa8: {  	s6 =	sshll.u32 s26, $0x1;
	_ =	strace $0x80000046;
	[dreg:$0x1] =	wrdreg $0xFFFFFFFF  }
0xa9: {  	s28 =	simm.s32 $_size_execute0_lowered;
	s5 =	sadd.s32 s5, s6;
	[dreg:$0x0] =	wrdreg $0x0  }
0xaa: {  	s6 =	sshll.u32 s28, $0x1;
	[dreg:$0x2] =	wrdreg s5  }
0xab: {  	[dreg:$0x3] =	wrdreg s6  }
0xac: {  	[dreg:$0x4] =	wrdreg $0xC0  }
0xad: {  	_ =	task [dreg:s9], $0x5FFFF  }
0xae: {  	[dreg:$0x1] =	wrdreg $0xFFFFFFFF  }
0xaf: {  	[dreg:$0x0] =	wrdreg $0x60  }
0xb0: {  	[dreg:$0x2] =	wrdreg s2  }
0xb1: {  	[dreg:$0x3] =	wrdreg s19  }
0xb2: {  	[dreg:$0x4] =	wrdreg s4  }
0xb3: {  	[dreg:$0x5] =	wrdreg $0x152800  }
0xb4: {  	[dreg:$0x6] =	wrdreg $0x9  }
0xb5: {  	_ =	task.clear_ibuf [dreg:s9], $0x7FFFF;
	_ =	strace $0x90000046  }
0xb6: {  	s29 =	simm.s32 $0x9;
	_ =	strace $0x80000048  }
0xb7: {  	_ =	swait.ge [sflag:s29], $0x1  }
0xb8: {  	[sflag:s29] =	ssyncadd.s32 $0xFFFFFFFF  }
0xb9: {  	_ =	strace $0x90000048  }
0xba: {  	_ =	sfence  }
0xbb: {  	s30 =	sld [smem:$0x0];
	_ =	sdelay $0x2  }
0xbc: {  	s31 =	sshll.u32 s1, $0xD;
	s1 =	sshrl.u32 s1, $0x2  }
0xbd: {  	s3 =	sand.u32 $0x4000, s31;
	s1 =	sadd.s32 s1, s30  }
0xbe: {  	s0 =	sor.u32 s3, s0;
	s1 =	sshll.u32 s1, $0x11  }
0xbf: {  	s0 =	sor.u32 s1, s0  }
0xc0: {  	s0 =	sadd.s32 $0x8F2B, s0  }
0xc1: {  	[sflag:s0] =	ssyncadd.remote.s32 $0x1  }
0xc2: {  	_ =	sfence.sel $0xFFFF  }
0xc3: {  	[dreg:$0x0] =	wrdreg $0xFFFFFFFF;
	(pc) =	sbr.abs _section_cstart, $3  }
0xc4: {  	[dreg:$0x1] =	wrdreg $0xFFFFFFFF  }
0xc5: {  	_ =	task.clear_ibuf [dreg:s9], $0x2FFFF;
	_ =	strace $0x9FFFFFFF  }
0xc6: {  	(tm) =	ssettm $0x7FFFFFFF  }
0xc7: {  	_ =	shalt  }
tec
execute0_lowered:
.L_overlay_start_1:
0x0: {  	(tag) =	ssettag $0x1  }
0x1: {  	s5 =	rddreg [dreg:$0x0]  }
0x2: {  	s7 =	rddreg [dreg:$0x1]  }
0x3: {  	s10 =	rddreg [dreg:$0x2]  }
0x4: {  	s1 =	rddreg [dreg:$0x3]  }
0x5: {  	s2 =	srdreg.scid;
	s0 =	rddreg [dreg:$0x4]  }
0x6: {  	s3 =	simm.s32 $0x0;
	s15 =	simm.s32 $0x8400;
	s16 =	simm.s32 $0xB000  }
0x7: {  	s17 =	simm.s32 $0x80;
	s18 =	simm.s32 $0x1;
	s19 =	simm.s32 $0xB280  }
0x8: {  	s20 =	simm.s32 $0x0;
	s4 =	sand.u32 $0x1, s2;
	s2 =	stileid.u32  }
0x9: {  	[smem:$0x7FF] =	sst s3;
	s6 =	ssub.s32 $0x2, s4;
	s9 =	smul.u32 $0x2C00, s2  }
0xa: {  	_ =	strace $0x80000047;
	s28 =	sshll.u32 s2, $0x1;
	s29 =	smul.u32 $0x580, s2  }
0xb: {  	s13 =	smul.u32 $0xA00, s2;
	s8 =	sshrl.u32 s6, $0x1;
	s12 =	sor.u32 s4, s28  }
0xc: {  	s11 =	ssub.s32 s6, s8;
	s9 =	sshrl.u32 s9, $0x3;
	s4 =	sadd.s32 s5, s29  }
0xd: {  	s14 =	smul.u32 $0x500, s12;
	s6 =	sadd.s32 s7, s29;
	s30 =	sshrl.u32 s13, $0x2  }
0xe: {  	s12 =	smul.u32 $0x1400, s12;
	s13 =	simm.s32 $0x2C00;
	s9 =	sadd.s32 $0x5800, s9  }
0xf: {  	s8 =	sadd.s32 s30, s1;
	s11 =	smax.u32 s11, $0x1;
	s5 =	sadd.s32 s5, s9  }
0x10: {  	s7 =	sadd.s32 s7, s9;
	s31 =	sshrl.u32 s14, $0x2;
	s10 =	sadd.s32 s10, s12  }
0x11: {  	v0 =	vimm.f32 $0.0e+00;
	s12 =	simm.s32 $0x2;
	s14 =	simm.s32 $0x5800;
	s9 =	sadd.s32 s31, s1  }
.LBB2_1:
0x12: {  	[tilespmem:s3], [sflag:$0x2] =	stream.linear.gather [hbm4b:s4+s3], $0x2C00, $0x38;
	[tilespmem:$0x15500] =	vst v63  }
0x13: {  	_ =	swait.ge [sflag:s12], $0x2C00  }
0x14: {  	[sflag:s12] =	ssyncset.done $0x0  }
0x15: {  	[sflag:s12] =	ssyncadd.s32 $0xFFFFD400  }
0x16: {  	[tilespmem:s13], [sflag:$0x2] =	stream.linear.gather [hbm4b:s5+s3], $0x2C00, $0x38;
	[tilespmem:$0x15500] =	vst v63  }
0x17: {  	_ =	swait.ge [sflag:s12], $0x2C00  }
0x18: {  	[sflag:s12] =	ssyncset.done $0x0  }
0x19: {  	[sflag:s12] =	ssyncadd.s32 $0xFFFFD400  }
0x1a: {  	[tilespmem:s14], [sflag:$0x2] =	stream.linear.gather [hbm4b:s6+s3], $0x2C00, $0x38;
	[tilespmem:$0x15500] =	vst v63  }
0x1b: {  	_ =	swait.ge [sflag:s12], $0x2C00  }
0x1c: {  	[sflag:s12] =	ssyncset.done $0x0  }
0x1d: {  	[sflag:s12] =	ssyncadd.s32 $0xFFFFD400  }
0x1e: {  	[tilespmem:s15], [sflag:$0x2] =	stream.linear.gather [hbm4b:s7+s3], $0x2C00, $0x38;
	[tilespmem:$0x15500] =	vst v63  }
0x1f: {  	_ =	swait.ge [sflag:s12], $0x2C00  }
0x20: {  	[sflag:s12] =	ssyncset.done $0x0  }
0x21: {  	[sflag:s12] =	ssyncadd.s32 $0xFFFFD400  }
0x22: {  	[tilespmem:$0xB000] =	vst v0  }
0x23: {  	[tilespmem:$0xB010] =	vst v0  }
0x24: {  	[tilespmem:$0xB020] =	vst v0  }
0x25: {  	[tilespmem:$0xB030] =	vst v0  }
0x26: {  	[tilespmem:$0xB040] =	vst v0  }
0x27: {  	[tilespmem:$0xB050] =	vst v0  }
0x28: {  	[tilespmem:$0xB060] =	vst v0  }
0x29: {  	[tilespmem:$0xB070] =	vst v0  }
0x2a: {  	[tilespmem:$0xB080] =	vst v0  }
0x2b: {  	[tilespmem:$0xB090] =	vst v0  }
0x2c: {  	[tilespmem:$0xB0A0] =	vst v0  }
0x2d: {  	[tilespmem:$0xB0B0] =	vst v0  }
0x2e: {  	[tilespmem:$0xB0C0] =	vst v0  }
0x2f: {  	[tilespmem:$0xB0D0] =	vst v0  }
0x30: {  	[tilespmem:$0xB0E0] =	vst v0  }
0x31: {  	[tilespmem:$0xB0F0] =	vst v0  }
0x32: {  	[tilespmem:$0xB100] =	vst v0  }
0x33: {  	[tilespmem:$0xB110] =	vst v0  }
0x34: {  	[tilespmem:$0xB120] =	vst v0  }
0x35: {  	[tilespmem:$0xB130] =	vst v0  }
0x36: {  	[tilespmem:$0xB140] =	vst v0  }
0x37: {  	[tilespmem:$0xB150] =	vst v0  }
0x38: {  	[tilespmem:$0xB160] =	vst v0  }
0x39: {  	[tilespmem:$0xB170] =	vst v0  }
0x3a: {  	[tilespmem:$0xB180] =	vst v0  }
0x3b: {  	[tilespmem:$0xB190] =	vst v0  }
0x3c: {  	[tilespmem:$0xB1A0] =	vst v0  }
0x3d: {  	[tilespmem:$0xB1B0] =	vst v0  }
0x3e: {  	[tilespmem:$0xB1C0] =	vst v0  }
0x3f: {  	[tilespmem:$0xB1D0] =	vst v0  }
0x40: {  	[tilespmem:$0xB1E0] =	vst v0  }
0x41: {  	[tilespmem:$0xB1F0] =	vst v0  }
0x42: {  	[tilespmem:$0xB200] =	vst v0  }
0x43: {  	[tilespmem:$0xB210] =	vst v0  }
0x44: {  	[tilespmem:$0xB220] =	vst v0  }
0x45: {  	[tilespmem:$0xB230] =	vst v0  }
0x46: {  	[tilespmem:$0xB240] =	vst v0  }
0x47: {  	[tilespmem:$0xB250] =	vst v0  }
0x48: {  	[tilespmem:$0xB260] =	vst v0  }
0x49: {  	[tilespmem:$0xB270] =	vst v0  }
0x4a: {  	[spmem:s8] =	stream.linear.scatter [tilespmem:s16], [sflag:$0x2], $0x280, $0x38;
	[tilespmem:$0x15500] =	vst v63  }
0x4b: {  	_ =	swait.ge [sflag:s12], $0x280  }
0x4c: {  	[sflag:s12] =	ssyncset.done $0x0  }
0x4d: {  	[sflag:s12] =	ssyncadd.s32 $0xFFFFFD80  }
0x4e: {  	s21 =	simm.s32 $0x0;
	s22 =	simm.s32 $0x5800;
	[bflag:$0x0] =	sbarrier.arrive $0xFFFF  }
0x4f: {  	[spmem:s1] =	stream.indirect.scatter.add.f32 [tilespmem:s22], [sflag:$0x1], $0x1, s21, s17, $0xb8;
	[tilespmem:$0x15500] =	vst v63  }
0x50: {  	s25 =	simm.s32 $0x5880;
	s26 =	simm.s32 $0x80  }
0x51: {  	[spmem:s1] =	stream.indirect.scatter.add.f32 [tilespmem:s25], [sflag:$0x1], $0x1, s26, s17, $0xb8;
	[tilespmem:$0x15500] =	vst v63  }
0x52: {  	s28 =	simm.s32 $0x5900;
	s29 =	simm.s32 $0x100  }
0x53: {  	[spmem:s1] =	stream.indirect.scatter.add.f32 [tilespmem:s28], [sflag:$0x1], $0x1, s29, s17, $0xb8;
	[tilespmem:$0x15500] =	vst v63  }
0x54: {  	s30 =	simm.s32 $0x5980;
	s31 =	simm.s32 $0x180  }
0x55: {  	[spmem:s1] =	stream.indirect.scatter.add.f32 [tilespmem:s30], [sflag:$0x1], $0x1, s31, s17, $0xb8;
	[tilespmem:$0x15500] =	vst v63  }
0x56: {  	s23 =	simm.s32 $0x5A00;
	s24 =	simm.s32 $0x200  }
0x57: {  	[spmem:s1] =	stream.indirect.scatter.add.f32 [tilespmem:s23], [sflag:$0x1], $0x1, s24, s17, $0xb8;
	[tilespmem:$0x15500] =	vst v63  }
0x58: {  	s25 =	simm.s32 $0x5A80;
	s26 =	simm.s32 $0x280  }
0x59: {  	[spmem:s1] =	stream.indirect.scatter.add.f32 [tilespmem:s25], [sflag:$0x1], $0x1, s26, s17, $0xb8;
	[tilespmem:$0x15500] =	vst v63  }
0x5a: {  	s28 =	simm.s32 $0x5B00;
	s29 =	simm.s32 $0x300  }
0x5b: {  	[spmem:s1] =	stream.indirect.scatter.add.f32 [tilespmem:s28], [sflag:$0x1], $0x1, s29, s17, $0xb8;
	[tilespmem:$0x15500] =	vst v63  }
0x5c: {  	s30 =	simm.s32 $0x5B80;
	s31 =	simm.s32 $0x380  }
0x5d: {  	[spmem:s1] =	stream.indirect.scatter.add.f32 [tilespmem:s30], [sflag:$0x1], $0x1, s31, s17, $0xb8;
	[tilespmem:$0x15500] =	vst v63  }
0x5e: {  	s23 =	simm.s32 $0x8400;
	s24 =	simm.s32 $0x2C00  }
0x5f: {  	[spmem:s1] =	stream.indirect.scatter.add.f32 [tilespmem:s23], [sflag:$0x1], $0x1, s24, s17, $0xb8;
	[tilespmem:$0x15500] =	vst v63  }
0x60: {  	s25 =	simm.s32 $0x8480;
	s26 =	simm.s32 $0x2C80  }
0x61: {  	[spmem:s1] =	stream.indirect.scatter.add.f32 [tilespmem:s25], [sflag:$0x1], $0x1, s26, s17, $0xb8;
	[tilespmem:$0x15500] =	vst v63  }
0x62: {  	s28 =	simm.s32 $0x8500;
	s29 =	simm.s32 $0x2D00  }
0x63: {  	[spmem:s1] =	stream.indirect.scatter.add.f32 [tilespmem:s28], [sflag:$0x1], $0x1, s29, s17, $0xb8;
	[tilespmem:$0x15500] =	vst v63  }
0x64: {  	s30 =	simm.s32 $0x8580;
	s31 =	simm.s32 $0x2D80  }
0x65: {  	[spmem:s1] =	stream.indirect.scatter.add.f32 [tilespmem:s30], [sflag:$0x1], $0x1, s31, s17, $0xb8;
	[tilespmem:$0x15500] =	vst v63  }
0x66: {  	s23 =	simm.s32 $0x8600;
	s24 =	simm.s32 $0x2E00  }
0x67: {  	[spmem:s1] =	stream.indirect.scatter.add.f32 [tilespmem:s23], [sflag:$0x1], $0x1, s24, s17, $0xb8;
	[tilespmem:$0x15500] =	vst v63  }
0x68: {  	s25 =	simm.s32 $0x8680;
	s26 =	simm.s32 $0x2E80  }
0x69: {  	[spmem:s1] =	stream.indirect.scatter.add.f32 [tilespmem:s25], [sflag:$0x1], $0x1, s26, s17, $0xb8;
	[tilespmem:$0x15500] =	vst v63  }
0x6a: {  	s28 =	simm.s32 $0x8700;
	s29 =	simm.s32 $0x2F00  }
0x6b: {  	[spmem:s1] =	stream.indirect.scatter.add.f32 [tilespmem:s28], [sflag:$0x1], $0x1, s29, s17, $0xb8;
	[tilespmem:$0x15500] =	vst v63  }
0x6c: {  	s30 =	simm.s32 $0x8780;
	s31 =	simm.s32 $0x2F80  }
0x6d: {  	[spmem:s1] =	stream.indirect.scatter.add.f32 [tilespmem:s30], [sflag:$0x1], $0x1, s31, s17, $0xb8;
	[tilespmem:$0x15500] =	vst v63  }
0x6e: {  	_ =	swait.ge [sflag:s18], $0x80  }
0x6f: {  	[sflag:s18] =	ssyncset.done $0x0  }
0x70: {  	[sflag:s18] =	ssyncadd.s32 $0xFFFFFF80  }
0x71: {  	_ =	swait.ge [sflag:s18], $0x80  }
0x72: {  	[sflag:s18] =	ssyncset.done $0x0  }
0x73: {  	[sflag:s18] =	ssyncadd.s32 $0xFFFFFF80  }
0x74: {  	_ =	swait.ge [sflag:s18], $0x80  }
0x75: {  	[sflag:s18] =	ssyncset.done $0x0  }
0x76: {  	[sflag:s18] =	ssyncadd.s32 $0xFFFFFF80  }
0x77: {  	_ =	swait.ge [sflag:s18], $0x80  }
0x78: {  	[sflag:s18] =	ssyncset.done $0x0  }
0x79: {  	[sflag:s18] =	ssyncadd.s32 $0xFFFFFF80  }
0x7a: {  	_ =	swait.ge [sflag:s18], $0x80  }
0x7b: {  	[sflag:s18] =	ssyncset.done $0x0  }
0x7c: {  	[sflag:s18] =	ssyncadd.s32 $0xFFFFFF80  }
0x7d: {  	_ =	swait.ge [sflag:s18], $0x80  }
0x7e: {  	[sflag:s18] =	ssyncset.done $0x0  }
0x7f: {  	[sflag:s18] =	ssyncadd.s32 $0xFFFFFF80  }
0x80: {  	_ =	swait.ge [sflag:s18], $0x80  }
0x81: {  	[sflag:s18] =	ssyncset.done $0x0  }
0x82: {  	[sflag:s18] =	ssyncadd.s32 $0xFFFFFF80  }
0x83: {  	_ =	swait.ge [sflag:s18], $0x80  }
0x84: {  	[sflag:s18] =	ssyncset.done $0x0  }
0x85: {  	[sflag:s18] =	ssyncadd.s32 $0xFFFFFF80  }
0x86: {  	_ =	swait.ge [sflag:s18], $0x80  }
0x87: {  	[sflag:s18] =	ssyncset.done $0x0  }
0x88: {  	[sflag:s18] =	ssyncadd.s32 $0xFFFFFF80  }
0x89: {  	_ =	swait.ge [sflag:s18], $0x80  }
0x8a: {  	[sflag:s18] =	ssyncset.done $0x0  }
0x8b: {  	[sflag:s18] =	ssyncadd.s32 $0xFFFFFF80  }
0x8c: {  	_ =	swait.ge [sflag:s18], $0x80  }
0x8d: {  	[sflag:s18] =	ssyncset.done $0x0  }
0x8e: {  	[sflag:s18] =	ssyncadd.s32 $0xFFFFFF80  }
0x8f: {  	_ =	swait.ge [sflag:s18], $0x80  }
0x90: {  	[sflag:s18] =	ssyncset.done $0x0  }
0x91: {  	[sflag:s18] =	ssyncadd.s32 $0xFFFFFF80  }
0x92: {  	_ =	swait.ge [sflag:s18], $0x80  }
0x93: {  	[sflag:s18] =	ssyncset.done $0x0  }
0x94: {  	[sflag:s18] =	ssyncadd.s32 $0xFFFFFF80  }
0x95: {  	_ =	swait.ge [sflag:s18], $0x80  }
0x96: {  	[sflag:s18] =	ssyncset.done $0x0  }
0x97: {  	[sflag:s18] =	ssyncadd.s32 $0xFFFFFF80  }
0x98: {  	_ =	swait.ge [sflag:s18], $0x80  }
0x99: {  	[sflag:s18] =	ssyncset.done $0x0  }
0x9a: {  	[sflag:s18] =	ssyncadd.s32 $0xFFFFFF80  }
0x9b: {  	_ =	swait.ge [sflag:s18], $0x80  }
0x9c: {  	s24 =	simm.s32 $0x2000;
	s23 =	simm.s32 $0x400;
	[sflag:s18] =	ssyncset.done $0x0  }
.LBB2_2:
0x9d: {  	s25 =	sadd.s32 $0x5800, s23  }
0x9e: {  	[sflag:s18] =	ssyncadd.s32 $0xFFFFFF80;
	s22 =	smov.u32 s24;
	s21 =	sadd.s32 $0x1000, s24  }
0x9f: {  	[spmem:s1] =	stream.indirect.scatter.add.f32 [tilespmem:s25], [sflag:$0x1], $0x1, s23, s17, $0xb8;
	[tilespmem:$0x15500] =	vst v63  }
0xa0: {  	p0 =	sne.s32 s24, $0xA000;
	s24 =	sadd.s32 $0x5880, s23;
	s25 =	sadd.s32 $0x80, s23  }
0xa1: {  	[spmem:s1] =	stream.indirect.scatter.add.f32 [tilespmem:s24], [sflag:$0x1], $0x1, s25, s17, $0xb8;
	[tilespmem:$0x15500] =	vst v63  }
0xa2: {  	s24 =	sadd.s32 $0x5900, s23;
	s25 =	sadd.s32 $0x100, s23  }
0xa3: {  	[spmem:s1] =	stream.indirect.scatter.add.f32 [tilespmem:s24], [sflag:$0x1], $0x1, s25, s17, $0xb8;
	[tilespmem:$0x15500] =	vst v63  }
0xa4: {  	s24 =	sadd.s32 $0x5980, s23;
	s25 =	sadd.s32 $0x180, s23  }
0xa5: {  	[spmem:s1] =	stream.indirect.scatter.add.f32 [tilespmem:s24], [sflag:$0x1], $0x1, s25, s17, $0xb8;
	[tilespmem:$0x15500] =	vst v63  }
0xa6: {  	s24 =	sadd.s32 $0x5A00, s23;
	s25 =	sadd.s32 $0x200, s23  }
0xa7: {  	[spmem:s1] =	stream.indirect.scatter.add.f32 [tilespmem:s24], [sflag:$0x1], $0x1, s25, s17, $0xb8;
	[tilespmem:$0x15500] =	vst v63  }
0xa8: {  	s24 =	sadd.s32 $0x5A80, s23;
	s25 =	sadd.s32 $0x280, s23  }
0xa9: {  	[spmem:s1] =	stream.indirect.scatter.add.f32 [tilespmem:s24], [sflag:$0x1], $0x1, s25, s17, $0xb8;
	[tilespmem:$0x15500] =	vst v63  }
0xaa: {  	s24 =	sadd.s32 $0x5B00, s23;
	s25 =	sadd.s32 $0x300, s23  }
0xab: {  	[spmem:s1] =	stream.indirect.scatter.add.f32 [tilespmem:s24], [sflag:$0x1], $0x1, s25, s17, $0xb8;
	[tilespmem:$0x15500] =	vst v63  }
0xac: {  	s24 =	sadd.s32 $0x5B80, s23;
	s25 =	sadd.s32 $0x380, s23  }
0xad: {  	[spmem:s1] =	stream.indirect.scatter.add.f32 [tilespmem:s24], [sflag:$0x1], $0x1, s25, s17, $0xb8;
	[tilespmem:$0x15500] =	vst v63  }
0xae: {  	s24 =	sadd.s32 $0x8400, s23;
	s25 =	sadd.s32 $0x2C00, s23  }
0xaf: {  	[spmem:s1] =	stream.indirect.scatter.add.f32 [tilespmem:s24], [sflag:$0x1], $0x1, s25, s17, $0xb8;
	[tilespmem:$0x15500] =	vst v63  }
0xb0: {  	s24 =	sadd.s32 $0x8480, s23;
	s25 =	sadd.s32 $0x2C80, s23  }
0xb1: {  	[spmem:s1] =	stream.indirect.scatter.add.f32 [tilespmem:s24], [sflag:$0x1], $0x1, s25, s17, $0xb8;
	[tilespmem:$0x15500] =	vst v63  }
0xb2: {  	s24 =	sadd.s32 $0x8500, s23;
	s25 =	sadd.s32 $0x2D00, s23  }
0xb3: {  	[spmem:s1] =	stream.indirect.scatter.add.f32 [tilespmem:s24], [sflag:$0x1], $0x1, s25, s17, $0xb8;
	[tilespmem:$0x15500] =	vst v63  }
0xb4: {  	s24 =	sadd.s32 $0x8580, s23;
	s25 =	sadd.s32 $0x2D80, s23  }
0xb5: {  	[spmem:s1] =	stream.indirect.scatter.add.f32 [tilespmem:s24], [sflag:$0x1], $0x1, s25, s17, $0xb8;
	[tilespmem:$0x15500] =	vst v63  }
0xb6: {  	s24 =	sadd.s32 $0x8600, s23;
	s25 =	sadd.s32 $0x2E00, s23  }
0xb7: {  	[spmem:s1] =	stream.indirect.scatter.add.f32 [tilespmem:s24], [sflag:$0x1], $0x1, s25, s17, $0xb8;
	[tilespmem:$0x15500] =	vst v63  }
0xb8: {  	s24 =	sadd.s32 $0x8680, s23;
	s25 =	sadd.s32 $0x2E80, s23  }
0xb9: {  	[spmem:s1] =	stream.indirect.scatter.add.f32 [tilespmem:s24], [sflag:$0x1], $0x1, s25, s17, $0xb8;
	[tilespmem:$0x15500] =	vst v63  }
0xba: {  	s24 =	sadd.s32 $0x8700, s23;
	s25 =	sadd.s32 $0x2F00, s23  }
0xbb: {  	[spmem:s1] =	stream.indirect.scatter.add.f32 [tilespmem:s24], [sflag:$0x1], $0x1, s25, s17, $0xb8;
	[tilespmem:$0x15500] =	vst v63  }
0xbc: {  	s24 =	sadd.s32 $0x8780, s23;
	s23 =	sadd.s32 $0x2F80, s23  }
0xbd: {  	[spmem:s1] =	stream.indirect.scatter.add.f32 [tilespmem:s24], [sflag:$0x1], $0x1, s23, s17, $0xb8;
	[tilespmem:$0x15500] =	vst v63  }
0xbe: {  	_ =	swait.ge [sflag:s18], $0x80  }
0xbf: {  	[sflag:s18] =	ssyncset.done $0x0  }
0xc0: {  	[sflag:s18] =	ssyncadd.s32 $0xFFFFFF80  }
0xc1: {  	_ =	swait.ge [sflag:s18], $0x80  }
0xc2: {  	[sflag:s18] =	ssyncset.done $0x0  }
0xc3: {  	[sflag:s18] =	ssyncadd.s32 $0xFFFFFF80  }
0xc4: {  	_ =	swait.ge [sflag:s18], $0x80  }
0xc5: {  	[sflag:s18] =	ssyncset.done $0x0  }
0xc6: {  	[sflag:s18] =	ssyncadd.s32 $0xFFFFFF80  }
0xc7: {  	_ =	swait.ge [sflag:s18], $0x80  }
0xc8: {  	[sflag:s18] =	ssyncset.done $0x0  }
0xc9: {  	[sflag:s18] =	ssyncadd.s32 $0xFFFFFF80  }
0xca: {  	_ =	swait.ge [sflag:s18], $0x80  }
0xcb: {  	[sflag:s18] =	ssyncset.done $0x0  }
0xcc: {  	[sflag:s18] =	ssyncadd.s32 $0xFFFFFF80  }
0xcd: {  	_ =	swait.ge [sflag:s18], $0x80  }
0xce: {  	[sflag:s18] =	ssyncset.done $0x0  }
0xcf: {  	[sflag:s18] =	ssyncadd.s32 $0xFFFFFF80  }
0xd0: {  	_ =	swait.ge [sflag:s18], $0x80  }
0xd1: {  	[sflag:s18] =	ssyncset.done $0x0  }
0xd2: {  	[sflag:s18] =	ssyncadd.s32 $0xFFFFFF80  }
0xd3: {  	_ =	swait.ge [sflag:s18], $0x80  }
0xd4: {  	[sflag:s18] =	ssyncset.done $0x0  }
0xd5: {  	[sflag:s18] =	ssyncadd.s32 $0xFFFFFF80  }
0xd6: {  	_ =	swait.ge [sflag:s18], $0x80  }
0xd7: {  	[sflag:s18] =	ssyncset.done $0x0  }
0xd8: {  	[sflag:s18] =	ssyncadd.s32 $0xFFFFFF80  }
0xd9: {  	_ =	swait.ge [sflag:s18], $0x80  }
0xda: {  	[sflag:s18] =	ssyncset.done $0x0  }
0xdb: {  	[sflag:s18] =	ssyncadd.s32 $0xFFFFFF80  }
0xdc: {  	_ =	swait.ge [sflag:s18], $0x80  }
0xdd: {  	[sflag:s18] =	ssyncset.done $0x0  }
0xde: {  	[sflag:s18] =	ssyncadd.s32 $0xFFFFFF80  }
0xdf: {  	_ =	swait.ge [sflag:s18], $0x80  }
0xe0: {  	[sflag:s18] =	ssyncset.done $0x0  }
0xe1: {  	[sflag:s18] =	ssyncadd.s32 $0xFFFFFF80  }
0xe2: {  	_ =	swait.ge [sflag:s18], $0x80  }
0xe3: {  	[sflag:s18] =	ssyncset.done $0x0  }
0xe4: {  	[sflag:s18] =	ssyncadd.s32 $0xFFFFFF80  }
0xe5: {  	_ =	swait.ge [sflag:s18], $0x80  }
0xe6: {  	[sflag:s18] =	ssyncset.done $0x0  }
0xe7: {  	[sflag:s18] =	ssyncadd.s32 $0xFFFFFF80  }
.Ltmp0:
0xe8: {  	_ =	swait.ge [sflag:s18], $0x80;
	(pc) =	sbr.rel @p0 .LBB2_2-.Ltmp0, $4  }
0xe9: {  	[sflag:s18] =	ssyncset.done $0x0  }
0xea: {  	[sflag:s18] =	ssyncadd.s32 $0xFFFFFF80  }
0xeb: {  	_ =	swait.ge [sflag:s18], $0x80  }
0xec: {  	s23 =	sshra.s32 s22, $0x2;
	s24 =	smov.u32 s21;
	[sflag:s18] =	ssyncset.done $0x0  }
0xed: {  	s21 =	sadd.s32 $0x5800, s23;
	[sflag:s18] =	ssyncadd.s32 $0xFFFFFF80  }
0xee: {  	[spmem:s1] =	stream.indirect.scatter.add.f32 [tilespmem:s21], [sflag:$0x1], $0x1, s23, s17, $0xb8;
	[tilespmem:$0x15500] =	vst v63  }
0xef: {  	s24 =	sadd.s32 $0x5880, s23;
	s22 =	sadd.s32 $0x80, s23  }
0xf0: {  	[spmem:s1] =	stream.indirect.scatter.add.f32 [tilespmem:s24], [sflag:$0x1], $0x1, s22, s17, $0xb8;
	[tilespmem:$0x15500] =	vst v63  }
0xf1: {  	s25 =	sadd.s32 $0x5900, s23;
	s26 =	sadd.s32 $0x100, s23  }
0xf2: {  	[spmem:s1] =	stream.indirect.scatter.add.f32 [tilespmem:s25], [sflag:$0x1], $0x1, s26, s17, $0xb8;
	[tilespmem:$0x15500] =	vst v63  }
0xf3: {  	s28 =	sadd.s32 $0x5980, s23;
	s29 =	sadd.s32 $0x180, s23  }
0xf4: {  	[spmem:s1] =	stream.indirect.scatter.add.f32 [tilespmem:s28], [sflag:$0x1], $0x1, s29, s17, $0xb8;
	[tilespmem:$0x15500] =	vst v63  }
0xf5: {  	s30 =	sadd.s32 $0x5A00, s23;
	s31 =	sadd.s32 $0x200, s23  }
0xf6: {  	[spmem:s1] =	stream.indirect.scatter.add.f32 [tilespmem:s30], [sflag:$0x1], $0x1, s31, s17, $0xb8;
	[tilespmem:$0x15500] =	vst v63  }
0xf7: {  	s22 =	sadd.s32 $0x5A80, s23;
	s24 =	sadd.s32 $0x280, s23  }
0xf8: {  	[spmem:s1] =	stream.indirect.scatter.add.f32 [tilespmem:s22], [sflag:$0x1], $0x1, s24, s17, $0xb8;
	[tilespmem:$0x15500] =	vst v63  }
0xf9: {  	s25 =	sadd.s32 $0x5B00, s23;
	s26 =	sadd.s32 $0x300, s23  }
0xfa: {  	[spmem:s1] =	stream.indirect.scatter.add.f32 [tilespmem:s25], [sflag:$0x1], $0x1, s26, s17, $0xb8;
	[tilespmem:$0x15500] =	vst v63  }
0xfb: {  	s28 =	sadd.s32 $0x5B80, s23;
	s29 =	sadd.s32 $0x380, s23  }
0xfc: {  	[spmem:s1] =	stream.indirect.scatter.add.f32 [tilespmem:s28], [sflag:$0x1], $0x1, s29, s17, $0xb8;
	[tilespmem:$0x15500] =	vst v63  }
0xfd: {  	s30 =	sadd.s32 $0x8400, s23;
	s31 =	sadd.s32 $0x2C00, s23  }
0xfe: {  	[spmem:s1] =	stream.indirect.scatter.add.f32 [tilespmem:s30], [sflag:$0x1], $0x1, s31, s17, $0xb8;
	[tilespmem:$0x15500] =	vst v63  }
0xff: {  	s22 =	sadd.s32 $0x8480, s23;
	s24 =	sadd.s32 $0x2C80, s23  }
0x100: {  	[spmem:s1] =	stream.indirect.scatter.add.f32 [tilespmem:s22], [sflag:$0x1], $0x1, s24, s17, $0xb8;
	[tilespmem:$0x15500] =	vst v63  }
0x101: {  	s25 =	sadd.s32 $0x8500, s23;
	s26 =	sadd.s32 $0x2D00, s23  }
0x102: {  	[spmem:s1] =	stream.indirect.scatter.add.f32 [tilespmem:s25], [sflag:$0x1], $0x1, s26, s17, $0xb8;
	[tilespmem:$0x15500] =	vst v63  }
0x103: {  	s28 =	sadd.s32 $0x8580, s23;
	s29 =	sadd.s32 $0x2D80, s23  }
0x104: {  	[spmem:s1] =	stream.indirect.scatter.add.f32 [tilespmem:s28], [sflag:$0x1], $0x1, s29, s17, $0xb8;
	[tilespmem:$0x15500] =	vst v63  }
0x105: {  	s30 =	sadd.s32 $0x8600, s23;
	s31 =	sadd.s32 $0x2E00, s23  }
0x106: {  	[spmem:s1] =	stream.indirect.scatter.add.f32 [tilespmem:s30], [sflag:$0x1], $0x1, s31, s17, $0xb8;
	[tilespmem:$0x15500] =	vst v63  }
0x107: {  	s24 =	sadd.s32 $0x8680, s23;
	s25 =	sadd.s32 $0x2E80, s23  }
0x108: {  	[spmem:s1] =	stream.indirect.scatter.add.f32 [tilespmem:s24], [sflag:$0x1], $0x1, s25, s17, $0xb8;
	[tilespmem:$0x15500] =	vst v63  }
0x109: {  	s26 =	sadd.s32 $0x8700, s23;
	s28 =	sadd.s32 $0x2F00, s23  }
0x10a: {  	[spmem:s1] =	stream.indirect.scatter.add.f32 [tilespmem:s26], [sflag:$0x1], $0x1, s28, s17, $0xb8;
	[tilespmem:$0x15500] =	vst v63  }
0x10b: {  	s29 =	sadd.s32 $0x8780, s23;
	s30 =	sadd.s32 $0x2F80, s23  }
0x10c: {  	[spmem:s1] =	stream.indirect.scatter.add.f32 [tilespmem:s29], [sflag:$0x1], $0x1, s30, s17, $0xb8;
	[tilespmem:$0x15500] =	vst v63  }
0x10d: {  	_ =	swait.ge [sflag:s18], $0x80  }
0x10e: {  	[sflag:s18] =	ssyncset.done $0x0  }
0x10f: {  	[sflag:s18] =	ssyncadd.s32 $0xFFFFFF80  }
0x110: {  	_ =	swait.ge [sflag:s18], $0x80  }
0x111: {  	[sflag:s18] =	ssyncset.done $0x0  }
0x112: {  	[sflag:s18] =	ssyncadd.s32 $0xFFFFFF80  }
0x113: {  	_ =	swait.ge [sflag:s18], $0x80  }
0x114: {  	[sflag:s18] =	ssyncset.done $0x0  }
0x115: {  	[sflag:s18] =	ssyncadd.s32 $0xFFFFFF80  }
0x116: {  	_ =	swait.ge [sflag:s18], $0x80  }
0x117: {  	[sflag:s18] =	ssyncset.done $0x0  }
0x118: {  	[sflag:s18] =	ssyncadd.s32 $0xFFFFFF80  }
0x119: {  	_ =	swait.ge [sflag:s18], $0x80  }
0x11a: {  	[sflag:s18] =	ssyncset.done $0x0  }
0x11b: {  	[sflag:s18] =	ssyncadd.s32 $0xFFFFFF80  }
0x11c: {  	_ =	swait.ge [sflag:s18], $0x80  }
0x11d: {  	[sflag:s18] =	ssyncset.done $0x0  }
0x11e: {  	[sflag:s18] =	ssyncadd.s32 $0xFFFFFF80  }
0x11f: {  	_ =	swait.ge [sflag:s18], $0x80  }
0x120: {  	[sflag:s18] =	ssyncset.done $0x0  }
0x121: {  	[sflag:s18] =	ssyncadd.s32 $0xFFFFFF80  }
0x122: {  	_ =	swait.ge [sflag:s18], $0x80  }
0x123: {  	[sflag:s18] =	ssyncset.done $0x0  }
0x124: {  	[sflag:s18] =	ssyncadd.s32 $0xFFFFFF80  }
0x125: {  	_ =	swait.ge [sflag:s18], $0x80  }
0x126: {  	[sflag:s18] =	ssyncset.done $0x0  }
0x127: {  	[sflag:s18] =	ssyncadd.s32 $0xFFFFFF80  }
0x128: {  	_ =	swait.ge [sflag:s18], $0x80  }
0x129: {  	[sflag:s18] =	ssyncset.done $0x0  }
0x12a: {  	[sflag:s18] =	ssyncadd.s32 $0xFFFFFF80  }
0x12b: {  	_ =	swait.ge [sflag:s18], $0x80  }
0x12c: {  	[sflag:s18] =	ssyncset.done $0x0  }
0x12d: {  	[sflag:s18] =	ssyncadd.s32 $0xFFFFFF80  }
0x12e: {  	_ =	swait.ge [sflag:s18], $0x80  }
0x12f: {  	[sflag:s18] =	ssyncset.done $0x0  }
0x130: {  	[sflag:s18] =	ssyncadd.s32 $0xFFFFFF80  }
0x131: {  	_ =	swait.ge [sflag:s18], $0x80  }
0x132: {  	[sflag:s18] =	ssyncset.done $0x0  }
0x133: {  	[sflag:s18] =	ssyncadd.s32 $0xFFFFFF80  }
0x134: {  	_ =	swait.ge [sflag:s18], $0x80  }
0x135: {  	[sflag:s18] =	ssyncset.done $0x0  }
0x136: {  	[sflag:s18] =	ssyncadd.s32 $0xFFFFFF80  }
0x137: {  	_ =	swait.ge [sflag:s18], $0x80  }
0x138: {  	[sflag:s18] =	ssyncset.done $0x0  }
0x139: {  	[sflag:s18] =	ssyncadd.s32 $0xFFFFFF80  }
0x13a: {  	_ =	swait.ge [sflag:s18], $0x80  }
0x13b: {  	[sflag:s18] =	ssyncset.done $0x0  }
0x13c: {  	[sflag:s18] =	ssyncadd.s32 $0xFFFFFF80  }
0x13d: {  	[bflag:$0x0] =	sbarrier.arrive $0xFFFF  }
0x13e: {  	[tilespmem:s16], [sflag:$0x2] =	stream.linear.gather [spmem:s9], $0x140, $0x38;
	[tilespmem:$0x15500] =	vst v63  }
0x13f: {  	_ =	swait.ge [sflag:s12], $0x140  }
0x140: {  	[sflag:s12] =	ssyncset.done $0x0  }
0x141: {  	s31 =	simm.s32 $0x0;
	[sflag:s12] =	ssyncadd.s32 $0xFFFFFEC0  }
0x142: {  	v1 =	vld [tilespmem:s31+$0xB000];
	_ =	sdelay $0x4  }
0x143: {  	v1 =	vmul.f32 $5.000000000e-01, v1;
	_ =	sdelay $0x1  }
0x144: {  	v2 =	vmul.f32 $1.000000050e-03, v1;
	_ =	sdelay $0x1  }
0x145: {  	v2 =	vmul.f32 $1.000000050e-03, v2;
	_ =	sdelay $0x1  }
0x146: {  	v2 =	vsub.f32 $1.500000000e+00, v2;
	_ =	sdelay $0x1  }
0x147: {  	v2 =	vmul.f32 $1.000000050e-03, v2;
	_ =	sdelay $0x1  }
0x148: {  	v3 =	vmul.f32 v2, v1;
	_ =	sdelay $0x1  }
0x149: {  	v3 =	vmul.f32 v3, v2;
	_ =	sdelay $0x1  }
0x14a: {  	v3 =	vsub.f32 $1.500000000e+00, v3;
	_ =	sdelay $0x1  }
0x14b: {  	v2 =	vmul.f32 v3, v2;
	_ =	sdelay $0x1  }
0x14c: {  	v3 =	vmul.f32 v2, v1;
	_ =	sdelay $0x1  }
0x14d: {  	v3 =	vmul.f32 v3, v2;
	_ =	sdelay $0x1  }
0x14e: {  	v3 =	vsub.f32 $1.500000000e+00, v3;
	_ =	sdelay $0x1  }
0x14f: {  	v2 =	vmul.f32 v3, v2;
	_ =	sdelay $0x1  }
0x150: {  	v3 =	vmul.f32 v2, v1;
	_ =	sdelay $0x1  }
0x151: {  	v3 =	vmul.f32 v3, v2;
	_ =	sdelay $0x1  }
0x152: {  	v3 =	vsub.f32 $1.500000000e+00, v3;
	_ =	sdelay $0x1  }
0x153: {  	v2 =	vmul.f32 v3, v2;
	_ =	sdelay $0x1  }
0x154: {  	v3 =	vmul.f32 v2, v1;
	_ =	sdelay $0x1  }
0x155: {  	v3 =	vmul.f32 v3, v2;
	_ =	sdelay $0x1  }
0x156: {  	v3 =	vsub.f32 $1.500000000e+00, v3;
	_ =	sdelay $0x1  }
0x157: {  	v2 =	vmul.f32 v3, v2;
	_ =	sdelay $0x1  }
0x158: {  	v3 =	vmul.f32 v2, v1;
	_ =	sdelay $0x1  }
0x159: {  	v3 =	vmul.f32 v3, v2;
	_ =	sdelay $0x1  }
0x15a: {  	v3 =	vsub.f32 $1.500000000e+00, v3;
	_ =	sdelay $0x1  }
0x15b: {  	v2 =	vmul.f32 v3, v2;
	_ =	sdelay $0x1  }
0x15c: {  	v3 =	vmul.f32 v2, v1;
	_ =	sdelay $0x1  }
0x15d: {  	v3 =	vmul.f32 v3, v2;
	_ =	sdelay $0x1  }
0x15e: {  	v3 =	vsub.f32 $1.500000000e+00, v3;
	_ =	sdelay $0x1  }
0x15f: {  	v2 =	vmul.f32 v3, v2;
	_ =	sdelay $0x1  }
0x160: {  	v3 =	vmul.f32 v2, v1;
	_ =	sdelay $0x1  }
0x161: {  	v3 =	vmul.f32 v3, v2;
	_ =	sdelay $0x1  }
0x162: {  	v3 =	vsub.f32 $1.500000000e+00, v3;
	_ =	sdelay $0x1  }
0x163: {  	v2 =	vmul.f32 v3, v2;
	_ =	sdelay $0x1  }
0x164: {  	v3 =	vmul.f32 v2, v1;
	_ =	sdelay $0x1  }
0x165: {  	v3 =	vmul.f32 v3, v2;
	_ =	sdelay $0x1  }
0x166: {  	v3 =	vsub.f32 $1.500000000e+00, v3;
	_ =	sdelay $0x1  }
0x167: {  	v2 =	vmul.f32 v3, v2;
	_ =	sdelay $0x1  }
0x168: {  	v3 =	vmul.f32 v2, v1;
	_ =	sdelay $0x1  }
0x169: {  	v3 =	vmul.f32 v3, v2;
	_ =	sdelay $0x1  }
0x16a: {  	v3 =	vsub.f32 $1.500000000e+00, v3;
	_ =	sdelay $0x1  }
0x16b: {  	v2 =	vmul.f32 v3, v2;
	_ =	sdelay $0x1  }
0x16c: {  	v3 =	vmul.f32 v2, v1;
	_ =	sdelay $0x1  }
0x16d: {  	v3 =	vmul.f32 v3, v2;
	_ =	sdelay $0x1  }
0x16e: {  	v3 =	vsub.f32 $1.500000000e+00, v3;
	_ =	sdelay $0x1  }
0x16f: {  	v2 =	vmul.f32 v3, v2;
	_ =	sdelay $0x1  }
0x170: {  	v3 =	vmul.f32 v2, v1;
	_ =	sdelay $0x1  }
0x171: {  	v3 =	vmul.f32 v3, v2;
	_ =	sdelay $0x1  }
0x172: {  	v3 =	vsub.f32 $1.500000000e+00, v3;
	_ =	sdelay $0x1  }
0x173: {  	v2 =	vmul.f32 v3, v2;
	_ =	sdelay $0x1  }
0x174: {  	v3 =	vmul.f32 v2, v1;
	_ =	sdelay $0x1  }
0x175: {  	v3 =	vmul.f32 v3, v2;
	_ =	sdelay $0x1  }
0x176: {  	v3 =	vsub.f32 $1.500000000e+00, v3;
	_ =	sdelay $0x1  }
0x177: {  	v2 =	vmul.f32 v3, v2;
	_ =	sdelay $0x1  }
0x178: {  	v3 =	vmul.f32 v2, v1;
	_ =	sdelay $0x1  }
0x179: {  	v3 =	vmul.f32 v3, v2;
	_ =	sdelay $0x1  }
0x17a: {  	v3 =	vsub.f32 $1.500000000e+00, v3;
	_ =	sdelay $0x1  }
0x17b: {  	v2 =	vmul.f32 v3, v2;
	_ =	sdelay $0x1  }
0x17c: {  	v3 =	vmul.f32 v2, v1;
	_ =	sdelay $0x1  }
0x17d: {  	v3 =	vmul.f32 v3, v2;
	_ =	sdelay $0x1  }
0x17e: {  	v3 =	vsub.f32 $1.500000000e+00, v3;
	_ =	sdelay $0x1  }
0x17f: {  	v2 =	vmul.f32 v3, v2;
	_ =	sdelay $0x1  }
0x180: {  	v3 =	vmul.f32 v2, v1;
	_ =	sdelay $0x1  }
0x181: {  	v3 =	vmul.f32 v3, v2;
	_ =	sdelay $0x1  }
0x182: {  	v3 =	vsub.f32 $1.500000000e+00, v3;
	_ =	sdelay $0x1  }
0x183: {  	v2 =	vmul.f32 v3, v2;
	_ =	sdelay $0x1  }
0x184: {  	v3 =	vmul.f32 v2, v1;
	_ =	sdelay $0x1  }
0x185: {  	v3 =	vmul.f32 v3, v2;
	_ =	sdelay $0x1  }
0x186: {  	v3 =	vsub.f32 $1.500000000e+00, v3;
	_ =	sdelay $0x1  }
0x187: {  	v2 =	vmul.f32 v3, v2;
	_ =	sdelay $0x1  }
0x188: {  	v3 =	vmul.f32 v2, v1;
	_ =	sdelay $0x1  }
0x189: {  	v3 =	vmul.f32 v3, v2;
	_ =	sdelay $0x1  }
0x18a: {  	v3 =	vsub.f32 $1.500000000e+00, v3;
	_ =	sdelay $0x1  }
0x18b: {  	v2 =	vmul.f32 v3, v2;
	_ =	sdelay $0x1  }
0x18c: {  	v3 =	vmul.f32 v2, v1;
	_ =	sdelay $0x1  }
0x18d: {  	v3 =	vmul.f32 v3, v2;
	_ =	sdelay $0x1  }
0x18e: {  	v3 =	vsub.f32 $1.500000000e+00, v3;
	_ =	sdelay $0x1  }
0x18f: {  	v2 =	vmul.f32 v3, v2;
	_ =	sdelay $0x1  }
0x190: {  	v3 =	vmul.f32 v2, v1;
	_ =	sdelay $0x1  }
0x191: {  	v3 =	vmul.f32 v3, v2;
	_ =	sdelay $0x1  }
0x192: {  	v3 =	vsub.f32 $1.500000000e+00, v3;
	_ =	sdelay $0x1  }
0x193: {  	v2 =	vmul.f32 v3, v2;
	_ =	sdelay $0x1  }
0x194: {  	v3 =	vmul.f32 v2, v1;
	_ =	sdelay $0x1  }
0x195: {  	v3 =	vmul.f32 v3, v2;
	_ =	sdelay $0x1  }
0x196: {  	v3 =	vsub.f32 $1.500000000e+00, v3;
	_ =	sdelay $0x1  }
0x197: {  	v2 =	vmul.f32 v3, v2;
	_ =	sdelay $0x1  }
0x198: {  	v3 =	vmul.f32 v2, v1;
	_ =	sdelay $0x1  }
0x199: {  	v3 =	vmul.f32 v3, v2;
	_ =	sdelay $0x1  }
0x19a: {  	v3 =	vsub.f32 $1.500000000e+00, v3;
	_ =	sdelay $0x1  }
0x19b: {  	v2 =	vmul.f32 v3, v2;
	_ =	sdelay $0x1  }
0x19c: {  	v3 =	vmul.f32 v2, v1;
	_ =	sdelay $0x1  }
0x19d: {  	v3 =	vmul.f32 v3, v2;
	_ =	sdelay $0x1  }
0x19e: {  	v3 =	vsub.f32 $1.500000000e+00, v3;
	_ =	sdelay $0x1  }
0x19f: {  	v2 =	vmul.f32 v3, v2;
	_ =	sdelay $0x1  }
0x1a0: {  	v1 =	vmul.f32 v2, v1;
	_ =	sdelay $0x1  }
0x1a1: {  	v1 =	vmul.f32 v1, v2;
	_ =	sdelay $0x1  }
0x1a2: {  	v1 =	vsub.f32 $1.500000000e+00, v1;
	_ =	sdelay $0x1  }
0x1a3: {  	v1 =	vmul.f32 v1, v2;
	_ =	sdelay $0x1  }
0x1a4: {  	v2 =	vbroadcast v1, $0x0  }
0x1a5: {  	s21 =	simm.s32 $0xB680  }
0x1a6: {  	[tilespmem:s21+$0xFFFFFC00] =	vst v2  }
0x1a7: {  	[tilespmem:s21+$0xFFFFFC10] =	vst v2  }
0x1a8: {  	[tilespmem:s21+$0xFFFFFC20] =	vst v2  }
0x1a9: {  	[tilespmem:s21+$0xFFFFFC30] =	vst v2  }
0x1aa: {  	[tilespmem:s21+$0xFFFFFC40] =	vst v2  }
0x1ab: {  	[tilespmem:s21+$0xFFFFFC50] =	vst v2  }
0x1ac: {  	v3 =	vbroadcast v1, $0x1;
	[tilespmem:s21+$0xFFFFFC60] =	vst v2  }
0x1ad: {  	[tilespmem:s21+$0xFFFFFC70] =	vst v2  }
0x1ae: {  	[tilespmem:s21+$0xFFFFFC80] =	vst v3  }
0x1af: {  	[tilespmem:s21+$0xFFFFFC90] =	vst v3  }
0x1b0: {  	[tilespmem:s21+$0xFFFFFCA0] =	vst v3  }
0x1b1: {  	[tilespmem:s21+$0xFFFFFCB0] =	vst v3  }
0x1b2: {  	[tilespmem:s21+$0xFFFFFCC0] =	vst v3  }
0x1b3: {  	[tilespmem:s21+$0xFFFFFCD0] =	vst v3  }
0x1b4: {  	v2 =	vbroadcast v1, $0x2;
	[tilespmem:s21+$0xFFFFFCE0] =	vst v3  }
0x1b5: {  	[tilespmem:s21+$0xFFFFFCF0] =	vst v3  }
0x1b6: {  	[tilespmem:s21+$0xFFFFFD00] =	vst v2  }
0x1b7: {  	[tilespmem:s21+$0xFFFFFD10] =	vst v2  }
0x1b8: {  	[tilespmem:s21+$0xFFFFFD20] =	vst v2  }
0x1b9: {  	[tilespmem:s21+$0xFFFFFD30] =	vst v2  }
0x1ba: {  	[tilespmem:s21+$0xFFFFFD40] =	vst v2  }
0x1bb: {  	[tilespmem:s21+$0xFFFFFD50] =	vst v2  }
0x1bc: {  	v3 =	vbroadcast v1, $0x3;
	[tilespmem:s21+$0xFFFFFD60] =	vst v2  }
0x1bd: {  	[tilespmem:s21+$0xFFFFFD70] =	vst v2  }
0x1be: {  	[tilespmem:s21+$0xFFFFFD80] =	vst v3  }
0x1bf: {  	[tilespmem:s21+$0xFFFFFD90] =	vst v3  }
0x1c0: {  	[tilespmem:s21+$0xFFFFFDA0] =	vst v3  }
0x1c1: {  	[tilespmem:s21+$0xFFFFFDB0] =	vst v3  }
0x1c2: {  	[tilespmem:s21+$0xFFFFFDC0] =	vst v3  }
0x1c3: {  	[tilespmem:s21+$0xFFFFFDD0] =	vst v3  }
0x1c4: {  	v2 =	vbroadcast v1, $0x4;
	[tilespmem:s21+$0xFFFFFDE0] =	vst v3  }
0x1c5: {  	[tilespmem:s21+$0xFFFFFDF0] =	vst v3  }
0x1c6: {  	[tilespmem:s21+$0xFFFFFE00] =	vst v2  }
0x1c7: {  	[tilespmem:s21+$0xFFFFFE10] =	vst v2  }
0x1c8: {  	[tilespmem:s21+$0xFFFFFE20] =	vst v2  }
0x1c9: {  	[tilespmem:s21+$0xFFFFFE30] =	vst v2  }
0x1ca: {  	[tilespmem:s21+$0xFFFFFE40] =	vst v2  }
0x1cb: {  	[tilespmem:s21+$0xFFFFFE50] =	vst v2  }
0x1cc: {  	v3 =	vbroadcast v1, $0x5;
	[tilespmem:s21+$0xFFFFFE60] =	vst v2  }
0x1cd: {  	[tilespmem:s21+$0xFFFFFE70] =	vst v2  }
0x1ce: {  	[tilespmem:s21+$0xFFFFFE80] =	vst v3  }
0x1cf: {  	[tilespmem:s21+$0xFFFFFE90] =	vst v3  }
0x1d0: {  	[tilespmem:s21+$0xFFFFFEA0] =	vst v3  }
0x1d1: {  	[tilespmem:s21+$0xFFFFFEB0] =	vst v3  }
0x1d2: {  	[tilespmem:s21+$0xFFFFFEC0] =	vst v3  }
0x1d3: {  	[tilespmem:s21+$0xFFFFFED0] =	vst v3  }
0x1d4: {  	v2 =	vbroadcast v1, $0x6;
	[tilespmem:s21+$0xFFFFFEE0] =	vst v3  }
0x1d5: {  	[tilespmem:s21+$0xFFFFFEF0] =	vst v3  }
0x1d6: {  	[tilespmem:s21+$0xFFFFFF00] =	vst v2  }
0x1d7: {  	[tilespmem:s21+$0xFFFFFF10] =	vst v2  }
0x1d8: {  	[tilespmem:s21+$0xFFFFFF20] =	vst v2  }
0x1d9: {  	[tilespmem:s21+$0xFFFFFF30] =	vst v2  }
0x1da: {  	[tilespmem:s21+$0xFFFFFF40] =	vst v2  }
0x1db: {  	[tilespmem:s21+$0xFFFFFF50] =	vst v2  }
0x1dc: {  	v3 =	vbroadcast v1, $0x7;
	[tilespmem:s21+$0xFFFFFF60] =	vst v2  }
0x1dd: {  	[tilespmem:s21+$0xFFFFFF70] =	vst v2  }
0x1de: {  	[tilespmem:s21+$0xFFFFFF80] =	vst v3  }
0x1df: {  	[tilespmem:s21+$0xFFFFFF90] =	vst v3  }
0x1e0: {  	[tilespmem:s21+$0xFFFFFFA0] =	vst v3  }
0x1e1: {  	[tilespmem:s21+$0xFFFFFFB0] =	vst v3  }
0x1e2: {  	[tilespmem:s21+$0xFFFFFFC0] =	vst v3  }
0x1e3: {  	[tilespmem:s21+$0xFFFFFFD0] =	vst v3  }
0x1e4: {  	v2 =	vbroadcast v1, $0x8;
	[tilespmem:s21+$0xFFFFFFE0] =	vst v3  }
0x1e5: {  	[tilespmem:s21+$0xFFFFFFF0] =	vst v3  }
0x1e6: {  	[tilespmem:s21+$0x0] =	vst v2  }
0x1e7: {  	[tilespmem:s21+$0x10] =	vst v2  }
0x1e8: {  	[tilespmem:s21+$0x20] =	vst v2  }
0x1e9: {  	[tilespmem:s21+$0x30] =	vst v2  }
0x1ea: {  	[tilespmem:s21+$0x40] =	vst v2  }
0x1eb: {  	[tilespmem:s21+$0x50] =	vst v2  }
0x1ec: {  	v3 =	vbroadcast v1, $0x9;
	[tilespmem:s21+$0x60] =	vst v2  }
0x1ed: {  	[tilespmem:s21+$0x70] =	vst v2  }
0x1ee: {  	[tilespmem:s21+$0x80] =	vst v3  }
0x1ef: {  	[tilespmem:s21+$0x90] =	vst v3  }
0x1f0: {  	[tilespmem:s21+$0xA0] =	vst v3  }
0x1f1: {  	[tilespmem:s21+$0xB0] =	vst v3  }
0x1f2: {  	[tilespmem:s21+$0xC0] =	vst v3  }
0x1f3: {  	[tilespmem:s21+$0xD0] =	vst v3  }
0x1f4: {  	v2 =	vbroadcast v1, $0xA;
	[tilespmem:s21+$0xE0] =	vst v3  }
0x1f5: {  	[tilespmem:s21+$0xF0] =	vst v3  }
0x1f6: {  	[tilespmem:s21+$0x100] =	vst v2  }
0x1f7: {  	[tilespmem:s21+$0x110] =	vst v2  }
0x1f8: {  	[tilespmem:s21+$0x120] =	vst v2  }
0x1f9: {  	[tilespmem:s21+$0x130] =	vst v2  }
0x1fa: {  	[tilespmem:s21+$0x140] =	vst v2  }
0x1fb: {  	[tilespmem:s21+$0x150] =	vst v2  }
0x1fc: {  	v3 =	vbroadcast v1, $0xB;
	[tilespmem:s21+$0x160] =	vst v2  }
0x1fd: {  	[tilespmem:s21+$0x170] =	vst v2  }
0x1fe: {  	[tilespmem:s21+$0x180] =	vst v3  }
0x1ff: {  	[tilespmem:s21+$0x190] =	vst v3  }
0x200: {  	[tilespmem:s21+$0x1A0] =	vst v3  }
0x201: {  	[tilespmem:s21+$0x1B0] =	vst v3  }
0x202: {  	[tilespmem:s21+$0x1C0] =	vst v3  }
0x203: {  	[tilespmem:s21+$0x1D0] =	vst v3  }
0x204: {  	v2 =	vbroadcast v1, $0xC;
	[tilespmem:s21+$0x1E0] =	vst v3  }
0x205: {  	[tilespmem:s21+$0x1F0] =	vst v3  }
0x206: {  	[tilespmem:s21+$0x200] =	vst v2  }
0x207: {  	[tilespmem:s21+$0x210] =	vst v2  }
0x208: {  	[tilespmem:s21+$0x220] =	vst v2  }
0x209: {  	[tilespmem:s21+$0x230] =	vst v2  }
0x20a: {  	[tilespmem:s21+$0x240] =	vst v2  }
0x20b: {  	[tilespmem:s21+$0x250] =	vst v2  }
0x20c: {  	v3 =	vbroadcast v1, $0xD;
	[tilespmem:s21+$0x260] =	vst v2  }
0x20d: {  	[tilespmem:s21+$0x270] =	vst v2  }
0x20e: {  	[tilespmem:s21+$0x280] =	vst v3  }
0x20f: {  	[tilespmem:s21+$0x290] =	vst v3  }
0x210: {  	[tilespmem:s21+$0x2A0] =	vst v3  }
0x211: {  	[tilespmem:s21+$0x2B0] =	vst v3  }
0x212: {  	[tilespmem:s21+$0x2C0] =	vst v3  }
0x213: {  	[tilespmem:s21+$0x2D0] =	vst v3  }
0x214: {  	v2 =	vbroadcast v1, $0xE;
	[tilespmem:s21+$0x2E0] =	vst v3  }
0x215: {  	[tilespmem:s21+$0x2F0] =	vst v3  }
0x216: {  	[tilespmem:s21+$0x300] =	vst v2  }
0x217: {  	[tilespmem:s21+$0x310] =	vst v2  }
0x218: {  	[tilespmem:s21+$0x320] =	vst v2  }
0x219: {  	[tilespmem:s21+$0x330] =	vst v2  }
0x21a: {  	[tilespmem:s21+$0x340] =	vst v2  }
0x21b: {  	[tilespmem:s21+$0x350] =	vst v2  }
0x21c: {  	v1 =	vbroadcast v1, $0xF;
	[tilespmem:s21+$0x360] =	vst v2  }
0x21d: {  	[tilespmem:s21+$0x370] =	vst v2  }
0x21e: {  	[tilespmem:s21+$0x380] =	vst v1  }
0x21f: {  	[tilespmem:s21+$0x390] =	vst v1  }
0x220: {  	[tilespmem:s21+$0x3A0] =	vst v1  }
0x221: {  	[tilespmem:s21+$0x3B0] =	vst v1  }
0x222: {  	[tilespmem:s21+$0x3C0] =	vst v1  }
0x223: {  	[tilespmem:s21+$0x3D0] =	vst v1  }
0x224: {  	[tilespmem:s21+$0x3E0] =	vst v1  }
0x225: {  	s22 =	simm.s32 $0x80;
	s23 =	simm.s32 $0x10;
	[tilespmem:s21+$0x3F0] =	vst v1  }
.LBB2_4:
0x226: {  	p0 =	sne.s32 s22, $0x4C0;
	v1 =	vld [tilespmem:s23+$0xB000];
	_ =	sdelay $0x4  }
0x227: {  	v1 =	vmul.f32 $5.000000000e-01, v1;
	_ =	sdelay $0x1  }
0x228: {  	v2 =	vmul.f32 $1.000000050e-03, v1;
	_ =	sdelay $0x1  }
0x229: {  	v2 =	vmul.f32 $1.000000050e-03, v2;
	_ =	sdelay $0x1  }
0x22a: {  	v2 =	vsub.f32 $1.500000000e+00, v2;
	_ =	sdelay $0x1  }
0x22b: {  	v2 =	vmul.f32 $1.000000050e-03, v2;
	_ =	sdelay $0x1  }
0x22c: {  	v3 =	vmul.f32 v2, v1;
	_ =	sdelay $0x1  }
0x22d: {  	v3 =	vmul.f32 v3, v2;
	_ =	sdelay $0x1  }
0x22e: {  	v3 =	vsub.f32 $1.500000000e+00, v3;
	_ =	sdelay $0x1  }
0x22f: {  	v2 =	vmul.f32 v3, v2;
	_ =	sdelay $0x1  }
0x230: {  	v3 =	vmul.f32 v2, v1;
	_ =	sdelay $0x1  }
0x231: {  	v3 =	vmul.f32 v3, v2;
	_ =	sdelay $0x1  }
0x232: {  	v3 =	vsub.f32 $1.500000000e+00, v3;
	_ =	sdelay $0x1  }
0x233: {  	v2 =	vmul.f32 v3, v2;
	_ =	sdelay $0x1  }
0x234: {  	v3 =	vmul.f32 v2, v1;
	_ =	sdelay $0x1  }
0x235: {  	v3 =	vmul.f32 v3, v2;
	_ =	sdelay $0x1  }
0x236: {  	v3 =	vsub.f32 $1.500000000e+00, v3;
	_ =	sdelay $0x1  }
0x237: {  	v2 =	vmul.f32 v3, v2;
	_ =	sdelay $0x1  }
0x238: {  	v3 =	vmul.f32 v2, v1;
	_ =	sdelay $0x1  }
0x239: {  	v3 =	vmul.f32 v3, v2;
	_ =	sdelay $0x1  }
0x23a: {  	v3 =	vsub.f32 $1.500000000e+00, v3;
	_ =	sdelay $0x1  }
0x23b: {  	v2 =	vmul.f32 v3, v2;
	_ =	sdelay $0x1  }
0x23c: {  	v3 =	vmul.f32 v2, v1;
	_ =	sdelay $0x1  }
0x23d: {  	v3 =	vmul.f32 v3, v2;
	_ =	sdelay $0x1  }
0x23e: {  	v3 =	vsub.f32 $1.500000000e+00, v3;
	_ =	sdelay $0x1  }
0x23f: {  	v2 =	vmul.f32 v3, v2;
	_ =	sdelay $0x1  }
0x240: {  	v3 =	vmul.f32 v2, v1;
	_ =	sdelay $0x1  }
0x241: {  	v3 =	vmul.f32 v3, v2;
	_ =	sdelay $0x1  }
0x242: {  	v3 =	vsub.f32 $1.500000000e+00, v3;
	_ =	sdelay $0x1  }
0x243: {  	v2 =	vmul.f32 v3, v2;
	_ =	sdelay $0x1  }
0x244: {  	v3 =	vmul.f32 v2, v1;
	_ =	sdelay $0x1  }
0x245: {  	v3 =	vmul.f32 v3, v2;
	_ =	sdelay $0x1  }
0x246: {  	v3 =	vsub.f32 $1.500000000e+00, v3;
	_ =	sdelay $0x1  }
0x247: {  	v2 =	vmul.f32 v3, v2;
	_ =	sdelay $0x1  }
0x248: {  	v3 =	vmul.f32 v2, v1;
	_ =	sdelay $0x1  }
0x249: {  	v3 =	vmul.f32 v3, v2;
	_ =	sdelay $0x1  }
0x24a: {  	v3 =	vsub.f32 $1.500000000e+00, v3;
	_ =	sdelay $0x1  }
0x24b: {  	v2 =	vmul.f32 v3, v2;
	_ =	sdelay $0x1  }
0x24c: {  	v3 =	vmul.f32 v2, v1;
	_ =	sdelay $0x1  }
0x24d: {  	v3 =	vmul.f32 v3, v2;
	_ =	sdelay $0x1  }
0x24e: {  	v3 =	vsub.f32 $1.500000000e+00, v3;
	_ =	sdelay $0x1  }
0x24f: {  	v2 =	vmul.f32 v3, v2;
	_ =	sdelay $0x1  }
0x250: {  	v3 =	vmul.f32 v2, v1;
	_ =	sdelay $0x1  }
0x251: {  	v3 =	vmul.f32 v3, v2;
	_ =	sdelay $0x1  }
0x252: {  	v3 =	vsub.f32 $1.500000000e+00, v3;
	_ =	sdelay $0x1  }
0x253: {  	v2 =	vmul.f32 v3, v2;
	_ =	sdelay $0x1  }
0x254: {  	v3 =	vmul.f32 v2, v1;
	_ =	sdelay $0x1  }
0x255: {  	v3 =	vmul.f32 v3, v2;
	_ =	sdelay $0x1  }
0x256: {  	v3 =	vsub.f32 $1.500000000e+00, v3;
	_ =	sdelay $0x1  }
0x257: {  	v2 =	vmul.f32 v3, v2;
	_ =	sdelay $0x1  }
0x258: {  	v3 =	vmul.f32 v2, v1;
	_ =	sdelay $0x1  }
0x259: {  	v3 =	vmul.f32 v3, v2;
	_ =	sdelay $0x1  }
0x25a: {  	v3 =	vsub.f32 $1.500000000e+00, v3;
	_ =	sdelay $0x1  }
0x25b: {  	v2 =	vmul.f32 v3, v2;
	_ =	sdelay $0x1  }
0x25c: {  	v3 =	vmul.f32 v2, v1;
	_ =	sdelay $0x1  }
0x25d: {  	v3 =	vmul.f32 v3, v2;
	_ =	sdelay $0x1  }
0x25e: {  	v3 =	vsub.f32 $1.500000000e+00, v3;
	_ =	sdelay $0x1  }
0x25f: {  	v2 =	vmul.f32 v3, v2;
	_ =	sdelay $0x1  }
0x260: {  	v3 =	vmul.f32 v2, v1;
	_ =	sdelay $0x1  }
0x261: {  	v3 =	vmul.f32 v3, v2;
	_ =	sdelay $0x1  }
0x262: {  	v3 =	vsub.f32 $1.500000000e+00, v3;
	_ =	sdelay $0x1  }
0x263: {  	v2 =	vmul.f32 v3, v2;
	_ =	sdelay $0x1  }
0x264: {  	v3 =	vmul.f32 v2, v1;
	_ =	sdelay $0x1  }
0x265: {  	v3 =	vmul.f32 v3, v2;
	_ =	sdelay $0x1  }
0x266: {  	v3 =	vsub.f32 $1.500000000e+00, v3;
	_ =	sdelay $0x1  }
0x267: {  	v2 =	vmul.f32 v3, v2;
	_ =	sdelay $0x1  }
0x268: {  	v3 =	vmul.f32 v2, v1;
	_ =	sdelay $0x1  }
0x269: {  	v3 =	vmul.f32 v3, v2;
	_ =	sdelay $0x1  }
0x26a: {  	v3 =	vsub.f32 $1.500000000e+00, v3;
	_ =	sdelay $0x1  }
0x26b: {  	v2 =	vmul.f32 v3, v2;
	_ =	sdelay $0x1  }
0x26c: {  	v3 =	vmul.f32 v2, v1;
	_ =	sdelay $0x1  }
0x26d: {  	v3 =	vmul.f32 v3, v2;
	_ =	sdelay $0x1  }
0x26e: {  	v3 =	vsub.f32 $1.500000000e+00, v3;
	_ =	sdelay $0x1  }
0x26f: {  	v2 =	vmul.f32 v3, v2;
	_ =	sdelay $0x1  }
0x270: {  	v3 =	vmul.f32 v2, v1;
	_ =	sdelay $0x1  }
0x271: {  	v3 =	vmul.f32 v3, v2;
	_ =	sdelay $0x1  }
0x272: {  	v3 =	vsub.f32 $1.500000000e+00, v3;
	_ =	sdelay $0x1  }
0x273: {  	v2 =	vmul.f32 v3, v2;
	_ =	sdelay $0x1  }
0x274: {  	v3 =	vmul.f32 v2, v1;
	_ =	sdelay $0x1  }
0x275: {  	v3 =	vmul.f32 v3, v2;
	_ =	sdelay $0x1  }
0x276: {  	v3 =	vsub.f32 $1.500000000e+00, v3;
	_ =	sdelay $0x1  }
0x277: {  	v2 =	vmul.f32 v3, v2;
	_ =	sdelay $0x1  }
0x278: {  	v3 =	vmul.f32 v2, v1;
	_ =	sdelay $0x1  }
0x279: {  	v3 =	vmul.f32 v3, v2;
	_ =	sdelay $0x1  }
0x27a: {  	v3 =	vsub.f32 $1.500000000e+00, v3;
	_ =	sdelay $0x1  }
0x27b: {  	v2 =	vmul.f32 v3, v2;
	_ =	sdelay $0x1  }
0x27c: {  	v3 =	vmul.f32 v2, v1;
	_ =	sdelay $0x1  }
0x27d: {  	v3 =	vmul.f32 v3, v2;
	_ =	sdelay $0x1  }
0x27e: {  	v3 =	vsub.f32 $1.500000000e+00, v3;
	_ =	sdelay $0x1  }
0x27f: {  	v2 =	vmul.f32 v3, v2;
	_ =	sdelay $0x1  }
0x280: {  	v3 =	vmul.f32 v2, v1;
	_ =	sdelay $0x1  }
0x281: {  	v3 =	vmul.f32 v3, v2;
	_ =	sdelay $0x1  }
0x282: {  	v3 =	vsub.f32 $1.500000000e+00, v3;
	_ =	sdelay $0x1  }
0x283: {  	v2 =	vmul.f32 v3, v2;
	_ =	sdelay $0x1  }
0x284: {  	v1 =	vmul.f32 v2, v1;
	_ =	sdelay $0x1  }
0x285: {  	v1 =	vmul.f32 v1, v2;
	_ =	sdelay $0x1  }
0x286: {  	v1 =	vsub.f32 $1.500000000e+00, v1;
	_ =	sdelay $0x1  }
0x287: {  	v1 =	vmul.f32 v1, v2;
	_ =	sdelay $0x1  }
0x288: {  	v10 =	vbroadcast v1, $0x0;
	v11 =	vbroadcast v1, $0x1  }
0x289: {  	s21 =	sadd.s32 $0x800, s21;
	v12 =	vbroadcast v1, $0x2;
	v13 =	vbroadcast v1, $0x3  }
0x28a: {  	v14 =	vbroadcast v1, $0x4;
	v15 =	vbroadcast v1, $0x5;
	[tilespmem:s21+$0xFFFFFC00] =	vst v10  }
0x28b: {  	v16 =	vbroadcast v1, $0x6;
	v9 =	vbroadcast v1, $0x7;
	[tilespmem:s21+$0xFFFFFC10] =	vst v10  }
0x28c: {  	v8 =	vbroadcast v1, $0x8;
	v7 =	vbroadcast v1, $0x9;
	[tilespmem:s21+$0xFFFFFC20] =	vst v10  }
0x28d: {  	v6 =	vbroadcast v1, $0xA;
	v5 =	vbroadcast v1, $0xB;
	[tilespmem:s21+$0xFFFFFC30] =	vst v10  }
0x28e: {  	v4 =	vbroadcast v1, $0xC;
	v3 =	vbroadcast v1, $0xD;
	[tilespmem:s21+$0xFFFFFC40] =	vst v10  }
0x28f: {  	v2 =	vbroadcast v1, $0xE;
	v1 =	vbroadcast v1, $0xF;
	[tilespmem:s21+$0xFFFFFC50] =	vst v10  }
0x290: {  	[tilespmem:s21+$0xFFFFFC60] =	vst v10  }
0x291: {  	[tilespmem:s21+$0xFFFFFC70] =	vst v10  }
0x292: {  	[tilespmem:s21+$0xFFFFFC80] =	vst v11  }
0x293: {  	[tilespmem:s21+$0xFFFFFC90] =	vst v11  }
0x294: {  	[tilespmem:s21+$0xFFFFFCA0] =	vst v11  }
0x295: {  	[tilespmem:s21+$0xFFFFFCB0] =	vst v11  }
0x296: {  	[tilespmem:s21+$0xFFFFFCC0] =	vst v11  }
0x297: {  	[tilespmem:s21+$0xFFFFFCD0] =	vst v11  }
0x298: {  	[tilespmem:s21+$0xFFFFFCE0] =	vst v11  }
0x299: {  	[tilespmem:s21+$0xFFFFFCF0] =	vst v11  }
0x29a: {  	[tilespmem:s21+$0xFFFFFD00] =	vst v12  }
0x29b: {  	[tilespmem:s21+$0xFFFFFD10] =	vst v12  }
0x29c: {  	[tilespmem:s21+$0xFFFFFD20] =	vst v12  }
0x29d: {  	[tilespmem:s21+$0xFFFFFD30] =	vst v12  }
0x29e: {  	[tilespmem:s21+$0xFFFFFD40] =	vst v12  }
0x29f: {  	[tilespmem:s21+$0xFFFFFD50] =	vst v12  }
0x2a0: {  	[tilespmem:s21+$0xFFFFFD60] =	vst v12  }
0x2a1: {  	[tilespmem:s21+$0xFFFFFD70] =	vst v12  }
0x2a2: {  	[tilespmem:s21+$0xFFFFFD80] =	vst v13  }
0x2a3: {  	[tilespmem:s21+$0xFFFFFD90] =	vst v13  }
0x2a4: {  	[tilespmem:s21+$0xFFFFFDA0] =	vst v13  }
0x2a5: {  	[tilespmem:s21+$0xFFFFFDB0] =	vst v13  }
0x2a6: {  	[tilespmem:s21+$0xFFFFFDC0] =	vst v13  }
0x2a7: {  	[tilespmem:s21+$0xFFFFFDD0] =	vst v13  }
0x2a8: {  	[tilespmem:s21+$0xFFFFFDE0] =	vst v13  }
0x2a9: {  	[tilespmem:s21+$0xFFFFFDF0] =	vst v13  }
0x2aa: {  	[tilespmem:s21+$0xFFFFFE00] =	vst v14  }
0x2ab: {  	[tilespmem:s21+$0xFFFFFE10] =	vst v14  }
0x2ac: {  	[tilespmem:s21+$0xFFFFFE20] =	vst v14  }
0x2ad: {  	[tilespmem:s21+$0xFFFFFE30] =	vst v14  }
0x2ae: {  	[tilespmem:s21+$0xFFFFFE40] =	vst v14  }
0x2af: {  	[tilespmem:s21+$0xFFFFFE50] =	vst v14  }
0x2b0: {  	[tilespmem:s21+$0xFFFFFE60] =	vst v14  }
0x2b1: {  	[tilespmem:s21+$0xFFFFFE70] =	vst v14  }
0x2b2: {  	[tilespmem:s21+$0xFFFFFE80] =	vst v15  }
0x2b3: {  	[tilespmem:s21+$0xFFFFFE90] =	vst v15  }
0x2b4: {  	[tilespmem:s21+$0xFFFFFEA0] =	vst v15  }
0x2b5: {  	[tilespmem:s21+$0xFFFFFEB0] =	vst v15  }
0x2b6: {  	[tilespmem:s21+$0xFFFFFEC0] =	vst v15  }
0x2b7: {  	[tilespmem:s21+$0xFFFFFED0] =	vst v15  }
0x2b8: {  	[tilespmem:s21+$0xFFFFFEE0] =	vst v15  }
0x2b9: {  	[tilespmem:s21+$0xFFFFFEF0] =	vst v15  }
0x2ba: {  	[tilespmem:s21+$0xFFFFFF00] =	vst v16  }
0x2bb: {  	[tilespmem:s21+$0xFFFFFF10] =	vst v16  }
0x2bc: {  	[tilespmem:s21+$0xFFFFFF20] =	vst v16  }
0x2bd: {  	[tilespmem:s21+$0xFFFFFF30] =	vst v16  }
0x2be: {  	[tilespmem:s21+$0xFFFFFF40] =	vst v16  }
0x2bf: {  	[tilespmem:s21+$0xFFFFFF50] =	vst v16  }
0x2c0: {  	[tilespmem:s21+$0xFFFFFF60] =	vst v16  }
0x2c1: {  	[tilespmem:s21+$0xFFFFFF70] =	vst v16  }
0x2c2: {  	[tilespmem:s21+$0xFFFFFF80] =	vst v9  }
0x2c3: {  	[tilespmem:s21+$0xFFFFFF90] =	vst v9  }
0x2c4: {  	[tilespmem:s21+$0xFFFFFFA0] =	vst v9  }
0x2c5: {  	[tilespmem:s21+$0xFFFFFFB0] =	vst v9  }
0x2c6: {  	[tilespmem:s21+$0xFFFFFFC0] =	vst v9  }
0x2c7: {  	[tilespmem:s21+$0xFFFFFFD0] =	vst v9  }
0x2c8: {  	[tilespmem:s21+$0xFFFFFFE0] =	vst v9  }
0x2c9: {  	[tilespmem:s21+$0xFFFFFFF0] =	vst v9  }
0x2ca: {  	[tilespmem:s21+$0x0] =	vst v8  }
0x2cb: {  	[tilespmem:s21+$0x10] =	vst v8  }
0x2cc: {  	[tilespmem:s21+$0x20] =	vst v8  }
0x2cd: {  	[tilespmem:s21+$0x30] =	vst v8  }
0x2ce: {  	[tilespmem:s21+$0x40] =	vst v8  }
0x2cf: {  	[tilespmem:s21+$0x50] =	vst v8  }
0x2d0: {  	[tilespmem:s21+$0x60] =	vst v8  }
0x2d1: {  	[tilespmem:s21+$0x70] =	vst v8  }
0x2d2: {  	[tilespmem:s21+$0x80] =	vst v7  }
0x2d3: {  	[tilespmem:s21+$0x90] =	vst v7  }
0x2d4: {  	[tilespmem:s21+$0xA0] =	vst v7  }
0x2d5: {  	[tilespmem:s21+$0xB0] =	vst v7  }
0x2d6: {  	[tilespmem:s21+$0xC0] =	vst v7  }
0x2d7: {  	[tilespmem:s21+$0xD0] =	vst v7  }
0x2d8: {  	[tilespmem:s21+$0xE0] =	vst v7  }
0x2d9: {  	[tilespmem:s21+$0xF0] =	vst v7  }
0x2da: {  	[tilespmem:s21+$0x100] =	vst v6  }
0x2db: {  	[tilespmem:s21+$0x110] =	vst v6  }
0x2dc: {  	[tilespmem:s21+$0x120] =	vst v6  }
0x2dd: {  	[tilespmem:s21+$0x130] =	vst v6  }
0x2de: {  	[tilespmem:s21+$0x140] =	vst v6  }
0x2df: {  	[tilespmem:s21+$0x150] =	vst v6  }
0x2e0: {  	[tilespmem:s21+$0x160] =	vst v6  }
0x2e1: {  	[tilespmem:s21+$0x170] =	vst v6  }
0x2e2: {  	[tilespmem:s21+$0x180] =	vst v5  }
0x2e3: {  	[tilespmem:s21+$0x190] =	vst v5  }
0x2e4: {  	[tilespmem:s21+$0x1A0] =	vst v5  }
0x2e5: {  	[tilespmem:s21+$0x1B0] =	vst v5  }
0x2e6: {  	[tilespmem:s21+$0x1C0] =	vst v5  }
0x2e7: {  	[tilespmem:s21+$0x1D0] =	vst v5  }
0x2e8: {  	[tilespmem:s21+$0x1E0] =	vst v5  }
0x2e9: {  	[tilespmem:s21+$0x1F0] =	vst v5  }
0x2ea: {  	[tilespmem:s21+$0x200] =	vst v4  }
0x2eb: {  	[tilespmem:s21+$0x210] =	vst v4  }
0x2ec: {  	[tilespmem:s21+$0x220] =	vst v4  }
0x2ed: {  	[tilespmem:s21+$0x230] =	vst v4  }
0x2ee: {  	[tilespmem:s21+$0x240] =	vst v4  }
0x2ef: {  	[tilespmem:s21+$0x250] =	vst v4  }
0x2f0: {  	[tilespmem:s21+$0x260] =	vst v4  }
0x2f1: {  	[tilespmem:s21+$0x270] =	vst v4  }
0x2f2: {  	[tilespmem:s21+$0x280] =	vst v3  }
0x2f3: {  	[tilespmem:s21+$0x290] =	vst v3  }
0x2f4: {  	[tilespmem:s21+$0x2A0] =	vst v3  }
0x2f5: {  	[tilespmem:s21+$0x2B0] =	vst v3  }
0x2f6: {  	[tilespmem:s21+$0x2C0] =	vst v3  }
0x2f7: {  	[tilespmem:s21+$0x2D0] =	vst v3  }
0x2f8: {  	[tilespmem:s21+$0x2E0] =	vst v3  }
0x2f9: {  	[tilespmem:s21+$0x2F0] =	vst v3  }
0x2fa: {  	[tilespmem:s21+$0x300] =	vst v2  }
0x2fb: {  	[tilespmem:s21+$0x310] =	vst v2  }
0x2fc: {  	[tilespmem:s21+$0x320] =	vst v2  }
0x2fd: {  	[tilespmem:s21+$0x330] =	vst v2  }
0x2fe: {  	[tilespmem:s21+$0x340] =	vst v2  }
0x2ff: {  	[tilespmem:s21+$0x350] =	vst v2  }
0x300: {  	[tilespmem:s21+$0x360] =	vst v2  }
0x301: {  	[tilespmem:s21+$0x370] =	vst v2  }
0x302: {  	[tilespmem:s21+$0x380] =	vst v1  }
0x303: {  	[tilespmem:s21+$0x390] =	vst v1  }
0x304: {  	[tilespmem:s21+$0x3A0] =	vst v1  }
.Ltmp1:
0x305: {  	[tilespmem:s21+$0x3B0] =	vst v1;
	(pc) =	sbr.rel @p0 .LBB2_4-.Ltmp1, $4  }
0x306: {  	[tilespmem:s21+$0x3C0] =	vst v1  }
0x307: {  	[tilespmem:s21+$0x3D0] =	vst v1  }
0x308: {  	[tilespmem:s21+$0x3E0] =	vst v1  }
0x309: {  	s23 =	sshra.s32 s22, $0x2;
	s22 =	sadd.s32 $0x40, s22;
	[tilespmem:s21+$0x3F0] =	vst v1  }
0x30a: {  	v1 =	vld [tilespmem:s23+$0xB000];
	_ =	sdelay $0x4  }
0x30b: {  	v1 =	vmul.f32 $5.000000000e-01, v1;
	_ =	sdelay $0x1  }
0x30c: {  	v2 =	vmul.f32 $1.000000050e-03, v1;
	_ =	sdelay $0x1  }
0x30d: {  	v2 =	vmul.f32 $1.000000050e-03, v2;
	_ =	sdelay $0x1  }
0x30e: {  	v2 =	vsub.f32 $1.500000000e+00, v2;
	_ =	sdelay $0x1  }
0x30f: {  	v2 =	vmul.f32 $1.000000050e-03, v2;
	_ =	sdelay $0x1  }
0x310: {  	v3 =	vmul.f32 v2, v1;
	_ =	sdelay $0x1  }
0x311: {  	v3 =	vmul.f32 v3, v2;
	_ =	sdelay $0x1  }
0x312: {  	v3 =	vsub.f32 $1.500000000e+00, v3;
	_ =	sdelay $0x1  }
0x313: {  	v2 =	vmul.f32 v3, v2;
	_ =	sdelay $0x1  }
0x314: {  	v3 =	vmul.f32 v2, v1;
	_ =	sdelay $0x1  }
0x315: {  	v3 =	vmul.f32 v3, v2;
	_ =	sdelay $0x1  }
0x316: {  	v3 =	vsub.f32 $1.500000000e+00, v3;
	_ =	sdelay $0x1  }
0x317: {  	v2 =	vmul.f32 v3, v2;
	_ =	sdelay $0x1  }
0x318: {  	v3 =	vmul.f32 v2, v1;
	_ =	sdelay $0x1  }
0x319: {  	v3 =	vmul.f32 v3, v2;
	_ =	sdelay $0x1  }
0x31a: {  	v3 =	vsub.f32 $1.500000000e+00, v3;
	_ =	sdelay $0x1  }
0x31b: {  	v2 =	vmul.f32 v3, v2;
	_ =	sdelay $0x1  }
0x31c: {  	v3 =	vmul.f32 v2, v1;
	_ =	sdelay $0x1  }
0x31d: {  	v3 =	vmul.f32 v3, v2;
	_ =	sdelay $0x1  }
0x31e: {  	v3 =	vsub.f32 $1.500000000e+00, v3;
	_ =	sdelay $0x1  }
0x31f: {  	v2 =	vmul.f32 v3, v2;
	_ =	sdelay $0x1  }
0x320: {  	v3 =	vmul.f32 v2, v1;
	_ =	sdelay $0x1  }
0x321: {  	v3 =	vmul.f32 v3, v2;
	_ =	sdelay $0x1  }
0x322: {  	v3 =	vsub.f32 $1.500000000e+00, v3;
	_ =	sdelay $0x1  }
0x323: {  	v2 =	vmul.f32 v3, v2;
	_ =	sdelay $0x1  }
0x324: {  	v3 =	vmul.f32 v2, v1;
	_ =	sdelay $0x1  }
0x325: {  	v3 =	vmul.f32 v3, v2;
	_ =	sdelay $0x1  }
0x326: {  	v3 =	vsub.f32 $1.500000000e+00, v3;
	_ =	sdelay $0x1  }
0x327: {  	v2 =	vmul.f32 v3, v2;
	_ =	sdelay $0x1  }
0x328: {  	v3 =	vmul.f32 v2, v1;
	_ =	sdelay $0x1  }
0x329: {  	v3 =	vmul.f32 v3, v2;
	_ =	sdelay $0x1  }
0x32a: {  	v3 =	vsub.f32 $1.500000000e+00, v3;
	_ =	sdelay $0x1  }
0x32b: {  	v2 =	vmul.f32 v3, v2;
	_ =	sdelay $0x1  }
0x32c: {  	v3 =	vmul.f32 v2, v1;
	_ =	sdelay $0x1  }
0x32d: {  	v3 =	vmul.f32 v3, v2;
	_ =	sdelay $0x1  }
0x32e: {  	v3 =	vsub.f32 $1.500000000e+00, v3;
	_ =	sdelay $0x1  }
0x32f: {  	v2 =	vmul.f32 v3, v2;
	_ =	sdelay $0x1  }
0x330: {  	v3 =	vmul.f32 v2, v1;
	_ =	sdelay $0x1  }
0x331: {  	v3 =	vmul.f32 v3, v2;
	_ =	sdelay $0x1  }
0x332: {  	v3 =	vsub.f32 $1.500000000e+00, v3;
	_ =	sdelay $0x1  }
0x333: {  	v2 =	vmul.f32 v3, v2;
	_ =	sdelay $0x1  }
0x334: {  	v3 =	vmul.f32 v2, v1;
	_ =	sdelay $0x1  }
0x335: {  	v3 =	vmul.f32 v3, v2;
	_ =	sdelay $0x1  }
0x336: {  	v3 =	vsub.f32 $1.500000000e+00, v3;
	_ =	sdelay $0x1  }
0x337: {  	v2 =	vmul.f32 v3, v2;
	_ =	sdelay $0x1  }
0x338: {  	v3 =	vmul.f32 v2, v1;
	_ =	sdelay $0x1  }
0x339: {  	v3 =	vmul.f32 v3, v2;
	_ =	sdelay $0x1  }
0x33a: {  	v3 =	vsub.f32 $1.500000000e+00, v3;
	_ =	sdelay $0x1  }
0x33b: {  	v2 =	vmul.f32 v3, v2;
	_ =	sdelay $0x1  }
0x33c: {  	v3 =	vmul.f32 v2, v1;
	_ =	sdelay $0x1  }
0x33d: {  	v3 =	vmul.f32 v3, v2;
	_ =	sdelay $0x1  }
0x33e: {  	v3 =	vsub.f32 $1.500000000e+00, v3;
	_ =	sdelay $0x1  }
0x33f: {  	v2 =	vmul.f32 v3, v2;
	_ =	sdelay $0x1  }
0x340: {  	v3 =	vmul.f32 v2, v1;
	_ =	sdelay $0x1  }
0x341: {  	v3 =	vmul.f32 v3, v2;
	_ =	sdelay $0x1  }
0x342: {  	v3 =	vsub.f32 $1.500000000e+00, v3;
	_ =	sdelay $0x1  }
0x343: {  	v2 =	vmul.f32 v3, v2;
	_ =	sdelay $0x1  }
0x344: {  	v3 =	vmul.f32 v2, v1;
	_ =	sdelay $0x1  }
0x345: {  	v3 =	vmul.f32 v3, v2;
	_ =	sdelay $0x1  }
0x346: {  	v3 =	vsub.f32 $1.500000000e+00, v3;
	_ =	sdelay $0x1  }
0x347: {  	v2 =	vmul.f32 v3, v2;
	_ =	sdelay $0x1  }
0x348: {  	v3 =	vmul.f32 v2, v1;
	_ =	sdelay $0x1  }
0x349: {  	v3 =	vmul.f32 v3, v2;
	_ =	sdelay $0x1  }
0x34a: {  	v3 =	vsub.f32 $1.500000000e+00, v3;
	_ =	sdelay $0x1  }
0x34b: {  	v2 =	vmul.f32 v3, v2;
	_ =	sdelay $0x1  }
0x34c: {  	v3 =	vmul.f32 v2, v1;
	_ =	sdelay $0x1  }
0x34d: {  	v3 =	vmul.f32 v3, v2;
	_ =	sdelay $0x1  }
0x34e: {  	v3 =	vsub.f32 $1.500000000e+00, v3;
	_ =	sdelay $0x1  }
0x34f: {  	v2 =	vmul.f32 v3, v2;
	_ =	sdelay $0x1  }
0x350: {  	v3 =	vmul.f32 v2, v1;
	_ =	sdelay $0x1  }
0x351: {  	v3 =	vmul.f32 v3, v2;
	_ =	sdelay $0x1  }
0x352: {  	v3 =	vsub.f32 $1.500000000e+00, v3;
	_ =	sdelay $0x1  }
0x353: {  	v2 =	vmul.f32 v3, v2;
	_ =	sdelay $0x1  }
0x354: {  	v3 =	vmul.f32 v2, v1;
	_ =	sdelay $0x1  }
0x355: {  	v3 =	vmul.f32 v3, v2;
	_ =	sdelay $0x1  }
0x356: {  	v3 =	vsub.f32 $1.500000000e+00, v3;
	_ =	sdelay $0x1  }
0x357: {  	v2 =	vmul.f32 v3, v2;
	_ =	sdelay $0x1  }
0x358: {  	v3 =	vmul.f32 v2, v1;
	_ =	sdelay $0x1  }
0x359: {  	v3 =	vmul.f32 v3, v2;
	_ =	sdelay $0x1  }
0x35a: {  	v3 =	vsub.f32 $1.500000000e+00, v3;
	_ =	sdelay $0x1  }
0x35b: {  	v2 =	vmul.f32 v3, v2;
	_ =	sdelay $0x1  }
0x35c: {  	v3 =	vmul.f32 v2, v1;
	_ =	sdelay $0x1  }
0x35d: {  	v3 =	vmul.f32 v3, v2;
	_ =	sdelay $0x1  }
0x35e: {  	v3 =	vsub.f32 $1.500000000e+00, v3;
	_ =	sdelay $0x1  }
0x35f: {  	v2 =	vmul.f32 v3, v2;
	_ =	sdelay $0x1  }
0x360: {  	v3 =	vmul.f32 v2, v1;
	_ =	sdelay $0x1  }
0x361: {  	v3 =	vmul.f32 v3, v2;
	_ =	sdelay $0x1  }
0x362: {  	v3 =	vsub.f32 $1.500000000e+00, v3;
	_ =	sdelay $0x1  }
0x363: {  	v2 =	vmul.f32 v3, v2;
	_ =	sdelay $0x1  }
0x364: {  	v3 =	vmul.f32 v2, v1;
	_ =	sdelay $0x1  }
0x365: {  	v3 =	vmul.f32 v3, v2;
	_ =	sdelay $0x1  }
0x366: {  	v3 =	vsub.f32 $1.500000000e+00, v3;
	_ =	sdelay $0x1  }
0x367: {  	v2 =	vmul.f32 v3, v2;
	_ =	sdelay $0x1  }
0x368: {  	v1 =	vmul.f32 v2, v1;
	_ =	sdelay $0x1  }
0x369: {  	v1 =	vmul.f32 v1, v2;
	_ =	sdelay $0x1  }
0x36a: {  	v1 =	vsub.f32 $1.500000000e+00, v1;
	_ =	sdelay $0x1  }
0x36b: {  	v1 =	vmul.f32 v1, v2;
	_ =	sdelay $0x1  }
0x36c: {  	v2 =	vbroadcast v1, $0x0  }
0x36d: {  	s21 =	sadd.s32 $0x800, s21  }
0x36e: {  	[tilespmem:s21+$0xFFFFFC00] =	vst v2  }
0x36f: {  	[tilespmem:s21+$0xFFFFFC10] =	vst v2  }
0x370: {  	[tilespmem:s21+$0xFFFFFC20] =	vst v2  }
0x371: {  	[tilespmem:s21+$0xFFFFFC30] =	vst v2  }
0x372: {  	[tilespmem:s21+$0xFFFFFC40] =	vst v2  }
0x373: {  	[tilespmem:s21+$0xFFFFFC50] =	vst v2  }
0x374: {  	v3 =	vbroadcast v1, $0x1;
	[tilespmem:s21+$0xFFFFFC60] =	vst v2  }
0x375: {  	[tilespmem:s21+$0xFFFFFC70] =	vst v2  }
0x376: {  	[tilespmem:s21+$0xFFFFFC80] =	vst v3  }
0x377: {  	[tilespmem:s21+$0xFFFFFC90] =	vst v3  }
0x378: {  	[tilespmem:s21+$0xFFFFFCA0] =	vst v3  }
0x379: {  	[tilespmem:s21+$0xFFFFFCB0] =	vst v3  }
0x37a: {  	[tilespmem:s21+$0xFFFFFCC0] =	vst v3  }
0x37b: {  	[tilespmem:s21+$0xFFFFFCD0] =	vst v3  }
0x37c: {  	v2 =	vbroadcast v1, $0x2;
	[tilespmem:s21+$0xFFFFFCE0] =	vst v3  }
0x37d: {  	[tilespmem:s21+$0xFFFFFCF0] =	vst v3  }
0x37e: {  	[tilespmem:s21+$0xFFFFFD00] =	vst v2  }
0x37f: {  	[tilespmem:s21+$0xFFFFFD10] =	vst v2  }
0x380: {  	[tilespmem:s21+$0xFFFFFD20] =	vst v2  }
0x381: {  	[tilespmem:s21+$0xFFFFFD30] =	vst v2  }
0x382: {  	[tilespmem:s21+$0xFFFFFD40] =	vst v2  }
0x383: {  	[tilespmem:s21+$0xFFFFFD50] =	vst v2  }
0x384: {  	v3 =	vbroadcast v1, $0x3;
	[tilespmem:s21+$0xFFFFFD60] =	vst v2  }
0x385: {  	[tilespmem:s21+$0xFFFFFD70] =	vst v2  }
0x386: {  	[tilespmem:s21+$0xFFFFFD80] =	vst v3  }
0x387: {  	[tilespmem:s21+$0xFFFFFD90] =	vst v3  }
0x388: {  	[tilespmem:s21+$0xFFFFFDA0] =	vst v3  }
0x389: {  	[tilespmem:s21+$0xFFFFFDB0] =	vst v3  }
0x38a: {  	[tilespmem:s21+$0xFFFFFDC0] =	vst v3  }
0x38b: {  	[tilespmem:s21+$0xFFFFFDD0] =	vst v3  }
0x38c: {  	v2 =	vbroadcast v1, $0x4;
	[tilespmem:s21+$0xFFFFFDE0] =	vst v3  }
0x38d: {  	[tilespmem:s21+$0xFFFFFDF0] =	vst v3  }
0x38e: {  	[tilespmem:s21+$0xFFFFFE00] =	vst v2  }
0x38f: {  	[tilespmem:s21+$0xFFFFFE10] =	vst v2  }
0x390: {  	[tilespmem:s21+$0xFFFFFE20] =	vst v2  }
0x391: {  	[tilespmem:s21+$0xFFFFFE30] =	vst v2  }
0x392: {  	[tilespmem:s21+$0xFFFFFE40] =	vst v2  }
0x393: {  	[tilespmem:s21+$0xFFFFFE50] =	vst v2  }
0x394: {  	v3 =	vbroadcast v1, $0x5;
	[tilespmem:s21+$0xFFFFFE60] =	vst v2  }
0x395: {  	[tilespmem:s21+$0xFFFFFE70] =	vst v2  }
0x396: {  	[tilespmem:s21+$0xFFFFFE80] =	vst v3  }
0x397: {  	[tilespmem:s21+$0xFFFFFE90] =	vst v3  }
0x398: {  	[tilespmem:s21+$0xFFFFFEA0] =	vst v3  }
0x399: {  	[tilespmem:s21+$0xFFFFFEB0] =	vst v3  }
0x39a: {  	[tilespmem:s21+$0xFFFFFEC0] =	vst v3  }
0x39b: {  	[tilespmem:s21+$0xFFFFFED0] =	vst v3  }
0x39c: {  	v2 =	vbroadcast v1, $0x6;
	[tilespmem:s21+$0xFFFFFEE0] =	vst v3  }
0x39d: {  	[tilespmem:s21+$0xFFFFFEF0] =	vst v3  }
0x39e: {  	[tilespmem:s21+$0xFFFFFF00] =	vst v2  }
0x39f: {  	[tilespmem:s21+$0xFFFFFF10] =	vst v2  }
0x3a0: {  	[tilespmem:s21+$0xFFFFFF20] =	vst v2  }
0x3a1: {  	[tilespmem:s21+$0xFFFFFF30] =	vst v2  }
0x3a2: {  	[tilespmem:s21+$0xFFFFFF40] =	vst v2  }
0x3a3: {  	[tilespmem:s21+$0xFFFFFF50] =	vst v2  }
0x3a4: {  	v3 =	vbroadcast v1, $0x7;
	[tilespmem:s21+$0xFFFFFF60] =	vst v2  }
0x3a5: {  	[tilespmem:s21+$0xFFFFFF70] =	vst v2  }
0x3a6: {  	[tilespmem:s21+$0xFFFFFF80] =	vst v3  }
0x3a7: {  	[tilespmem:s21+$0xFFFFFF90] =	vst v3  }
0x3a8: {  	[tilespmem:s21+$0xFFFFFFA0] =	vst v3  }
0x3a9: {  	[tilespmem:s21+$0xFFFFFFB0] =	vst v3  }
0x3aa: {  	[tilespmem:s21+$0xFFFFFFC0] =	vst v3  }
0x3ab: {  	[tilespmem:s21+$0xFFFFFFD0] =	vst v3  }
0x3ac: {  	v2 =	vbroadcast v1, $0x8;
	[tilespmem:s21+$0xFFFFFFE0] =	vst v3  }
0x3ad: {  	[tilespmem:s21+$0xFFFFFFF0] =	vst v3  }
0x3ae: {  	[tilespmem:s21+$0x0] =	vst v2  }
0x3af: {  	[tilespmem:s21+$0x10] =	vst v2  }
0x3b0: {  	[tilespmem:s21+$0x20] =	vst v2  }
0x3b1: {  	[tilespmem:s21+$0x30] =	vst v2  }
0x3b2: {  	[tilespmem:s21+$0x40] =	vst v2  }
0x3b3: {  	[tilespmem:s21+$0x50] =	vst v2  }
0x3b4: {  	v3 =	vbroadcast v1, $0x9;
	[tilespmem:s21+$0x60] =	vst v2  }
0x3b5: {  	[tilespmem:s21+$0x70] =	vst v2  }
0x3b6: {  	[tilespmem:s21+$0x80] =	vst v3  }
0x3b7: {  	[tilespmem:s21+$0x90] =	vst v3  }
0x3b8: {  	[tilespmem:s21+$0xA0] =	vst v3  }
0x3b9: {  	[tilespmem:s21+$0xB0] =	vst v3  }
0x3ba: {  	[tilespmem:s21+$0xC0] =	vst v3  }
0x3bb: {  	[tilespmem:s21+$0xD0] =	vst v3  }
0x3bc: {  	v2 =	vbroadcast v1, $0xA;
	[tilespmem:s21+$0xE0] =	vst v3  }
0x3bd: {  	[tilespmem:s21+$0xF0] =	vst v3  }
0x3be: {  	[tilespmem:s21+$0x100] =	vst v2  }
0x3bf: {  	[tilespmem:s21+$0x110] =	vst v2  }
0x3c0: {  	[tilespmem:s21+$0x120] =	vst v2  }
0x3c1: {  	[tilespmem:s21+$0x130] =	vst v2  }
0x3c2: {  	[tilespmem:s21+$0x140] =	vst v2  }
0x3c3: {  	[tilespmem:s21+$0x150] =	vst v2  }
0x3c4: {  	v3 =	vbroadcast v1, $0xB;
	[tilespmem:s21+$0x160] =	vst v2  }
0x3c5: {  	[tilespmem:s21+$0x170] =	vst v2  }
0x3c6: {  	[tilespmem:s21+$0x180] =	vst v3  }
0x3c7: {  	[tilespmem:s21+$0x190] =	vst v3  }
0x3c8: {  	[tilespmem:s21+$0x1A0] =	vst v3  }
0x3c9: {  	[tilespmem:s21+$0x1B0] =	vst v3  }
0x3ca: {  	[tilespmem:s21+$0x1C0] =	vst v3  }
0x3cb: {  	[tilespmem:s21+$0x1D0] =	vst v3  }
0x3cc: {  	v2 =	vbroadcast v1, $0xC;
	[tilespmem:s21+$0x1E0] =	vst v3  }
0x3cd: {  	[tilespmem:s21+$0x1F0] =	vst v3  }
0x3ce: {  	[tilespmem:s21+$0x200] =	vst v2  }
0x3cf: {  	[tilespmem:s21+$0x210] =	vst v2  }
0x3d0: {  	[tilespmem:s21+$0x220] =	vst v2  }
0x3d1: {  	[tilespmem:s21+$0x230] =	vst v2  }
0x3d2: {  	[tilespmem:s21+$0x240] =	vst v2  }
0x3d3: {  	[tilespmem:s21+$0x250] =	vst v2  }
0x3d4: {  	v3 =	vbroadcast v1, $0xD;
	[tilespmem:s21+$0x260] =	vst v2  }
0x3d5: {  	[tilespmem:s21+$0x270] =	vst v2  }
0x3d6: {  	[tilespmem:s21+$0x280] =	vst v3  }
0x3d7: {  	[tilespmem:s21+$0x290] =	vst v3  }
0x3d8: {  	[tilespmem:s21+$0x2A0] =	vst v3  }
0x3d9: {  	[tilespmem:s21+$0x2B0] =	vst v3  }
0x3da: {  	[tilespmem:s21+$0x2C0] =	vst v3  }
0x3db: {  	[tilespmem:s21+$0x2D0] =	vst v3  }
0x3dc: {  	v2 =	vbroadcast v1, $0xE;
	[tilespmem:s21+$0x2E0] =	vst v3  }
0x3dd: {  	[tilespmem:s21+$0x2F0] =	vst v3  }
0x3de: {  	[tilespmem:s21+$0x300] =	vst v2  }
0x3df: {  	[tilespmem:s21+$0x310] =	vst v2  }
0x3e0: {  	[tilespmem:s21+$0x320] =	vst v2  }
0x3e1: {  	[tilespmem:s21+$0x330] =	vst v2  }
0x3e2: {  	[tilespmem:s21+$0x340] =	vst v2  }
0x3e3: {  	[tilespmem:s21+$0x350] =	vst v2  }
0x3e4: {  	v1 =	vbroadcast v1, $0xF;
	[tilespmem:s21+$0x360] =	vst v2  }
0x3e5: {  	[tilespmem:s21+$0x370] =	vst v2  }
0x3e6: {  	[tilespmem:s21+$0x380] =	vst v1  }
0x3e7: {  	[tilespmem:s21+$0x390] =	vst v1  }
0x3e8: {  	[tilespmem:s21+$0x3A0] =	vst v1  }
0x3e9: {  	[tilespmem:s21+$0x3B0] =	vst v1  }
0x3ea: {  	[tilespmem:s21+$0x3C0] =	vst v1  }
0x3eb: {  	s20 =	sadd.s32 $0x1, s20;
	[tilespmem:s21+$0x3D0] =	vst v1  }
0x3ec: {  	p0 =	sne.s32 s20, s11;
	[tilespmem:s21+$0x3E0] =	vst v1  }
.Ltmp2:
0x3ed: {  	[tilespmem:s21+$0x3F0] =	vst v1;
	(pc) =	sbr.rel @p0 .LBB2_1-.Ltmp2, $4  }
0x3ee: {  	[hbm4b:s10+s3] =	stream.linear.scatter [tilespmem:s19], [sflag:$0x2], $0xA000, $0x38;
	[tilespmem:$0x15500] =	vst v63  }
0x3ef: {  	_ =	swait.ge [sflag:s12], $0xA000  }
0x3f0: {  	[sflag:s12] =	ssyncset.done $0x0  }
0x3f1: {  	[sflag:s12] =	ssyncadd.s32 $0xFFFF6000  }
0x3f2: {  	_ =	sfence.sel $0x180000  }
0x3f3: {  	[bflag:$0x0] =	sbarrier.arrive $0xFFFF  }
0x3f4: {  	p0 =	sne.s32 s2, $0x0;
	_ =	strace $0x90000047  }
0x3f5: {  	s0 =	sadd.s32 @!p0 $0x100000, s0;
	[bflag:$0x2] =	sbarrier.arrive $0xFFFF  }
0x3f6: {  	[sflag:s0] =	ssyncadd.tile.s32 @!p0 $0x1;
	_ =	shalt  }
.Lfunc_end2:
_tile_overlayer_lowered:
.L_overlay_start_2:
0x3f7: {  	(tag) =	ssettag $0x2  }
0x3f8: {  	s0 =	rddreg [dreg:$0x0];
	s2 =	stileid.u32  }
0x3f9: {  	s1 =	rddreg [dreg:$0x1];
	p0 =	sne.s32 s2, $0x0  }
0x3fa: {  	s3 =	rddreg [dreg:$0x2];
	[bflag:$0x3] =	sbarrier.arrive $0xFFFF;
	s2 =	simm.s32 @!p0 $0x1C02  }
0x3fb: {  	[timem:s3], [sflag:s2] =	dma.local @!p0 [hbm:s0], s1  }
0x3fc: {  	s0 =	simm.s32 @!p0 $0x2  }
0x3fd: {  	_ =	swait.ge @!p0 [sflag:s0], s1  }
0x3fe: {  	s1 =	ssub.s32 @!p0 $0x0, s1;
	[sflag:s0] =	ssyncset.done @!p0 $0x0  }
0x3ff: {  	[sflag:s0] =	ssyncadd.s32 @!p0 s1  }
0x400: {  	[bflag:$0x3] =	sbarrier.arrive $0xFFFF  }
0x401: {  	_ =	shalt  }

</sc_bundles>
